<compile_context>
chip_gen: v7x
topology: tpu7x:2x2x1
jax: 0.10.2.dev20260603
libtpu: 0.0.44.dev20260713+nightly
codegen_flags: <defaults>
</compile_context>

<pallas_src>
import jax
import jax.numpy as jnp
from jax import lax
from jax.experimental import pallas as pl
from jax.experimental.pallas import tpu as pltpu
from jax.experimental.pallas import tpu_sc as plsc

N = 99999
E = 6399936
PER_W = 200000
LAST_W = E - 31 * PER_W
CHUNK = 2000
NCHUNK = PER_W // CHUNK
LAST_FULL = LAST_W // CHUNK
LAST_REM = LAST_W - LAST_FULL * CHUNK
NVEC = CHUNK // 16
UNROLL = 5
NPACK = 50000
NOUT = 33333
ACC = 33536
COLS = ACC // 16
NCV = COLS // 16


def _sc_body(xp_hbm, src_hbm, dst_hbm, w_hbm, part_hbm,
             xp_v, src_v, dst_v, src_w, dst_w, acc_v, w_v, out_v,
             sem0, sem1, shr):
    cid = lax.axis_index("c")
    sid = lax.axis_index("s")
    wid = sid * 2 + cid

    pltpu.sync_copy(xp_hbm, xp_v)
    pltpu.sync_copy(w_hbm, w_v)

    zero = jnp.zeros((16,), jnp.float32)

    @plsc.parallel_loop(0, COLS, unroll=8)
    def _zero(j):
        acc_v[pl.ds(j * 16, 16)] = zero

    ebase = wid * PER_W
    is_last = wid == 31

    def compute(sv, dv, nvec, unroll=UNROLL):
        @plsc.parallel_loop(0, nvec, unroll=unroll)
        def inner(i):
            o = i * 16
            s16 = sv[pl.ds(o, 16)]
            d16 = dv[pl.ds(o, 16)]
            pk = plsc.load_gather(xp_v, [s16 >> 1])
            bits = jnp.where((s16 & 1) == 1, pk & jnp.int32(-65536),
                             pk << 16)
            val = plsc.bitcast(bits, jnp.float32)
            q = lax.div(d16, jnp.int32(3))
            val = jnp.where((d16 - q * 3) == 0, val, 0.0)
            plsc.addupdate_scatter(acc_v, [q], val)

    def do_chunk(base, nvec, sv, dv, unroll):
        pltpu.sync_copy(src_hbm.at[pl.ds(base, nvec * 16)],
                        sv.at[pl.ds(0, nvec * 16)])
        pltpu.sync_copy(dst_hbm.at[pl.ds(base, nvec * 16)],
                        dv.at[pl.ds(0, nvec * 16)])
        compute(sv, dv, nvec, unroll)

    npair = jnp.where(is_last, LAST_FULL // 2, NCHUNK // 2)
    nchunks = npair * 2
    bufs = ((src_v, dst_v, sem0), (src_w, dst_w, sem1))

    def start(g, sv, dv, sem):
        base = ebase + g * CHUNK
        pltpu.async_copy(src_hbm.at[pl.ds(base, CHUNK)], sv, sem)
        pltpu.async_copy(dst_hbm.at[pl.ds(base, CHUNK)], dv, sem)

    def wait(g, sv, dv, sem):
        base = ebase + g * CHUNK
        pltpu.make_async_copy(src_hbm.at[pl.ds(base, CHUNK)], sv, sem).wait()
        pltpu.make_async_copy(dst_hbm.at[pl.ds(base, CHUNK)], dv, sem).wait()

    start(0, *bufs[0])
    start(1, *bufs[1])

    def pair_body(t, carry):
        for b, (sv, dv, sem) in enumerate(bufs):
            g = t * 2 + b
            wait(g, sv, dv, sem)
            compute(sv, dv, NVEC)

            @pl.when(g + 2 < nchunks)
            def _prefetch():
                start(g + 2, sv, dv, sem)
        return carry
    lax.fori_loop(0, npair, pair_body, 0)

    @pl.when(is_last)
    def _tail():
        do_chunk(ebase + (LAST_FULL - 1) * CHUNK, NVEC, src_v, dst_v, UNROLL)
        do_chunk(ebase + LAST_FULL * CHUNK, LAST_REM // 16, src_v, dst_v, 11)

    pltpu.sync_copy(acc_v, shr.at[pl.ds(sid * ACC, ACC)])
    plsc.subcore_barrier()

    colbase = sid * COLS
    for p in range(16):
        pltpu.sync_copy(shr.at[pl.ds(p * ACC + colbase, COLS)],
                        acc_v.at[pl.ds(p * COLS, COLS)])

    wv = w_v[...]

    @plsc.parallel_loop(0, NCV, unroll=2)
    def rbody(j):
        o = j * 16
        t = acc_v[pl.ds(o, 16)]
        for p in range(1, 16):
            t = t + acc_v[pl.ds(p * COLS + o, 16)]
        out_v[pl.ds(o, 16)] = t * wv

    pltpu.sync_copy(out_v, part_hbm.at[pl.ds(cid * ACC + colbase, COLS)])


def _combine_body(p_ref, o_ref):
    o_ref[...] = p_ref[:ACC] + p_ref[ACC:]


def kernel(x, edge_index, W):
    xb = x.reshape(-1).astype(jnp.bfloat16)
    xb = jnp.concatenate([xb, jnp.zeros((1,), jnp.bfloat16)])
    xp = lax.bitcast_convert_type(xb.reshape(NPACK, 2), jnp.int32)

    src = edge_index[0]
    dst = edge_index[1]
    wvec = jnp.broadcast_to(W.reshape(()), (16,)).astype(jnp.float32)

    mesh = plsc.VectorSubcoreMesh(core_axis_name="c", subcore_axis_name="s",
                                  num_cores=2, num_subcores=16)
    part = pl.kernel(
        _sc_body,
        out_type=jax.ShapeDtypeStruct((2 * ACC,), jnp.float32),
        mesh=mesh,
        compiler_params=pltpu.CompilerParams(needs_layout_passes=False),
        scratch_types=[
            pltpu.VMEM((NPACK,), jnp.int32),
            pltpu.VMEM((CHUNK,), jnp.int32),
            pltpu.VMEM((CHUNK,), jnp.int32),
            pltpu.VMEM((CHUNK,), jnp.int32),
            pltpu.VMEM((CHUNK,), jnp.int32),
            pltpu.VMEM((ACC,), jnp.float32),
            pltpu.VMEM((16,), jnp.float32),
            pltpu.VMEM((COLS,), jnp.float32),
            pltpu.SemaphoreType.DMA,
            pltpu.SemaphoreType.DMA,
            pltpu.VMEM_SHARED((16 * ACC,), jnp.float32),
        ],
    )(xp, src, dst, wvec)

    out = pl.pallas_call(
        _combine_body,
        out_shape=jax.ShapeDtypeStruct((ACC,), jnp.float32),
    )(part)
    return out[:NOUT]

# --- scband reference (transcript-rebuilt; emitter-appended) ---
"""Pipeline reference for scband-gcn-15418932593106 (READ-ONLY COPY).

The authoritative reference and input builder live on the scoring server;
editing this copy changes nothing except your own understanding.
"""

import jax, jax.numpy as jnp
import numpy as np

N = 99999
E = 6399936

def setup_inputs(seed: int = 0) -> dict:
    key = jax.random.key(seed)
    k1, k2, k3 = jax.random.split(key, 3)
    x = jax.random.normal(k1, (N, 1), dtype=jnp.float32)
    edge_index = jax.random.randint(k2, (2, E), 0, N, dtype=jnp.int32)
    # GCNConv(1, 1, bias=False) linear weight, shape [out_channels, in_channels]
    W = jax.random.normal(k3, (1, 1), dtype=jnp.float32)
    return {"x": x, "edge_index": edge_index, "W": W}

def reference(x, edge_index, W):
    # GCNConv with normalize=False, bias=False, add_self_loops=False (follows normalize):
    # out[dst] = sum over incoming edges of (x[src] @ W^T)
    src = edge_index[0]
    dst = edge_index[1]
    xw = x @ W.T                      # [N, 1] linear transform first (cheaper)
    msg = jnp.take(xw, src, axis=0)   # gather source features [E, 1]
    out = jax.ops.segment_sum(msg, dst, num_segments=N)  # scatter-add to targets [N, 1]
    out = out.reshape(-1, 3)
    return out[:, 0]

if __name__ == "__main__":
    import jax
    _d = setup_inputs()
    print(jax.jit(kernel)(*tuple(_d.values())))

</pallas_src>

<mosaic_0001>
#map = affine_map<(d0, d1) -> (0)>
module attributes {stable_mosaic.version = 14 : i64} {
  func.func @_sc_body(%arg0: i32, %arg1: i32, %arg2: memref<50000xi32, #tpu.memory_space<hbm>>, %arg3: memref<6399936xi32, #tpu.memory_space<hbm>>, %arg4: memref<6399936xi32, #tpu.memory_space<hbm>>, %arg5: memref<16xf32, #tpu.memory_space<hbm>>, %arg6: memref<67072xf32, #tpu.memory_space<hbm>>, %arg7: memref<50000xi32, #tpu.memory_space<vmem>>, %arg8: memref<2000xi32, #tpu.memory_space<vmem>>, %arg9: memref<2000xi32, #tpu.memory_space<vmem>>, %arg10: memref<2000xi32, #tpu.memory_space<vmem>>, %arg11: memref<2000xi32, #tpu.memory_space<vmem>>, %arg12: memref<33536xf32, #tpu.memory_space<vmem>>, %arg13: memref<16xf32, #tpu.memory_space<vmem>>, %arg14: memref<2096xf32, #tpu.memory_space<vmem>>, %arg15: memref<!tpu.dma_semaphore, #tpu.memory_space<semaphore_mem>>, %arg16: memref<!tpu.dma_semaphore, #tpu.memory_space<semaphore_mem>>, %arg17: memref<536576xf32, #tpu.memory_space<vmem_shared>>) attributes {dimension_semantics = [#tpu.dimension_semantics<core_parallel>, #tpu.dimension_semantics<subcore_parallel>], iteration_bounds = array<i64: 2, 16>, scalar_prefetch = 0 : i64, scratch_operands = 11 : i64, tpu.core_type = #tpu.core_type<sc_vector_subcore>, window_params = [{transform_indices = #map}, {transform_indices = #map}, {transform_indices = #map}, {transform_indices = #map}, {transform_indices = #map}]} {
    %mul3A = arith.constant 2 : i32
    %mul3A_0 = arith.muli %arg1, %mul3A : i32
    %add3A = arith.addi %mul3A_0, %arg0 : i32
    "tpu.region"() ({
      %run_scoped3A = tpu.sem_alloc : memref<!tpu.dma_semaphore, #tpu.memory_space<semaphore_mem>>
      tpu.enqueue_dma source(%arg2 : memref<50000xi32, #tpu.memory_space<hbm>>) target(%arg7 : memref<50000xi32, #tpu.memory_space<vmem>>) target_semaphore(%run_scoped3A : memref<!tpu.dma_semaphore, #tpu.memory_space<semaphore_mem>>)
      tpu.wait_dma2 semaphore(%run_scoped3A : memref<!tpu.dma_semaphore, #tpu.memory_space<semaphore_mem>>) src(%arg2 : memref<50000xi32, #tpu.memory_space<hbm>>) dst(%arg7 : memref<50000xi32, #tpu.memory_space<vmem>>)
      tpu.yield
    }) : () -> ()
    "tpu.region"() ({
      %run_scoped3A = tpu.sem_alloc : memref<!tpu.dma_semaphore, #tpu.memory_space<semaphore_mem>>
      tpu.enqueue_dma source(%arg5 : memref<16xf32, #tpu.memory_space<hbm>>) target(%arg13 : memref<16xf32, #tpu.memory_space<vmem>>) target_semaphore(%run_scoped3A : memref<!tpu.dma_semaphore, #tpu.memory_space<semaphore_mem>>)
      tpu.wait_dma2 semaphore(%run_scoped3A : memref<!tpu.dma_semaphore, #tpu.memory_space<semaphore_mem>>) src(%arg5 : memref<16xf32, #tpu.memory_space<hbm>>) dst(%arg13 : memref<16xf32, #tpu.memory_space<vmem>>)
      tpu.yield
    }) : () -> ()
    %broadcast_in_dim3A = arith.constant 0.000000e+00 : f32
    %broadcast_in_dim3A_1 = vector.broadcast %broadcast_in_dim3A : f32 to vector<16xf32>
    %parallel_loop3A = arith.constant 0 : i32
    %parallel_loop3A_2 = arith.constant 2096 : i32
    %parallel_loop3A_3 = arith.constant 1 : i32
    scf.for %parallel_loop3A_74 = %parallel_loop3A to %parallel_loop3A_2 step %parallel_loop3A_3  : i32 {
      %parallel_loop3A_75 = arith.constant 16 : i32
      %parallel_loop3A_76 = arith.muli %parallel_loop3A_74, %parallel_loop3A_75 : i32
      %parallel_loop3A_77 = arith.index_cast %parallel_loop3A_76 : i32 to index
      %parallel_loop3A_78 = tpu.vector_load %arg12[%parallel_loop3A_77] {strides = array<i32>} : memref<33536xf32, #tpu.memory_space<vmem>>, vector<16xf32>,
      tpu.vector_store %arg12[%parallel_loop3A_77], %broadcast_in_dim3A_1 {strides = array<i32>} : memref<33536xf32, #tpu.memory_space<vmem>>, vector<16xf32>,
    } {sc.loop_unroll_factor = 8 : i64, sc.parallel_access}
    %mul3A_4 = arith.constant 200000 : i32
    %mul3A_5 = arith.muli %add3A, %mul3A_4 : i32
    %eq3A = arith.constant 31 : i32
    %eq3A_6 = arith.cmpi eq, %add3A, %eq3A : i32
    %jit3A = arith.constant 49 : i32
    %jit3A_7 = arith.constant 50 : i32
    %select_n3A = arith.select %eq3A_6, %jit3A, %jit3A_7 : i32
    %mul3A_8 = arith.constant 2 : i32
    %mul3A_9 = arith.muli %select_n3A, %mul3A_8 : i32
    %add3A_10 = arith.constant 0 : i32
    %add3A_11 = arith.addi %mul3A_5, %add3A_10 : i32
    %dma_start3A = tpu.memref_slice %arg3[%add3A_11] : memref<6399936xi32, #tpu.memory_space<hbm>> -> memref<2000xi32, #tpu.memory_space<hbm>>
    %dma_start3A_12 = tpu.memref_slice %arg3[%add3A_11] : memref<6399936xi32, #tpu.memory_space<hbm>> -> memref<2000xi32, #tpu.memory_space<hbm>>
    tpu.enqueue_dma source(%dma_start3A_12 : memref<2000xi32, #tpu.memory_space<hbm>>) target(%arg8 : memref<2000xi32, #tpu.memory_space<vmem>>) target_semaphore(%arg15 : memref<!tpu.dma_semaphore, #tpu.memory_space<semaphore_mem>>)
    %dma_start3A_13 = tpu.memref_slice %arg4[%add3A_11] : memref<6399936xi32, #tpu.memory_space<hbm>> -> memref<2000xi32, #tpu.memory_space<hbm>>
    %dma_start3A_14 = tpu.memref_slice %arg4[%add3A_11] : memref<6399936xi32, #tpu.memory_space<hbm>> -> memref<2000xi32, #tpu.memory_space<hbm>>
    tpu.enqueue_dma source(%dma_start3A_14 : memref<2000xi32, #tpu.memory_space<hbm>>) target(%arg9 : memref<2000xi32, #tpu.memory_space<vmem>>) target_semaphore(%arg15 : memref<!tpu.dma_semaphore, #tpu.memory_space<semaphore_mem>>)
    %add3A_15 = arith.constant 2000 : i32
    %add3A_16 = arith.addi %mul3A_5, %add3A_15 : i32
    %dma_start3A_17 = tpu.memref_slice %arg3[%add3A_16] : memref<6399936xi32, #tpu.memory_space<hbm>> -> memref<2000xi32, #tpu.memory_space<hbm>>
    %dma_start3A_18 = tpu.memref_slice %arg3[%add3A_16] : memref<6399936xi32, #tpu.memory_space<hbm>> -> memref<2000xi32, #tpu.memory_space<hbm>>
    tpu.enqueue_dma source(%dma_start3A_18 : memref<2000xi32, #tpu.memory_space<hbm>>) target(%arg10 : memref<2000xi32, #tpu.memory_space<vmem>>) target_semaphore(%arg16 : memref<!tpu.dma_semaphore, #tpu.memory_space<semaphore_mem>>)
    %dma_start3A_19 = tpu.memref_slice %arg4[%add3A_16] : memref<6399936xi32, #tpu.memory_space<hbm>> -> memref<2000xi32, #tpu.memory_space<hbm>>
    %dma_start3A_20 = tpu.memref_slice %arg4[%add3A_16] : memref<6399936xi32, #tpu.memory_space<hbm>> -> memref<2000xi32, #tpu.memory_space<hbm>>
    tpu.enqueue_dma source(%dma_start3A_20 : memref<2000xi32, #tpu.memory_space<hbm>>) target(%arg11 : memref<2000xi32, #tpu.memory_space<vmem>>) target_semaphore(%arg16 : memref<!tpu.dma_semaphore, #tpu.memory_space<semaphore_mem>>)
    %while3A = arith.constant 0 : i32
    %while3A_21 = arith.constant 0 : i32
    %while3A_22 = arith.subi %select_n3A, %while3A_21 : i32
    %while3A_23 = arith.addi %while3A_21, %while3A_22 : i32
    %while3A_24 = arith.constant 1 : i32
    %while3A_25 = arith.divsi %while3A_22, %while3A_24 : i32
    %while3A_26 = arith.muli %while3A_25, %while3A_24 : i32
    %while3A_27 = arith.addi %while3A_21, %while3A_26 : i32
    %while3A_28 = arith.constant 1 : i32
    scf.for %while3A_74 = %while3A_21 to %while3A_27 step %while3A_28  : i32 {
      %mul3A_75 = arith.constant 2 : i32
      %mul3A_76 = arith.muli %while3A_74, %mul3A_75 : i32
      %add3A_77 = arith.constant 0 : i32
      %add3A_78 = arith.addi %mul3A_76, %add3A_77 : i32
      %mul3A_79 = arith.constant 2000 : i32
      %mul3A_80 = arith.muli %add3A_78, %mul3A_79 : i32
      %add3A_81 = arith.addi %mul3A_5, %mul3A_80 : i32
      %dma_wait3A = tpu.memref_slice %arg3[%add3A_81] : memref<6399936xi32, #tpu.memory_space<hbm>> -> memref<2000xi32, #tpu.memory_space<hbm>>
      %dma_wait3A_82 = tpu.memref_slice %arg3[%add3A_81] : memref<6399936xi32, #tpu.memory_space<hbm>> -> memref<2000xi32, #tpu.memory_space<hbm>>
      tpu.wait_dma2 semaphore(%arg15 : memref<!tpu.dma_semaphore, #tpu.memory_space<semaphore_mem>>) src(%dma_wait3A_82 : memref<2000xi32, #tpu.memory_space<hbm>>) dst(%arg8 : memref<2000xi32, #tpu.memory_space<vmem>>)
      %dma_wait3A_83 = tpu.memref_slice %arg4[%add3A_81] : memref<6399936xi32, #tpu.memory_space<hbm>> -> memref<2000xi32, #tpu.memory_space<hbm>>
      %dma_wait3A_84 = tpu.memref_slice %arg4[%add3A_81] : memref<6399936xi32, #tpu.memory_space<hbm>> -> memref<2000xi32, #tpu.memory_space<hbm>>
      tpu.wait_dma2 semaphore(%arg15 : memref<!tpu.dma_semaphore, #tpu.memory_space<semaphore_mem>>) src(%dma_wait3A_84 : memref<2000xi32, #tpu.memory_space<hbm>>) dst(%arg9 : memref<2000xi32, #tpu.memory_space<vmem>>)
      %parallel_loop3A_85 = arith.constant 0 : i32
      %parallel_loop3A_86 = arith.constant 125 : i32
      %parallel_loop3A_87 = arith.constant 1 : i32
      scf.for %parallel_loop3A_113 = %parallel_loop3A_85 to %parallel_loop3A_86 step %parallel_loop3A_87  : i32 {
        %parallel_loop3A_114 = arith.constant 16 : i32
        %parallel_loop3A_115 = arith.muli %parallel_loop3A_113, %parallel_loop3A_114 : i32
        %parallel_loop3A_116 = arith.index_cast %parallel_loop3A_115 : i32 to index
        %parallel_loop3A_117 = tpu.vector_load %arg8[%parallel_loop3A_116] {strides = array<i32>} : memref<2000xi32, #tpu.memory_space<vmem>>, vector<16xi32>,
        %parallel_loop3A_118 = arith.index_cast %parallel_loop3A_115 : i32 to index
        %parallel_loop3A_119 = tpu.vector_load %arg9[%parallel_loop3A_118] {strides = array<i32>} : memref<2000xi32, #tpu.memory_space<vmem>>, vector<16xi32>,
        %parallel_loop3A_120 = arith.constant 1 : i32
        %parallel_loop3A_121 = vector.broadcast %parallel_loop3A_120 : i32 to vector<16xi32>
        %parallel_loop3A_122 = arith.shrsi %parallel_loop3A_117, %parallel_loop3A_121 : vector<16xi32>
        %parallel_loop3A_123 = tpu.vector_load_idx %arg7[%parallel_loop3A_122] : memref<50000xi32, #tpu.memory_space<vmem>>[vector<16xi32>], vector<16xi32>,
        %parallel_loop3A_124 = arith.constant 1 : i32
        %parallel_loop3A_125 = vector.broadcast %parallel_loop3A_124 : i32 to vector<16xi32>
        %parallel_loop3A_126 = arith.andi %parallel_loop3A_117, %parallel_loop3A_125 : vector<16xi32>
        %parallel_loop3A_127 = arith.constant 1 : i32
        %parallel_loop3A_128 = vector.broadcast %parallel_loop3A_127 : i32 to vector<16xi32>
        %parallel_loop3A_129 = arith.cmpi eq, %parallel_loop3A_126, %parallel_loop3A_128 : vector<16xi32>
        %parallel_loop3A_130 = arith.constant -65536 : i32
        %parallel_loop3A_131 = vector.broadcast %parallel_loop3A_130 : i32 to vector<16xi32>
        %parallel_loop3A_132 = arith.andi %parallel_loop3A_123, %parallel_loop3A_131 : vector<16xi32>
        %parallel_loop3A_133 = arith.constant 16 : i32
        %parallel_loop3A_134 = vector.broadcast %parallel_loop3A_133 : i32 to vector<16xi32>
        %parallel_loop3A_135 = arith.shli %parallel_loop3A_123, %parallel_loop3A_134 : vector<16xi32>
        %parallel_loop3A_136 = arith.select %parallel_loop3A_129, %parallel_loop3A_132, %parallel_loop3A_135 : vector<16xi1>, vector<16xi32>
        %parallel_loop3A_137 = vector.bitcast %parallel_loop3A_136 : vector<16xi32> to vector<16xf32>
        %parallel_loop3A_138 = arith.constant 3 : i32
        %parallel_loop3A_139 = vector.broadcast %parallel_loop3A_138 : i32 to vector<16xi32>
        %parallel_loop3A_140 = arith.divsi %parallel_loop3A_119, %parallel_loop3A_139 : vector<16xi32>
        %parallel_loop3A_141 = arith.constant 3 : i32
        %parallel_loop3A_142 = vector.broadcast %parallel_loop3A_141 : i32 to vector<16xi32>
        %parallel_loop3A_143 = arith.muli %parallel_loop3A_140, %parallel_loop3A_142 : vector<16xi32>
        %parallel_loop3A_144 = arith.subi %parallel_loop3A_119, %parallel_loop3A_143 : vector<16xi32>
        %parallel_loop3A_145 = arith.constant 0 : i32
        %parallel_loop3A_146 = vector.broadcast %parallel_loop3A_145 : i32 to vector<16xi32>
        %parallel_loop3A_147 = arith.cmpi eq, %parallel_loop3A_144, %parallel_loop3A_146 : vector<16xi32>
        %parallel_loop3A_148 = arith.constant 0.000000e+00 : f32
        %parallel_loop3A_149 = vector.broadcast %parallel_loop3A_148 : f32 to vector<16xf32>
        %parallel_loop3A_150 = arith.select %parallel_loop3A_147, %parallel_loop3A_137, %parallel_loop3A_149 : vector<16xi1>, vector<16xf32>
        tpu.vector_store_idx %arg12[%parallel_loop3A_140], %parallel_loop3A_150 {add = true} : memref<33536xf32, #tpu.memory_space<vmem>>[vector<16xi32>], vector<16xf32>,
      } {sc.loop_unroll_factor = 5 : i64, sc.parallel_access}
      %add3A_88 = arith.constant 2 : i32
      %add3A_89 = arith.addi %add3A_78, %add3A_88 : i32
      %lt3A = arith.cmpi slt, %add3A_89, %mul3A_9 : i32
      %convert_element_type3A_90 = arith.extui %lt3A : i1 to i32
      %cond3A_91 = arith.constant 0 : i32
      %cond3A_92 = arith.cmpi ne, %convert_element_type3A_90, %cond3A_91 : i32
      scf.if %cond3A_92 {
        %add3A_113 = arith.constant 2 : i32
        %add3A_114 = arith.addi %add3A_78, %add3A_113 : i32
        %mul3A_115 = arith.constant 2000 : i32
        %mul3A_116 = arith.muli %add3A_114, %mul3A_115 : i32
        %add3A_117 = arith.addi %mul3A_5, %mul3A_116 : i32
        %dma_start3A_118 = tpu.memref_slice %arg3[%add3A_117] : memref<6399936xi32, #tpu.memory_space<hbm>> -> memref<2000xi32, #tpu.memory_space<hbm>>
        %dma_start3A_119 = tpu.memref_slice %arg3[%add3A_117] : memref<6399936xi32, #tpu.memory_space<hbm>> -> memref<2000xi32, #tpu.memory_space<hbm>>
        tpu.enqueue_dma source(%dma_start3A_119 : memref<2000xi32, #tpu.memory_space<hbm>>) target(%arg8 : memref<2000xi32, #tpu.memory_space<vmem>>) target_semaphore(%arg15 : memref<!tpu.dma_semaphore, #tpu.memory_space<semaphore_mem>>)
        %dma_start3A_120 = tpu.memref_slice %arg4[%add3A_117] : memref<6399936xi32, #tpu.memory_space<hbm>> -> memref<2000xi32, #tpu.memory_space<hbm>>
        %dma_start3A_121 = tpu.memref_slice %arg4[%add3A_117] : memref<6399936xi32, #tpu.memory_space<hbm>> -> memref<2000xi32, #tpu.memory_space<hbm>>
        tpu.enqueue_dma source(%dma_start3A_121 : memref<2000xi32, #tpu.memory_space<hbm>>) target(%arg9 : memref<2000xi32, #tpu.memory_space<vmem>>) target_semaphore(%arg15 : memref<!tpu.dma_semaphore, #tpu.memory_space<semaphore_mem>>)
      } else {
      }
      %mul3A_93 = arith.constant 2 : i32
      %mul3A_94 = arith.muli %while3A_74, %mul3A_93 : i32
      %add3A_95 = arith.constant 1 : i32
      %add3A_96 = arith.addi %mul3A_94, %add3A_95 : i32
      %mul3A_97 = arith.constant 2000 : i32
      %mul3A_98 = arith.muli %add3A_96, %mul3A_97 : i32
      %add3A_99 = arith.addi %mul3A_5, %mul3A_98 : i32
      %dma_wait3A_100 = tpu.memref_slice %arg3[%add3A_99] : memref<6399936xi32, #tpu.memory_space<hbm>> -> memref<2000xi32, #tpu.memory_space<hbm>>
      %dma_wait3A_101 = tpu.memref_slice %arg3[%add3A_99] : memref<6399936xi32, #tpu.memory_space<hbm>> -> memref<2000xi32, #tpu.memory_space<hbm>>
      tpu.wait_dma2 semaphore(%arg16 : memref<!tpu.dma_semaphore, #tpu.memory_space<semaphore_mem>>) src(%dma_wait3A_101 : memref<2000xi32, #tpu.memory_space<hbm>>) dst(%arg10 : memref<2000xi32, #tpu.memory_space<vmem>>)
      %dma_wait3A_102 = tpu.memref_slice %arg4[%add3A_99] : memref<6399936xi32, #tpu.memory_space<hbm>> -> memref<2000xi32, #tpu.memory_space<hbm>>
      %dma_wait3A_103 = tpu.memref_slice %arg4[%add3A_99] : memref<6399936xi32, #tpu.memory_space<hbm>> -> memref<2000xi32, #tpu.memory_space<hbm>>
      tpu.wait_dma2 semaphore(%arg16 : memref<!tpu.dma_semaphore, #tpu.memory_space<semaphore_mem>>) src(%dma_wait3A_103 : memref<2000xi32, #tpu.memory_space<hbm>>) dst(%arg11 : memref<2000xi32, #tpu.memory_space<vmem>>)
      %parallel_loop3A_104 = arith.constant 0 : i32
      %parallel_loop3A_105 = arith.constant 125 : i32
      %parallel_loop3A_106 = arith.constant 1 : i32
      scf.for %parallel_loop3A_113 = %parallel_loop3A_104 to %parallel_loop3A_105 step %parallel_loop3A_106  : i32 {
        %parallel_loop3A_114 = arith.constant 16 : i32
        %parallel_loop3A_115 = arith.muli %parallel_loop3A_113, %parallel_loop3A_114 : i32
        %parallel_loop3A_116 = arith.index_cast %parallel_loop3A_115 : i32 to index
        %parallel_loop3A_117 = tpu.vector_load %arg10[%parallel_loop3A_116] {strides = array<i32>} : memref<2000xi32, #tpu.memory_space<vmem>>, vector<16xi32>,
        %parallel_loop3A_118 = arith.index_cast %parallel_loop3A_115 : i32 to index
        %parallel_loop3A_119 = tpu.vector_load %arg11[%parallel_loop3A_118] {strides = array<i32>} : memref<2000xi32, #tpu.memory_space<vmem>>, vector<16xi32>,
        %parallel_loop3A_120 = arith.constant 1 : i32
        %parallel_loop3A_121 = vector.broadcast %parallel_loop3A_120 : i32 to vector<16xi32>
        %parallel_loop3A_122 = arith.shrsi %parallel_loop3A_117, %parallel_loop3A_121 : vector<16xi32>
        %parallel_loop3A_123 = tpu.vector_load_idx %arg7[%parallel_loop3A_122] : memref<50000xi32, #tpu.memory_space<vmem>>[vector<16xi32>], vector<16xi32>,
        %parallel_loop3A_124 = arith.constant 1 : i32
        %parallel_loop3A_125 = vector.broadcast %parallel_loop3A_124 : i32 to vector<16xi32>
        %parallel_loop3A_126 = arith.andi %parallel_loop3A_117, %parallel_loop3A_125 : vector<16xi32>
        %parallel_loop3A_127 = arith.constant 1 : i32
        %parallel_loop3A_128 = vector.broadcast %parallel_loop3A_127 : i32 to vector<16xi32>
        %parallel_loop3A_129 = arith.cmpi eq, %parallel_loop3A_126, %parallel_loop3A_128 : vector<16xi32>
        %parallel_loop3A_130 = arith.constant -65536 : i32
        %parallel_loop3A_131 = vector.broadcast %parallel_loop3A_130 : i32 to vector<16xi32>
        %parallel_loop3A_132 = arith.andi %parallel_loop3A_123, %parallel_loop3A_131 : vector<16xi32>
        %parallel_loop3A_133 = arith.constant 16 : i32
        %parallel_loop3A_134 = vector.broadcast %parallel_loop3A_133 : i32 to vector<16xi32>
        %parallel_loop3A_135 = arith.shli %parallel_loop3A_123, %parallel_loop3A_134 : vector<16xi32>
        %parallel_loop3A_136 = arith.select %parallel_loop3A_129, %parallel_loop3A_132, %parallel_loop3A_135 : vector<16xi1>, vector<16xi32>
        %parallel_loop3A_137 = vector.bitcast %parallel_loop3A_136 : vector<16xi32> to vector<16xf32>
        %parallel_loop3A_138 = arith.constant 3 : i32
        %parallel_loop3A_139 = vector.broadcast %parallel_loop3A_138 : i32 to vector<16xi32>
        %parallel_loop3A_140 = arith.divsi %parallel_loop3A_119, %parallel_loop3A_139 : vector<16xi32>
        %parallel_loop3A_141 = arith.constant 3 : i32
        %parallel_loop3A_142 = vector.broadcast %parallel_loop3A_141 : i32 to vector<16xi32>
        %parallel_loop3A_143 = arith.muli %parallel_loop3A_140, %parallel_loop3A_142 : vector<16xi32>
        %parallel_loop3A_144 = arith.subi %parallel_loop3A_119, %parallel_loop3A_143 : vector<16xi32>
        %parallel_loop3A_145 = arith.constant 0 : i32
        %parallel_loop3A_146 = vector.broadcast %parallel_loop3A_145 : i32 to vector<16xi32>
        %parallel_loop3A_147 = arith.cmpi eq, %parallel_loop3A_144, %parallel_loop3A_146 : vector<16xi32>
        %parallel_loop3A_148 = arith.constant 0.000000e+00 : f32
        %parallel_loop3A_149 = vector.broadcast %parallel_loop3A_148 : f32 to vector<16xf32>
        %parallel_loop3A_150 = arith.select %parallel_loop3A_147, %parallel_loop3A_137, %parallel_loop3A_149 : vector<16xi1>, vector<16xf32>
        tpu.vector_store_idx %arg12[%parallel_loop3A_140], %parallel_loop3A_150 {add = true} : memref<33536xf32, #tpu.memory_space<vmem>>[vector<16xi32>], vector<16xf32>,
      } {sc.loop_unroll_factor = 5 : i64, sc.parallel_access}
      %add3A_107 = arith.constant 2 : i32
      %add3A_108 = arith.addi %add3A_96, %add3A_107 : i32
      %lt3A_109 = arith.cmpi slt, %add3A_108, %mul3A_9 : i32
      %convert_element_type3A_110 = arith.extui %lt3A_109 : i1 to i32
      %cond3A_111 = arith.constant 0 : i32
      %cond3A_112 = arith.cmpi ne, %convert_element_type3A_110, %cond3A_111 : i32
      scf.if %cond3A_112 {
        %add3A_113 = arith.constant 2 : i32
        %add3A_114 = arith.addi %add3A_96, %add3A_113 : i32
        %mul3A_115 = arith.constant 2000 : i32
        %mul3A_116 = arith.muli %add3A_114, %mul3A_115 : i32
        %add3A_117 = arith.addi %mul3A_5, %mul3A_116 : i32
        %dma_start3A_118 = tpu.memref_slice %arg3[%add3A_117] : memref<6399936xi32, #tpu.memory_space<hbm>> -> memref<2000xi32, #tpu.memory_space<hbm>>
        %dma_start3A_119 = tpu.memref_slice %arg3[%add3A_117] : memref<6399936xi32, #tpu.memory_space<hbm>> -> memref<2000xi32, #tpu.memory_space<hbm>>
        tpu.enqueue_dma source(%dma_start3A_119 : memref<2000xi32, #tpu.memory_space<hbm>>) target(%arg10 : memref<2000xi32, #tpu.memory_space<vmem>>) target_semaphore(%arg16 : memref<!tpu.dma_semaphore, #tpu.memory_space<semaphore_mem>>)
        %dma_start3A_120 = tpu.memref_slice %arg4[%add3A_117] : memref<6399936xi32, #tpu.memory_space<hbm>> -> memref<2000xi32, #tpu.memory_space<hbm>>
        %dma_start3A_121 = tpu.memref_slice %arg4[%add3A_117] : memref<6399936xi32, #tpu.memory_space<hbm>> -> memref<2000xi32, #tpu.memory_space<hbm>>
        tpu.enqueue_dma source(%dma_start3A_121 : memref<2000xi32, #tpu.memory_space<hbm>>) target(%arg11 : memref<2000xi32, #tpu.memory_space<vmem>>) target_semaphore(%arg16 : memref<!tpu.dma_semaphore, #tpu.memory_space<semaphore_mem>>)
      } else {
      }
    }
    %while3A_29 = arith.constant 1 : i32
    scf.for %while3A_74 = %while3A_27 to %while3A_23 step %while3A_29  : i32 {
      %mul3A_75 = arith.constant 2 : i32
      %mul3A_76 = arith.muli %while3A_74, %mul3A_75 : i32
      %add3A_77 = arith.constant 0 : i32
      %add3A_78 = arith.addi %mul3A_76, %add3A_77 : i32
      %mul3A_79 = arith.constant 2000 : i32
      %mul3A_80 = arith.muli %add3A_78, %mul3A_79 : i32
      %add3A_81 = arith.addi %mul3A_5, %mul3A_80 : i32
      %dma_wait3A = tpu.memref_slice %arg3[%add3A_81] : memref<6399936xi32, #tpu.memory_space<hbm>> -> memref<2000xi32, #tpu.memory_space<hbm>>
      %dma_wait3A_82 = tpu.memref_slice %arg3[%add3A_81] : memref<6399936xi32, #tpu.memory_space<hbm>> -> memref<2000xi32, #tpu.memory_space<hbm>>
      tpu.wait_dma2 semaphore(%arg15 : memref<!tpu.dma_semaphore, #tpu.memory_space<semaphore_mem>>) src(%dma_wait3A_82 : memref<2000xi32, #tpu.memory_space<hbm>>) dst(%arg8 : memref<2000xi32, #tpu.memory_space<vmem>>)
      %dma_wait3A_83 = tpu.memref_slice %arg4[%add3A_81] : memref<6399936xi32, #tpu.memory_space<hbm>> -> memref<2000xi32, #tpu.memory_space<hbm>>
      %dma_wait3A_84 = tpu.memref_slice %arg4[%add3A_81] : memref<6399936xi32, #tpu.memory_space<hbm>> -> memref<2000xi32, #tpu.memory_space<hbm>>
      tpu.wait_dma2 semaphore(%arg15 : memref<!tpu.dma_semaphore, #tpu.memory_space<semaphore_mem>>) src(%dma_wait3A_84 : memref<2000xi32, #tpu.memory_space<hbm>>) dst(%arg9 : memref<2000xi32, #tpu.memory_space<vmem>>)
      %parallel_loop3A_85 = arith.constant 0 : i32
      %parallel_loop3A_86 = arith.constant 125 : i32
      %parallel_loop3A_87 = arith.constant 1 : i32
      scf.for %parallel_loop3A_113 = %parallel_loop3A_85 to %parallel_loop3A_86 step %parallel_loop3A_87  : i32 {
        %parallel_loop3A_114 = arith.constant 16 : i32
        %parallel_loop3A_115 = arith.muli %parallel_loop3A_113, %parallel_loop3A_114 : i32
        %parallel_loop3A_116 = arith.index_cast %parallel_loop3A_115 : i32 to index
        %parallel_loop3A_117 = tpu.vector_load %arg8[%parallel_loop3A_116] {strides = array<i32>} : memref<2000xi32, #tpu.memory_space<vmem>>, vector<16xi32>,
        %parallel_loop3A_118 = arith.index_cast %parallel_loop3A_115 : i32 to index
        %parallel_loop3A_119 = tpu.vector_load %arg9[%parallel_loop3A_118] {strides = array<i32>} : memref<2000xi32, #tpu.memory_space<vmem>>, vector<16xi32>,
        %parallel_loop3A_120 = arith.constant 1 : i32
        %parallel_loop3A_121 = vector.broadcast %parallel_loop3A_120 : i32 to vector<16xi32>
        %parallel_loop3A_122 = arith.shrsi %parallel_loop3A_117, %parallel_loop3A_121 : vector<16xi32>
        %parallel_loop3A_123 = tpu.vector_load_idx %arg7[%parallel_loop3A_122] : memref<50000xi32, #tpu.memory_space<vmem>>[vector<16xi32>], vector<16xi32>,
        %parallel_loop3A_124 = arith.constant 1 : i32
        %parallel_loop3A_125 = vector.broadcast %parallel_loop3A_124 : i32 to vector<16xi32>
        %parallel_loop3A_126 = arith.andi %parallel_loop3A_117, %parallel_loop3A_125 : vector<16xi32>
        %parallel_loop3A_127 = arith.constant 1 : i32
        %parallel_loop3A_128 = vector.broadcast %parallel_loop3A_127 : i32 to vector<16xi32>
        %parallel_loop3A_129 = arith.cmpi eq, %parallel_loop3A_126, %parallel_loop3A_128 : vector<16xi32>
        %parallel_loop3A_130 = arith.constant -65536 : i32
        %parallel_loop3A_131 = vector.broadcast %parallel_loop3A_130 : i32 to vector<16xi32>
        %parallel_loop3A_132 = arith.andi %parallel_loop3A_123, %parallel_loop3A_131 : vector<16xi32>
        %parallel_loop3A_133 = arith.constant 16 : i32
        %parallel_loop3A_134 = vector.broadcast %parallel_loop3A_133 : i32 to vector<16xi32>
        %parallel_loop3A_135 = arith.shli %parallel_loop3A_123, %parallel_loop3A_134 : vector<16xi32>
        %parallel_loop3A_136 = arith.select %parallel_loop3A_129, %parallel_loop3A_132, %parallel_loop3A_135 : vector<16xi1>, vector<16xi32>
        %parallel_loop3A_137 = vector.bitcast %parallel_loop3A_136 : vector<16xi32> to vector<16xf32>
        %parallel_loop3A_138 = arith.constant 3 : i32
        %parallel_loop3A_139 = vector.broadcast %parallel_loop3A_138 : i32 to vector<16xi32>
        %parallel_loop3A_140 = arith.divsi %parallel_loop3A_119, %parallel_loop3A_139 : vector<16xi32>
        %parallel_loop3A_141 = arith.constant 3 : i32
        %parallel_loop3A_142 = vector.broadcast %parallel_loop3A_141 : i32 to vector<16xi32>
        %parallel_loop3A_143 = arith.muli %parallel_loop3A_140, %parallel_loop3A_142 : vector<16xi32>
        %parallel_loop3A_144 = arith.subi %parallel_loop3A_119, %parallel_loop3A_143 : vector<16xi32>
        %parallel_loop3A_145 = arith.constant 0 : i32
        %parallel_loop3A_146 = vector.broadcast %parallel_loop3A_145 : i32 to vector<16xi32>
        %parallel_loop3A_147 = arith.cmpi eq, %parallel_loop3A_144, %parallel_loop3A_146 : vector<16xi32>
        %parallel_loop3A_148 = arith.constant 0.000000e+00 : f32
        %parallel_loop3A_149 = vector.broadcast %parallel_loop3A_148 : f32 to vector<16xf32>
        %parallel_loop3A_150 = arith.select %parallel_loop3A_147, %parallel_loop3A_137, %parallel_loop3A_149 : vector<16xi1>, vector<16xf32>
        tpu.vector_store_idx %arg12[%parallel_loop3A_140], %parallel_loop3A_150 {add = true} : memref<33536xf32, #tpu.memory_space<vmem>>[vector<16xi32>], vector<16xf32>,
      } {sc.loop_unroll_factor = 5 : i64, sc.parallel_access}
      %add3A_88 = arith.constant 2 : i32
      %add3A_89 = arith.addi %add3A_78, %add3A_88 : i32
      %lt3A = arith.cmpi slt, %add3A_89, %mul3A_9 : i32
      %convert_element_type3A_90 = arith.extui %lt3A : i1 to i32
      %cond3A_91 = arith.constant 0 : i32
      %cond3A_92 = arith.cmpi ne, %convert_element_type3A_90, %cond3A_91 : i32
      scf.if %cond3A_92 {
        %add3A_113 = arith.constant 2 : i32
        %add3A_114 = arith.addi %add3A_78, %add3A_113 : i32
        %mul3A_115 = arith.constant 2000 : i32
        %mul3A_116 = arith.muli %add3A_114, %mul3A_115 : i32
        %add3A_117 = arith.addi %mul3A_5, %mul3A_116 : i32
        %dma_start3A_118 = tpu.memref_slice %arg3[%add3A_117] : memref<6399936xi32, #tpu.memory_space<hbm>> -> memref<2000xi32, #tpu.memory_space<hbm>>
        %dma_start3A_119 = tpu.memref_slice %arg3[%add3A_117] : memref<6399936xi32, #tpu.memory_space<hbm>> -> memref<2000xi32, #tpu.memory_space<hbm>>
        tpu.enqueue_dma source(%dma_start3A_119 : memref<2000xi32, #tpu.memory_space<hbm>>) target(%arg8 : memref<2000xi32, #tpu.memory_space<vmem>>) target_semaphore(%arg15 : memref<!tpu.dma_semaphore, #tpu.memory_space<semaphore_mem>>)
        %dma_start3A_120 = tpu.memref_slice %arg4[%add3A_117] : memref<6399936xi32, #tpu.memory_space<hbm>> -> memref<2000xi32, #tpu.memory_space<hbm>>
        %dma_start3A_121 = tpu.memref_slice %arg4[%add3A_117] : memref<6399936xi32, #tpu.memory_space<hbm>> -> memref<2000xi32, #tpu.memory_space<hbm>>
        tpu.enqueue_dma source(%dma_start3A_121 : memref<2000xi32, #tpu.memory_space<hbm>>) target(%arg9 : memref<2000xi32, #tpu.memory_space<vmem>>) target_semaphore(%arg15 : memref<!tpu.dma_semaphore, #tpu.memory_space<semaphore_mem>>)
      } else {
      }
      %mul3A_93 = arith.constant 2 : i32
      %mul3A_94 = arith.muli %while3A_74, %mul3A_93 : i32
      %add3A_95 = arith.constant 1 : i32
      %add3A_96 = arith.addi %mul3A_94, %add3A_95 : i32
      %mul3A_97 = arith.constant 2000 : i32
      %mul3A_98 = arith.muli %add3A_96, %mul3A_97 : i32
      %add3A_99 = arith.addi %mul3A_5, %mul3A_98 : i32
      %dma_wait3A_100 = tpu.memref_slice %arg3[%add3A_99] : memref<6399936xi32, #tpu.memory_space<hbm>> -> memref<2000xi32, #tpu.memory_space<hbm>>
      %dma_wait3A_101 = tpu.memref_slice %arg3[%add3A_99] : memref<6399936xi32, #tpu.memory_space<hbm>> -> memref<2000xi32, #tpu.memory_space<hbm>>
      tpu.wait_dma2 semaphore(%arg16 : memref<!tpu.dma_semaphore, #tpu.memory_space<semaphore_mem>>) src(%dma_wait3A_101 : memref<2000xi32, #tpu.memory_space<hbm>>) dst(%arg10 : memref<2000xi32, #tpu.memory_space<vmem>>)
      %dma_wait3A_102 = tpu.memref_slice %arg4[%add3A_99] : memref<6399936xi32, #tpu.memory_space<hbm>> -> memref<2000xi32, #tpu.memory_space<hbm>>
      %dma_wait3A_103 = tpu.memref_slice %arg4[%add3A_99] : memref<6399936xi32, #tpu.memory_space<hbm>> -> memref<2000xi32, #tpu.memory_space<hbm>>
      tpu.wait_dma2 semaphore(%arg16 : memref<!tpu.dma_semaphore, #tpu.memory_space<semaphore_mem>>) src(%dma_wait3A_103 : memref<2000xi32, #tpu.memory_space<hbm>>) dst(%arg11 : memref<2000xi32, #tpu.memory_space<vmem>>)
      %parallel_loop3A_104 = arith.constant 0 : i32
      %parallel_loop3A_105 = arith.constant 125 : i32
      %parallel_loop3A_106 = arith.constant 1 : i32
      scf.for %parallel_loop3A_113 = %parallel_loop3A_104 to %parallel_loop3A_105 step %parallel_loop3A_106  : i32 {
        %parallel_loop3A_114 = arith.constant 16 : i32
        %parallel_loop3A_115 = arith.muli %parallel_loop3A_113, %parallel_loop3A_114 : i32
        %parallel_loop3A_116 = arith.index_cast %parallel_loop3A_115 : i32 to index
        %parallel_loop3A_117 = tpu.vector_load %arg10[%parallel_loop3A_116] {strides = array<i32>} : memref<2000xi32, #tpu.memory_space<vmem>>, vector<16xi32>,
        %parallel_loop3A_118 = arith.index_cast %parallel_loop3A_115 : i32 to index
        %parallel_loop3A_119 = tpu.vector_load %arg11[%parallel_loop3A_118] {strides = array<i32>} : memref<2000xi32, #tpu.memory_space<vmem>>, vector<16xi32>,
        %parallel_loop3A_120 = arith.constant 1 : i32
        %parallel_loop3A_121 = vector.broadcast %parallel_loop3A_120 : i32 to vector<16xi32>
        %parallel_loop3A_122 = arith.shrsi %parallel_loop3A_117, %parallel_loop3A_121 : vector<16xi32>
        %parallel_loop3A_123 = tpu.vector_load_idx %arg7[%parallel_loop3A_122] : memref<50000xi32, #tpu.memory_space<vmem>>[vector<16xi32>], vector<16xi32>,
        %parallel_loop3A_124 = arith.constant 1 : i32
        %parallel_loop3A_125 = vector.broadcast %parallel_loop3A_124 : i32 to vector<16xi32>
        %parallel_loop3A_126 = arith.andi %parallel_loop3A_117, %parallel_loop3A_125 : vector<16xi32>
        %parallel_loop3A_127 = arith.constant 1 : i32
        %parallel_loop3A_128 = vector.broadcast %parallel_loop3A_127 : i32 to vector<16xi32>
        %parallel_loop3A_129 = arith.cmpi eq, %parallel_loop3A_126, %parallel_loop3A_128 : vector<16xi32>
        %parallel_loop3A_130 = arith.constant -65536 : i32
        %parallel_loop3A_131 = vector.broadcast %parallel_loop3A_130 : i32 to vector<16xi32>
        %parallel_loop3A_132 = arith.andi %parallel_loop3A_123, %parallel_loop3A_131 : vector<16xi32>
        %parallel_loop3A_133 = arith.constant 16 : i32
        %parallel_loop3A_134 = vector.broadcast %parallel_loop3A_133 : i32 to vector<16xi32>
        %parallel_loop3A_135 = arith.shli %parallel_loop3A_123, %parallel_loop3A_134 : vector<16xi32>
        %parallel_loop3A_136 = arith.select %parallel_loop3A_129, %parallel_loop3A_132, %parallel_loop3A_135 : vector<16xi1>, vector<16xi32>
        %parallel_loop3A_137 = vector.bitcast %parallel_loop3A_136 : vector<16xi32> to vector<16xf32>
        %parallel_loop3A_138 = arith.constant 3 : i32
        %parallel_loop3A_139 = vector.broadcast %parallel_loop3A_138 : i32 to vector<16xi32>
        %parallel_loop3A_140 = arith.divsi %parallel_loop3A_119, %parallel_loop3A_139 : vector<16xi32>
        %parallel_loop3A_141 = arith.constant 3 : i32
        %parallel_loop3A_142 = vector.broadcast %parallel_loop3A_141 : i32 to vector<16xi32>
        %parallel_loop3A_143 = arith.muli %parallel_loop3A_140, %parallel_loop3A_142 : vector<16xi32>
        %parallel_loop3A_144 = arith.subi %parallel_loop3A_119, %parallel_loop3A_143 : vector<16xi32>
        %parallel_loop3A_145 = arith.constant 0 : i32
        %parallel_loop3A_146 = vector.broadcast %parallel_loop3A_145 : i32 to vector<16xi32>
        %parallel_loop3A_147 = arith.cmpi eq, %parallel_loop3A_144, %parallel_loop3A_146 : vector<16xi32>
        %parallel_loop3A_148 = arith.constant 0.000000e+00 : f32
        %parallel_loop3A_149 = vector.broadcast %parallel_loop3A_148 : f32 to vector<16xf32>
        %parallel_loop3A_150 = arith.select %parallel_loop3A_147, %parallel_loop3A_137, %parallel_loop3A_149 : vector<16xi1>, vector<16xf32>
        tpu.vector_store_idx %arg12[%parallel_loop3A_140], %parallel_loop3A_150 {add = true} : memref<33536xf32, #tpu.memory_space<vmem>>[vector<16xi32>], vector<16xf32>,
      } {sc.loop_unroll_factor = 5 : i64, sc.parallel_access}
      %add3A_107 = arith.constant 2 : i32
      %add3A_108 = arith.addi %add3A_96, %add3A_107 : i32
      %lt3A_109 = arith.cmpi slt, %add3A_108, %mul3A_9 : i32
      %convert_element_type3A_110 = arith.extui %lt3A_109 : i1 to i32
      %cond3A_111 = arith.constant 0 : i32
      %cond3A_112 = arith.cmpi ne, %convert_element_type3A_110, %cond3A_111 : i32
      scf.if %cond3A_112 {
        %add3A_113 = arith.constant 2 : i32
        %add3A_114 = arith.addi %add3A_96, %add3A_113 : i32
        %mul3A_115 = arith.constant 2000 : i32
        %mul3A_116 = arith.muli %add3A_114, %mul3A_115 : i32
        %add3A_117 = arith.addi %mul3A_5, %mul3A_116 : i32
        %dma_start3A_118 = tpu.memref_slice %arg3[%add3A_117] : memref<6399936xi32, #tpu.memory_space<hbm>> -> memref<2000xi32, #tpu.memory_space<hbm>>
        %dma_start3A_119 = tpu.memref_slice %arg3[%add3A_117] : memref<6399936xi32, #tpu.memory_space<hbm>> -> memref<2000xi32, #tpu.memory_space<hbm>>
        tpu.enqueue_dma source(%dma_start3A_119 : memref<2000xi32, #tpu.memory_space<hbm>>) target(%arg10 : memref<2000xi32, #tpu.memory_space<vmem>>) target_semaphore(%arg16 : memref<!tpu.dma_semaphore, #tpu.memory_space<semaphore_mem>>)
        %dma_start3A_120 = tpu.memref_slice %arg4[%add3A_117] : memref<6399936xi32, #tpu.memory_space<hbm>> -> memref<2000xi32, #tpu.memory_space<hbm>>
        %dma_start3A_121 = tpu.memref_slice %arg4[%add3A_117] : memref<6399936xi32, #tpu.memory_space<hbm>> -> memref<2000xi32, #tpu.memory_space<hbm>>
        tpu.enqueue_dma source(%dma_start3A_121 : memref<2000xi32, #tpu.memory_space<hbm>>) target(%arg11 : memref<2000xi32, #tpu.memory_space<vmem>>) target_semaphore(%arg16 : memref<!tpu.dma_semaphore, #tpu.memory_space<semaphore_mem>>)
      } else {
      }
    }
    %convert_element_type3A = arith.extui %eq3A_6 : i1 to i32
    %cond3A = arith.constant 0 : i32
    %cond3A_30 = arith.cmpi ne, %convert_element_type3A, %cond3A : i32
    scf.if %cond3A_30 {
      %add3A_74 = arith.constant 196000 : i32
      %add3A_75 = arith.addi %mul3A_5, %add3A_74 : i32
      "tpu.region"() ({
        %run_scoped3A = tpu.sem_alloc : memref<!tpu.dma_semaphore, #tpu.memory_space<semaphore_mem>>
        %dma_start3A_84 = arith.constant 0 : i32
        %dma_start3A_85 = tpu.memref_slice %arg8[%dma_start3A_84] : memref<2000xi32, #tpu.memory_space<vmem>> -> memref<2000xi32, #tpu.memory_space<vmem>>
        %dma_start3A_86 = tpu.memref_slice %arg3[%add3A_75] : memref<6399936xi32, #tpu.memory_space<hbm>> -> memref<2000xi32, #tpu.memory_space<hbm>>
        %dma_start3A_87 = arith.constant 0 : i32
        %dma_start3A_88 = tpu.memref_slice %arg8[%dma_start3A_87] : memref<2000xi32, #tpu.memory_space<vmem>> -> memref<2000xi32, #tpu.memory_space<vmem>>
        %dma_start3A_89 = tpu.memref_slice %arg3[%add3A_75] : memref<6399936xi32, #tpu.memory_space<hbm>> -> memref<2000xi32, #tpu.memory_space<hbm>>
        tpu.enqueue_dma source(%dma_start3A_89 : memref<2000xi32, #tpu.memory_space<hbm>>) target(%dma_start3A_88 : memref<2000xi32, #tpu.memory_space<vmem>>) target_semaphore(%run_scoped3A : memref<!tpu.dma_semaphore, #tpu.memory_space<semaphore_mem>>)
        %dma_wait3A = arith.constant 0 : i32
        %dma_wait3A_90 = tpu.memref_slice %arg8[%dma_wait3A] : memref<2000xi32, #tpu.memory_space<vmem>> -> memref<2000xi32, #tpu.memory_space<vmem>>
        %dma_wait3A_91 = tpu.memref_slice %arg3[%add3A_75] : memref<6399936xi32, #tpu.memory_space<hbm>> -> memref<2000xi32, #tpu.memory_space<hbm>>
        %dma_wait3A_92 = arith.constant 0 : i32
        %dma_wait3A_93 = tpu.memref_slice %arg8[%dma_wait3A_92] : memref<2000xi32, #tpu.memory_space<vmem>> -> memref<2000xi32, #tpu.memory_space<vmem>>
        %dma_wait3A_94 = tpu.memref_slice %arg3[%add3A_75] : memref<6399936xi32, #tpu.memory_space<hbm>> -> memref<2000xi32, #tpu.memory_space<hbm>>
        tpu.wait_dma2 semaphore(%run_scoped3A : memref<!tpu.dma_semaphore, #tpu.memory_space<semaphore_mem>>) src(%dma_wait3A_94 : memref<2000xi32, #tpu.memory_space<hbm>>) dst(%dma_wait3A_93 : memref<2000xi32, #tpu.memory_space<vmem>>)
        tpu.yield
      }) : () -> ()
      "tpu.region"() ({
        %run_scoped3A = tpu.sem_alloc : memref<!tpu.dma_semaphore, #tpu.memory_space<semaphore_mem>>
        %dma_start3A_84 = arith.constant 0 : i32
        %dma_start3A_85 = tpu.memref_slice %arg9[%dma_start3A_84] : memref<2000xi32, #tpu.memory_space<vmem>> -> memref<2000xi32, #tpu.memory_space<vmem>>
        %dma_start3A_86 = tpu.memref_slice %arg4[%add3A_75] : memref<6399936xi32, #tpu.memory_space<hbm>> -> memref<2000xi32, #tpu.memory_space<hbm>>
        %dma_start3A_87 = arith.constant 0 : i32
        %dma_start3A_88 = tpu.memref_slice %arg9[%dma_start3A_87] : memref<2000xi32, #tpu.memory_space<vmem>> -> memref<2000xi32, #tpu.memory_space<vmem>>
        %dma_start3A_89 = tpu.memref_slice %arg4[%add3A_75] : memref<6399936xi32, #tpu.memory_space<hbm>> -> memref<2000xi32, #tpu.memory_space<hbm>>
        tpu.enqueue_dma source(%dma_start3A_89 : memref<2000xi32, #tpu.memory_space<hbm>>) target(%dma_start3A_88 : memref<2000xi32, #tpu.memory_space<vmem>>) target_semaphore(%run_scoped3A : memref<!tpu.dma_semaphore, #tpu.memory_space<semaphore_mem>>)
        %dma_wait3A = arith.constant 0 : i32
        %dma_wait3A_90 = tpu.memref_slice %arg9[%dma_wait3A] : memref<2000xi32, #tpu.memory_space<vmem>> -> memref<2000xi32, #tpu.memory_space<vmem>>
        %dma_wait3A_91 = tpu.memref_slice %arg4[%add3A_75] : memref<6399936xi32, #tpu.memory_space<hbm>> -> memref<2000xi32, #tpu.memory_space<hbm>>
        %dma_wait3A_92 = arith.constant 0 : i32
        %dma_wait3A_93 = tpu.memref_slice %arg9[%dma_wait3A_92] : memref<2000xi32, #tpu.memory_space<vmem>> -> memref<2000xi32, #tpu.memory_space<vmem>>
        %dma_wait3A_94 = tpu.memref_slice %arg4[%add3A_75] : memref<6399936xi32, #tpu.memory_space<hbm>> -> memref<2000xi32, #tpu.memory_space<hbm>>
        tpu.wait_dma2 semaphore(%run_scoped3A : memref<!tpu.dma_semaphore, #tpu.memory_space<semaphore_mem>>) src(%dma_wait3A_94 : memref<2000xi32, #tpu.memory_space<hbm>>) dst(%dma_wait3A_93 : memref<2000xi32, #tpu.memory_space<vmem>>)
        tpu.yield
      }) : () -> ()
      %parallel_loop3A_76 = arith.constant 0 : i32
      %parallel_loop3A_77 = arith.constant 125 : i32
      %parallel_loop3A_78 = arith.constant 1 : i32
      scf.for %parallel_loop3A_84 = %parallel_loop3A_76 to %parallel_loop3A_77 step %parallel_loop3A_78  : i32 {
        %parallel_loop3A_85 = arith.constant 16 : i32
        %parallel_loop3A_86 = arith.muli %parallel_loop3A_84, %parallel_loop3A_85 : i32
        %parallel_loop3A_87 = arith.index_cast %parallel_loop3A_86 : i32 to index
        %parallel_loop3A_88 = tpu.vector_load %arg8[%parallel_loop3A_87] {strides = array<i32>} : memref<2000xi32, #tpu.memory_space<vmem>>, vector<16xi32>,
        %parallel_loop3A_89 = arith.index_cast %parallel_loop3A_86 : i32 to index
        %parallel_loop3A_90 = tpu.vector_load %arg9[%parallel_loop3A_89] {strides = array<i32>} : memref<2000xi32, #tpu.memory_space<vmem>>, vector<16xi32>,
        %parallel_loop3A_91 = arith.constant 1 : i32
        %parallel_loop3A_92 = vector.broadcast %parallel_loop3A_91 : i32 to vector<16xi32>
        %parallel_loop3A_93 = arith.shrsi %parallel_loop3A_88, %parallel_loop3A_92 : vector<16xi32>
        %parallel_loop3A_94 = tpu.vector_load_idx %arg7[%parallel_loop3A_93] : memref<50000xi32, #tpu.memory_space<vmem>>[vector<16xi32>], vector<16xi32>,
        %parallel_loop3A_95 = arith.constant 1 : i32
        %parallel_loop3A_96 = vector.broadcast %parallel_loop3A_95 : i32 to vector<16xi32>
        %parallel_loop3A_97 = arith.andi %parallel_loop3A_88, %parallel_loop3A_96 : vector<16xi32>
        %parallel_loop3A_98 = arith.constant 1 : i32
        %parallel_loop3A_99 = vector.broadcast %parallel_loop3A_98 : i32 to vector<16xi32>
        %parallel_loop3A_100 = arith.cmpi eq, %parallel_loop3A_97, %parallel_loop3A_99 : vector<16xi32>
        %parallel_loop3A_101 = arith.constant -65536 : i32
        %parallel_loop3A_102 = vector.broadcast %parallel_loop3A_101 : i32 to vector<16xi32>
        %parallel_loop3A_103 = arith.andi %parallel_loop3A_94, %parallel_loop3A_102 : vector<16xi32>
        %parallel_loop3A_104 = arith.constant 16 : i32
        %parallel_loop3A_105 = vector.broadcast %parallel_loop3A_104 : i32 to vector<16xi32>
        %parallel_loop3A_106 = arith.shli %parallel_loop3A_94, %parallel_loop3A_105 : vector<16xi32>
        %parallel_loop3A_107 = arith.select %parallel_loop3A_100, %parallel_loop3A_103, %parallel_loop3A_106 : vector<16xi1>, vector<16xi32>
        %parallel_loop3A_108 = vector.bitcast %parallel_loop3A_107 : vector<16xi32> to vector<16xf32>
        %parallel_loop3A_109 = arith.constant 3 : i32
        %parallel_loop3A_110 = vector.broadcast %parallel_loop3A_109 : i32 to vector<16xi32>
        %parallel_loop3A_111 = arith.divsi %parallel_loop3A_90, %parallel_loop3A_110 : vector<16xi32>
        %parallel_loop3A_112 = arith.constant 3 : i32
        %parallel_loop3A_113 = vector.broadcast %parallel_loop3A_112 : i32 to vector<16xi32>
        %parallel_loop3A_114 = arith.muli %parallel_loop3A_111, %parallel_loop3A_113 : vector<16xi32>
        %parallel_loop3A_115 = arith.subi %parallel_loop3A_90, %parallel_loop3A_114 : vector<16xi32>
        %parallel_loop3A_116 = arith.constant 0 : i32
        %parallel_loop3A_117 = vector.broadcast %parallel_loop3A_116 : i32 to vector<16xi32>
        %parallel_loop3A_118 = arith.cmpi eq, %parallel_loop3A_115, %parallel_loop3A_117 : vector<16xi32>
        %parallel_loop3A_119 = arith.constant 0.000000e+00 : f32
        %parallel_loop3A_120 = vector.broadcast %parallel_loop3A_119 : f32 to vector<16xf32>
        %parallel_loop3A_121 = arith.select %parallel_loop3A_118, %parallel_loop3A_108, %parallel_loop3A_120 : vector<16xi1>, vector<16xf32>
        tpu.vector_store_idx %arg12[%parallel_loop3A_111], %parallel_loop3A_121 {add = true} : memref<33536xf32, #tpu.memory_space<vmem>>[vector<16xi32>], vector<16xf32>,
      } {sc.loop_unroll_factor = 5 : i64, sc.parallel_access}
      %add3A_79 = arith.constant 198000 : i32
      %add3A_80 = arith.addi %mul3A_5, %add3A_79 : i32
      "tpu.region"() ({
        %run_scoped3A = tpu.sem_alloc : memref<!tpu.dma_semaphore, #tpu.memory_space<semaphore_mem>>
        %dma_start3A_84 = arith.constant 0 : i32
        %dma_start3A_85 = tpu.memref_slice %arg8[%dma_start3A_84] : memref<2000xi32, #tpu.memory_space<vmem>> -> memref<1936xi32, #tpu.memory_space<vmem>>
        %dma_start3A_86 = tpu.memref_slice %arg3[%add3A_80] : memref<6399936xi32, #tpu.memory_space<hbm>> -> memref<1936xi32, #tpu.memory_space<hbm>>
        %dma_start3A_87 = arith.constant 0 : i32
        %dma_start3A_88 = tpu.memref_slice %arg8[%dma_start3A_87] : memref<2000xi32, #tpu.memory_space<vmem>> -> memref<1936xi32, #tpu.memory_space<vmem>>
        %dma_start3A_89 = tpu.memref_slice %arg3[%add3A_80] : memref<6399936xi32, #tpu.memory_space<hbm>> -> memref<1936xi32, #tpu.memory_space<hbm>>
        tpu.enqueue_dma source(%dma_start3A_89 : memref<1936xi32, #tpu.memory_space<hbm>>) target(%dma_start3A_88 : memref<1936xi32, #tpu.memory_space<vmem>>) target_semaphore(%run_scoped3A : memref<!tpu.dma_semaphore, #tpu.memory_space<semaphore_mem>>)
        %dma_wait3A = arith.constant 0 : i32
        %dma_wait3A_90 = tpu.memref_slice %arg8[%dma_wait3A] : memref<2000xi32, #tpu.memory_space<vmem>> -> memref<1936xi32, #tpu.memory_space<vmem>>
        %dma_wait3A_91 = tpu.memref_slice %arg3[%add3A_80] : memref<6399936xi32, #tpu.memory_space<hbm>> -> memref<1936xi32, #tpu.memory_space<hbm>>
        %dma_wait3A_92 = arith.constant 0 : i32
        %dma_wait3A_93 = tpu.memref_slice %arg8[%dma_wait3A_92] : memref<2000xi32, #tpu.memory_space<vmem>> -> memref<1936xi32, #tpu.memory_space<vmem>>
        %dma_wait3A_94 = tpu.memref_slice %arg3[%add3A_80] : memref<6399936xi32, #tpu.memory_space<hbm>> -> memref<1936xi32, #tpu.memory_space<hbm>>
        tpu.wait_dma2 semaphore(%run_scoped3A : memref<!tpu.dma_semaphore, #tpu.memory_space<semaphore_mem>>) src(%dma_wait3A_94 : memref<1936xi32, #tpu.memory_space<hbm>>) dst(%dma_wait3A_93 : memref<1936xi32, #tpu.memory_space<vmem>>)
        tpu.yield
      }) : () -> ()
      "tpu.region"() ({
        %run_scoped3A = tpu.sem_alloc : memref<!tpu.dma_semaphore, #tpu.memory_space<semaphore_mem>>
        %dma_start3A_84 = arith.constant 0 : i32
        %dma_start3A_85 = tpu.memref_slice %arg9[%dma_start3A_84] : memref<2000xi32, #tpu.memory_space<vmem>> -> memref<1936xi32, #tpu.memory_space<vmem>>
        %dma_start3A_86 = tpu.memref_slice %arg4[%add3A_80] : memref<6399936xi32, #tpu.memory_space<hbm>> -> memref<1936xi32, #tpu.memory_space<hbm>>
        %dma_start3A_87 = arith.constant 0 : i32
        %dma_start3A_88 = tpu.memref_slice %arg9[%dma_start3A_87] : memref<2000xi32, #tpu.memory_space<vmem>> -> memref<1936xi32, #tpu.memory_space<vmem>>
        %dma_start3A_89 = tpu.memref_slice %arg4[%add3A_80] : memref<6399936xi32, #tpu.memory_space<hbm>> -> memref<1936xi32, #tpu.memory_space<hbm>>
        tpu.enqueue_dma source(%dma_start3A_89 : memref<1936xi32, #tpu.memory_space<hbm>>) target(%dma_start3A_88 : memref<1936xi32, #tpu.memory_space<vmem>>) target_semaphore(%run_scoped3A : memref<!tpu.dma_semaphore, #tpu.memory_space<semaphore_mem>>)
        %dma_wait3A = arith.constant 0 : i32
        %dma_wait3A_90 = tpu.memref_slice %arg9[%dma_wait3A] : memref<2000xi32, #tpu.memory_space<vmem>> -> memref<1936xi32, #tpu.memory_space<vmem>>
        %dma_wait3A_91 = tpu.memref_slice %arg4[%add3A_80] : memref<6399936xi32, #tpu.memory_space<hbm>> -> memref<1936xi32, #tpu.memory_space<hbm>>
        %dma_wait3A_92 = arith.constant 0 : i32
        %dma_wait3A_93 = tpu.memref_slice %arg9[%dma_wait3A_92] : memref<2000xi32, #tpu.memory_space<vmem>> -> memref<1936xi32, #tpu.memory_space<vmem>>
        %dma_wait3A_94 = tpu.memref_slice %arg4[%add3A_80] : memref<6399936xi32, #tpu.memory_space<hbm>> -> memref<1936xi32, #tpu.memory_space<hbm>>
        tpu.wait_dma2 semaphore(%run_scoped3A : memref<!tpu.dma_semaphore, #tpu.memory_space<semaphore_mem>>) src(%dma_wait3A_94 : memref<1936xi32, #tpu.memory_space<hbm>>) dst(%dma_wait3A_93 : memref<1936xi32, #tpu.memory_space<vmem>>)
        tpu.yield
      }) : () -> ()
      %parallel_loop3A_81 = arith.constant 0 : i32
      %parallel_loop3A_82 = arith.constant 121 : i32
      %parallel_loop3A_83 = arith.constant 1 : i32
      scf.for %parallel_loop3A_84 = %parallel_loop3A_81 to %parallel_loop3A_82 step %parallel_loop3A_83  : i32 {
        %parallel_loop3A_85 = arith.constant 16 : i32
        %parallel_loop3A_86 = arith.muli %parallel_loop3A_84, %parallel_loop3A_85 : i32
        %parallel_loop3A_87 = arith.index_cast %parallel_loop3A_86 : i32 to index
        %parallel_loop3A_88 = tpu.vector_load %arg8[%parallel_loop3A_87] {strides = array<i32>} : memref<2000xi32, #tpu.memory_space<vmem>>, vector<16xi32>,
        %parallel_loop3A_89 = arith.index_cast %parallel_loop3A_86 : i32 to index
        %parallel_loop3A_90 = tpu.vector_load %arg9[%parallel_loop3A_89] {strides = array<i32>} : memref<2000xi32, #tpu.memory_space<vmem>>, vector<16xi32>,
        %parallel_loop3A_91 = arith.constant 1 : i32
        %parallel_loop3A_92 = vector.broadcast %parallel_loop3A_91 : i32 to vector<16xi32>
        %parallel_loop3A_93 = arith.shrsi %parallel_loop3A_88, %parallel_loop3A_92 : vector<16xi32>
        %parallel_loop3A_94 = tpu.vector_load_idx %arg7[%parallel_loop3A_93] : memref<50000xi32, #tpu.memory_space<vmem>>[vector<16xi32>], vector<16xi32>,
        %parallel_loop3A_95 = arith.constant 1 : i32
        %parallel_loop3A_96 = vector.broadcast %parallel_loop3A_95 : i32 to vector<16xi32>
        %parallel_loop3A_97 = arith.andi %parallel_loop3A_88, %parallel_loop3A_96 : vector<16xi32>
        %parallel_loop3A_98 = arith.constant 1 : i32
        %parallel_loop3A_99 = vector.broadcast %parallel_loop3A_98 : i32 to vector<16xi32>
        %parallel_loop3A_100 = arith.cmpi eq, %parallel_loop3A_97, %parallel_loop3A_99 : vector<16xi32>
        %parallel_loop3A_101 = arith.constant -65536 : i32
        %parallel_loop3A_102 = vector.broadcast %parallel_loop3A_101 : i32 to vector<16xi32>
        %parallel_loop3A_103 = arith.andi %parallel_loop3A_94, %parallel_loop3A_102 : vector<16xi32>
        %parallel_loop3A_104 = arith.constant 16 : i32
        %parallel_loop3A_105 = vector.broadcast %parallel_loop3A_104 : i32 to vector<16xi32>
        %parallel_loop3A_106 = arith.shli %parallel_loop3A_94, %parallel_loop3A_105 : vector<16xi32>
        %parallel_loop3A_107 = arith.select %parallel_loop3A_100, %parallel_loop3A_103, %parallel_loop3A_106 : vector<16xi1>, vector<16xi32>
        %parallel_loop3A_108 = vector.bitcast %parallel_loop3A_107 : vector<16xi32> to vector<16xf32>
        %parallel_loop3A_109 = arith.constant 3 : i32
        %parallel_loop3A_110 = vector.broadcast %parallel_loop3A_109 : i32 to vector<16xi32>
        %parallel_loop3A_111 = arith.divsi %parallel_loop3A_90, %parallel_loop3A_110 : vector<16xi32>
        %parallel_loop3A_112 = arith.constant 3 : i32
        %parallel_loop3A_113 = vector.broadcast %parallel_loop3A_112 : i32 to vector<16xi32>
        %parallel_loop3A_114 = arith.muli %parallel_loop3A_111, %parallel_loop3A_113 : vector<16xi32>
        %parallel_loop3A_115 = arith.subi %parallel_loop3A_90, %parallel_loop3A_114 : vector<16xi32>
        %parallel_loop3A_116 = arith.constant 0 : i32
        %parallel_loop3A_117 = vector.broadcast %parallel_loop3A_116 : i32 to vector<16xi32>
        %parallel_loop3A_118 = arith.cmpi eq, %parallel_loop3A_115, %parallel_loop3A_117 : vector<16xi32>
        %parallel_loop3A_119 = arith.constant 0.000000e+00 : f32
        %parallel_loop3A_120 = vector.broadcast %parallel_loop3A_119 : f32 to vector<16xf32>
        %parallel_loop3A_121 = arith.select %parallel_loop3A_118, %parallel_loop3A_108, %parallel_loop3A_120 : vector<16xi1>, vector<16xf32>
        tpu.vector_store_idx %arg12[%parallel_loop3A_111], %parallel_loop3A_121 {add = true} : memref<33536xf32, #tpu.memory_space<vmem>>[vector<16xi32>], vector<16xf32>,
      } {sc.loop_unroll_factor = 11 : i64, sc.parallel_access}
    } else {
    }
    %mul3A_31 = arith.constant 33536 : i32
    %mul3A_32 = arith.muli %arg1, %mul3A_31 : i32
    "tpu.region"() ({
      %run_scoped3A = tpu.sem_alloc : memref<!tpu.dma_semaphore, #tpu.memory_space<semaphore_mem>>
      %dma_start3A_74 = tpu.memref_slice %arg17[%mul3A_32] : memref<536576xf32, #tpu.memory_space<vmem_shared>> -> memref<33536xf32, #tpu.memory_space<vmem_shared>>
      %dma_start3A_75 = tpu.memref_slice %arg17[%mul3A_32] : memref<536576xf32, #tpu.memory_space<vmem_shared>> -> memref<33536xf32, #tpu.memory_space<vmem_shared>>
      tpu.enqueue_dma source(%arg12 : memref<33536xf32, #tpu.memory_space<vmem>>) target(%dma_start3A_75 : memref<33536xf32, #tpu.memory_space<vmem_shared>>) target_semaphore(%run_scoped3A : memref<!tpu.dma_semaphore, #tpu.memory_space<semaphore_mem>>)
      %dma_wait3A = tpu.memref_slice %arg17[%mul3A_32] : memref<536576xf32, #tpu.memory_space<vmem_shared>> -> memref<33536xf32, #tpu.memory_space<vmem_shared>>
      %dma_wait3A_76 = tpu.memref_slice %arg17[%mul3A_32] : memref<536576xf32, #tpu.memory_space<vmem_shared>> -> memref<33536xf32, #tpu.memory_space<vmem_shared>>
      tpu.wait_dma2 semaphore(%run_scoped3A : memref<!tpu.dma_semaphore, #tpu.memory_space<semaphore_mem>>) src(%arg12 : memref<33536xf32, #tpu.memory_space<vmem>>) dst(%dma_wait3A_76 : memref<33536xf32, #tpu.memory_space<vmem_shared>>)
      tpu.yield
    }) : () -> ()
    %barrier3A = arith.constant 0 : index
    tpu.barrier barrier_id(%barrier3A)
    %mul3A_33 = arith.constant 2096 : i32
    %mul3A_34 = arith.muli %arg1, %mul3A_33 : i32
    %add3A_35 = arith.constant 0 : i32
    %add3A_36 = arith.addi %add3A_35, %mul3A_34 : i32
    "tpu.region"() ({
      %run_scoped3A = tpu.sem_alloc : memref<!tpu.dma_semaphore, #tpu.memory_space<semaphore_mem>>
      %dma_start3A_74 = arith.constant 0 : i32
      %dma_start3A_75 = tpu.memref_slice %arg12[%dma_start3A_74] : memref<33536xf32, #tpu.memory_space<vmem>> -> memref<2096xf32, #tpu.memory_space<vmem>>
      %dma_start3A_76 = tpu.memref_slice %arg17[%add3A_36] : memref<536576xf32, #tpu.memory_space<vmem_shared>> -> memref<2096xf32, #tpu.memory_space<vmem_shared>>
      %dma_start3A_77 = arith.constant 0 : i32
      %dma_start3A_78 = tpu.memref_slice %arg12[%dma_start3A_77] : memref<33536xf32, #tpu.memory_space<vmem>> -> memref<2096xf32, #tpu.memory_space<vmem>>
      %dma_start3A_79 = tpu.memref_slice %arg17[%add3A_36] : memref<536576xf32, #tpu.memory_space<vmem_shared>> -> memref<2096xf32, #tpu.memory_space<vmem_shared>>
      tpu.enqueue_dma source(%dma_start3A_79 : memref<2096xf32, #tpu.memory_space<vmem_shared>>) target(%dma_start3A_78 : memref<2096xf32, #tpu.memory_space<vmem>>) target_semaphore(%run_scoped3A : memref<!tpu.dma_semaphore, #tpu.memory_space<semaphore_mem>>)
      %dma_wait3A = arith.constant 0 : i32
      %dma_wait3A_80 = tpu.memref_slice %arg12[%dma_wait3A] : memref<33536xf32, #tpu.memory_space<vmem>> -> memref<2096xf32, #tpu.memory_space<vmem>>
      %dma_wait3A_81 = tpu.memref_slice %arg17[%add3A_36] : memref<536576xf32, #tpu.memory_space<vmem_shared>> -> memref<2096xf32, #tpu.memory_space<vmem_shared>>
      %dma_wait3A_82 = arith.constant 0 : i32
      %dma_wait3A_83 = tpu.memref_slice %arg12[%dma_wait3A_82] : memref<33536xf32, #tpu.memory_space<vmem>> -> memref<2096xf32, #tpu.memory_space<vmem>>
      %dma_wait3A_84 = tpu.memref_slice %arg17[%add3A_36] : memref<536576xf32, #tpu.memory_space<vmem_shared>> -> memref<2096xf32, #tpu.memory_space<vmem_shared>>
      tpu.wait_dma2 semaphore(%run_scoped3A : memref<!tpu.dma_semaphore, #tpu.memory_space<semaphore_mem>>) src(%dma_wait3A_84 : memref<2096xf32, #tpu.memory_space<vmem_shared>>) dst(%dma_wait3A_83 : memref<2096xf32, #tpu.memory_space<vmem>>)
      tpu.yield
    }) : () -> ()
    %add3A_37 = arith.constant 33536 : i32
    %add3A_38 = arith.addi %add3A_37, %mul3A_34 : i32
    "tpu.region"() ({
      %run_scoped3A = tpu.sem_alloc : memref<!tpu.dma_semaphore, #tpu.memory_space<semaphore_mem>>
      %dma_start3A_74 = arith.constant 2096 : i32
      %dma_start3A_75 = tpu.memref_slice %arg12[%dma_start3A_74] : memref<33536xf32, #tpu.memory_space<vmem>> -> memref<2096xf32, #tpu.memory_space<vmem>>
      %dma_start3A_76 = tpu.memref_slice %arg17[%add3A_38] : memref<536576xf32, #tpu.memory_space<vmem_shared>> -> memref<2096xf32, #tpu.memory_space<vmem_shared>>
      %dma_start3A_77 = arith.constant 2096 : i32
      %dma_start3A_78 = tpu.memref_slice %arg12[%dma_start3A_77] : memref<33536xf32, #tpu.memory_space<vmem>> -> memref<2096xf32, #tpu.memory_space<vmem>>
      %dma_start3A_79 = tpu.memref_slice %arg17[%add3A_38] : memref<536576xf32, #tpu.memory_space<vmem_shared>> -> memref<2096xf32, #tpu.memory_space<vmem_shared>>
      tpu.enqueue_dma source(%dma_start3A_79 : memref<2096xf32, #tpu.memory_space<vmem_shared>>) target(%dma_start3A_78 : memref<2096xf32, #tpu.memory_space<vmem>>) target_semaphore(%run_scoped3A : memref<!tpu.dma_semaphore, #tpu.memory_space<semaphore_mem>>)
      %dma_wait3A = arith.constant 2096 : i32
      %dma_wait3A_80 = tpu.memref_slice %arg12[%dma_wait3A] : memref<33536xf32, #tpu.memory_space<vmem>> -> memref<2096xf32, #tpu.memory_space<vmem>>
      %dma_wait3A_81 = tpu.memref_slice %arg17[%add3A_38] : memref<536576xf32, #tpu.memory_space<vmem_shared>> -> memref<2096xf32, #tpu.memory_space<vmem_shared>>
      %dma_wait3A_82 = arith.constant 2096 : i32
      %dma_wait3A_83 = tpu.memref_slice %arg12[%dma_wait3A_82] : memref<33536xf32, #tpu.memory_space<vmem>> -> memref<2096xf32, #tpu.memory_space<vmem>>
      %dma_wait3A_84 = tpu.memref_slice %arg17[%add3A_38] : memref<536576xf32, #tpu.memory_space<vmem_shared>> -> memref<2096xf32, #tpu.memory_space<vmem_shared>>
      tpu.wait_dma2 semaphore(%run_scoped3A : memref<!tpu.dma_semaphore, #tpu.memory_space<semaphore_mem>>) src(%dma_wait3A_84 : memref<2096xf32, #tpu.memory_space<vmem_shared>>) dst(%dma_wait3A_83 : memref<2096xf32, #tpu.memory_space<vmem>>)
      tpu.yield
    }) : () -> ()
    %add3A_39 = arith.constant 67072 : i32
    %add3A_40 = arith.addi %add3A_39, %mul3A_34 : i32
    "tpu.region"() ({
      %run_scoped3A = tpu.sem_alloc : memref<!tpu.dma_semaphore, #tpu.memory_space<semaphore_mem>>
      %dma_start3A_74 = arith.constant 4192 : i32
      %dma_start3A_75 = tpu.memref_slice %arg12[%dma_start3A_74] : memref<33536xf32, #tpu.memory_space<vmem>> -> memref<2096xf32, #tpu.memory_space<vmem>>
      %dma_start3A_76 = tpu.memref_slice %arg17[%add3A_40] : memref<536576xf32, #tpu.memory_space<vmem_shared>> -> memref<2096xf32, #tpu.memory_space<vmem_shared>>
      %dma_start3A_77 = arith.constant 4192 : i32
      %dma_start3A_78 = tpu.memref_slice %arg12[%dma_start3A_77] : memref<33536xf32, #tpu.memory_space<vmem>> -> memref<2096xf32, #tpu.memory_space<vmem>>
      %dma_start3A_79 = tpu.memref_slice %arg17[%add3A_40] : memref<536576xf32, #tpu.memory_space<vmem_shared>> -> memref<2096xf32, #tpu.memory_space<vmem_shared>>
      tpu.enqueue_dma source(%dma_start3A_79 : memref<2096xf32, #tpu.memory_space<vmem_shared>>) target(%dma_start3A_78 : memref<2096xf32, #tpu.memory_space<vmem>>) target_semaphore(%run_scoped3A : memref<!tpu.dma_semaphore, #tpu.memory_space<semaphore_mem>>)
      %dma_wait3A = arith.constant 4192 : i32
      %dma_wait3A_80 = tpu.memref_slice %arg12[%dma_wait3A] : memref<33536xf32, #tpu.memory_space<vmem>> -> memref<2096xf32, #tpu.memory_space<vmem>>
      %dma_wait3A_81 = tpu.memref_slice %arg17[%add3A_40] : memref<536576xf32, #tpu.memory_space<vmem_shared>> -> memref<2096xf32, #tpu.memory_space<vmem_shared>>
      %dma_wait3A_82 = arith.constant 4192 : i32
      %dma_wait3A_83 = tpu.memref_slice %arg12[%dma_wait3A_82] : memref<33536xf32, #tpu.memory_space<vmem>> -> memref<2096xf32, #tpu.memory_space<vmem>>
      %dma_wait3A_84 = tpu.memref_slice %arg17[%add3A_40] : memref<536576xf32, #tpu.memory_space<vmem_shared>> -> memref<2096xf32, #tpu.memory_space<vmem_shared>>
      tpu.wait_dma2 semaphore(%run_scoped3A : memref<!tpu.dma_semaphore, #tpu.memory_space<semaphore_mem>>) src(%dma_wait3A_84 : memref<2096xf32, #tpu.memory_space<vmem_shared>>) dst(%dma_wait3A_83 : memref<2096xf32, #tpu.memory_space<vmem>>)
      tpu.yield
    }) : () -> ()
    %add3A_41 = arith.constant 100608 : i32
    %add3A_42 = arith.addi %add3A_41, %mul3A_34 : i32
    "tpu.region"() ({
      %run_scoped3A = tpu.sem_alloc : memref<!tpu.dma_semaphore, #tpu.memory_space<semaphore_mem>>
      %dma_start3A_74 = arith.constant 6288 : i32
      %dma_start3A_75 = tpu.memref_slice %arg12[%dma_start3A_74] : memref<33536xf32, #tpu.memory_space<vmem>> -> memref<2096xf32, #tpu.memory_space<vmem>>
      %dma_start3A_76 = tpu.memref_slice %arg17[%add3A_42] : memref<536576xf32, #tpu.memory_space<vmem_shared>> -> memref<2096xf32, #tpu.memory_space<vmem_shared>>
      %dma_start3A_77 = arith.constant 6288 : i32
      %dma_start3A_78 = tpu.memref_slice %arg12[%dma_start3A_77] : memref<33536xf32, #tpu.memory_space<vmem>> -> memref<2096xf32, #tpu.memory_space<vmem>>
      %dma_start3A_79 = tpu.memref_slice %arg17[%add3A_42] : memref<536576xf32, #tpu.memory_space<vmem_shared>> -> memref<2096xf32, #tpu.memory_space<vmem_shared>>
      tpu.enqueue_dma source(%dma_start3A_79 : memref<2096xf32, #tpu.memory_space<vmem_shared>>) target(%dma_start3A_78 : memref<2096xf32, #tpu.memory_space<vmem>>) target_semaphore(%run_scoped3A : memref<!tpu.dma_semaphore, #tpu.memory_space<semaphore_mem>>)
      %dma_wait3A = arith.constant 6288 : i32
      %dma_wait3A_80 = tpu.memref_slice %arg12[%dma_wait3A] : memref<33536xf32, #tpu.memory_space<vmem>> -> memref<2096xf32, #tpu.memory_space<vmem>>
      %dma_wait3A_81 = tpu.memref_slice %arg17[%add3A_42] : memref<536576xf32, #tpu.memory_space<vmem_shared>> -> memref<2096xf32, #tpu.memory_space<vmem_shared>>
      %dma_wait3A_82 = arith.constant 6288 : i32
      %dma_wait3A_83 = tpu.memref_slice %arg12[%dma_wait3A_82] : memref<33536xf32, #tpu.memory_space<vmem>> -> memref<2096xf32, #tpu.memory_space<vmem>>
      %dma_wait3A_84 = tpu.memref_slice %arg17[%add3A_42] : memref<536576xf32, #tpu.memory_space<vmem_shared>> -> memref<2096xf32, #tpu.memory_space<vmem_shared>>
      tpu.wait_dma2 semaphore(%run_scoped3A : memref<!tpu.dma_semaphore, #tpu.memory_space<semaphore_mem>>) src(%dma_wait3A_84 : memref<2096xf32, #tpu.memory_space<vmem_shared>>) dst(%dma_wait3A_83 : memref<2096xf32, #tpu.memory_space<vmem>>)
      tpu.yield
    }) : () -> ()
    %add3A_43 = arith.constant 134144 : i32
    %add3A_44 = arith.addi %add3A_43, %mul3A_34 : i32
    "tpu.region"() ({
      %run_scoped3A = tpu.sem_alloc : memref<!tpu.dma_semaphore, #tpu.memory_space<semaphore_mem>>
      %dma_start3A_74 = arith.constant 8384 : i32
      %dma_start3A_75 = tpu.memref_slice %arg12[%dma_start3A_74] : memref<33536xf32, #tpu.memory_space<vmem>> -> memref<2096xf32, #tpu.memory_space<vmem>>
      %dma_start3A_76 = tpu.memref_slice %arg17[%add3A_44] : memref<536576xf32, #tpu.memory_space<vmem_shared>> -> memref<2096xf32, #tpu.memory_space<vmem_shared>>
      %dma_start3A_77 = arith.constant 8384 : i32
      %dma_start3A_78 = tpu.memref_slice %arg12[%dma_start3A_77] : memref<33536xf32, #tpu.memory_space<vmem>> -> memref<2096xf32, #tpu.memory_space<vmem>>
      %dma_start3A_79 = tpu.memref_slice %arg17[%add3A_44] : memref<536576xf32, #tpu.memory_space<vmem_shared>> -> memref<2096xf32, #tpu.memory_space<vmem_shared>>
      tpu.enqueue_dma source(%dma_start3A_79 : memref<2096xf32, #tpu.memory_space<vmem_shared>>) target(%dma_start3A_78 : memref<2096xf32, #tpu.memory_space<vmem>>) target_semaphore(%run_scoped3A : memref<!tpu.dma_semaphore, #tpu.memory_space<semaphore_mem>>)
      %dma_wait3A = arith.constant 8384 : i32
      %dma_wait3A_80 = tpu.memref_slice %arg12[%dma_wait3A] : memref<33536xf32, #tpu.memory_space<vmem>> -> memref<2096xf32, #tpu.memory_space<vmem>>
      %dma_wait3A_81 = tpu.memref_slice %arg17[%add3A_44] : memref<536576xf32, #tpu.memory_space<vmem_shared>> -> memref<2096xf32, #tpu.memory_space<vmem_shared>>
      %dma_wait3A_82 = arith.constant 8384 : i32
      %dma_wait3A_83 = tpu.memref_slice %arg12[%dma_wait3A_82] : memref<33536xf32, #tpu.memory_space<vmem>> -> memref<2096xf32, #tpu.memory_space<vmem>>
      %dma_wait3A_84 = tpu.memref_slice %arg17[%add3A_44] : memref<536576xf32, #tpu.memory_space<vmem_shared>> -> memref<2096xf32, #tpu.memory_space<vmem_shared>>
      tpu.wait_dma2 semaphore(%run_scoped3A : memref<!tpu.dma_semaphore, #tpu.memory_space<semaphore_mem>>) src(%dma_wait3A_84 : memref<2096xf32, #tpu.memory_space<vmem_shared>>) dst(%dma_wait3A_83 : memref<2096xf32, #tpu.memory_space<vmem>>)
      tpu.yield
    }) : () -> ()
    %add3A_45 = arith.constant 167680 : i32
    %add3A_46 = arith.addi %add3A_45, %mul3A_34 : i32
    "tpu.region"() ({
      %run_scoped3A = tpu.sem_alloc : memref<!tpu.dma_semaphore, #tpu.memory_space<semaphore_mem>>
      %dma_start3A_74 = arith.constant 10480 : i32
      %dma_start3A_75 = tpu.memref_slice %arg12[%dma_start3A_74] : memref<33536xf32, #tpu.memory_space<vmem>> -> memref<2096xf32, #tpu.memory_space<vmem>>
      %dma_start3A_76 = tpu.memref_slice %arg17[%add3A_46] : memref<536576xf32, #tpu.memory_space<vmem_shared>> -> memref<2096xf32, #tpu.memory_space<vmem_shared>>
      %dma_start3A_77 = arith.constant 10480 : i32
      %dma_start3A_78 = tpu.memref_slice %arg12[%dma_start3A_77] : memref<33536xf32, #tpu.memory_space<vmem>> -> memref<2096xf32, #tpu.memory_space<vmem>>
      %dma_start3A_79 = tpu.memref_slice %arg17[%add3A_46] : memref<536576xf32, #tpu.memory_space<vmem_shared>> -> memref<2096xf32, #tpu.memory_space<vmem_shared>>
      tpu.enqueue_dma source(%dma_start3A_79 : memref<2096xf32, #tpu.memory_space<vmem_shared>>) target(%dma_start3A_78 : memref<2096xf32, #tpu.memory_space<vmem>>) target_semaphore(%run_scoped3A : memref<!tpu.dma_semaphore, #tpu.memory_space<semaphore_mem>>)
      %dma_wait3A = arith.constant 10480 : i32
      %dma_wait3A_80 = tpu.memref_slice %arg12[%dma_wait3A] : memref<33536xf32, #tpu.memory_space<vmem>> -> memref<2096xf32, #tpu.memory_space<vmem>>
      %dma_wait3A_81 = tpu.memref_slice %arg17[%add3A_46] : memref<536576xf32, #tpu.memory_space<vmem_shared>> -> memref<2096xf32, #tpu.memory_space<vmem_shared>>
      %dma_wait3A_82 = arith.constant 10480 : i32
      %dma_wait3A_83 = tpu.memref_slice %arg12[%dma_wait3A_82] : memref<33536xf32, #tpu.memory_space<vmem>> -> memref<2096xf32, #tpu.memory_space<vmem>>
      %dma_wait3A_84 = tpu.memref_slice %arg17[%add3A_46] : memref<536576xf32, #tpu.memory_space<vmem_shared>> -> memref<2096xf32, #tpu.memory_space<vmem_shared>>
      tpu.wait_dma2 semaphore(%run_scoped3A : memref<!tpu.dma_semaphore, #tpu.memory_space<semaphore_mem>>) src(%dma_wait3A_84 : memref<2096xf32, #tpu.memory_space<vmem_shared>>) dst(%dma_wait3A_83 : memref<2096xf32, #tpu.memory_space<vmem>>)
      tpu.yield
    }) : () -> ()
    %add3A_47 = arith.constant 201216 : i32
    %add3A_48 = arith.addi %add3A_47, %mul3A_34 : i32
    "tpu.region"() ({
      %run_scoped3A = tpu.sem_alloc : memref<!tpu.dma_semaphore, #tpu.memory_space<semaphore_mem>>
      %dma_start3A_74 = arith.constant 12576 : i32
      %dma_start3A_75 = tpu.memref_slice %arg12[%dma_start3A_74] : memref<33536xf32, #tpu.memory_space<vmem>> -> memref<2096xf32, #tpu.memory_space<vmem>>
      %dma_start3A_76 = tpu.memref_slice %arg17[%add3A_48] : memref<536576xf32, #tpu.memory_space<vmem_shared>> -> memref<2096xf32, #tpu.memory_space<vmem_shared>>
      %dma_start3A_77 = arith.constant 12576 : i32
      %dma_start3A_78 = tpu.memref_slice %arg12[%dma_start3A_77] : memref<33536xf32, #tpu.memory_space<vmem>> -> memref<2096xf32, #tpu.memory_space<vmem>>
      %dma_start3A_79 = tpu.memref_slice %arg17[%add3A_48] : memref<536576xf32, #tpu.memory_space<vmem_shared>> -> memref<2096xf32, #tpu.memory_space<vmem_shared>>
      tpu.enqueue_dma source(%dma_start3A_79 : memref<2096xf32, #tpu.memory_space<vmem_shared>>) target(%dma_start3A_78 : memref<2096xf32, #tpu.memory_space<vmem>>) target_semaphore(%run_scoped3A : memref<!tpu.dma_semaphore, #tpu.memory_space<semaphore_mem>>)
      %dma_wait3A = arith.constant 12576 : i32
      %dma_wait3A_80 = tpu.memref_slice %arg12[%dma_wait3A] : memref<33536xf32, #tpu.memory_space<vmem>> -> memref<2096xf32, #tpu.memory_space<vmem>>
      %dma_wait3A_81 = tpu.memref_slice %arg17[%add3A_48] : memref<536576xf32, #tpu.memory_space<vmem_shared>> -> memref<2096xf32, #tpu.memory_space<vmem_shared>>
      %dma_wait3A_82 = arith.constant 12576 : i32
      %dma_wait3A_83 = tpu.memref_slice %arg12[%dma_wait3A_82] : memref<33536xf32, #tpu.memory_space<vmem>> -> memref<2096xf32, #tpu.memory_space<vmem>>
      %dma_wait3A_84 = tpu.memref_slice %arg17[%add3A_48] : memref<536576xf32, #tpu.memory_space<vmem_shared>> -> memref<2096xf32, #tpu.memory_space<vmem_shared>>
      tpu.wait_dma2 semaphore(%run_scoped3A : memref<!tpu.dma_semaphore, #tpu.memory_space<semaphore_mem>>) src(%dma_wait3A_84 : memref<2096xf32, #tpu.memory_space<vmem_shared>>) dst(%dma_wait3A_83 : memref<2096xf32, #tpu.memory_space<vmem>>)
      tpu.yield
    }) : () -> ()
    %add3A_49 = arith.constant 234752 : i32
    %add3A_50 = arith.addi %add3A_49, %mul3A_34 : i32
    "tpu.region"() ({
      %run_scoped3A = tpu.sem_alloc : memref<!tpu.dma_semaphore, #tpu.memory_space<semaphore_mem>>
      %dma_start3A_74 = arith.constant 14672 : i32
      %dma_start3A_75 = tpu.memref_slice %arg12[%dma_start3A_74] : memref<33536xf32, #tpu.memory_space<vmem>> -> memref<2096xf32, #tpu.memory_space<vmem>>
      %dma_start3A_76 = tpu.memref_slice %arg17[%add3A_50] : memref<536576xf32, #tpu.memory_space<vmem_shared>> -> memref<2096xf32, #tpu.memory_space<vmem_shared>>
      %dma_start3A_77 = arith.constant 14672 : i32
      %dma_start3A_78 = tpu.memref_slice %arg12[%dma_start3A_77] : memref<33536xf32, #tpu.memory_space<vmem>> -> memref<2096xf32, #tpu.memory_space<vmem>>
      %dma_start3A_79 = tpu.memref_slice %arg17[%add3A_50] : memref<536576xf32, #tpu.memory_space<vmem_shared>> -> memref<2096xf32, #tpu.memory_space<vmem_shared>>
      tpu.enqueue_dma source(%dma_start3A_79 : memref<2096xf32, #tpu.memory_space<vmem_shared>>) target(%dma_start3A_78 : memref<2096xf32, #tpu.memory_space<vmem>>) target_semaphore(%run_scoped3A : memref<!tpu.dma_semaphore, #tpu.memory_space<semaphore_mem>>)
      %dma_wait3A = arith.constant 14672 : i32
      %dma_wait3A_80 = tpu.memref_slice %arg12[%dma_wait3A] : memref<33536xf32, #tpu.memory_space<vmem>> -> memref<2096xf32, #tpu.memory_space<vmem>>
      %dma_wait3A_81 = tpu.memref_slice %arg17[%add3A_50] : memref<536576xf32, #tpu.memory_space<vmem_shared>> -> memref<2096xf32, #tpu.memory_space<vmem_shared>>
      %dma_wait3A_82 = arith.constant 14672 : i32
      %dma_wait3A_83 = tpu.memref_slice %arg12[%dma_wait3A_82] : memref<33536xf32, #tpu.memory_space<vmem>> -> memref<2096xf32, #tpu.memory_space<vmem>>
      %dma_wait3A_84 = tpu.memref_slice %arg17[%add3A_50] : memref<536576xf32, #tpu.memory_space<vmem_shared>> -> memref<2096xf32, #tpu.memory_space<vmem_shared>>
      tpu.wait_dma2 semaphore(%run_scoped3A : memref<!tpu.dma_semaphore, #tpu.memory_space<semaphore_mem>>) src(%dma_wait3A_84 : memref<2096xf32, #tpu.memory_space<vmem_shared>>) dst(%dma_wait3A_83 : memref<2096xf32, #tpu.memory_space<vmem>>)
      tpu.yield
    }) : () -> ()
    %add3A_51 = arith.constant 268288 : i32
    %add3A_52 = arith.addi %add3A_51, %mul3A_34 : i32
    "tpu.region"() ({
      %run_scoped3A = tpu.sem_alloc : memref<!tpu.dma_semaphore, #tpu.memory_space<semaphore_mem>>
      %dma_start3A_74 = arith.constant 16768 : i32
      %dma_start3A_75 = tpu.memref_slice %arg12[%dma_start3A_74] : memref<33536xf32, #tpu.memory_space<vmem>> -> memref<2096xf32, #tpu.memory_space<vmem>>
      %dma_start3A_76 = tpu.memref_slice %arg17[%add3A_52] : memref<536576xf32, #tpu.memory_space<vmem_shared>> -> memref<2096xf32, #tpu.memory_space<vmem_shared>>
      %dma_start3A_77 = arith.constant 16768 : i32
      %dma_start3A_78 = tpu.memref_slice %arg12[%dma_start3A_77] : memref<33536xf32, #tpu.memory_space<vmem>> -> memref<2096xf32, #tpu.memory_space<vmem>>
      %dma_start3A_79 = tpu.memref_slice %arg17[%add3A_52] : memref<536576xf32, #tpu.memory_space<vmem_shared>> -> memref<2096xf32, #tpu.memory_space<vmem_shared>>
      tpu.enqueue_dma source(%dma_start3A_79 : memref<2096xf32, #tpu.memory_space<vmem_shared>>) target(%dma_start3A_78 : memref<2096xf32, #tpu.memory_space<vmem>>) target_semaphore(%run_scoped3A : memref<!tpu.dma_semaphore, #tpu.memory_space<semaphore_mem>>)
      %dma_wait3A = arith.constant 16768 : i32
      %dma_wait3A_80 = tpu.memref_slice %arg12[%dma_wait3A] : memref<33536xf32, #tpu.memory_space<vmem>> -> memref<2096xf32, #tpu.memory_space<vmem>>
      %dma_wait3A_81 = tpu.memref_slice %arg17[%add3A_52] : memref<536576xf32, #tpu.memory_space<vmem_shared>> -> memref<2096xf32, #tpu.memory_space<vmem_shared>>
      %dma_wait3A_82 = arith.constant 16768 : i32
      %dma_wait3A_83 = tpu.memref_slice %arg12[%dma_wait3A_82] : memref<33536xf32, #tpu.memory_space<vmem>> -> memref<2096xf32, #tpu.memory_space<vmem>>
      %dma_wait3A_84 = tpu.memref_slice %arg17[%add3A_52] : memref<536576xf32, #tpu.memory_space<vmem_shared>> -> memref<2096xf32, #tpu.memory_space<vmem_shared>>
      tpu.wait_dma2 semaphore(%run_scoped3A : memref<!tpu.dma_semaphore, #tpu.memory_space<semaphore_mem>>) src(%dma_wait3A_84 : memref<2096xf32, #tpu.memory_space<vmem_shared>>) dst(%dma_wait3A_83 : memref<2096xf32, #tpu.memory_space<vmem>>)
      tpu.yield
    }) : () -> ()
    %add3A_53 = arith.constant 301824 : i32
    %add3A_54 = arith.addi %add3A_53, %mul3A_34 : i32
    "tpu.region"() ({
      %run_scoped3A = tpu.sem_alloc : memref<!tpu.dma_semaphore, #tpu.memory_space<semaphore_mem>>
      %dma_start3A_74 = arith.constant 18864 : i32
      %dma_start3A_75 = tpu.memref_slice %arg12[%dma_start3A_74] : memref<33536xf32, #tpu.memory_space<vmem>> -> memref<2096xf32, #tpu.memory_space<vmem>>
      %dma_start3A_76 = tpu.memref_slice %arg17[%add3A_54] : memref<536576xf32, #tpu.memory_space<vmem_shared>> -> memref<2096xf32, #tpu.memory_space<vmem_shared>>
      %dma_start3A_77 = arith.constant 18864 : i32
      %dma_start3A_78 = tpu.memref_slice %arg12[%dma_start3A_77] : memref<33536xf32, #tpu.memory_space<vmem>> -> memref<2096xf32, #tpu.memory_space<vmem>>
      %dma_start3A_79 = tpu.memref_slice %arg17[%add3A_54] : memref<536576xf32, #tpu.memory_space<vmem_shared>> -> memref<2096xf32, #tpu.memory_space<vmem_shared>>
      tpu.enqueue_dma source(%dma_start3A_79 : memref<2096xf32, #tpu.memory_space<vmem_shared>>) target(%dma_start3A_78 : memref<2096xf32, #tpu.memory_space<vmem>>) target_semaphore(%run_scoped3A : memref<!tpu.dma_semaphore, #tpu.memory_space<semaphore_mem>>)
      %dma_wait3A = arith.constant 18864 : i32
      %dma_wait3A_80 = tpu.memref_slice %arg12[%dma_wait3A] : memref<33536xf32, #tpu.memory_space<vmem>> -> memref<2096xf32, #tpu.memory_space<vmem>>
      %dma_wait3A_81 = tpu.memref_slice %arg17[%add3A_54] : memref<536576xf32, #tpu.memory_space<vmem_shared>> -> memref<2096xf32, #tpu.memory_space<vmem_shared>>
      %dma_wait3A_82 = arith.constant 18864 : i32
      %dma_wait3A_83 = tpu.memref_slice %arg12[%dma_wait3A_82] : memref<33536xf32, #tpu.memory_space<vmem>> -> memref<2096xf32, #tpu.memory_space<vmem>>
      %dma_wait3A_84 = tpu.memref_slice %arg17[%add3A_54] : memref<536576xf32, #tpu.memory_space<vmem_shared>> -> memref<2096xf32, #tpu.memory_space<vmem_shared>>
      tpu.wait_dma2 semaphore(%run_scoped3A : memref<!tpu.dma_semaphore, #tpu.memory_space<semaphore_mem>>) src(%dma_wait3A_84 : memref<2096xf32, #tpu.memory_space<vmem_shared>>) dst(%dma_wait3A_83 : memref<2096xf32, #tpu.memory_space<vmem>>)
      tpu.yield
    }) : () -> ()
    %add3A_55 = arith.constant 335360 : i32
    %add3A_56 = arith.addi %add3A_55, %mul3A_34 : i32
    "tpu.region"() ({
      %run_scoped3A = tpu.sem_alloc : memref<!tpu.dma_semaphore, #tpu.memory_space<semaphore_mem>>
      %dma_start3A_74 = arith.constant 20960 : i32
      %dma_start3A_75 = tpu.memref_slice %arg12[%dma_start3A_74] : memref<33536xf32, #tpu.memory_space<vmem>> -> memref<2096xf32, #tpu.memory_space<vmem>>
      %dma_start3A_76 = tpu.memref_slice %arg17[%add3A_56] : memref<536576xf32, #tpu.memory_space<vmem_shared>> -> memref<2096xf32, #tpu.memory_space<vmem_shared>>
      %dma_start3A_77 = arith.constant 20960 : i32
      %dma_start3A_78 = tpu.memref_slice %arg12[%dma_start3A_77] : memref<33536xf32, #tpu.memory_space<vmem>> -> memref<2096xf32, #tpu.memory_space<vmem>>
      %dma_start3A_79 = tpu.memref_slice %arg17[%add3A_56] : memref<536576xf32, #tpu.memory_space<vmem_shared>> -> memref<2096xf32, #tpu.memory_space<vmem_shared>>
      tpu.enqueue_dma source(%dma_start3A_79 : memref<2096xf32, #tpu.memory_space<vmem_shared>>) target(%dma_start3A_78 : memref<2096xf32, #tpu.memory_space<vmem>>) target_semaphore(%run_scoped3A : memref<!tpu.dma_semaphore, #tpu.memory_space<semaphore_mem>>)
      %dma_wait3A = arith.constant 20960 : i32
      %dma_wait3A_80 = tpu.memref_slice %arg12[%dma_wait3A] : memref<33536xf32, #tpu.memory_space<vmem>> -> memref<2096xf32, #tpu.memory_space<vmem>>
      %dma_wait3A_81 = tpu.memref_slice %arg17[%add3A_56] : memref<536576xf32, #tpu.memory_space<vmem_shared>> -> memref<2096xf32, #tpu.memory_space<vmem_shared>>
      %dma_wait3A_82 = arith.constant 20960 : i32
      %dma_wait3A_83 = tpu.memref_slice %arg12[%dma_wait3A_82] : memref<33536xf32, #tpu.memory_space<vmem>> -> memref<2096xf32, #tpu.memory_space<vmem>>
      %dma_wait3A_84 = tpu.memref_slice %arg17[%add3A_56] : memref<536576xf32, #tpu.memory_space<vmem_shared>> -> memref<2096xf32, #tpu.memory_space<vmem_shared>>
      tpu.wait_dma2 semaphore(%run_scoped3A : memref<!tpu.dma_semaphore, #tpu.memory_space<semaphore_mem>>) src(%dma_wait3A_84 : memref<2096xf32, #tpu.memory_space<vmem_shared>>) dst(%dma_wait3A_83 : memref<2096xf32, #tpu.memory_space<vmem>>)
      tpu.yield
    }) : () -> ()
    %add3A_57 = arith.constant 368896 : i32
    %add3A_58 = arith.addi %add3A_57, %mul3A_34 : i32
    "tpu.region"() ({
      %run_scoped3A = tpu.sem_alloc : memref<!tpu.dma_semaphore, #tpu.memory_space<semaphore_mem>>
      %dma_start3A_74 = arith.constant 23056 : i32
      %dma_start3A_75 = tpu.memref_slice %arg12[%dma_start3A_74] : memref<33536xf32, #tpu.memory_space<vmem>> -> memref<2096xf32, #tpu.memory_space<vmem>>
      %dma_start3A_76 = tpu.memref_slice %arg17[%add3A_58] : memref<536576xf32, #tpu.memory_space<vmem_shared>> -> memref<2096xf32, #tpu.memory_space<vmem_shared>>
      %dma_start3A_77 = arith.constant 23056 : i32
      %dma_start3A_78 = tpu.memref_slice %arg12[%dma_start3A_77] : memref<33536xf32, #tpu.memory_space<vmem>> -> memref<2096xf32, #tpu.memory_space<vmem>>
      %dma_start3A_79 = tpu.memref_slice %arg17[%add3A_58] : memref<536576xf32, #tpu.memory_space<vmem_shared>> -> memref<2096xf32, #tpu.memory_space<vmem_shared>>
      tpu.enqueue_dma source(%dma_start3A_79 : memref<2096xf32, #tpu.memory_space<vmem_shared>>) target(%dma_start3A_78 : memref<2096xf32, #tpu.memory_space<vmem>>) target_semaphore(%run_scoped3A : memref<!tpu.dma_semaphore, #tpu.memory_space<semaphore_mem>>)
      %dma_wait3A = arith.constant 23056 : i32
      %dma_wait3A_80 = tpu.memref_slice %arg12[%dma_wait3A] : memref<33536xf32, #tpu.memory_space<vmem>> -> memref<2096xf32, #tpu.memory_space<vmem>>
      %dma_wait3A_81 = tpu.memref_slice %arg17[%add3A_58] : memref<536576xf32, #tpu.memory_space<vmem_shared>> -> memref<2096xf32, #tpu.memory_space<vmem_shared>>
      %dma_wait3A_82 = arith.constant 23056 : i32
      %dma_wait3A_83 = tpu.memref_slice %arg12[%dma_wait3A_82] : memref<33536xf32, #tpu.memory_space<vmem>> -> memref<2096xf32, #tpu.memory_space<vmem>>
      %dma_wait3A_84 = tpu.memref_slice %arg17[%add3A_58] : memref<536576xf32, #tpu.memory_space<vmem_shared>> -> memref<2096xf32, #tpu.memory_space<vmem_shared>>
      tpu.wait_dma2 semaphore(%run_scoped3A : memref<!tpu.dma_semaphore, #tpu.memory_space<semaphore_mem>>) src(%dma_wait3A_84 : memref<2096xf32, #tpu.memory_space<vmem_shared>>) dst(%dma_wait3A_83 : memref<2096xf32, #tpu.memory_space<vmem>>)
      tpu.yield
    }) : () -> ()
    %add3A_59 = arith.constant 402432 : i32
    %add3A_60 = arith.addi %add3A_59, %mul3A_34 : i32
    "tpu.region"() ({
      %run_scoped3A = tpu.sem_alloc : memref<!tpu.dma_semaphore, #tpu.memory_space<semaphore_mem>>
      %dma_start3A_74 = arith.constant 25152 : i32
      %dma_start3A_75 = tpu.memref_slice %arg12[%dma_start3A_74] : memref<33536xf32, #tpu.memory_space<vmem>> -> memref<2096xf32, #tpu.memory_space<vmem>>
      %dma_start3A_76 = tpu.memref_slice %arg17[%add3A_60] : memref<536576xf32, #tpu.memory_space<vmem_shared>> -> memref<2096xf32, #tpu.memory_space<vmem_shared>>
      %dma_start3A_77 = arith.constant 25152 : i32
      %dma_start3A_78 = tpu.memref_slice %arg12[%dma_start3A_77] : memref<33536xf32, #tpu.memory_space<vmem>> -> memref<2096xf32, #tpu.memory_space<vmem>>
      %dma_start3A_79 = tpu.memref_slice %arg17[%add3A_60] : memref<536576xf32, #tpu.memory_space<vmem_shared>> -> memref<2096xf32, #tpu.memory_space<vmem_shared>>
      tpu.enqueue_dma source(%dma_start3A_79 : memref<2096xf32, #tpu.memory_space<vmem_shared>>) target(%dma_start3A_78 : memref<2096xf32, #tpu.memory_space<vmem>>) target_semaphore(%run_scoped3A : memref<!tpu.dma_semaphore, #tpu.memory_space<semaphore_mem>>)
      %dma_wait3A = arith.constant 25152 : i32
      %dma_wait3A_80 = tpu.memref_slice %arg12[%dma_wait3A] : memref<33536xf32, #tpu.memory_space<vmem>> -> memref<2096xf32, #tpu.memory_space<vmem>>
      %dma_wait3A_81 = tpu.memref_slice %arg17[%add3A_60] : memref<536576xf32, #tpu.memory_space<vmem_shared>> -> memref<2096xf32, #tpu.memory_space<vmem_shared>>
      %dma_wait3A_82 = arith.constant 25152 : i32
      %dma_wait3A_83 = tpu.memref_slice %arg12[%dma_wait3A_82] : memref<33536xf32, #tpu.memory_space<vmem>> -> memref<2096xf32, #tpu.memory_space<vmem>>
      %dma_wait3A_84 = tpu.memref_slice %arg17[%add3A_60] : memref<536576xf32, #tpu.memory_space<vmem_shared>> -> memref<2096xf32, #tpu.memory_space<vmem_shared>>
      tpu.wait_dma2 semaphore(%run_scoped3A : memref<!tpu.dma_semaphore, #tpu.memory_space<semaphore_mem>>) src(%dma_wait3A_84 : memref<2096xf32, #tpu.memory_space<vmem_shared>>) dst(%dma_wait3A_83 : memref<2096xf32, #tpu.memory_space<vmem>>)
      tpu.yield
    }) : () -> ()
    %add3A_61 = arith.constant 435968 : i32
    %add3A_62 = arith.addi %add3A_61, %mul3A_34 : i32
    "tpu.region"() ({
      %run_scoped3A = tpu.sem_alloc : memref<!tpu.dma_semaphore, #tpu.memory_space<semaphore_mem>>
      %dma_start3A_74 = arith.constant 27248 : i32
      %dma_start3A_75 = tpu.memref_slice %arg12[%dma_start3A_74] : memref<33536xf32, #tpu.memory_space<vmem>> -> memref<2096xf32, #tpu.memory_space<vmem>>
      %dma_start3A_76 = tpu.memref_slice %arg17[%add3A_62] : memref<536576xf32, #tpu.memory_space<vmem_shared>> -> memref<2096xf32, #tpu.memory_space<vmem_shared>>
      %dma_start3A_77 = arith.constant 27248 : i32
      %dma_start3A_78 = tpu.memref_slice %arg12[%dma_start3A_77] : memref<33536xf32, #tpu.memory_space<vmem>> -> memref<2096xf32, #tpu.memory_space<vmem>>
      %dma_start3A_79 = tpu.memref_slice %arg17[%add3A_62] : memref<536576xf32, #tpu.memory_space<vmem_shared>> -> memref<2096xf32, #tpu.memory_space<vmem_shared>>
      tpu.enqueue_dma source(%dma_start3A_79 : memref<2096xf32, #tpu.memory_space<vmem_shared>>) target(%dma_start3A_78 : memref<2096xf32, #tpu.memory_space<vmem>>) target_semaphore(%run_scoped3A : memref<!tpu.dma_semaphore, #tpu.memory_space<semaphore_mem>>)
      %dma_wait3A = arith.constant 27248 : i32
      %dma_wait3A_80 = tpu.memref_slice %arg12[%dma_wait3A] : memref<33536xf32, #tpu.memory_space<vmem>> -> memref<2096xf32, #tpu.memory_space<vmem>>
      %dma_wait3A_81 = tpu.memref_slice %arg17[%add3A_62] : memref<536576xf32, #tpu.memory_space<vmem_shared>> -> memref<2096xf32, #tpu.memory_space<vmem_shared>>
      %dma_wait3A_82 = arith.constant 27248 : i32
      %dma_wait3A_83 = tpu.memref_slice %arg12[%dma_wait3A_82] : memref<33536xf32, #tpu.memory_space<vmem>> -> memref<2096xf32, #tpu.memory_space<vmem>>
      %dma_wait3A_84 = tpu.memref_slice %arg17[%add3A_62] : memref<536576xf32, #tpu.memory_space<vmem_shared>> -> memref<2096xf32, #tpu.memory_space<vmem_shared>>
      tpu.wait_dma2 semaphore(%run_scoped3A : memref<!tpu.dma_semaphore, #tpu.memory_space<semaphore_mem>>) src(%dma_wait3A_84 : memref<2096xf32, #tpu.memory_space<vmem_shared>>) dst(%dma_wait3A_83 : memref<2096xf32, #tpu.memory_space<vmem>>)
      tpu.yield
    }) : () -> ()
    %add3A_63 = arith.constant 469504 : i32
    %add3A_64 = arith.addi %add3A_63, %mul3A_34 : i32
    "tpu.region"() ({
      %run_scoped3A = tpu.sem_alloc : memref<!tpu.dma_semaphore, #tpu.memory_space<semaphore_mem>>
      %dma_start3A_74 = arith.constant 29344 : i32
      %dma_start3A_75 = tpu.memref_slice %arg12[%dma_start3A_74] : memref<33536xf32, #tpu.memory_space<vmem>> -> memref<2096xf32, #tpu.memory_space<vmem>>
      %dma_start3A_76 = tpu.memref_slice %arg17[%add3A_64] : memref<536576xf32, #tpu.memory_space<vmem_shared>> -> memref<2096xf32, #tpu.memory_space<vmem_shared>>
      %dma_start3A_77 = arith.constant 29344 : i32
      %dma_start3A_78 = tpu.memref_slice %arg12[%dma_start3A_77] : memref<33536xf32, #tpu.memory_space<vmem>> -> memref<2096xf32, #tpu.memory_space<vmem>>
      %dma_start3A_79 = tpu.memref_slice %arg17[%add3A_64] : memref<536576xf32, #tpu.memory_space<vmem_shared>> -> memref<2096xf32, #tpu.memory_space<vmem_shared>>
      tpu.enqueue_dma source(%dma_start3A_79 : memref<2096xf32, #tpu.memory_space<vmem_shared>>) target(%dma_start3A_78 : memref<2096xf32, #tpu.memory_space<vmem>>) target_semaphore(%run_scoped3A : memref<!tpu.dma_semaphore, #tpu.memory_space<semaphore_mem>>)
      %dma_wait3A = arith.constant 29344 : i32
      %dma_wait3A_80 = tpu.memref_slice %arg12[%dma_wait3A] : memref<33536xf32, #tpu.memory_space<vmem>> -> memref<2096xf32, #tpu.memory_space<vmem>>
      %dma_wait3A_81 = tpu.memref_slice %arg17[%add3A_64] : memref<536576xf32, #tpu.memory_space<vmem_shared>> -> memref<2096xf32, #tpu.memory_space<vmem_shared>>
      %dma_wait3A_82 = arith.constant 29344 : i32
      %dma_wait3A_83 = tpu.memref_slice %arg12[%dma_wait3A_82] : memref<33536xf32, #tpu.memory_space<vmem>> -> memref<2096xf32, #tpu.memory_space<vmem>>
      %dma_wait3A_84 = tpu.memref_slice %arg17[%add3A_64] : memref<536576xf32, #tpu.memory_space<vmem_shared>> -> memref<2096xf32, #tpu.memory_space<vmem_shared>>
      tpu.wait_dma2 semaphore(%run_scoped3A : memref<!tpu.dma_semaphore, #tpu.memory_space<semaphore_mem>>) src(%dma_wait3A_84 : memref<2096xf32, #tpu.memory_space<vmem_shared>>) dst(%dma_wait3A_83 : memref<2096xf32, #tpu.memory_space<vmem>>)
      tpu.yield
    }) : () -> ()
    %add3A_65 = arith.constant 503040 : i32
    %add3A_66 = arith.addi %add3A_65, %mul3A_34 : i32
    "tpu.region"() ({
      %run_scoped3A = tpu.sem_alloc : memref<!tpu.dma_semaphore, #tpu.memory_space<semaphore_mem>>
      %dma_start3A_74 = arith.constant 31440 : i32
      %dma_start3A_75 = tpu.memref_slice %arg12[%dma_start3A_74] : memref<33536xf32, #tpu.memory_space<vmem>> -> memref<2096xf32, #tpu.memory_space<vmem>>
      %dma_start3A_76 = tpu.memref_slice %arg17[%add3A_66] : memref<536576xf32, #tpu.memory_space<vmem_shared>> -> memref<2096xf32, #tpu.memory_space<vmem_shared>>
      %dma_start3A_77 = arith.constant 31440 : i32
      %dma_start3A_78 = tpu.memref_slice %arg12[%dma_start3A_77] : memref<33536xf32, #tpu.memory_space<vmem>> -> memref<2096xf32, #tpu.memory_space<vmem>>
      %dma_start3A_79 = tpu.memref_slice %arg17[%add3A_66] : memref<536576xf32, #tpu.memory_space<vmem_shared>> -> memref<2096xf32, #tpu.memory_space<vmem_shared>>
      tpu.enqueue_dma source(%dma_start3A_79 : memref<2096xf32, #tpu.memory_space<vmem_shared>>) target(%dma_start3A_78 : memref<2096xf32, #tpu.memory_space<vmem>>) target_semaphore(%run_scoped3A : memref<!tpu.dma_semaphore, #tpu.memory_space<semaphore_mem>>)
      %dma_wait3A = arith.constant 31440 : i32
      %dma_wait3A_80 = tpu.memref_slice %arg12[%dma_wait3A] : memref<33536xf32, #tpu.memory_space<vmem>> -> memref<2096xf32, #tpu.memory_space<vmem>>
      %dma_wait3A_81 = tpu.memref_slice %arg17[%add3A_66] : memref<536576xf32, #tpu.memory_space<vmem_shared>> -> memref<2096xf32, #tpu.memory_space<vmem_shared>>
      %dma_wait3A_82 = arith.constant 31440 : i32
      %dma_wait3A_83 = tpu.memref_slice %arg12[%dma_wait3A_82] : memref<33536xf32, #tpu.memory_space<vmem>> -> memref<2096xf32, #tpu.memory_space<vmem>>
      %dma_wait3A_84 = tpu.memref_slice %arg17[%add3A_66] : memref<536576xf32, #tpu.memory_space<vmem_shared>> -> memref<2096xf32, #tpu.memory_space<vmem_shared>>
      tpu.wait_dma2 semaphore(%run_scoped3A : memref<!tpu.dma_semaphore, #tpu.memory_space<semaphore_mem>>) src(%dma_wait3A_84 : memref<2096xf32, #tpu.memory_space<vmem_shared>>) dst(%dma_wait3A_83 : memref<2096xf32, #tpu.memory_space<vmem>>)
      tpu.yield
    }) : () -> ()
    %get3A = arith.constant 0 : index
    %get3A_67 = tpu.vector_load %arg13[%get3A] {strides = array<i32>} : memref<16xf32, #tpu.memory_space<vmem>>, vector<16xf32>,
    %parallel_loop3A_68 = arith.constant 0 : i32
    %parallel_loop3A_69 = arith.constant 131 : i32
    %parallel_loop3A_70 = arith.constant 1 : i32
    scf.for %parallel_loop3A_74 = %parallel_loop3A_68 to %parallel_loop3A_69 step %parallel_loop3A_70  : i32 {
      %parallel_loop3A_75 = arith.constant 16 : i32
      %parallel_loop3A_76 = arith.muli %parallel_loop3A_74, %parallel_loop3A_75 : i32
      %parallel_loop3A_77 = arith.index_cast %parallel_loop3A_76 : i32 to index
      %parallel_loop3A_78 = tpu.vector_load %arg12[%parallel_loop3A_77] {strides = array<i32>} : memref<33536xf32, #tpu.memory_space<vmem>>, vector<16xf32>,
      %parallel_loop3A_79 = arith.constant 2096 : i32
      %parallel_loop3A_80 = arith.addi %parallel_loop3A_79, %parallel_loop3A_76 : i32
      %parallel_loop3A_81 = arith.index_cast %parallel_loop3A_80 : i32 to index
      %parallel_loop3A_82 = tpu.vector_load %arg12[%parallel_loop3A_81] {strides = array<i32>} : memref<33536xf32, #tpu.memory_space<vmem>>, vector<16xf32>,
      %parallel_loop3A_83 = arith.addf %parallel_loop3A_78, %parallel_loop3A_82 : vector<16xf32>
      %parallel_loop3A_84 = arith.constant 4192 : i32
      %parallel_loop3A_85 = arith.addi %parallel_loop3A_84, %parallel_loop3A_76 : i32
      %parallel_loop3A_86 = arith.index_cast %parallel_loop3A_85 : i32 to index
      %parallel_loop3A_87 = tpu.vector_load %arg12[%parallel_loop3A_86] {strides = array<i32>} : memref<33536xf32, #tpu.memory_space<vmem>>, vector<16xf32>,
      %parallel_loop3A_88 = arith.addf %parallel_loop3A_83, %parallel_loop3A_87 : vector<16xf32>
      %parallel_loop3A_89 = arith.constant 6288 : i32
      %parallel_loop3A_90 = arith.addi %parallel_loop3A_89, %parallel_loop3A_76 : i32
      %parallel_loop3A_91 = arith.index_cast %parallel_loop3A_90 : i32 to index
      %parallel_loop3A_92 = tpu.vector_load %arg12[%parallel_loop3A_91] {strides = array<i32>} : memref<33536xf32, #tpu.memory_space<vmem>>, vector<16xf32>,
      %parallel_loop3A_93 = arith.addf %parallel_loop3A_88, %parallel_loop3A_92 : vector<16xf32>
      %parallel_loop3A_94 = arith.constant 8384 : i32
      %parallel_loop3A_95 = arith.addi %parallel_loop3A_94, %parallel_loop3A_76 : i32
      %parallel_loop3A_96 = arith.index_cast %parallel_loop3A_95 : i32 to index
      %parallel_loop3A_97 = tpu.vector_load %arg12[%parallel_loop3A_96] {strides = array<i32>} : memref<33536xf32, #tpu.memory_space<vmem>>, vector<16xf32>,
      %parallel_loop3A_98 = arith.addf %parallel_loop3A_93, %parallel_loop3A_97 : vector<16xf32>
      %parallel_loop3A_99 = arith.constant 10480 : i32
      %parallel_loop3A_100 = arith.addi %parallel_loop3A_99, %parallel_loop3A_76 : i32
      %parallel_loop3A_101 = arith.index_cast %parallel_loop3A_100 : i32 to index
      %parallel_loop3A_102 = tpu.vector_load %arg12[%parallel_loop3A_101] {strides = array<i32>} : memref<33536xf32, #tpu.memory_space<vmem>>, vector<16xf32>,
      %parallel_loop3A_103 = arith.addf %parallel_loop3A_98, %parallel_loop3A_102 : vector<16xf32>
      %parallel_loop3A_104 = arith.constant 12576 : i32
      %parallel_loop3A_105 = arith.addi %parallel_loop3A_104, %parallel_loop3A_76 : i32
      %parallel_loop3A_106 = arith.index_cast %parallel_loop3A_105 : i32 to index
      %parallel_loop3A_107 = tpu.vector_load %arg12[%parallel_loop3A_106] {strides = array<i32>} : memref<33536xf32, #tpu.memory_space<vmem>>, vector<16xf32>,
      %parallel_loop3A_108 = arith.addf %parallel_loop3A_103, %parallel_loop3A_107 : vector<16xf32>
      %parallel_loop3A_109 = arith.constant 14672 : i32
      %parallel_loop3A_110 = arith.addi %parallel_loop3A_109, %parallel_loop3A_76 : i32
      %parallel_loop3A_111 = arith.index_cast %parallel_loop3A_110 : i32 to index
      %parallel_loop3A_112 = tpu.vector_load %arg12[%parallel_loop3A_111] {strides = array<i32>} : memref<33536xf32, #tpu.memory_space<vmem>>, vector<16xf32>,
      %parallel_loop3A_113 = arith.addf %parallel_loop3A_108, %parallel_loop3A_112 : vector<16xf32>
      %parallel_loop3A_114 = arith.constant 16768 : i32
      %parallel_loop3A_115 = arith.addi %parallel_loop3A_114, %parallel_loop3A_76 : i32
      %parallel_loop3A_116 = arith.index_cast %parallel_loop3A_115 : i32 to index
      %parallel_loop3A_117 = tpu.vector_load %arg12[%parallel_loop3A_116] {strides = array<i32>} : memref<33536xf32, #tpu.memory_space<vmem>>, vector<16xf32>,
      %parallel_loop3A_118 = arith.addf %parallel_loop3A_113, %parallel_loop3A_117 : vector<16xf32>
      %parallel_loop3A_119 = arith.constant 18864 : i32
      %parallel_loop3A_120 = arith.addi %parallel_loop3A_119, %parallel_loop3A_76 : i32
      %parallel_loop3A_121 = arith.index_cast %parallel_loop3A_120 : i32 to index
      %parallel_loop3A_122 = tpu.vector_load %arg12[%parallel_loop3A_121] {strides = array<i32>} : memref<33536xf32, #tpu.memory_space<vmem>>, vector<16xf32>,
      %parallel_loop3A_123 = arith.addf %parallel_loop3A_118, %parallel_loop3A_122 : vector<16xf32>
      %parallel_loop3A_124 = arith.constant 20960 : i32
      %parallel_loop3A_125 = arith.addi %parallel_loop3A_124, %parallel_loop3A_76 : i32
      %parallel_loop3A_126 = arith.index_cast %parallel_loop3A_125 : i32 to index
      %parallel_loop3A_127 = tpu.vector_load %arg12[%parallel_loop3A_126] {strides = array<i32>} : memref<33536xf32, #tpu.memory_space<vmem>>, vector<16xf32>,
      %parallel_loop3A_128 = arith.addf %parallel_loop3A_123, %parallel_loop3A_127 : vector<16xf32>
      %parallel_loop3A_129 = arith.constant 23056 : i32
      %parallel_loop3A_130 = arith.addi %parallel_loop3A_129, %parallel_loop3A_76 : i32
      %parallel_loop3A_131 = arith.index_cast %parallel_loop3A_130 : i32 to index
      %parallel_loop3A_132 = tpu.vector_load %arg12[%parallel_loop3A_131] {strides = array<i32>} : memref<33536xf32, #tpu.memory_space<vmem>>, vector<16xf32>,
      %parallel_loop3A_133 = arith.addf %parallel_loop3A_128, %parallel_loop3A_132 : vector<16xf32>
      %parallel_loop3A_134 = arith.constant 25152 : i32
      %parallel_loop3A_135 = arith.addi %parallel_loop3A_134, %parallel_loop3A_76 : i32
      %parallel_loop3A_136 = arith.index_cast %parallel_loop3A_135 : i32 to index
      %parallel_loop3A_137 = tpu.vector_load %arg12[%parallel_loop3A_136] {strides = array<i32>} : memref<33536xf32, #tpu.memory_space<vmem>>, vector<16xf32>,
      %parallel_loop3A_138 = arith.addf %parallel_loop3A_133, %parallel_loop3A_137 : vector<16xf32>
      %parallel_loop3A_139 = arith.constant 27248 : i32
      %parallel_loop3A_140 = arith.addi %parallel_loop3A_139, %parallel_loop3A_76 : i32
      %parallel_loop3A_141 = arith.index_cast %parallel_loop3A_140 : i32 to index
      %parallel_loop3A_142 = tpu.vector_load %arg12[%parallel_loop3A_141] {strides = array<i32>} : memref<33536xf32, #tpu.memory_space<vmem>>, vector<16xf32>,
      %parallel_loop3A_143 = arith.addf %parallel_loop3A_138, %parallel_loop3A_142 : vector<16xf32>
      %parallel_loop3A_144 = arith.constant 29344 : i32
      %parallel_loop3A_145 = arith.addi %parallel_loop3A_144, %parallel_loop3A_76 : i32
      %parallel_loop3A_146 = arith.index_cast %parallel_loop3A_145 : i32 to index
      %parallel_loop3A_147 = tpu.vector_load %arg12[%parallel_loop3A_146] {strides = array<i32>} : memref<33536xf32, #tpu.memory_space<vmem>>, vector<16xf32>,
      %parallel_loop3A_148 = arith.addf %parallel_loop3A_143, %parallel_loop3A_147 : vector<16xf32>
      %parallel_loop3A_149 = arith.constant 31440 : i32
      %parallel_loop3A_150 = arith.addi %parallel_loop3A_149, %parallel_loop3A_76 : i32
      %parallel_loop3A_151 = arith.index_cast %parallel_loop3A_150 : i32 to index
      %parallel_loop3A_152 = tpu.vector_load %arg12[%parallel_loop3A_151] {strides = array<i32>} : memref<33536xf32, #tpu.memory_space<vmem>>, vector<16xf32>,
      %parallel_loop3A_153 = arith.addf %parallel_loop3A_148, %parallel_loop3A_152 : vector<16xf32>
      %parallel_loop3A_154 = arith.mulf %parallel_loop3A_153, %get3A_67 : vector<16xf32>
      %parallel_loop3A_155 = arith.index_cast %parallel_loop3A_76 : i32 to index
      %parallel_loop3A_156 = tpu.vector_load %arg14[%parallel_loop3A_155] {strides = array<i32>} : memref<2096xf32, #tpu.memory_space<vmem>>, vector<16xf32>,
      tpu.vector_store %arg14[%parallel_loop3A_155], %parallel_loop3A_154 {strides = array<i32>} : memref<2096xf32, #tpu.memory_space<vmem>>, vector<16xf32>,
    } {sc.loop_unroll_factor = 2 : i64, sc.parallel_access}
    %mul3A_71 = arith.constant 33536 : i32
    %mul3A_72 = arith.muli %arg0, %mul3A_71 : i32
    %add3A_73 = arith.addi %mul3A_72, %mul3A_34 : i32
    "tpu.region"() ({
      %run_scoped3A = tpu.sem_alloc : memref<!tpu.dma_semaphore, #tpu.memory_space<semaphore_mem>>
      %dma_start3A_74 = tpu.memref_slice %arg6[%add3A_73] : memref<67072xf32, #tpu.memory_space<hbm>> -> memref<2096xf32, #tpu.memory_space<hbm>>
      %dma_start3A_75 = tpu.memref_slice %arg6[%add3A_73] : memref<67072xf32, #tpu.memory_space<hbm>> -> memref<2096xf32, #tpu.memory_space<hbm>>
      tpu.enqueue_dma source(%arg14 : memref<2096xf32, #tpu.memory_space<vmem>>) target(%dma_start3A_75 : memref<2096xf32, #tpu.memory_space<hbm>>) target_semaphore(%run_scoped3A : memref<!tpu.dma_semaphore, #tpu.memory_space<semaphore_mem>>)
      %dma_wait3A = tpu.memref_slice %arg6[%add3A_73] : memref<67072xf32, #tpu.memory_space<hbm>> -> memref<2096xf32, #tpu.memory_space<hbm>>
      %dma_wait3A_76 = tpu.memref_slice %arg6[%add3A_73] : memref<67072xf32, #tpu.memory_space<hbm>> -> memref<2096xf32, #tpu.memory_space<hbm>>
      tpu.wait_dma2 semaphore(%run_scoped3A : memref<!tpu.dma_semaphore, #tpu.memory_space<semaphore_mem>>) src(%arg14 : memref<2096xf32, #tpu.memory_space<vmem>>) dst(%dma_wait3A_76 : memref<2096xf32, #tpu.memory_space<hbm>>)
      tpu.yield
    }) : () -> ()
    return
  }
}

module attributes {stable_mosaic.version = 14 : i64} {
  func.func @_combine_body(%arg0: memref<67072xf32, #tpu.memory_space<vmem>>, %arg1: memref<33536xf32, #tpu.memory_space<vmem>>) attributes {dimension_semantics = [], scalar_prefetch = 0 : i64, scratch_operands = 0 : i64, tpu.core_type = #tpu.core_type<tc>} {
    %get3A = arith.constant 0 : index
    %get3A_0 = vector.load %arg0[%get3A] : memref<67072xf32, #tpu.memory_space<vmem>>, vector<33536xf32>
    %get3A_1 = arith.constant 33536 : index
    %get3A_2 = vector.load %arg0[%get3A_1] : memref<67072xf32, #tpu.memory_space<vmem>>, vector<33536xf32>
    %add3A = arith.addf %get3A_0, %get3A_2 : vector<33536xf32>
    %swap3A = arith.constant 0 : index
    %swap3A_3 = vector.load %arg1[%swap3A] : memref<33536xf32, #tpu.memory_space<vmem>>, vector<33536xf32>
    tpu.vector_store %arg1[%swap3A], %add3A {strides = array<i32>} : memref<33536xf32, #tpu.memory_space<vmem>>, vector<33536xf32>,
    return
  }
}

</mosaic_0001>

<sc_bundles>
// kernel: kernel.4.cloned.1.call-start
scs
__scs_entry_jumppad:
0x0: {  	(pc) =	sbr.rel $0x88, $3  }
0x1: {  	(tag) =	ssettag $0x0;
	lr =	simm.s32 $0x1  }
0x2: {  	[smem:$0x3F9E] =	sst lr;
	_ =	strace $0xD0000000  }
0x3: {  	_ = 	snop  }
0x4: {  	_ = 	snop  }
0x5: {  	_ = 	snop  }
0x6: {  	_ = 	snop  }
0x7: {  	_ = 	snop  }
__scs_overlays_trampoline_lowered:
0x8: {  	[smem:$0x3FAD] =	sst s0  }
0x9: {  	[smem:$0x3FAE] =	sst s1  }
0xa: {  	[smem:$0x3FAF] =	sst s2  }
0xb: {  	[smem:$0x3FB0] =	sst s3  }
0xc: {  	[smem:$0x3FB1] =	sst s4  }
0xd: {  	[smem:$0x3FB2] =	sst s5  }
0xe: {  	[smem:$0x3FB3] =	sst s6  }
0xf: {  	[smem:$0x3FB4] =	sst s7  }
0x10: {  	[smem:$0x3FB5] =	sst s8  }
0x11: {  	[smem:$0x3FB6] =	sst s9;
	s0 =	simm.s32 @!p0 $0x0  }
0x12: {  	s1 =	sld [smem:$0x3F9C];
	s0 =	simm.s32 @p0 $0x1  }
0x13: {  	[smem:$0x3FB7] =	sst s0;
	s0 =	simm.s32 @!p1 $0x0  }
0x14: {  	s2 =	sld [smem:$0x3F9B];
	s0 =	simm.s32 @p1 $0x1  }
0x15: {  	[smem:$0x3FB8] =	sst s0;
	s0 =	simm.s32 @!p2 $0x0  }
0x16: {  	s3 =	sld [smem:$0x3FDB];
	s0 =	simm.s32 @p2 $0x1  }
0x17: {  	s4 =	simm.s32 $0x1BF5;
	[smem:$0x3FBA] =	sst s0  }
0x18: {  	s0 =	sld [smem:$0x3F9D];
	_ =	swait.ge [sflag:s4], $0x0  }
0x19: {  	s7 =	sld [smem:$0x3F9E]  }
0x1a: {  	s8 =	sadd.s32 $0xFFFFE003, lr  }
0x1b: {  	s9 =	sadd.s32 $0xFFFFFEF7, lr;
	s5 =	simm.s32 $0xFFFFFFFF;
	p2 =	slt.u32 s8, $0xFFFFF086  }
0x1c: {  	p1 =	slt.u32 s9, $0xF7A;
	s5 =	simm.s32 @!p2 $0x0  }
0x1d: {  	s5 =	simm.s32 @p1 $0x1;
	p0 =	seq.s32 s7, s2  }
0x1e: {  	s7 =	smul.u32 @!p0 $0xF7A, s2;
	p2 =	seq.s32 @!p0 s5, $0x0  }
0x1f: {  	s9 =	smul.u32 $0xF7A, s1;
	s8 =	simm.s32 @!p0 $0x1BF5;
	p2 =	por !p2, p0  }
0x20: {  	[sflag:s8] =	ssyncset.s32 @!p0 $0xFFFFF086;
	s6 =	sadd.s32 @!p0 s3, s7;
	s7 =	simm.s32 @!p0 $0x108  }
0x21: {  	s3 =	sadd.s32 s3, s9;
	s6 =	sadd.s32 @!p0 $0x88, s6;
	s7 =	simm.s32 @p2 $0x1082  }
0x22: {  	[simem:s7], [sflag:s8] =	dma.local @!p0 [hbm:s6], $0xF7A  }
0x23: {  	s9 =	sor.u32 $0xD0000000, s2;
	s6 =	simm.s32 $0x108;
	_ =	swait.ge @!p0 [sflag:s8], $0x0  }
0x24: {  	s3 =	sadd.s32 $0x88, s3;
	s6 =	simm.s32 @!p1 $0x1082;
	[sflag:s4] =	ssyncset.s32 $0xFFFFF086  }
0x25: {  	[simem:s6], [sflag:s4] =	dma.local [hbm:s3], $0xF7A  }
0x26: {  	[smem:$0x3F9E] =	sst s1;
	(tag) =	ssettag s2;
	_ =	strace s9  }
0x27: {  	s1 =	sld [smem:$0x3FAE]  }
0x28: {  	s2 =	sld [smem:$0x3FAF]  }
0x29: {  	s4 =	sld [smem:$0x3FB1]  }
0x2a: {  	p0 =	seq.s32 s5, $0x0;
	s5 =	sld [smem:$0x3FB2]  }
0x2b: {  	s6 =	sld [smem:$0x3FB3]  }
0x2c: {  	s7 =	sld [smem:$0x3FB4]  }
0x2d: {  	s3 =	simm.s32 $0x108;
	s8 =	sld [smem:$0x3FB5]  }
0x2e: {  	s3 =	simm.s32 @!p0 $0x1082;
	s9 =	sld [smem:$0x3FB6]  }
0x2f: {  	lr =	sadd.s32 s0, s3;
	s0 =	sld [smem:$0x3FAD]  }
0x30: {  	s3 =	sld [smem:$0x3FB0]  }
0x31: {  	[smem:$0x3FB9] =	sst s10  }
0x32: {  	s10 =	sld [smem:$0x3FB7];
	_ =	sdelay $0x3  }
0x33: {  	p0 =	seq.s32 s10, $0x1;
	s10 =	sld [smem:$0x3FB9];
	_ =	sdelay $0x3  }
0x34: {  	[smem:$0x3FB9] =	sst s10  }
0x35: {  	s10 =	sld [smem:$0x3FB8];
	_ =	sdelay $0x3  }
0x36: {  	p1 =	seq.s32 s10, $0x1;
	s10 =	sld [smem:$0x3FB9];
	_ =	sdelay $0x3  }
0x37: {  	[smem:$0x3FB9] =	sst s10  }
0x38: {  	s10 =	sld [smem:$0x3FBA]  }
0x39: {  	_ = 	snop;
	(pc) =	sbr.ind lr, $3  }
0x3a: {  	_ = 	snop  }
0x3b: {  	_ = 	snop  }
0x3c: {  	p2 =	seq.s32 s10, $0x1;
	s10 =	sld [smem:$0x3FB9]  }
0x3d: {  	_ =	shalt  }
0x3e: {  	_ =	shalt  }
0x3f: {  	_ =	shalt  }
0x40: {  	_ =	shalt  }
0x41: {  	_ =	shalt  }
0x42: {  	_ =	shalt  }
0x43: {  	_ =	shalt  }
0x44: {  	_ =	shalt  }
0x45: {  	_ =	shalt  }
0x46: {  	_ =	shalt  }
0x47: {  	_ =	shalt  }
0x48: {  	_ =	shalt  }
0x49: {  	_ =	shalt  }
0x4a: {  	_ =	shalt  }
0x4b: {  	_ =	shalt  }
0x4c: {  	_ =	shalt  }
0x4d: {  	_ =	shalt  }
0x4e: {  	_ =	shalt  }
0x4f: {  	_ =	shalt  }
0x50: {  	_ =	shalt  }
0x51: {  	_ =	shalt  }
0x52: {  	_ =	shalt  }
0x53: {  	_ =	shalt  }
0x54: {  	_ =	shalt  }
0x55: {  	_ =	shalt  }
0x56: {  	_ =	shalt  }
0x57: {  	_ =	shalt  }
0x58: {  	_ =	shalt  }
0x59: {  	_ =	shalt  }
0x5a: {  	_ =	shalt  }
0x5b: {  	_ =	shalt  }
0x5c: {  	_ =	shalt  }
0x5d: {  	_ =	shalt  }
0x5e: {  	_ =	shalt  }
0x5f: {  	_ =	shalt  }
0x60: {  	_ =	shalt  }
0x61: {  	_ =	shalt  }
0x62: {  	_ =	shalt  }
0x63: {  	_ =	shalt  }
0x64: {  	_ =	shalt  }
0x65: {  	_ =	shalt  }
0x66: {  	_ =	shalt  }
0x67: {  	_ =	shalt  }
0x68: {  	_ =	shalt  }
0x69: {  	_ =	shalt  }
0x6a: {  	_ =	shalt  }
0x6b: {  	_ =	shalt  }
0x6c: {  	_ =	shalt  }
0x6d: {  	_ =	shalt  }
0x6e: {  	_ =	shalt  }
0x6f: {  	_ =	shalt  }
0x70: {  	_ =	shalt  }
0x71: {  	_ =	shalt  }
0x72: {  	_ =	shalt  }
0x73: {  	_ =	shalt  }
0x74: {  	_ =	shalt  }
0x75: {  	_ =	shalt  }
0x76: {  	_ =	shalt  }
0x77: {  	_ =	shalt  }
0x78: {  	_ =	shalt  }
0x79: {  	_ =	shalt  }
0x7a: {  	_ =	shalt  }
0x7b: {  	_ =	shalt  }
0x7c: {  	_ =	shalt  }
0x7d: {  	_ =	shalt  }
0x7e: {  	_ =	shalt  }
0x7f: {  	_ =	shalt  }
0x80: {  	_ =	shalt  }
0x81: {  	_ =	shalt  }
0x82: {  	_ =	shalt  }
0x83: {  	_ =	shalt  }
0x84: {  	_ =	shalt  }
0x85: {  	_ =	shalt  }
0x86: {  	_ =	shalt  }
0x87: {  	_ =	shalt  }
.Lfunc_end0:
.L_simem_size_0:
called_computation_lowered:
.L_overlay_start_0:
0x88: {  	s2 =	sld [smem:$0x3FD9]  }
0x89: {  	s3 =	sld [smem:$0x3FFE];
	_ =	sdelay $0x1  }
0x8a: {  	s1 =	srdreg.scid  }
0x8b: {  	s0 =	sand.u32 $0x1, s1  }
0x8c: {  	s16 =	sshll.u32 s0, $0xA;
	s2 =	sadd.s32 s3, s2  }
0x8d: {  	s2 =	sadd.s32 s2, s16  }
0x8e: {  	[smem:$0x3FC5] =	sst s2  }
0x8f: {  	_ = 	snop  }
0x90: {  	(tm) =	ssettm $0x1  }
0x91: {  	s17 =	sld [smem:$0x3FFB];
	_ =	sdelay $0x3  }
0x92: {  	_ =	strace s17  }
0x93: {  	s2 =	sld [smem:$0x3FFC];
	_ =	sdelay $0x3  }
0x94: {  	_ =	strace s2  }
0x95: {  	s2 =	sld [smem:$0x3FFD];
	_ =	sdelay $0x3  }
0x96: {  	_ =	strace s2  }
0x97: {  	_ =	strace $0x8FFFFFFF  }
0x98: {  	s18 =	sld [smem:$0x3FDB];
	_ =	sdelay $0x1  }
0x99: {  	s19 =	simm.s32 $_scs_section_size  }
0x9a: {  	s4 =	simm.s32 $_size__tile_overlayer_lowered;
	s5 =	simm.s32 $_tile_overlayer_lowered  }
0x9b: {  	s22 =	simm.s32 $0x1BFF;
	s21 =	sshll.u32 s5, $0x1;
	s2 =	sadd.s32 s19, s18  }
0x9c: {  	s6 =	simm.s32 $0x0;
	s20 =	sshll.u32 s4, $0x1;
	s4 =	sadd.s32 s21, s2  }
0x9d: {  	[timem:s6], [sflag:s22] =	dma.local [hbm:s4], s20  }
0x9e: {  	_ =	swait.ge [sflag:s22], s20  }
0x9f: {  	s3 =	ssub.s32 $0x0, s20;
	[sflag:s22] =	ssyncset.done $0x0  }
0xa0: {  	[sflag:s22] =	ssyncadd.s32 s3;
	_ =	sdelay $0x1  }
0xa1: {  	s23 =	simm.s32 $0x1B8B  }
0xa2: {  	_ =	swait.ge [sflag:s23], $0x1  }
0xa3: {  	[sflag:s23] =	ssyncset.done $0x0  }
0xa4: {  	s25 =	simm.s32 $0x1B8E;
	s24 =	sld [smem:$0x3FFE];
	[sflag:s23] =	ssyncadd.s32 $0xFFFFFFFF  }
0xa5: {  	s26 =	simm.s32 $execute0_lowered;
	[smem:$0x3FD2] =	sst s25  }
0xa6: {  	s4 =	sshll.u32 s26, $0x1;
	_ =	strace $0x80000046;
	[dreg:$0x1] =	wrdreg $0xFFFFFFFF  }
0xa7: {  	s28 =	simm.s32 $_size_execute0_lowered;
	s2 =	sadd.s32 s2, s4;
	[dreg:$0x0] =	wrdreg $0x0  }
0xa8: {  	s4 =	sshll.u32 s28, $0x1;
	[dreg:$0x2] =	wrdreg s2  }
0xa9: {  	[dreg:$0x3] =	wrdreg s4  }
0xaa: {  	[dreg:$0x4] =	wrdreg $0xC0  }
0xab: {  	_ =	task [dreg:s6], $0x5FFFF  }
0xac: {  	[dreg:$0x1] =	wrdreg $0xFFFFFFFF  }
0xad: {  	[dreg:$0x0] =	wrdreg $0x60  }
0xae: {  	[dreg:$0x2] =	wrdreg s24  }
0xaf: {  	[dreg:$0x3] =	wrdreg $0x16F800  }
0xb0: {  	[dreg:$0x4] =	wrdreg $0x9  }
0xb1: {  	_ =	task.clear_ibuf [dreg:s6], $0x5FFFF;
	_ =	strace $0x90000046  }
0xb2: {  	s29 =	simm.s32 $0x9;
	_ =	strace $0x80000048  }
0xb3: {  	_ =	swait.ge [sflag:s29], $0x1  }
0xb4: {  	[sflag:s29] =	ssyncadd.s32 $0xFFFFFFFF  }
0xb5: {  	_ =	strace $0x90000048  }
0xb6: {  	_ =	sfence  }
0xb7: {  	s30 =	sld [smem:$0x0];
	_ =	sdelay $0x2  }
0xb8: {  	s31 =	sshll.u32 s1, $0xD;
	s1 =	sshrl.u32 s1, $0x2  }
0xb9: {  	s3 =	sand.u32 $0x4000, s31;
	s1 =	sadd.s32 s1, s30  }
0xba: {  	s0 =	sor.u32 s3, s0;
	s1 =	sshll.u32 s1, $0x11  }
0xbb: {  	s0 =	sor.u32 s1, s0  }
0xbc: {  	s0 =	sadd.s32 $0x8F2B, s0  }
0xbd: {  	[sflag:s0] =	ssyncadd.remote.s32 $0x1  }
0xbe: {  	_ =	sfence.sel $0xFFFF  }
0xbf: {  	[dreg:$0x0] =	wrdreg $0xFFFFFFFF;
	(pc) =	sbr.abs _section_cstart, $3  }
0xc0: {  	[dreg:$0x1] =	wrdreg $0xFFFFFFFF  }
0xc1: {  	_ =	task.clear_ibuf [dreg:s6], $0x2FFFF;
	_ =	strace $0x9FFFFFFF  }
0xc2: {  	(tm) =	ssettm $0x7FFFFFFF  }
0xc3: {  	_ =	shalt  }
tec
execute0_lowered:
.L_overlay_start_1:
0x0: {  	(tag) =	ssettag $0x1  }
0x1: {  	s7 =	rddreg [dreg:$0x0]  }
0x2: {  	s0 =	rddreg [dreg:$0x1]  }
0x3: {  	s1 =	srdreg.scid;
	s6 =	stileid.u32;
	s8 =	simm.s32 $0x0  }
0x4: {  	s12 =	simm.s32 $0x31;
	s1 =	sand.u32 $0x1, s1;
	s2 =	smul.u32 $0x830, s6  }
0x5: {  	[smem:$0x7FF] =	sst s8;
	s9 =	sadd.s32 $0xC5000, s7;
	s10 =	sadd.s32 $0x1A00, s7  }
0x6: {  	s4 =	sadd.s32 $0x188600, s7;
	s25 =	sshll.u32 s6, $0x1;
	s31 =	sadd.s32 $0x18830C, s7  }
0x7: {  	s3 =	smul.u32 $0x8300, s1;
	_ =	strace $0x80000047;
	[smem:$0x7DD] =	sst s4  }
0x8: {  	s5 =	ssub.s32 $0x2, s1;
	s1 =	sor.u32 s1, s25;
	[smem:$0x7E3] =	sst s9  }
0x9: {  	s6 =	smul.u32 $0x20C00, s6;
	[smem:$0x7E5] =	sst s31;
	p0 =	seq.s32 s1, $0x1F  }
0xa: {  	[smem:$0x7E6] =	sst s10;
	s11 =	smul.u32 $0x30D40, s1;
	s12 =	simm.s32 @!p0 $0x32  }
0xb: {  	s13 =	sshrl.u32 s6, $0x2;
	s3 =	sadd.s32 s2, s3;
	[smem:$0x7DE] =	sst s12  }
0xc: {  	s2 =	sadd.s32 s2, s0;
	s0 =	sadd.s32 s13, s0;
	[smem:$0x7E0] =	sst s11  }
0xd: {  	[smem:$0x7EB] =	sst s0  }
0xe: {  	s28 =	sshll.u32 s12, $0x1;
	[smem:$0x7FC] =	sst s2  }
0xf: {  	s12 =	sadd.s32 $0xC4E06, s7;
	[smem:$0x7DF] =	sst s28  }
0x10: {  	s14 =	sadd.s32 $0x8300, s2;
	[smem:$0x7EA] =	sst s12  }
0x11: {  	s15 =	sadd.s32 $0x10600, s2;
	[smem:$0x7EC] =	sst s14  }
0x12: {  	s26 =	sshrl.u32 s5, $0x1;
	s16 =	sadd.s32 $0x18900, s2;
	[smem:$0x7ED] =	sst s15  }
0x13: {  	s4 =	ssub.s32 s5, s26;
	s17 =	sadd.s32 $0x20C00, s2;
	[smem:$0x7EE] =	sst s16  }
0x14: {  	s19 =	smax.u32 s4, $0x1;
	[smem:$0x7EF] =	sst s17  }
0x15: {  	s20 =	sadd.s32 $0x28F00, s2;
	[smem:$0x7F1] =	sst s19  }
0x16: {  	s21 =	sadd.s32 $0x31200, s2;
	[smem:$0x7F2] =	sst s20  }
0x17: {  	s22 =	sadd.s32 $0x39500, s2;
	[smem:$0x7F3] =	sst s21  }
0x18: {  	s23 =	sadd.s32 $0x41800, s2;
	[smem:$0x7F4] =	sst s22  }
0x19: {  	s24 =	sadd.s32 $0x49B00, s2;
	[smem:$0x7F5] =	sst s23  }
0x1a: {  	s25 =	sadd.s32 $0x51E00, s2;
	[smem:$0x7F6] =	sst s24  }
0x1b: {  	s26 =	sadd.s32 $0x5A100, s2;
	[smem:$0x7F7] =	sst s25  }
0x1c: {  	s29 =	sshrl.u32 s11, $0x3;
	s31 =	sadd.s32 $0x7AD00, s2;
	[smem:$0x7F8] =	sst s26  }
0x1d: {  	s11 =	sadd.s32 s9, s29;
	[smem:$0x7FD] =	sst s31  }
0x1e: {  	s30 =	sadd.s32 s10, s29;
	[smem:$0x7E1] =	sst s11  }
0x1f: {  	s28 =	sadd.s32 $0x62400, s2;
	[smem:$0x7E2] =	sst s30  }
0x20: {  	s5 =	sadd.s32 $0xFA, s29;
	s29 =	sadd.s32 $0x6A700, s2;
	[smem:$0x7F9] =	sst s28  }
0x21: {  	s9 =	sadd.s32 s9, s5;
	[smem:$0x7FA] =	sst s29  }
0x22: {  	s5 =	sadd.s32 s10, s5;
	[smem:$0x7E4] =	sst s9  }
0x23: {  	v1 =	vimm.s32 $0xECA86420;
	v0 =	vimm.f32 $0.0e+00;
	vm0 =	vcmask $0xB08;
	s3 =	sshrl.u32 s3, $0x3;
	s10 =	sadd.s32 $0xC4D0C, s7;
	[smem:$0x7E7] =	sst s5  }
0x24: {  	vm1 =	vcmask $0x1310;
	vm2 =	vcmask $0x1B18;
	vm3 =	vcmask $0x300;
	s3 =	sadd.s32 s3, s7;
	s11 =	sadd.s32 $0x188406, s7;
	[smem:$0x7E8] =	sst s10  }
0x25: {  	vm4 =	vcmask $0x2320;
	vm5 =	vcmask $0x2B28;
	v1 =	vunpack.c.l.s4.s8 v1;
	s18 =	sadd.s32 $0x188800, s3;
	[smem:$0x7E9] =	sst s11  }
0x26: {  	vm6 =	vcmask $0x3330;
	v2 =	vlaneseq.u32;
	vm7 =	vcmask $0x3B38;
	s6 =	simm.s32 $0x3;
	s30 =	sadd.s32 $0x72A00, s2;
	[smem:$0x7F0] =	sst s18  }
0x27: {  	vm8 =	vmmov $0xff;
	v2 =	vmul.u32 $0x2, v2;
	v1 =	vunpack.c.0.s8.s32 v1;
	p0 =	sne.s32 s1, $0x1F;
	s1 =	simm.s32 $0x0;
	[smem:$0x7FB] =	sst s30  }
.LBB2_1:
0x28: {  	[smem:$0x7DC] =	sst s1  }
0x29: {  	s0 =	rddreg [dreg:$0x0]  }
0x2a: {  	[tilespmem:s8], [sflag:$0x3] =	stream.linear.gather [hbm4b:s0+s8], $0xC380, $0x38;
	[tilespmem:$0x1F280] =	vst v63  }
0x2b: {  	_ =	swait.ge [sflag:s6], $0xC380  }
0x2c: {  	s30 =	sld [smem:$0x7DD]  }
0x2d: {  	[sflag:s6] =	ssyncset.done $0x0  }
0x2e: {  	s31 =	simm.s32 $0x16680;
	[sflag:s6] =	ssyncadd.s32 $0xFFFF3C80  }
0x2f: {  	[tilespmem:s31], [sflag:$0x3] =	stream.linear.gather [hbm4b:s30+s8], $0x80, $0x38;
	[tilespmem:$0x1F280] =	vst v63  }
0x30: {  	_ =	swait.ge [sflag:s6], $0x80  }
0x31: {  	[sflag:s6] =	ssyncset.done $0x0  }
0x32: {  	s0 =	simm.s32 $0xE3C0;
	[sflag:s6] =	ssyncadd.s32 $0xFFFFFF80  }
0x33: {  	[tilespmem:s0+$0xFFFFFFC0] =	vst v0  }
0x34: {  	[tilespmem:s0+$0x30] =	vst v0  }
0x35: {  	[tilespmem:s0+$0x20] =	vst v0  }
0x36: {  	[tilespmem:s0+$0x10] =	vst v0  }
0x37: {  	[tilespmem:s0+$0x0] =	vst v0  }
0x38: {  	[tilespmem:s0+$0xFFFFFFF0] =	vst v0  }
0x39: {  	s1 =	simm.s32 $0x0;
	[tilespmem:s0+$0xFFFFFFE0] =	vst v0  }
.LBB2_2:
0x3a: {  	s1 =	sadd.s32 $0x8, s1;
	[tilespmem:s0+$0xFFFFFFD0] =	vst v0;
	s0 =	sadd.s32 $0x80, s0  }
0x3b: {  	[tilespmem:s0+$0xFFFFFFC0] =	vst v0;
	p1 =	slt.u32 s1, $0x828  }
0x3c: {  	[tilespmem:s0+$0x30] =	vst v0  }
.Ltmp0:
0x3d: {  	[tilespmem:s0+$0x20] =	vst v0;
	(pc) =	sbr.rel @p1 .LBB2_2-.Ltmp0, $4  }
0x3e: {  	[tilespmem:s0+$0x10] =	vst v0  }
0x3f: {  	[tilespmem:s0+$0x0] =	vst v0  }
0x40: {  	[tilespmem:s0+$0xFFFFFFF0] =	vst v0  }
0x41: {  	[tilespmem:s0+$0xFFFFFFE0] =	vst v0  }
0x42: {  	[tilespmem:s0+$0xFFFFFFD0] =	vst v0  }
0x43: {  	s0 =	sld [smem:$0x7E1];
	_ =	sdelay $0x1  }
0x44: {  	s3 =	simm.s32 $0x0;
	s1 =	simm.s32 $0xC380;
	s25 =	sld [smem:$0x7E2]  }
0x45: {  	[tilespmem:s1], [sflag:$0x1] =	stream.linear.gather [hbm4b:s0+s3], $0x7D0, $0x38;
	[tilespmem:$0x1F280] =	vst v63  }
0x46: {  	s26 =	simm.s32 $0xCB80;
	s28 =	sld [smem:$0x7E4]  }
0x47: {  	[tilespmem:s26], [sflag:$0x1] =	stream.linear.gather [hbm4b:s25+s3], $0x7D0, $0x38;
	[tilespmem:$0x1F280] =	vst v63  }
0x48: {  	s29 =	simm.s32 $0xD380;
	s2 =	simm.s32 $0x0;
	s30 =	sld [smem:$0x7E7]  }
0x49: {  	[tilespmem:s29], [sflag:$0x2] =	stream.linear.gather [hbm4b:s28+s3], $0x7D0, $0x38;
	[tilespmem:$0x1F280] =	vst v63  }
0x4a: {  	s31 =	simm.s32 $0xDB80;
	[smem:$0x7DB] =	sst s2  }
0x4b: {  	[tilespmem:s31], [sflag:$0x2] =	stream.linear.gather [hbm4b:s30+s3], $0x7D0, $0x38;
	[tilespmem:$0x1F280] =	vst v63  }
.LBB2_4:
0x4c: {  	s0 =	simm.s32 $0x1  }
0x4d: {  	_ =	swait.ge [sflag:s0], $0x7D0  }
0x4e: {  	[sflag:s0] =	ssyncset.done $0x0  }
0x4f: {  	[sflag:s0] =	ssyncadd.s32 $0xFFFFF830  }
0x50: {  	_ =	swait.ge [sflag:s0], $0x7D0  }
0x51: {  	[sflag:s0] =	ssyncset.done $0x0  }
0x52: {  	s21 =	simm.s32 $0xCBA0;
	[sflag:s0] =	ssyncadd.s32 $0xFFFFF830  }
0x53: {  	v6 =	vld [tilespmem:s21+$0x20];
	_ =	sdelay $0x4  }
0x54: {  	(v2sf) =	vpush v6, $0x7  }
0x55: {  	(v2sf) =	vpush v6, $0x6;
	_ =	sdelay $0x1  }
0x56: {  	(v2sf) =	vpush v6, $0xF;
	_ =	sdelay $0x1  }
0x57: {  	(v2sf) =	vpush v6, $0xB  }
0x58: {  	(v2sf) =	vpush v6, $0x5  }
0x59: {  	(v2sf) =	vpush v6, $0xE  }
0x5a: {  	(v2sf) =	vpush v6, $0xA  }
0x5b: {  	(v2sf) =	vpush v6, $0x4  }
0x5c: {  	(v2sf) =	vpush v6, $0xD  }
0x5d: {  	(v2sf) =	vpush v6, $0x9  }
0x5e: {  	(v2sf) =	vpush v6, $0x3;
	_ =	sdelay $0x2  }
0x5f: {  	s3 =	spop (v2sf)  }
0x60: {  	(v2sf) =	vpush v6, $0xC;
	s6 =	spop (v2sf);
	s1 =	smulhi.u32 $0x55555556, s3  }
0x61: {  	(v2sf) =	vpush v6, $0x8;
	s3 =	sshra.s32 s3, $0x1F;
	s22 =	smulhi.u32 $0x55555556, s6  }
0x62: {  	s7 =	spop (v2sf);
	s3 =	smul.u32 $0x55555556, s3  }
0x63: {  	s6 =	sshra.s32 s6, $0x1F;
	[smem:$0x7A3] =	sst s1;
	s23 =	smulhi.u32 $0x55555556, s7  }
0x64: {  	s9 =	spop (v2sf);
	s30 =	sshra.s32 s7, $0x1F;
	s7 =	smul.u32 $0x55555556, s6  }
0x65: {  	[smem:$0x7A1] =	sst s22;
	s2 =	spop (v2sf)  }
0x66: {  	s24 =	smulhi.u32 $0x55555556, s9;
	s10 =	spop (v2sf)  }
0x67: {  	s0 =	smul.u32 $0x55555556, s30;
	s11 =	spop (v2sf)  }
0x68: {  	[smem:$0x795] =	sst s23;
	s12 =	spop (v2sf)  }
0x69: {  	s26 =	smulhi.u32 $0x55555556, s10;
	s13 =	spop (v2sf)  }
0x6a: {  	s31 =	smulhi.u32 $0x55555556, s11;
	s14 =	spop (v2sf)  }
0x6b: {  	s25 =	smulhi.u32 $0x55555556, s12;
	s15 =	spop (v2sf)  }
0x6c: {  	[smem:$0x797] =	sst s24;
	(v2sf) =	vpush v6, $0x2;
	s10 =	sshra.s32 s10, $0x1F;
	s5 =	smulhi.u32 $0x55555556, s15  }
0x6d: {  	(v2sf) =	vpush v6, $0x1;
	s18 =	smul.u32 $0x55555556, s10;
	[smem:$0x79D] =	sst s25  }
0x6e: {  	s4 =	smulhi.u32 $0x55555556, s13;
	[smem:$0x79B] =	sst s5  }
0x6f: {  	(v2sf) =	vpush v6, $0x0;
	s1 =	smulhi.u32 $0x55555556, s14;
	s16 =	spop (v2sf);
	v3 =	vld [tilespmem:s21+$0xFFFFFFE0]  }
0x70: {  	s17 =	spop (v2sf);
	s5 =	smulhi.u32 $0x55555556, s16  }
0x71: {  	s25 =	sshra.s32 s16, $0x1F;
	s8 =	smulhi.u32 $0x55555556, s17;
	v4 =	vld [tilespmem:s21+$0xFFFFFFF0]  }
0x72: {  	s9 =	sshra.s32 s9, $0x1F;
	s10 =	smul.u32 $0x55555556, s25;
	v5 =	vld [tilespmem:s21+$0x0];
	[smem:$0x7A4] =	sst s3  }
0x73: {  	s30 =	sshra.s32 s17, $0x1F;
	s17 =	smulhi.u32 $0x55555556, s2;
	v11 =	vld [tilespmem:s21+$0x10];
	[smem:$0x7A2] =	sst s7  }
0x74: {  	s19 =	sshra.s32 s11, $0x1F;
	[smem:$0x796] =	sst s0;
	s0 =	smul.u32 $0x55555556, s9;
	(v2sf) =	vpush v3, $0x0  }
0x75: {  	s20 =	sshra.s32 s12, $0x1F;
	s12 =	smul.u32 $0x55555556, s30;
	[smem:$0x791] =	sst s18  }
0x76: {  	s22 =	sshra.s32 s14, $0x1F;
	[smem:$0x798] =	sst s0;
	s0 =	smul.u32 $0x55555556, s19;
	(v2sf) =	vpush v4, $0x0  }
0x77: {  	s21 =	sshra.s32 s13, $0x1F;
	s7 =	smul.u32 $0x55555556, s22;
	[smem:$0x79F] =	sst s17;
	(v2sf) =	vpush v5, $0x0  }
0x78: {  	s10 =	sadd.s32 s10, s5;
	[smem:$0x792] =	sst s0;
	s0 =	smul.u32 $0x55555556, s20;
	(v2sf) =	vpush v11, $0x0  }
0x79: {  	s2 =	sshra.s32 s2, $0x1F;
	s3 =	smul.u32 $0x55555556, s21;
	[smem:$0x7B5] =	sst s10  }
0x7a: {  	s23 =	sshra.s32 s15, $0x1F;
	s21 =	smul.u32 $0x55555556, s2;
	[smem:$0x79E] =	sst s0  }
0x7b: {  	s24 =	spop (v2sf);
	s0 =	smul.u32 $0x55555556, s23;
	(v2sf) =	vpush v3, $0x1  }
0x7c: {  	[smem:$0x7A0] =	sst s21;
	s6 =	spop (v2sf)  }
0x7d: {  	s14 =	smulhi.u32 $0x55555556, s24;
	s9 =	sshra.s32 s24, $0x1F;
	[smem:$0x79C] =	sst s0  }
0x7e: {  	s13 =	spop (v2sf);
	s15 =	smul.u32 $0x55555556, s9;
	(v2sf) =	vpush v4, $0x1  }
0x7f: {  	s16 =	smulhi.u32 $0x55555556, s6;
	s11 =	sshra.s32 s6, $0x1F;
	[smem:$0x799] =	sst s14;
	(v2sf) =	vpush v5, $0x1  }
0x80: {  	s18 =	smulhi.u32 $0x55555556, s13;
	s0 =	sshra.s32 s13, $0x1F;
	[smem:$0x79A] =	sst s15  }
0x81: {  	s19 =	smul.u32 $0x55555556, s11;
	s11 =	sadd.s32 s12, s8;
	[smem:$0x793] =	sst s16;
	(v2sf) =	vpush v11, $0x1  }
0x82: {  	s12 =	sadd.s32 s3, s4;
	s23 =	smul.u32 $0x55555556, s0;
	[smem:$0x7B6] =	sst s11;
	(v2sf) =	vpush v3, $0xC  }
0x83: {  	[smem:$0x7B7] =	sst s12;
	(v2sf) =	vpush v3, $0x8;
	s20 =	spop (v2sf)  }
0x84: {  	[smem:$0x794] =	sst s19;
	(v2sf) =	vpush v3, $0x2;
	s24 =	sshra.s32 s20, $0x1F;
	s20 =	smulhi.u32 $0x55555556, s20  }
0x85: {  	(v2sf) =	vpush v4, $0xC;
	s22 =	spop (v2sf);
	s25 =	smul.u32 $0x55555556, s24  }
0x86: {  	(v2sf) =	vpush v4, $0x8;
	s30 =	spop (v2sf);
	s0 =	sshra.s32 s22, $0x1F;
	s21 =	smulhi.u32 $0x55555556, s22  }
0x87: {  	(v2sf) =	vpush v4, $0x2;
	s6 =	smul.u32 $0x55555556, s0;
	s9 =	spop (v2sf)  }
0x88: {  	(v2sf) =	vpush v5, $0xC;
	s14 =	sshra.s32 s30, $0x1F;
	[smem:$0x7A6] =	sst s20;
	s22 =	smulhi.u32 $0x55555556, s30  }
0x89: {  	[smem:$0x7A5] =	sst s25;
	s16 =	smul.u32 $0x55555556, s14  }
0x8a: {  	[smem:$0x7A8] =	sst s21;
	s24 =	spop (v2sf)  }
0x8b: {  	(v2sf) =	vpush v5, $0x8;
	s17 =	sshra.s32 s9, $0x1F;
	s13 =	smulhi.u32 $0x55555556, s9;
	[smem:$0x7A7] =	sst s6  }
0x8c: {  	(v2sf) =	vpush v5, $0x2;
	s19 =	smul.u32 $0x55555556, s17;
	[smem:$0x7AA] =	sst s22  }
0x8d: {  	s14 =	spop (v2sf);
	[smem:$0x7A9] =	sst s16  }
0x8e: {  	(v2sf) =	vpush v11, $0xC;
	s15 =	sshra.s32 s24, $0x1F;
	[smem:$0x7AC] =	sst s13;
	s17 =	spop (v2sf)  }
0x8f: {  	(v2sf) =	vpush v11, $0x8;
	s16 =	smul.u32 $0x55555556, s15;
	[smem:$0x7AB] =	sst s19;
	s25 =	sshra.s32 s17, $0x1F  }
0x90: {  	s19 =	sshra.s32 s14, $0x1F;
	s21 =	spop (v2sf);
	s30 =	smul.u32 $0x55555556, s25  }
0x91: {  	s20 =	smul.u32 $0x55555556, s19;
	s19 =	spop (v2sf)  }
0x92: {  	s6 =	sshra.s32 s21, $0x1F;
	[smem:$0x7AF] =	sst s30;
	s30 =	spop (v2sf)  }
0x93: {  	s9 =	smul.u32 $0x55555556, s6;
	s6 =	spop (v2sf)  }
0x94: {  	s13 =	sadd.s32 s7, s1;
	s22 =	smulhi.u32 $0x55555556, s17;
	s8 =	spop (v2sf)  }
0x95: {  	[smem:$0x7AD] =	sst s16;
	s15 =	sshra.s32 s30, $0x1F;
	s2 =	spop (v2sf)  }
0x96: {  	s17 =	smul.u32 $0x55555556, s15;
	s16 =	sshra.s32 s6, $0x1F;
	s10 =	spop (v2sf)  }
0x97: {  	s15 =	smul.u32 $0x55555556, s16;
	s11 =	spop (v2sf);
	s4 =	sshra.s32 s10, $0x1F  }
0x98: {  	[smem:$0x7B8] =	sst s13;
	s5 =	smul.u32 $0x55555556, s4;
	s7 =	sshra.s32 s11, $0x1F  }
0x99: {  	[smem:$0x7B0] =	sst s9;
	s12 =	smul.u32 $0x55555556, s7  }
0x9a: {  	s1 =	sshra.s32 s2, $0x1F;
	[smem:$0x7B2] =	sst s5;
	s5 =	spop (v2sf)  }
0x9b: {  	s3 =	smul.u32 $0x55555556, s1;
	s9 =	spop (v2sf);
	s13 =	sshra.s32 s5, $0x1F  }
0x9c: {  	[smem:$0x7B3] =	sst s12;
	s16 =	smul.u32 $0x55555556, s13;
	s1 =	sshra.s32 s9, $0x1F  }
0x9d: {  	s4 =	spop (v2sf);
	s13 =	sadd.s32 s23, s18;
	s23 =	sld [smem:$0x791]  }
0x9e: {  	s29 =	smul.u32 $0x55555556, s1;
	s1 =	spop (v2sf)  }
0x9f: {  	s12 =	sld [smem:$0x793];
	s7 =	sshra.s32 s1, $0x1F  }
0xa0: {  	s18 =	smul.u32 $0x55555556, s7;
	s7 =	sld [smem:$0x792]  }
0xa1: {  	s26 =	sadd.s32 s23, s26;
	s23 =	sld [smem:$0x794];
	_ =	sdelay $0x1  }
0xa2: {  	s31 =	sadd.s32 s7, s31;
	s7 =	sld [smem:$0x795]  }
0xa3: {  	s23 =	sadd.s32 s23, s12;
	s12 =	sld [smem:$0x796];
	_ =	sdelay $0x1  }
0xa4: {  	s25 =	smulhi.u32 $0x55555556, s14;
	[smem:$0x7B1] =	sst s3;
	s3 =	sshra.s32 s4, $0x1F  }
0xa5: {  	s28 =	smul.u32 $0x55555556, s3;
	s3 =	sadd.s32 s12, s7;
	s12 =	sld [smem:$0x797]  }
0xa6: {  	s14 =	sshra.s32 s19, $0x1F;
	s7 =	smulhi.u32 $0x55555556, s19;
	s19 =	sld [smem:$0x798]  }
0xa7: {  	_ = 	snop  }
0xa8: {  	[smem:$0x7B9] =	sst s3  }
0xa9: {  	s3 =	sadd.s32 s19, s12;
	s12 =	sld [smem:$0x799]  }
0xaa: {  	s19 =	sld [smem:$0x79A]  }
0xab: {  	[smem:$0x7BC] =	sst s3  }
0xac: {  	s3 =	smulhi.u32 $0x55555556, s30;
	s30 =	sld [smem:$0x79C]  }
0xad: {  	s19 =	sadd.s32 s19, s12;
	s12 =	sld [smem:$0x79B];
	_ =	sdelay $0x2  }
0xae: {  	s12 =	sadd.s32 s30, s12;
	s30 =	sld [smem:$0x79E]  }
0xaf: {  	[smem:$0x7BA] =	sst s12  }
0xb0: {  	s12 =	sld [smem:$0x79D];
	_ =	sdelay $0x2  }
0xb1: {  	s12 =	sadd.s32 s30, s12;
	s30 =	sld [smem:$0x7A0]  }
0xb2: {  	[smem:$0x7BB] =	sst s12  }
0xb3: {  	s12 =	sld [smem:$0x79F];
	_ =	sdelay $0x2  }
0xb4: {  	s12 =	sadd.s32 s30, s12;
	s30 =	sld [smem:$0x7A2]  }
0xb5: {  	[smem:$0x7BD] =	sst s12  }
0xb6: {  	s12 =	sld [smem:$0x7A1];
	_ =	sdelay $0x2  }
0xb7: {  	s12 =	sadd.s32 s30, s12;
	s30 =	sld [smem:$0x7A4]  }
0xb8: {  	[smem:$0x7BE] =	sst s12  }
0xb9: {  	s12 =	sld [smem:$0x7A3]  }
0xba: {  	(v2sf) =	vpush v11, $0x2;
	_ =	sdelay $0x1  }
0xbb: {  	s12 =	sadd.s32 s30, s12;
	s30 =	sld [smem:$0x7A6]  }
0xbc: {  	[smem:$0x7BF] =	sst s12  }
0xbd: {  	s12 =	sld [smem:$0x7A5];
	_ =	sdelay $0x2  }
0xbe: {  	s12 =	sadd.s32 s12, s30;
	s30 =	sld [smem:$0x7A8]  }
0xbf: {  	[smem:$0x7C0] =	sst s12  }
0xc0: {  	s12 =	smulhi.u32 $0x55555556, s2;
	s2 =	sld [smem:$0x7A7]  }
0xc1: {  	_ = 	snop  }
0xc2: {  	[smem:$0x7AE] =	sst s20;
	(v2sf) =	vpush v3, $0xD  }
0xc3: {  	s20 =	smul.u32 $0x55555556, s14;
	(v2sf) =	vpush v3, $0x9;
	s2 =	sadd.s32 s2, s30;
	s30 =	sld [smem:$0x7AA]  }
0xc4: {  	s0 =	sshra.s32 s8, $0x1F;
	s4 =	smulhi.u32 $0x55555556, s4;
	[smem:$0x7C1] =	sst s2  }
0xc5: {  	s14 =	smul.u32 $0x55555556, s0;
	(v2sf) =	vpush v3, $0x3;
	s2 =	sld [smem:$0x7A9]  }
0xc6: {  	[smem:$0x7B4] =	sst s16;
	s0 =	spop (v2sf);
	(v2sf) =	vpush v4, $0xD;
	s4 =	sadd.s32 s28, s4  }
0xc7: {  	s1 =	smulhi.u32 $0x55555556, s1;
	s16 =	sshra.s32 s0, $0x1F;
	[smem:$0x7CE] =	sst s4  }
0xc8: {  	s0 =	smulhi.u32 $0x55555556, s0;
	s2 =	sadd.s32 s2, s30;
	s30 =	sld [smem:$0x7AC]  }
0xc9: {  	s16 =	smul.u32 $0x55555556, s16;
	[smem:$0x7C2] =	sst s2  }
0xca: {  	s24 =	smulhi.u32 $0x55555556, s24;
	s1 =	sadd.s32 s18, s1;
	s2 =	sld [smem:$0x7AB]  }
0xcb: {  	s21 =	smulhi.u32 $0x55555556, s21;
	(v2sf) =	vpush v4, $0x9;
	[smem:$0x7CF] =	sst s1;
	s0 =	sadd.s32 s16, s0  }
0xcc: {  	s8 =	smulhi.u32 $0x55555556, s8;
	(v2sf) =	vpush v4, $0x3;
	[smem:$0x7D0] =	sst s0  }
0xcd: {  	s7 =	sadd.s32 s20, s7;
	s2 =	sadd.s32 s2, s30;
	s30 =	sld [smem:$0x7AD]  }
0xce: {  	s6 =	smulhi.u32 $0x55555556, s6;
	s20 =	sadd.s32 s14, s8;
	[smem:$0x7C6] =	sst s7  }
0xcf: {  	s10 =	smulhi.u32 $0x55555556, s10;
	[smem:$0x7C9] =	sst s20  }
0xd0: {  	s7 =	smulhi.u32 $0x55555556, s9;
	s24 =	sadd.s32 s30, s24;
	s30 =	sld [smem:$0x7AE]  }
0xd1: {  	s3 =	sadd.s32 s17, s3;
	s17 =	sadd.s32 s15, s6;
	s6 =	spop (v2sf)  }
0xd2: {  	s8 =	spop (v2sf);
	[smem:$0x7C3] =	sst s2  }
0xd3: {  	s2 =	smulhi.u32 $0x55555556, s11;
	s11 =	sadd.s32 s30, s25;
	s25 =	sld [smem:$0x7AF]  }
0xd4: {  	s15 =	spop (v2sf);
	s30 =	sld [smem:$0x7B0]  }
0xd5: {  	s20 =	spop (v2sf);
	s16 =	smulhi.u32 $0x55555556, s15  }
0xd6: {  	s18 =	smulhi.u32 $0x55555556, s20;
	[smem:$0x7C4] =	sst s11;
	s11 =	sadd.s32 s25, s22  }
0xd7: {  	[smem:$0x7C5] =	sst s11;
	s11 =	sadd.s32 s30, s21;
	s21 =	sshra.s32 s6, $0x1F  }
0xd8: {  	[smem:$0x7C8] =	sst s17;
	s25 =	sshra.s32 s15, $0x1F;
	s14 =	smul.u32 $0x55555556, s21  }
0xd9: {  	s22 =	sshra.s32 s8, $0x1F;
	s21 =	smul.u32 $0x55555556, s25;
	s25 =	sld [smem:$0x7B1]  }
0xda: {  	s17 =	smul.u32 $0x55555556, s22;
	s22 =	spop (v2sf)  }
0xdb: {  	(v2sf) =	vpush v5, $0xD;
	s30 =	sshra.s32 s20, $0x1F;
	s4 =	spop (v2sf);
	s20 =	smulhi.u32 $0x55555556, s22  }
0xdc: {  	(v2sf) =	vpush v5, $0x9;
	s0 =	sadd.s32 s21, s16;
	s9 =	sadd.s32 s25, s12;
	s12 =	smul.u32 $0x55555556, s30  }
0xdd: {  	s25 =	sshra.s32 s22, $0x1F;
	s30 =	sld [smem:$0x7B2];
	s22 =	sshra.s32 s4, $0x1F  }
0xde: {  	[smem:$0x7D3] =	sst s0;
	s0 =	smul.u32 $0x55555556, s22  }
0xdf: {  	[smem:$0x7C7] =	sst s3;
	s22 =	smulhi.u32 $0x55555556, s4  }
0xe0: {  	(v2sf) =	vpush v5, $0x3;
	s21 =	sld [smem:$0x7B8];
	s3 =	sadd.s32 s30, s10  }
0xe1: {  	s30 =	sld [smem:$0x7B3];
	s10 =	smulhi.u32 $0x55555556, s8;
	s0 =	sadd.s32 s0, s22  }
0xe2: {  	(v2sf) =	vpush v11, $0xD;
	[smem:$0x7D6] =	sst s0  }
0xe3: {  	s1 =	sadd.s32 s17, s10;
	s17 =	sld [smem:$0x7B7]  }
0xe4: {  	(v2sf) =	vpush v11, $0x9;
	s2 =	sadd.s32 s30, s2;
	[smem:$0x7D2] =	sst s1  }
0xe5: {  	s30 =	sadd.s32 s29, s7;
	s7 =	smulhi.u32 $0x55555556, s6;
	[smem:$0x7CA] =	sst s2  }
0xe6: {  	s2 =	smul.u32 $0x55555556, s25;
	s25 =	sld [smem:$0x7B4]  }
0xe7: {  	s1 =	sadd.s32 s12, s18;
	[smem:$0x7CD] =	sst s30  }
0xe8: {  	[smem:$0x7D4] =	sst s1;
	s14 =	sadd.s32 s14, s7  }
0xe9: {  	s5 =	smulhi.u32 $0x55555556, s5;
	s16 =	sshrl.u32 s13, $0x1F;
	[smem:$0x7D1] =	sst s14  }
0xea: {  	s7 =	spop (v2sf);
	s30 =	sadd.s32 s2, s20;
	s2 =	sld [smem:$0x7B5]  }
0xeb: {  	v9 =	vmov s13;
	(v2sf) =	vpush v11, $0x3;
	s13 =	sshrl.u32 s21, $0x1F;
	s14 =	sld [smem:$0x7B6];
	s6 =	spop (v2sf)  }
0xec: {  	(v2sf) =	vpush v3, $0xE;
	s5 =	sadd.s32 s25, s5;
	s25 =	sshra.s32 s7, $0x1F;
	s7 =	smulhi.u32 $0x55555556, s7  }
0xed: {  	[smem:$0x7D5] =	sst s30;
	s20 =	sshra.s32 s6, $0x1F;
	s6 =	smulhi.u32 $0x55555556, s6  }
0xee: {  	(v2sf) =	vpush v3, $0xA;
	s18 =	sshrl.u32 s17, $0x1F;
	[smem:$0x7CB] =	sst s5;
	s1 =	smul.u32 $0x55555556, s25  }
0xef: {  	v9 =	vnsel vm3, $0x0, v9;
	s12 =	smul.u32 $0x55555556, s20;
	s15 =	sshrl.u32 s14, $0x1F;
	v8 =	vmov s14;
	s14 =	spop (v2sf)  }
0xf0: {  	v9 =	vsel vm0, s23, v9;
	(v2sf) =	vpush v3, $0x4;
	v13 =	vmov s16;
	s20 =	sld [smem:$0x7B9];
	s5 =	sshrl.u32 s2, $0x1F;
	s25 =	sshra.s32 s14, $0x1F  }
0xf1: {  	v7 =	vmov s2;
	v10 =	vmov s5;
	v12 =	vmov s15;
	s5 =	spop (v2sf);
	s15 =	sshrl.u32 s23, $0x1F;
	s23 =	sadd.s32 s1, s7  }
0xf2: {  	v13 =	vnsel vm3, $0x0, v13;
	v7 =	vsel vm0, s17, v7;
	v8 =	vsel vm0, s21, v8;
	s4 =	smul.u32 $0x55555556, s25;
	s30 =	sshra.s32 s5, $0x1F;
	s25 =	sld [smem:$0x7BA]  }
0xf3: {  	s10 =	spop (v2sf);
	v12 =	vsel vm0, s13, v12;
	v7 =	vsel vm1, s26, v7;
	s13 =	sshrl.u32 s26, $0x1F;
	v13 =	vsel vm0, s15, v13;
	s15 =	sld [smem:$0x7C1]  }
0xf4: {  	(v2sf) =	vpush v4, $0xE;
	v14 =	vsel vm1, s31, v8;
	s21 =	sshrl.u32 s20, $0x1F;
	v8 =	vsel vm2, s20, v7;
	s20 =	sadd.s32 s12, s6;
	s6 =	sld [smem:$0x7BE]  }
0xf5: {  	(v2sf) =	vpush v4, $0xA;
	v10 =	vsel vm0, s18, v10;
	s8 =	sshra.s32 s10, $0x1F;
	s7 =	smulhi.u32 $0x55555556, s10;
	s10 =	sld [smem:$0x7BF]  }
0xf6: {  	(v2sf) =	vpush v4, $0x4;
	s18 =	sshrl.u32 s19, $0x1F;
	s26 =	smulhi.u32 $0x55555556, s14;
	v10 =	vsel vm1, s13, v10;
	s13 =	sld [smem:$0x7C0]  }
0xf7: {  	s28 =	sshrl.u32 s3, $0x1F;
	s16 =	smul.u32 $0x55555556, s30;
	v13 =	vsel vm1, s18, v13;
	s18 =	sld [smem:$0x7C2]  }
0xf8: {  	s0 =	smul.u32 $0x55555556, s8;
	v7 =	vsel vm2, s21, v10;
	s21 =	sadd.s32 s4, s26;
	s4 =	sld [smem:$0x7BC]  }
0xf9: {  	s17 =	sshrl.u32 s31, $0x1F;
	s8 =	smulhi.u32 $0x55555556, s5;
	s5 =	sld [smem:$0x7BD]  }
0xfa: {  	(v2sf) =	vpush v5, $0xE;
	s22 =	spop (v2sf);
	[smem:$0x7CC] =	sst s0;
	s0 =	sshrl.u32 s25, $0x1F  }
0xfb: {  	s30 =	sshra.s32 s22, $0x1F;
	s31 =	spop (v2sf);
	v10 =	vsel vm2, s0, v13;
	s0 =	sld [smem:$0x7BB]  }
0xfc: {  	v9 =	vsel vm1, s19, v9;
	v12 =	vsel vm1, s17, v12;
	s19 =	smul.u32 $0x55555556, s30;
	s17 =	sshrl.u32 s15, $0x1F;
	s30 =	sshra.s32 s31, $0x1F  }
0xfd: {  	v9 =	vsel vm2, s25, v9;
	s29 =	spop (v2sf);
	s25 =	smulhi.u32 $0x55555556, s22;
	s12 =	sshrl.u32 s10, $0x1F  }
0xfe: {  	(v2sf) =	vpush v5, $0xA;
	s14 =	sshrl.u32 s13, $0x1F;
	s30 =	smul.u32 $0x55555556, s30;
	s2 =	sshrl.u32 s0, $0x1F;
	v9 =	vsel vm4, s0, v9  }
0xff: {  	(v2sf) =	vpush v5, $0x4;
	s26 =	spop (v2sf);
	s1 =	sshrl.u32 s5, $0x1F;
	v10 =	vsel vm4, s2, v10;
	v9 =	vsel vm5, s5, v9;
	s5 =	sld [smem:$0x7C3]  }
0x100: {  	(v2sf) =	vpush v11, $0xE;
	v10 =	vsel vm5, s1, v10;
	v9 =	vsel vm6, s6, v9;
	s1 =	sshrl.u32 s6, $0x1F;
	s6 =	sshra.s32 s26, $0x1F;
	s26 =	smulhi.u32 $0x55555556, s26  }
0x101: {  	(v2sf) =	vpush v11, $0xA;
	s22 =	sshrl.u32 s18, $0x1F;
	v13 =	vsel vm2, s4, v14;
	v17 =	vmov s14;
	s2 =	sshra.s32 s29, $0x1F;
	s6 =	smul.u32 $0x55555556, s6  }
0x102: {  	v17 =	vnsel vm3, $0x0, v17;
	s0 =	sshrl.u32 s4, $0x1F;
	v14 =	vsel vm6, s1, v10;
	v19 =	vmov s5;
	s1 =	sshrl.u32 s5, $0x1F;
	s5 =	smul.u32 $0x55555556, s2  }
0x103: {  	v10 =	vsel vm7, s10, v9;
	s10 =	sshrl.u32 s24, $0x1F;
	v9 =	vsel vm7, s12, v14;
	v14 =	vmov s13;
	s2 =	spop (v2sf);
	s12 =	sld [smem:$0x7C4]  }
0x104: {  	v17 =	vsel vm0, s10, v17;
	s10 =	sld [smem:$0x7C5];
	v14 =	vnsel vm3, $0x0, v14;
	v21 =	vmov s1;
	s14 =	sshra.s32 s2, $0x1F;
	s1 =	spop (v2sf)  }
0x105: {  	v15 =	vmov s15;
	(v2sf) =	vpush v11, $0x4;
	s4 =	sadd.s32 s16, s8;
	v14 =	vsel vm0, s24, v14;
	s15 =	smul.u32 $0x55555556, s14;
	s24 =	spop (v2sf)  }
0x106: {  	v18 =	vmov s17;
	v19 =	vnsel vm3, $0x0, v19;
	s17 =	sshra.s32 s1, $0x1F;
	s14 =	sld [smem:$0x7C6];
	s1 =	smulhi.u32 $0x55555556, s1  }
0x107: {  	v16 =	vmov s18;
	v19 =	vsel vm0, s11, v19;
	s11 =	sshrl.u32 s11, $0x1F;
	s18 =	smul.u32 $0x55555556, s17;
	[smem:$0x7D7] =	sst s15  }
0x108: {  	v15 =	vnsel vm3, $0x0, v15;
	v20 =	vmov s22;
	v18 =	vnsel vm3, $0x0, v18;
	s13 =	sshrl.u32 s12, $0x1F;
	s22 =	sshra.s32 s24, $0x1F;
	s15 =	sld [smem:$0x7C7]  }
0x109: {  	v16 =	vnsel vm3, $0x0, v16;
	v21 =	vnsel vm3, $0x0, v21;
	v15 =	vsel vm0, s12, v15;
	s12 =	sshrl.u32 s10, $0x1F;
	s16 =	spop (v2sf);
	[smem:$0x7D8] =	sst s18  }
0x10a: {  	v16 =	vsel vm0, s10, v16;
	v18 =	vsel vm0, s13, v18;
	s13 =	smul.u32 $0x55555556, s22;
	s10 =	sshrl.u32 s14, $0x1F;
	v22 =	vmov s14;
	s14 =	sld [smem:$0x7C8]  }
0x10b: {  	v21 =	vsel vm0, s11, v21;
	s17 =	sshra.s32 s16, $0x1F;
	s11 =	sshrl.u32 s15, $0x1F;
	v23 =	vmov s15;
	s15 =	sld [smem:$0x7C9]  }
0x10c: {  	s22 =	sshrl.u32 s9, $0x1F;
	s8 =	smul.u32 $0x55555556, s17;
	v27 =	vmov s11;
	s11 =	sld [smem:$0x7CA]  }
0x10d: {  	[smem:$0x7D9] =	sst s13;
	s13 =	sshrl.u32 s14, $0x1F;
	v14 =	vsel vm1, s14, v14;
	s14 =	spop (v2sf)  }
0x10e: {  	v20 =	vnsel vm3, $0x0, v20;
	s17 =	sshra.s32 s14, $0x1F;
	s18 =	sshrl.u32 s15, $0x1F;
	v24 =	vmov s15;
	s15 =	spop (v2sf)  }
0x10f: {  	v20 =	vsel vm0, s12, v20;
	v26 =	vmov s10;
	s12 =	smul.u32 $0x55555556, s17;
	s17 =	spop (v2sf);
	s10 =	sshrl.u32 s11, $0x1F  }
0x110: {  	v25 =	vmov s9;
	v28 =	vmov s18;
	s9 =	sshra.s32 s17, $0x1F;
	s18 =	spop (v2sf);
	v32 =	vmov s10;
	s10 =	sld [smem:$0x7CC]  }
0x111: {  	v12 =	vsel vm2, s0, v12;
	s0 =	sshra.s32 s15, $0x1F;
	v30 =	vmov s11;
	s11 =	smul.u32 $0x55555556, s9;
	s9 =	sld [smem:$0x7CB]  }
0x112: {  	v29 =	vmov s22;
	v17 =	vsel vm1, s13, v17;
	s13 =	smul.u32 $0x55555556, s0;
	s0 =	sld [smem:$0x7CD];
	s22 =	sshra.s32 s18, $0x1F  }
0x113: {  	v15 =	vsel vm1, s3, v15;
	s3 =	sadd.s32 s10, s7;
	s7 =	smulhi.u32 $0x55555556, s31;
	s31 =	sld [smem:$0x7CE]  }
0x114: {  	(v2sf) =	vpush v3, $0xF;
	v18 =	vsel vm1, s28, v18;
	v31 =	vmov s9;
	s28 =	sshrl.u32 s9, $0x1F;
	s9 =	smul.u32 $0x55555556, s22;
	s22 =	spop (v2sf)  }
0x115: {  	(v2sf) =	vpush v3, $0xB;
	s24 =	smulhi.u32 $0x55555556, s24;
	v33 =	vmov s28;
	s10 =	sshra.s32 s22, $0x1F;
	s28 =	sshrl.u32 s0, $0x1F  }
0x116: {  	(v2sf) =	vpush v3, $0x5;
	v16 =	vsel vm1, s0, v16;
	v34 =	vmov s31;
	s0 =	sshrl.u32 s31, $0x1F;
	s31 =	smul.u32 $0x55555556, s10;
	s10 =	sld [smem:$0x7CF]  }
0x117: {  	(v2sf) =	vpush v4, $0xF;
	s16 =	smulhi.u32 $0x55555556, s16;
	v20 =	vsel vm1, s28, v20;
	s28 =	sadd.s32 s19, s25;
	s25 =	sld [smem:$0x7D0]  }
0x118: {  	(v2sf) =	vpush v4, $0xB;
	s19 =	sadd.s32 s30, s7;
	s30 =	smulhi.u32 $0x55555556, s29  }
0x119: {  	s26 =	sadd.s32 s6, s26;
	(v2sf) =	vpush v4, $0x5;
	s15 =	smulhi.u32 $0x55555556, s15;
	s7 =	sshrl.u32 s10, $0x1F  }
0x11a: {  	(v2sf) =	vpush v5, $0xF;
	v36 =	vmov s10;
	v19 =	vsel vm1, s25, v19;
	s10 =	sshrl.u32 s25, $0x1F;
	s25 =	sadd.s32 s5, s30;
	s30 =	sld [smem:$0x7D1]  }
0x11b: {  	s6 =	sld [smem:$0x7D5];
	(v2sf) =	vpush v5, $0xB;
	s18 =	smulhi.u32 $0x55555556, s18;
	s13 =	sadd.s32 s13, s15  }
0x11c: {  	(v2sf) =	vpush v5, $0x5;
	v31 =	vsel vm0, s20, v31;
	s20 =	sshrl.u32 s20, $0x1F;
	s22 =	smulhi.u32 $0x55555556, s22;
	v21 =	vsel vm1, s10, v21;
	s10 =	sld [smem:$0x7D2]  }
0x11d: {  	v16 =	vsel vm2, s21, v16;
	s29 =	simm.s32 $0xC3A0;
	v37 =	vmov s7;
	v22 =	vsel vm0, s30, v22;
	s7 =	sshrl.u32 s30, $0x1F;
	s30 =	sld [smem:$0x7D3]  }
0x11e: {  	v33 =	vsel vm0, s20, v33;
	s20 =	sshrl.u32 s3, $0x1F;
	v35 =	vmov s0;
	s0 =	smulhi.u32 $0x55555556, s2;
	v34 =	vsel vm0, s4, v34;
	s4 =	sshrl.u32 s4, $0x1F  }
0x11f: {  	s15 =	sshrl.u32 s19, $0x1F;
	v44 =	vsel vm2, s28, v19;
	v19 =	vsel vm4, s13, v16;
	s13 =	sshrl.u32 s13, $0x1F;
	v26 =	vsel vm0, s7, v26;
	s7 =	sld [smem:$0x7D6]  }
0x120: {  	(v2sf) =	vpush v11, $0xF;
	s2 =	sshrl.u32 s10, $0x1F;
	v14 =	vsel vm2, s30, v14;
	s5 =	sshrl.u32 s30, $0x1F;
	s30 =	sld [smem:$0x7D7]  }
0x121: {  	v40 =	vsel vm0, s23, v30;
	v23 =	vsel vm0, s10, v23;
	s10 =	sshrl.u32 s23, $0x1F;
	s23 =	sshrl.u32 s21, $0x1F;
	v17 =	vsel vm2, s5, v17;
	s5 =	sld [smem:$0x7D4]  }
0x122: {  	(v2sf) =	vpush v11, $0xB;
	s21 =	sld [smem:$0x7D8];
	v46 =	vsel vm1, s19, v22;
	s19 =	sshrl.u32 s25, $0x1F;
	v47 =	vsel vm1, s25, v23;
	s25 =	sshrl.u32 s26, $0x1F  }
0x123: {  	v8 =	vcombine.low v13, v8;
	v32 =	vsel vm0, s10, v32;
	s10 =	sadd.s32 s30, s0;
	s30 =	smulhi.u32 $0x55555556, s14;
	s14 =	sld [smem:$0x7D9]  }
0x124: {  	v27 =	vsel vm0, s2, v27;
	v38 =	vsel vm2, s7, v15;
	v24 =	vsel vm0, s5, v24;
	s2 =	sshrl.u32 s5, $0x1F;
	s5 =	sshrl.u32 s7, $0x1F;
	s7 =	spop (v2sf)  }
0x125: {  	v49 =	vsel vm1, s19, v27;
	s19 =	simm.s32 $0x0;
	v28 =	vsel vm0, s2, v28;
	s2 =	sshrl.u32 s6, $0x1F;
	v18 =	vsel vm2, s5, v18;
	s5 =	spop (v2sf)  }
0x126: {  	v25 =	vsel vm0, s6, v25;
	v37 =	vsel vm0, s20, v37;
	s20 =	sadd.s32 s12, s30;
	v51 =	vsel vm1, s10, v24;
	s10 =	sshrl.u32 s10, $0x1F;
	s6 =	spop (v2sf)  }
0x127: {  	v8 =	vperm.xlane v8, v1;
	v39 =	vsel vm0, s2, v29;
	s2 =	sadd.s32 s21, s1;
	s21 =	sadd.s32 s14, s24;
	s14 =	sadd.s32 s8, s16  }
0x128: {  	v7 =	vcombine.low v12, v7;
	(v2sf) =	vpush v11, $0x5;
	v41 =	vsel vm2, s23, v20;
	v29 =	vld [tilespmem:s29+$0x20];
	s16 =	smulhi.u32 $0x55555556, s17;
	s8 =	sadd.s32 s9, s18;
	s23 =	spop (v2sf)  }
0x129: {  	v10 =	vperm.xlane v10, v2;
	v36 =	vsel vm0, s3, v36;
	v24 =	vsel vm4, s13, v41;
	s12 =	sshra.s32 s6, $0x1F;
	s13 =	smulhi.u32 $0x55555556, s6;
	s3 =	spop (v2sf)  }
0x12a: {  	v7 =	vperm.xlane v7, v1;
	s16 =	sadd.s32 s11, s16;
	s11 =	sadd.s32 s31, s22;
	s22 =	sshrl.u32 s28, $0x1F  }
0x12b: {  	v9 =	vperm.xlane v9, v2;
	v8 =	vsel vm8, v10, v8;
	s0 =	spop (v2sf);
	v45 =	vsel vm2, s22, v21;
	s22 =	sshra.s32 s5, $0x1F;
	s5 =	smulhi.u32 $0x55555556, s5  }
0x12c: {  	v42 =	vld [tilespmem:s29+$0xFFFFFFE0];
	v48 =	vsel vm1, s15, v26;
	(v2sf) =	vpush v3, $0x6;
	v20 =	vsel vm1, s2, v25;
	s2 =	sshrl.u32 s2, $0x1F;
	s1 =	spop (v2sf);
	s15 =	smul.u32 $0x55555556, s22  }
0x12d: {  	v7 =	vsel vm8, v9, v7;
	v30 =	vld [tilespmem:s29+$0x0];
	(v2sf) =	vpush v4, $0x6;
	s22 =	sshra.s32 s3, $0x1F;
	s3 =	smulhi.u32 $0x55555556, s3;
	s24 =	spop (v2sf);
	v12 =	vshra.s32 v29, $0x1  }
0x12e: {  	v15 =	vadd.s32 v7, v8;
	v50 =	vsel vm4, s26, v14;
	(v2sf) =	vpush v5, $0x6;
	s9 =	sshra.s32 s1, $0x1F;
	s1 =	smulhi.u32 $0x55555556, s1;
	s17 =	spop (v2sf)  }
0x12f: {  	v43 =	vld [tilespmem:s29+$0xFFFFFFF0];
	v7 =	vand.u32 $0x1, v29;
	v29 =	vsel vm1, s10, v28;
	(v2sf) =	vpush v11, $0x6;
	s10 =	smul.u32 $0x55555556, s9;
	s30 =	spop (v2sf);
	s26 =	smov.u32 s17  }
0x130: {  	s17 =	smul.u32 $0x55555556, s12;
	s28 =	smov.u32 s30;
	s30 =	sshra.s32 s7, $0x1F  }
0x131: {  	v35 =	vsel vm0, s4, v35;
	v13 =	vshra.s32 v42, $0x1;
	(v2sf) =	vpush v3, $0x7;
	s18 =	spop (v2sf);
	s4 =	smul.u32 $0x55555556, s30;
	s30 =	simm.s32 $0xC3A0  }
0x132: {  	v9 =	vshra.s32 v30, $0x1;
	v53 =	vsel vm4, s25, v17;
	s25 =	sshrl.u32 s21, $0x1F;
	s7 =	smulhi.u32 $0x55555556, s7;
	v27 =	vld.idx.msk [tilespmem:v12+s19+$0x0], $0xffff;
	[dreg:$0x4] =	wrdreg s30  }
0x133: {  	v6 =	vsub.s32 $0x0, v6;
	(v2sf) =	vpush v4, $0x7;
	v12 =	vsel vm4, s21, v38;
	s21 =	smov.u32 s24;
	s30 =	sshra.s32 s0, $0x1F;
	s24 =	smul.u32 $0x55555556, s22  }
0x134: {  	v10 =	vshra.s32 v43, $0x1;
	v8 =	vmul.u32 $0xFFFFFFFD, v15;
	v28 =	vsel vm1, s2, v39;
	s9 =	sshra.s32 s26, $0x1F;
	s22 =	sshrl.u32 s20, $0x1F;
	v52 =	vld [tilespmem:s29+$0x10];
	s2 =	smul.u32 $0x55555556, s30  }
0x135: {  	v26 =	vsel vm4, s25, v18;
	(v2sf) =	vpush v5, $0x7;
	s29 =	smov.u32 s18;
	s18 =	sshra.s32 s23, $0x1F;
	v22 =	vsel vm1, s22, v33;
	s22 =	smul.u32 $0x55555556, s9  }
0x136: {  	vm10 =	veq.s32 v7, $0x0;
	(v2sf) =	vpush v11, $0x7;
	v7 =	vld.idx.msk [tilespmem:v13+s19+$0x0], $0xffff;
	v13 =	vsel vm1, s14, v40;
	s14 =	sshrl.u32 s14, $0x1F;
	s25 =	sshra.s32 s21, $0x1F;
	s12 =	smul.u32 $0x55555556, s18  }
0x137: {  	v17 =	vand.u32 $0x1, v42;
	v16 =	vsel vm1, s16, v34;
	s16 =	sshrl.u32 s16, $0x1F;
	s31 =	spop (v2sf);
	v9 =	vld.idx.msk [tilespmem:v9+s19+$0x0], $0xffff;
	v23 =	vsel vm1, s14, v32;
	s14 =	smul.u32 $0x55555556, s25  }
0x138: {  	vm11 =	veq.s32 v17, $0x0;
	vm9 =	veq.s32 v8, v6;
	v18 =	vsel vm1, s8, v36;
	s18 =	sshrl.u32 s8, $0x1F;
	s25 =	sshrl.u32 s11, $0x1F;
	s8 =	sshra.s32 s28, $0x1F  }
0x139: {  	v14 =	vsel vm1, s20, v31;
	v17 =	vsel vm4, s11, v44;
	v8 =	vld.idx.msk [tilespmem:v10+s19+$0x0], $0xffff;
	s11 =	sadd.s32 s15, s5;
	s15 =	sshra.s32 s29, $0x1F;
	s6 =	smul.u32 $0x55555556, s8;
	v10 =	vshra.s32 v52, $0x1  }
0x13a: {  	s4 =	sadd.s32 s4, s7;
	v25 =	vsel vm4, s25, v45;
	s25 =	sadd.s32 s17, s13;
	s8 =	smul.u32 $0x55555556, s15;
	v6 =	vand.u32 $0xFFFF0000, v27;
	v31 =	vshll.u32 v27, $0x10  }
0x13b: {  	v30 =	vand.u32 $0x1, v30;
	v21 =	vsel vm1, s16, v35;
	s17 =	sshrl.u32 s4, $0x1F;
	s13 =	smulhi.u32 $0x55555556, s0;
	s20 =	spop (v2sf);
	v6 =	vsel vm10, v31, v6  }
0x13c: {  	s0 =	sadd.s32 s24, s3;
	s7 =	sshrl.u32 s25, $0x1F;
	vm10 =	veq.s32 v30, $0x0;
	v30 =	vand.u32 $0xFFFF0000, v9;
	v9 =	vshll.u32 v9, $0x10;
	s30 =	spop (v2sf)  }
0x13d: {  	v31 =	vsel vm5, s7, v53;
	s7 =	simm.s32 $0xCBF0;
	v9 =	vsel vm10, v9, v30;
	v30 =	vsel vm2, s11, v47;
	s11 =	sshrl.u32 s11, $0x1F;
	s16 =	spop (v2sf)  }
0x13e: {  	v54 =	vand.u32 $0x1, v43;
	v60 =	vsel vm2, s11, v49;
	s11 =	smov.u32 s30;
	s9 =	spop (v2sf);
	v10 =	vld.idx.msk [tilespmem:v10+s19+$0x0], $0xffff;
	s19 =	smulhi.u32 $0x55555556, s23  }
0x13f: {  	vm12 =	veq.s32 v54, $0x0;
	v3 =	vsub.s32 $0x0, v3;
	v4 =	vsub.s32 $0x0, v4;
	[dreg:$0xd] =	wrdreg s31;
	s23 =	sshra.s32 s31, $0x1F;
	s31 =	smov.u32 s16  }
0x140: {  	v58 =	vsel vm2, s4, v46;
	v59 =	vsel vm2, s17, v48;
	v27 =	vsel vm1, s18, v37;
	s16 =	simm.s32 $0x0;
	[dreg:$0x10] =	wrdreg s20;
	s18 =	spop (v2sf)  }
0x141: {  	v32 =	vsel vm5, s25, v50;
	v55 =	vand.u32 $0xFFFF0000, v7;
	v7 =	vshll.u32 v7, $0x10;
	s5 =	smul.u32 $0x55555556, s23;
	s24 =	sshra.s32 s31, $0x1F;
	[dreg:$0x14] =	wrdreg s9  }
0x142: {  	v56 =	vand.u32 $0xFFFF0000, v8;
	v57 =	vshll.u32 v8, $0x10;
	v61 =	vand.u32 $0x1, v52;
	s17 =	sshra.s32 s9, $0x1F;
	s4 =	sadd.s32 s12, s19;
	s12 =	spop (v2sf)  }
0x143: {  	v8 =	vsel vm11, v7, v55;
	v7 =	vsel vm12, v57, v56;
	vm10 =	veq.s32 v61, $0x0;
	s19 =	sshra.s32 s20, $0x1F;
	s20 =	sshra.s32 s30, $0x1F;
	[dreg:$0xf] =	wrdreg s18  }
0x144: {  	v63 =	vnsel vm9, $0x0, v6;
	v6 =	vsub.s32 $0x0, v5;
	v5 =	vsub.s32 $0x0, v11;
	s30 =	simm.s32 $0xE380;
	s23 =	spop (v2sf);
	[dreg:$0xe] =	wrdreg s12  }
0x145: {  	v11 =	vcombine.low v30, v58;
	s3 =	sshra.s32 s18, $0x1F;
	s18 =	sshra.s32 s12, $0x1F;
	s25 =	spop (v2sf);
	[tilespmem:v15+s30+$0x0] =	vst.idx.add.f32.msk $0xffff, v63;
	v62 =	vand.u32 $0xFFFF0000, v10;
	v10 =	vshll.u32 v10, $0x10  }
0x146: {  	v33 =	vcombine.low v60, v59;
	v34 =	vsel vm2, s4, v51;
	s12 =	sshra.s32 s23, $0x1F;
	[smem:$0x7DA] =	sst s25;
	s25 =	sshra.s32 s25, $0x1F;
	v10 =	vsel vm10, v10, v62  }
.LBB2_5:
0x147: {  	s3 =	smul.u32 $0x55555556, s3  }
0x148: {  	s12 =	smul.u32 $0x55555556, s12  }
0x149: {  	[dreg:$0x9] =	wrdreg s7;
	v15 =	vld [tilespmem:s7+$0x20];
	s4 =	sshrl.u32 s4, $0x1F;
	s15 =	smulhi.u32 $0x55555556, s21  }
0x14a: {  	s2 =	sadd.s32 s2, s13;
	s9 =	rddreg [dreg:$0x9];
	s30 =	smulhi.u32 $0x55555556, s26  }
0x14b: {  	s1 =	sadd.s32 s10, s1;
	s13 =	sshrl.u32 s2, $0x1F;
	s26 =	smulhi.u32 $0x55555556, s29  }
0x14c: {  	s10 =	rddreg [dreg:$0x9];
	s21 =	sshrl.u32 s0, $0x1F;
	v26 =	vsel vm5, s13, v26;
	s13 =	smul.u32 $0x55555556, s19  }
0x14d: {  	v35 =	vsel vm5, s2, v12;
	v12 =	vld [tilespmem:s10+$0xFFFFFFF0];
	v28 =	vsel vm2, s21, v28;
	s21 =	rddreg [dreg:$0x9];
	s14 =	sadd.s32 s14, s15;
	s15 =	smulhi.u32 $0x55555556, s28  }
0x14e: {  	v29 =	vsel vm2, s4, v29;
	v53 =	vsel vm2, s1, v13;
	s10 =	rddreg [dreg:$0xd];
	v13 =	vld [tilespmem:s21+$0x0];
	s21 =	smul.u32 $0x55555556, s17;
	(v2sf) =	vpush v15, $0x7  }
0x14f: {  	v28 =	vcombine.low v28, v29;
	v29 =	vsel vm2, s14, v14;
	s2 =	sshrl.u32 s14, $0x1F;
	s14 =	sadd.s32 s8, s26;
	s26 =	smulhi.u32 $0x55555556, s31;
	(v2sf) =	vpush v15, $0x6  }
0x150: {  	v30 =	vperm.xlane v11, v1;
	v20 =	vsel vm2, s0, v20;
	v11 =	vld [tilespmem:s9+$0xFFFFFFE0];
	s1 =	sshrl.u32 s1, $0x1F;
	s9 =	sadd.s32 s6, s15;
	s6 =	smulhi.u32 $0x55555556, s10;
	(v2sf) =	vpush v15, $0xF  }
0x151: {  	v34 =	vcombine.low v20, v34;
	v20 =	vperm.xlane v33, v1;
	v23 =	vsel vm2, s1, v23;
	s22 =	sadd.s32 s22, s30;
	s15 =	smul.u32 $0x55555556, s20  }
0x152: {  	s30 =	rddreg [dreg:$0x9];
	v19 =	vsel vm5, s22, v19;
	s0 =	sshrl.u32 s22, $0x1F;
	v29 =	vcombine.low v29, v53;
	s20 =	smul.u32 $0x55555556, s24;
	(v2sf) =	vpush v15, $0xB  }
0x153: {  	v14 =	vld [tilespmem:s30+$0x10];
	s30 =	rddreg [dreg:$0x14];
	v22 =	vsel vm2, s2, v22;
	v24 =	vsel vm5, s0, v24;
	v18 =	vsel vm2, s14, v18;
	s1 =	sshrl.u32 s14, $0x1F;
	s24 =	smulhi.u32 $0x55555556, s11  }
0x154: {  	s16 =	sadd.s32 $0x5, s16;
	s4 =	smulhi.u32 $0x55555556, s30;
	v16 =	vsel vm2, s9, v16;
	s2 =	sshrl.u32 s9, $0x1F;
	v27 =	vsel vm2, s1, v27;
	v22 =	vcombine.low v22, v23  }
0x155: {  	s22 =	rddreg [dreg:$0x10];
	v23 =	vperm.xlane v28, v1;
	s9 =	smul.u32 $0x55555556, s18;
	s19 =	sadd.s32 s5, s6;
	v21 =	vsel vm2, s2, v21;
	(v2sf) =	vpush v15, $0x5  }
0x156: {  	s18 =	rddreg [dreg:$0xe];
	v16 =	vcombine.low v18, v16;
	s1 =	sadd.s32 s15, s24;
	s8 =	sadd.s32 s20, s26;
	v29 =	vperm.xlane v29, v1;
	v17 =	vsel vm5, s19, v17  }
0x157: {  	s11 =	sadd.s32 s21, s4;
	s4 =	smulhi.u32 $0x55555556, s18;
	s0 =	sshrl.u32 s19, $0x1F;
	v21 =	vcombine.low v27, v21;
	v18 =	vperm.xlane v22, v1;
	(v2sf) =	vpush v15, $0xE  }
0x158: {  	v27 =	vperm.xlane v34, v1;
	s7 =	sshrl.u32 s1, $0x1F;
	v19 =	vsel vm6, s8, v19;
	s10 =	sshrl.u32 s8, $0x1F;
	s19 =	smulhi.u32 $0x55555556, s23;
	v25 =	vsel vm5, s0, v25  }
0x159: {  	s20 =	sld [smem:$0x7DA];
	s0 =	smulhi.u32 $0x55555556, s22;
	v26 =	vsel vm6, s7, v26;
	v24 =	vsel vm6, s10, v24;
	v17 =	vsel vm6, s11, v17;
	s4 =	sadd.s32 s9, s4  }
0x15a: {  	[dreg:$0x6] =	wrdreg s16;
	v16 =	vperm.xlane v16, v1;
	(v2sf) =	vpush v15, $0xA;
	v21 =	vperm.xlane v21, v1;
	s2 =	sadd.s32 s12, s19;
	s9 =	sshrl.u32 s4, $0x1F  }
0x15b: {  	s14 =	smul.u32 $0x55555556, s25;
	s0 =	sadd.s32 s13, s0;
	(v2sf) =	vpush v15, $0x4;
	s13 =	sshrl.u32 s11, $0x1F;
	v19 =	vsel vm7, s2, v19;
	v26 =	vsel vm7, s9, v26  }
0x15c: {  	s17 =	rddreg [dreg:$0xf];
	s5 =	smulhi.u32 $0x55555556, s20;
	v22 =	vsel vm6, s0, v32;
	s0 =	sshrl.u32 s0, $0x1F;
	(v2sf) =	vpush v15, $0xD;
	v25 =	vsel vm6, s13, v25  }
0x15d: {  	s12 =	sshrl.u32 s2, $0x1F;
	v19 =	vperm.xlane v19, v2;
	v26 =	vperm.xlane v26, v2;
	v28 =	vsel vm6, s0, v31;
	s0 =	smulhi.u32 $0x55555556, s17;
	s15 =	spop (v2sf)  }
0x15e: {  	v24 =	vsel vm7, s12, v24;
	v31 =	vsel vm6, s1, v35;
	(v2sf) =	vpush v15, $0x9;
	s1 =	sadd.s32 s14, s5;
	s21 =	smulhi.u32 $0x55555556, s15;
	s22 =	spop (v2sf)  }
0x15f: {  	v24 =	vperm.xlane v24, v2;
	(v2sf) =	vpush v15, $0x3;
	v31 =	vsel vm7, s4, v31;
	s14 =	sshrl.u32 s1, $0x1F;
	s30 =	smulhi.u32 $0x55555556, s22;
	s10 =	spop (v2sf)  }
0x160: {  	v17 =	vsel vm7, s1, v17;
	v23 =	vsel vm8, v26, v23;
	v19 =	vsel vm8, v19, v29;
	s0 =	sadd.s32 s3, s0;
	s7 =	sshra.s32 s22, $0x1F;
	s6 =	smulhi.u32 $0x55555556, s10  }
0x161: {  	(v2sf) =	vpush v15, $0xC;
	v31 =	vperm.xlane v31, v2;
	v22 =	vsel vm7, s0, v22;
	s0 =	sshrl.u32 s0, $0x1F;
	s5 =	spop (v2sf);
	s7 =	smul.u32 $0x55555556, s7  }
0x162: {  	v17 =	vperm.xlane v17, v2;
	v25 =	vsel vm7, s14, v25;
	v18 =	vsel vm8, v24, v18;
	[dreg:$0x18] =	wrdreg s21;
	s21 =	sshra.s32 s15, $0x1F;
	s8 =	smulhi.u32 $0x55555556, s5  }
0x163: {  	(v2sf) =	vpush v15, $0x8;
	v25 =	vperm.xlane v25, v2;
	v28 =	vsel vm7, s0, v28;
	s10 =	sshra.s32 s10, $0x1F;
	[dreg:$0x1b] =	wrdreg s30;
	s22 =	smul.u32 $0x55555556, s21  }
0x164: {  	v18 =	vadd.s32 v18, v19;
	v22 =	vperm.xlane v22, v2;
	v28 =	vperm.xlane v28, v2;
	s20 =	spop (v2sf);
	s31 =	smul.u32 $0x55555556, s10  }
0x165: {  	(v2sf) =	vpush v15, $0x2;
	v24 =	vsel vm8, v31, v27;
	v16 =	vsel vm8, v17, v16;
	[smem:$0x71D] =	sst s6;
	s11 =	smulhi.u32 $0x55555556, s20  }
0x166: {  	v21 =	vsel vm8, v25, v21;
	v22 =	vsel vm8, v22, v30;
	v20 =	vsel vm8, v28, v20;
	s5 =	sshra.s32 s5, $0x1F;
	s3 =	spop (v2sf);
	[smem:$0x722] =	sst s7  }
0x167: {  	v16 =	vadd.s32 v21, v16;
	v21 =	vmul.u32 $0xFFFFFFFD, v18;
	v17 =	vadd.s32 v20, v22;
	s12 =	smul.u32 $0x55555556, s5;
	[smem:$0x71E] =	sst s8  }
0x168: {  	v20 =	vadd.s32 v23, v24;
	v22 =	vmul.u32 $0xFFFFFFFD, v17;
	s13 =	smulhi.u32 $0x55555556, s3;
	[smem:$0x723] =	sst s22  }
0x169: {  	(v2sf) =	vpush v15, $0x1;
	vm11 =	veq.s32 v21, v6;
	v19 =	vmul.u32 $0xFFFFFFFD, v20;
	s28 =	spop (v2sf);
	s10 =	sshra.s32 s3, $0x1F;
	s3 =	rddreg [dreg:$0x4]  }
0x16a: {  	v23 =	vmul.u32 $0xFFFFFFFD, v16;
	v9 =	vnsel vm11, $0x0, v9;
	vm9 =	veq.s32 v22, v3;
	s7 =	simm.s32 $0xE380;
	[smem:$0x721] =	sst s11;
	s17 =	smulhi.u32 $0x55555556, s28  }
0x16b: {  	(v2sf) =	vpush v15, $0x0;
	vm10 =	veq.s32 v19, v4;
	v8 =	vnsel vm9, $0x0, v8;
	[tilespmem:v18+s7+$0x0] =	vst.idx.add.f32.msk $0xffff, v9;
	s30 =	spop (v2sf);
	s5 =	smul.u32 $0x55555556, s10  }
0x16c: {  	(v2sf) =	vpush v11, $0x0;
	vm12 =	veq.s32 v23, v5;
	v7 =	vnsel vm10, $0x0, v7;
	[tilespmem:v17+s7+$0x0] =	vst.idx.add.f32.msk $0xffff, v8;
	s0 =	sadd.s32 $0x50, s3;
	[smem:$0x71B] =	sst s13;
	s18 =	smulhi.u32 $0x55555556, s30  }
0x16d: {  	(v2sf) =	vpush v12, $0x0;
	v8 =	vnsel vm12, $0x0, v10;
	[tilespmem:v20+s7+$0x0] =	vst.idx.add.f32.msk $0xffff, v7;
	s14 =	sshra.s32 s28, $0x1F;
	s9 =	spop (v2sf);
	[dreg:$0x4] =	wrdreg s0  }
0x16e: {  	(v2sf) =	vpush v13, $0x0;
	[tilespmem:v16+s7+$0x0] =	vst.idx.add.f32.msk $0xffff, v8;
	s7 =	smul.u32 $0x55555556, s14;
	[smem:$0x71C] =	sst s17  }
0x16f: {  	(v2sf) =	vpush v14, $0x0;
	s23 =	smulhi.u32 $0x55555556, s9;
	s6 =	spop (v2sf)  }
0x170: {  	s9 =	sshra.s32 s9, $0x1F;
	[smem:$0x720] =	sst s18;
	s18 =	smulhi.u32 $0x55555556, s6  }
0x171: {  	(v2sf) =	vpush v11, $0x1;
	s8 =	spop (v2sf);
	s9 =	smul.u32 $0x55555556, s9  }
0x172: {  	(v2sf) =	vpush v12, $0x1;
	s6 =	sshra.s32 s6, $0x1F;
	s19 =	smulhi.u32 $0x55555556, s8;
	s1 =	spop (v2sf)  }
0x173: {  	(v2sf) =	vpush v13, $0x1;
	s6 =	smul.u32 $0x55555556, s6;
	s4 =	spop (v2sf)  }
0x174: {  	[smem:$0x71F] =	sst s19;
	s19 =	smulhi.u32 $0x55555556, s1  }
0x175: {  	(v2sf) =	vpush v14, $0x1;
	s25 =	smulhi.u32 $0x55555556, s4;
	s29 =	spop (v2sf)  }
0x176: {  	(v2sf) =	vpush v11, $0xC;
	s9 =	sadd.s32 s9, s23;
	s1 =	sshra.s32 s1, $0x1F;
	s24 =	smulhi.u32 $0x55555556, s29  }
0x177: {  	(v2sf) =	vpush v11, $0x8;
	s23 =	sld [smem:$0x71B];
	s4 =	sshra.s32 s4, $0x1F;
	s3 =	smul.u32 $0x55555556, s1  }
0x178: {  	p1 =	slt.u32 s16, $0x78;
	s11 =	spop (v2sf);
	s4 =	smul.u32 $0x55555556, s4  }
0x179: {  	s8 =	sshra.s32 s8, $0x1F;
	s6 =	sadd.s32 s6, s18;
	s26 =	smulhi.u32 $0x55555556, s11  }
0x17a: {  	v16 =	vld [tilespmem:s0+$0x20];
	(v2sf) =	vpush v11, $0x2;
	s2 =	spop (v2sf);
	s5 =	sadd.s32 s5, s23;
	s23 =	sld [smem:$0x71E]  }
0x17b: {  	v7 =	vld [tilespmem:s0+$0xFFFFFFF0];
	s17 =	smulhi.u32 $0x55555556, s2;
	s15 =	spop (v2sf);
	s1 =	sshra.s32 s2, $0x1F  }
0x17c: {  	v8 =	vld [tilespmem:s0+$0x0];
	s2 =	sshra.s32 s11, $0x1F;
	s11 =	sadd.s32 s3, s19;
	s21 =	spop (v2sf)  }
0x17d: {  	v10 =	vld [tilespmem:s0+$0xFFFFFFE0];
	s4 =	sadd.s32 s4, s25;
	s1 =	smul.u32 $0x55555556, s1;
	s16 =	spop (v2sf)  }
0x17e: {  	v9 =	vld [tilespmem:s0+$0x10];
	s25 =	sld [smem:$0x71C];
	v18 =	vmov s11;
	s0 =	sshrl.u32 s11, $0x1F;
	s22 =	spop (v2sf)  }
0x17f: {  	v18 =	vsel vm0, s9, v18;
	v21 =	vmov s0;
	s1 =	sadd.s32 s1, s17;
	s17 =	sshrl.u32 s9, $0x1F;
	s9 =	sld [smem:$0x71F]  }
0x180: {  	v19 =	vmov s4;
	s4 =	sshrl.u32 s4, $0x1F;
	s13 =	spop (v2sf);
	v21 =	vsel vm0, s17, v21;
	s17 =	sld [smem:$0x720]  }
0x181: {  	v22 =	vmov s4;
	s4 =	sshrl.u32 s1, $0x1F;
	[smem:$0x724] =	sst s13;
	s10 =	spop (v2sf)  }
0x182: {  	v23 =	vmov s4;
	s4 =	sshrl.u32 s5, $0x1F;
	[smem:$0x725] =	sst s10;
	s14 =	spop (v2sf)  }
0x183: {  	s18 =	sshrl.u32 s6, $0x1F;
	s10 =	smul.u32 $0x55555556, s8;
	v21 =	vsel vm1, s4, v21;
	s4 =	rddreg [dreg:$0x18]  }
0x184: {  	s13 =	sshra.s32 s30, $0x1F;
	[smem:$0x726] =	sst s14;
	s30 =	spop (v2sf)  }
0x185: {  	s11 =	sadd.s32 s7, s25;
	[smem:$0x727] =	sst s30;
	s30 =	spop (v2sf)  }
0x186: {  	v18 =	vsel vm1, s5, v18;
	s5 =	sshrl.u32 s11, $0x1F;
	s14 =	smul.u32 $0x55555556, s13;
	s8 =	spop (v2sf)  }
0x187: {  	v22 =	vsel vm0, s18, v22;
	(v2sf) =	vpush v12, $0xC;
	[smem:$0x728] =	sst s8;
	s8 =	sshra.s32 s20, $0x1F;
	s20 =	sshra.s32 s29, $0x1F  }
0x188: {  	v22 =	vsel vm1, s5, v22;
	s5 =	sld [smem:$0x723];
	s19 =	smul.u32 $0x55555556, s20  }
0x189: {  	(v2sf) =	vpush v12, $0x8;
	s3 =	sadd.s32 s14, s17;
	s13 =	spop (v2sf);
	s20 =	smul.u32 $0x55555556, s2  }
0x18a: {  	s25 =	sadd.s32 s12, s23;
	(v2sf) =	vpush v12, $0x2;
	s23 =	sshrl.u32 s3, $0x1F;
	[smem:$0x729] =	sst s13  }
0x18b: {  	v19 =	vsel vm0, s6, v19;
	(v2sf) =	vpush v13, $0xC;
	s2 =	sadd.s32 s10, s9;
	s7 =	sadd.s32 s20, s26;
	s20 =	sld [smem:$0x71D]  }
0x18c: {  	v19 =	vsel vm1, s11, v19;
	s11 =	smul.u32 $0x55555556, s8;
	s9 =	sshra.s32 s21, $0x1F;
	s10 =	sshra.s32 s16, $0x1F;
	(v2sf) =	vpush v13, $0x8  }
0x18d: {  	v20 =	vmov s1;
	s16 =	smulhi.u32 $0x55555556, s16;
	(v2sf) =	vpush v13, $0x2;
	s26 =	sadd.s32 s19, s24;
	s19 =	sld [smem:$0x721]  }
0x18e: {  	v20 =	vnsel vm3, $0x0, v20;
	s18 =	sshrl.u32 s2, $0x1F;
	s24 =	rddreg [dreg:$0x1b];
	s0 =	sadd.s32 s31, s20  }
0x18f: {  	v19 =	vsel vm2, s25, v19;
	v20 =	vsel vm0, s7, v20;
	s1 =	sshrl.u32 s7, $0x1F;
	s20 =	sshrl.u32 s25, $0x1F;
	s25 =	sld [smem:$0x722];
	v18 =	vsel vm2, s0, v18  }
0x190: {  	v23 =	vnsel vm3, $0x0, v23;
	s12 =	sshrl.u32 s26, $0x1F;
	s7 =	sshra.s32 s15, $0x1F;
	s15 =	smulhi.u32 $0x55555556, s15;
	v18 =	vcombine.low v19, v18;
	v19 =	vsel vm1, s26, v20  }
0x191: {  	v23 =	vsel vm0, s1, v23;
	s0 =	sshrl.u32 s0, $0x1F;
	v19 =	vsel vm2, s2, v19;
	s2 =	sadd.s32 s11, s19;
	s11 =	sshra.s32 s22, $0x1F  }
0x192: {  	v22 =	vsel vm2, s20, v22;
	v20 =	vsel vm1, s12, v23;
	v19 =	vsel vm4, s3, v19;
	s3 =	sadd.s32 s25, s24;
	s26 =	sshrl.u32 s2, $0x1F;
	s20 =	smul.u32 $0x55555556, s11  }
0x193: {  	v20 =	vsel vm2, s18, v20;
	s24 =	sld [smem:$0x725];
	v19 =	vsel vm5, s2, v19;
	s2 =	sadd.s32 s5, s4;
	s4 =	smul.u32 $0x55555556, s7  }
0x194: {  	v20 =	vsel vm4, s23, v20;
	s25 =	sld [smem:$0x726];
	s6 =	sshrl.u32 s3, $0x1F;
	s5 =	smul.u32 $0x55555556, s10  }
0x195: {  	v20 =	vsel vm5, s26, v20;
	s26 =	sld [smem:$0x724];
	v19 =	vsel vm6, s3, v19;
	s8 =	sshrl.u32 s2, $0x1F;
	s3 =	smul.u32 $0x55555556, s9  }
0x196: {  	v20 =	vsel vm6, s6, v20;
	s6 =	sshra.s32 s13, $0x1F;
	s13 =	smulhi.u32 $0x55555556, s21;
	s14 =	spop (v2sf)  }
0x197: {  	v19 =	vsel vm7, s2, v19;
	v20 =	vsel vm7, s8, v20;
	s8 =	sshra.s32 s24, $0x1F;
	s2 =	sld [smem:$0x727];
	s24 =	smulhi.u32 $0x55555556, s24  }
0x198: {  	v17 =	vshra.s32 v16, $0x1;
	s9 =	sshra.s32 s25, $0x1F;
	s25 =	smulhi.u32 $0x55555556, s25;
	s17 =	spop (v2sf)  }
0x199: {  	v21 =	vsel vm2, s0, v21;
	s23 =	simm.s32 $0x0;
	[smem:$0x72A] =	sst s14;
	s29 =	spop (v2sf)  }
0x19a: {  	v21 =	vcombine.low v22, v21;
	s7 =	sshra.s32 s26, $0x1F;
	s8 =	smul.u32 $0x55555556, s8;
	s18 =	spop (v2sf)  }
0x19b: {  	s0 =	sshra.s32 s14, $0x1F;
	[smem:$0x72B] =	sst s17;
	s28 =	spop (v2sf);
	(v2sf) =	vpush v14, $0xC  }
0x19c: {  	v18 =	vperm.xlane v18, v1;
	v21 =	vperm.xlane v21, v1;
	s14 =	sshra.s32 s17, $0x1F;
	s17 =	smulhi.u32 $0x55555556, s22;
	s1 =	spop (v2sf);
	(v2sf) =	vpush v14, $0x8  }
0x19d: {  	s31 =	sld [smem:$0x728];
	v17 =	vld.idx.msk [tilespmem:v17+s23+$0x0], $0xffff;
	v19 =	vperm.xlane v19, v2;
	v20 =	vperm.xlane v20, v2;
	s7 =	smul.u32 $0x55555556, s7;
	(v2sf) =	vpush v14, $0x2  }
0x19e: {  	s21 =	sadd.s32 s4, s15;
	s15 =	sadd.s32 s3, s13;
	s0 =	smul.u32 $0x55555556, s0;
	(v2sf) =	vpush v11, $0xD  }
0x19f: {  	v18 =	vsel vm8, v19, v18;
	v19 =	vsel vm8, v20, v21;
	s19 =	sshra.s32 s2, $0x1F;
	s13 =	sadd.s32 s20, s17;
	s20 =	smul.u32 $0x55555556, s9  }
0x1a0: {  	v15 =	vsub.s32 $0x0, v15;
	s12 =	sshra.s32 s30, $0x1F;
	s11 =	sshra.s32 s31, $0x1F;
	v18 =	vadd.s32 v19, v18;
	s17 =	smul.u32 $0x55555556, s19  }
0x1a1: {  	v16 =	vand.u32 $0x1, v16;
	s5 =	sadd.s32 s5, s16;
	s22 =	simm.s32 $0xE380;
	s9 =	smul.u32 $0x55555556, s11;
	v19 =	vmul.u32 $0xFFFFFFFD, v18;
	(v2sf) =	vpush v11, $0x9  }
0x1a2: {  	vm9 =	veq.s32 v16, $0x0;
	v16 =	vand.u32 $0xFFFF0000, v17;
	v17 =	vshll.u32 v17, $0x10;
	s4 =	sshra.s32 s29, $0x1F;
	s11 =	smul.u32 $0x55555556, s6;
	[smem:$0x732] =	sst s0  }
0x1a3: {  	v16 =	vsel vm9, v17, v16;
	[smem:$0x72C] =	sst s28;
	s10 =	sshra.s32 s28, $0x1F;
	s16 =	sshra.s32 s1, $0x1F;
	vm9 =	veq.s32 v19, v15  }
0x1a4: {  	s28 =	smov.u32 s1;
	s0 =	sadd.s32 s20, s25;
	s20 =	smul.u32 $0x55555556, s14;
	v16 =	vnsel vm9, $0x0, v16  }
0x1a5: {  	v17 =	vmov s15;
	s1 =	sshrl.u32 s21, $0x1F;
	[smem:$0x730] =	sst s9;
	(v2sf) =	vpush v11, $0x3;
	[tilespmem:v18+s22+$0x0] =	vst.idx.add.f32.msk $0xffff, v16;
	s22 =	smulhi.u32 $0x55555556, s26  }
0x1a6: {  	[smem:$0x731] =	sst s11;
	v16 =	vnsel vm3, $0x0, v17;
	v17 =	vmov s5;
	s26 =	sadd.s32 s8, s24;
	s8 =	smul.u32 $0x55555556, s12  }
0x1a7: {  	v15 =	vmov s21;
	s21 =	sshrl.u32 s13, $0x1F;
	v18 =	vnsel vm3, $0x0, v17;
	v17 =	vmov s13;
	s13 =	sadd.s32 s7, s22;
	s22 =	smul.u32 $0x55555556, s4  }
0x1a8: {  	[smem:$0x733] =	sst s20;
	s4 =	smul.u32 $0x55555556, s10  }
0x1a9: {  	s5 =	sshrl.u32 s5, $0x1F;
	(v2sf) =	vpush v12, $0xD;
	[smem:$0x72F] =	sst s8;
	s10 =	smul.u32 $0x55555556, s16  }
0x1aa: {  	v20 =	vshra.s32 v8, $0x1;
	v21 =	vmov s5;
	(v2sf) =	vpush v12, $0x9;
	[smem:$0x735] =	sst s22;
	s5 =	spop (v2sf)  }
0x1ab: {  	[smem:$0x739] =	sst s4;
	s8 =	spop (v2sf)  }
0x1ac: {  	v19 =	vmov s1;
	v15 =	vnsel vm3, $0x0, v15;
	[smem:$0x73C] =	sst s10;
	s7 =	sshra.s32 s5, $0x1F;
	s24 =	spop (v2sf)  }
0x1ad: {  	v27 =	vnsel vm3, $0x0, v19;
	(v2sf) =	vpush v12, $0x3;
	v19 =	vsel vm0, s13, v15;
	s19 =	sshrl.u32 s13, $0x1F;
	s13 =	smul.u32 $0x55555556, s7;
	s12 =	spop (v2sf)  }
0x1ae: {  	s15 =	sshrl.u32 s15, $0x1F;
	(v2sf) =	vpush v13, $0xD;
	[smem:$0x734] =	sst s12  }
0x1af: {  	s2 =	smulhi.u32 $0x55555556, s2;
	v25 =	vld.idx.msk [tilespmem:v20+s23+$0x0], $0xffff;
	v20 =	vmov s15;
	s1 =	sshra.s32 s12, $0x1F;
	[smem:$0x73F] =	sst s13  }
0x1b0: {  	s25 =	sshrl.u32 s26, $0x1F;
	v15 =	vnsel vm3, $0x0, v17;
	v17 =	vsel vm0, s26, v16;
	(v2sf) =	vpush v13, $0x9;
	s26 =	spop (v2sf);
	[smem:$0x72D] =	sst s1  }
0x1b1: {  	s3 =	sshra.s32 s18, $0x1F;
	v28 =	vnsel vm3, $0x0, v20;
	s12 =	sadd.s32 s17, s2;
	[smem:$0x736] =	sst s26  }
0x1b2: {  	v20 =	vsel vm0, s0, v18;
	s9 =	sshra.s32 s8, $0x1F;
	s2 =	smul.u32 $0x55555556, s3;
	v18 =	vsel vm0, s12, v15;
	v15 =	vsel vm0, s25, v28;
	s25 =	sld [smem:$0x729]  }
0x1b3: {  	(v2sf) =	vpush v13, $0x3;
	s17 =	smul.u32 $0x55555556, s9;
	s14 =	sshra.s32 s26, $0x1F;
	s26 =	sld [smem:$0x72A]  }
0x1b4: {  	s15 =	sshra.s32 s24, $0x1F;
	s3 =	spop (v2sf);
	[smem:$0x737] =	sst s2  }
0x1b5: {  	(v2sf) =	vpush v14, $0xD;
	s20 =	smul.u32 $0x55555556, s15;
	[smem:$0x738] =	sst s3  }
0x1b6: {  	[smem:$0x741] =	sst s17  }
0x1b7: {  	s1 =	sshra.s32 s3, $0x1F;
	[smem:$0x743] =	sst s20  }
0x1b8: {  	s6 =	spop (v2sf);
	[smem:$0x72E] =	sst s1  }
0x1b9: {  	v22 =	vshra.s32 v10, $0x1;
	[smem:$0x73B] =	sst s6;
	s11 =	spop (v2sf)  }
0x1ba: {  	(v2sf) =	vpush v14, $0x9;
	s2 =	sshra.s32 s6, $0x1F;
	s6 =	smulhi.u32 $0x55555556, s30;
	s30 =	sld [smem:$0x72B]  }
0x1bb: {  	(v2sf) =	vpush v14, $0x3;
	[smem:$0x73E] =	sst s11  }
0x1bc: {  	(v2sf) =	vpush v11, $0xE;
	s16 =	spop (v2sf);
	s2 =	smul.u32 $0x55555556, s2  }
0x1bd: {  	v16 =	vsel vm0, s19, v27;
	s3 =	sshra.s32 s11, $0x1F;
	[smem:$0x740] =	sst s16;
	s19 =	spop (v2sf)  }
0x1be: {  	v23 =	vshra.s32 v7, $0x1;
	v24 =	vld.idx.msk [tilespmem:v22+s23+$0x0], $0xffff;
	v26 =	vmov s21;
	v22 =	vnsel vm3, $0x0, v21;
	s3 =	smul.u32 $0x55555556, s3;
	[smem:$0x742] =	sst s19  }
0x1bf: {  	v21 =	vnsel vm3, $0x0, v26;
	v26 =	vshra.s32 v9, $0x1;
	(v2sf) =	vpush v11, $0xA;
	s21 =	spop (v2sf);
	[smem:$0x758] =	sst s2  }
0x1c0: {  	[smem:$0x744] =	sst s21  }
0x1c1: {  	(v2sf) =	vpush v11, $0x4;
	[smem:$0x75A] =	sst s3  }
0x1c2: {  	(v2sf) =	vpush v12, $0xE;
	s11 =	sshra.s32 s19, $0x1F;
	s22 =	spop (v2sf);
	s3 =	sld [smem:$0x730]  }
0x1c3: {  	v23 =	vld.idx.msk [tilespmem:v23+s23+$0x0], $0xffff;
	s1 =	sshra.s32 s21, $0x1F;
	s11 =	smul.u32 $0x55555556, s11;
	[smem:$0x745] =	sst s22  }
0x1c4: {  	v26 =	vld.idx.msk [tilespmem:v26+s23+$0x0], $0xffff;
	(v2sf) =	vpush v12, $0xA;
	s4 =	sshra.s32 s16, $0x1F;
	s23 =	spop (v2sf);
	s1 =	smul.u32 $0x55555556, s1  }
0x1c5: {  	[smem:$0x746] =	sst s23;
	s16 =	sshra.s32 s23, $0x1F;
	s23 =	smulhi.u32 $0x55555556, s29  }
0x1c6: {  	s29 =	smulhi.u32 $0x55555556, s18;
	[smem:$0x75F] =	sst s11  }
0x1c7: {  	s18 =	smulhi.u32 $0x55555556, s28;
	s11 =	sld [smem:$0x732]  }
0x1c8: {  	(v2sf) =	vpush v12, $0x4;
	s20 =	smulhi.u32 $0x55555556, s25;
	[smem:$0x762] =	sst s1  }
0x1c9: {  	s25 =	spop (v2sf);
	[smem:$0x73D] =	sst s18  }
0x1ca: {  	(v2sf) =	vpush v13, $0xE;
	s13 =	sshra.s32 s22, $0x1F;
	s18 =	smulhi.u32 $0x55555556, s24;
	s22 =	spop (v2sf)  }
0x1cb: {  	s24 =	sld [smem:$0x72D];
	s9 =	spop (v2sf)  }
0x1cc: {  	(v2sf) =	vpush v13, $0xA;
	[smem:$0x75C] =	sst s9  }
0x1cd: {  	s7 =	sshra.s32 s9, $0x1F;
	s9 =	sld [smem:$0x72C]  }
0x1ce: {  	s15 =	spop (v2sf);
	[smem:$0x747] =	sst s7  }
0x1cf: {  	s21 =	smulhi.u32 $0x55555556, s26;
	[smem:$0x761] =	sst s15;
	s7 =	sshra.s32 s15, $0x1F  }
0x1d0: {  	(v2sf) =	vpush v13, $0x4;
	s26 =	spop (v2sf);
	[smem:$0x748] =	sst s7  }
0x1d1: {  	[smem:$0x764] =	sst s26;
	s7 =	sshra.s32 s26, $0x1F;
	s15 =	spop (v2sf)  }
0x1d2: {  	[smem:$0x749] =	sst s7;
	s7 =	smulhi.u32 $0x55555556, s9  }
0x1d3: {  	(v2sf) =	vpush v14, $0xE;
	[smem:$0x767] =	sst s15;
	s26 =	spop (v2sf)  }
0x1d4: {  	[smem:$0x769] =	sst s26  }
0x1d5: {  	[smem:$0x73A] =	sst s7;
	s7 =	sshra.s32 s15, $0x1F  }
0x1d6: {  	[smem:$0x74A] =	sst s7;
	s7 =	sshra.s32 s26, $0x1F  }
0x1d7: {  	(v2sf) =	vpush v14, $0xA;
	[smem:$0x74B] =	sst s7;
	s7 =	spop (v2sf)  }
0x1d8: {  	s28 =	smulhi.u32 $0x55555556, s5;
	[smem:$0x76C] =	sst s7;
	s5 =	sshra.s32 s7, $0x1F  }
0x1d9: {  	s9 =	spop (v2sf);
	[smem:$0x74C] =	sst s5  }
0x1da: {  	s7 =	smul.u32 $0x55555556, s24;
	[smem:$0x76D] =	sst s9;
	s5 =	sshra.s32 s9, $0x1F  }
0x1db: {  	(v2sf) =	vpush v14, $0x4;
	s15 =	spop (v2sf);
	[smem:$0x74D] =	sst s5  }
0x1dc: {  	[smem:$0x76E] =	sst s15  }
0x1dd: {  	s26 =	smulhi.u32 $0x55555556, s8;
	[smem:$0x750] =	sst s7  }
0x1de: {  	s9 =	smul.u32 $0x55555556, s14;
	s5 =	sshra.s32 s15, $0x1F;
	s15 =	sld [smem:$0x72E]  }
0x1df: {  	s8 =	spop (v2sf);
	[smem:$0x74E] =	sst s5  }
0x1e0: {  	[smem:$0x76F] =	sst s8  }
0x1e1: {  	(v2sf) =	vpush v11, $0xF;
	[smem:$0x753] =	sst s9;
	s5 =	sshra.s32 s8, $0x1F  }
0x1e2: {  	s17 =	sshra.s32 s25, $0x1F;
	s14 =	spop (v2sf);
	[smem:$0x74F] =	sst s5  }
0x1e3: {  	(v2sf) =	vpush v11, $0xB;
	s19 =	sshra.s32 s22, $0x1F;
	s9 =	smul.u32 $0x55555556, s4;
	[smem:$0x770] =	sst s14  }
0x1e4: {  	s5 =	sshra.s32 s14, $0x1F;
	s14 =	sshrl.u32 s12, $0x1F;
	s12 =	smul.u32 $0x55555556, s17  }
0x1e5: {  	(v2sf) =	vpush v11, $0x5;
	s17 =	smul.u32 $0x55555556, s19;
	s19 =	sld [smem:$0x734]  }
0x1e6: {  	(v2sf) =	vpush v12, $0xF;
	s24 =	spop (v2sf);
	[smem:$0x752] =	sst s5  }
0x1e7: {  	(v2sf) =	vpush v12, $0xB;
	s4 =	smul.u32 $0x55555556, s13;
	[smem:$0x771] =	sst s24  }
0x1e8: {  	(v2sf) =	vpush v12, $0x5;
	[smem:$0x75D] =	sst s9  }
0x1e9: {  	(v2sf) =	vpush v13, $0xF;
	[smem:$0x763] =	sst s4  }
0x1ea: {  	(v2sf) =	vpush v13, $0xB;
	s8 =	spop (v2sf);
	s5 =	sld [smem:$0x731]  }
0x1eb: {  	(v2sf) =	vpush v13, $0x5;
	[smem:$0x773] =	sst s8  }
0x1ec: {  	(v2sf) =	vpush v14, $0xF;
	[smem:$0x766] =	sst s12  }
0x1ed: {  	(v2sf) =	vpush v14, $0xB;
	s7 =	smul.u32 $0x55555556, s15;
	[smem:$0x768] =	sst s17  }
0x1ee: {  	(v2sf) =	vpush v14, $0x5;
	s17 =	sld [smem:$0x73B]  }
0x1ef: {  	(v2sf) =	vpush v11, $0x6;
	s2 =	sshra.s32 s8, $0x1F;
	[smem:$0x755] =	sst s7  }
0x1f0: {  	(v2sf) =	vpush v12, $0x6;
	s8 =	spop (v2sf);
	[smem:$0x75B] =	sst s2  }
0x1f1: {  	s0 =	sshrl.u32 s0, $0x1F;
	s10 =	smulhi.u32 $0x55555556, s31;
	(v2sf) =	vpush v13, $0x6;
	[smem:$0x789] =	sst s8  }
0x1f2: {  	(v2sf) =	vpush v14, $0x6;
	s7 =	sshra.s32 s24, $0x1F;
	s9 =	spop (v2sf);
	s24 =	sld [smem:$0x72F]  }
0x1f3: {  	v54 =	vsub.s32 $0x0, v11;
	(v2sf) =	vpush v11, $0x7;
	v11 =	vsel vm0, s14, v21;
	s14 =	sadd.s32 s3, s10;
	s10 =	smul.u32 $0x55555556, s16;
	s16 =	sld [smem:$0x733]  }
0x1f4: {  	v22 =	vsel vm0, s0, v22;
	s0 =	smulhi.u32 $0x55555556, s19;
	s19 =	sld [smem:$0x73C]  }
0x1f5: {  	[smem:$0x757] =	sst s7  }
0x1f6: {  	s8 =	sshra.s32 s8, $0x1F;
	[smem:$0x78B] =	sst s9  }
0x1f7: {  	s13 =	sadd.s32 s5, s20;
	s20 =	sadd.s32 s11, s21;
	s21 =	sld [smem:$0x735]  }
0x1f8: {  	s31 =	spop (v2sf);
	[smem:$0x774] =	sst s8  }
0x1f9: {  	[smem:$0x78C] =	sst s31  }
0x1fa: {  	[smem:$0x765] =	sst s10  }
0x1fb: {  	[smem:$0x751] =	sst s0  }
0x1fc: {  	s9 =	sshra.s32 s9, $0x1F;
	s10 =	sld [smem:$0x739]  }
0x1fd: {  	[smem:$0x777] =	sst s9  }
0x1fe: {  	s7 =	spop (v2sf);
	s9 =	sld [smem:$0x745]  }
0x1ff: {  	s30 =	smulhi.u32 $0x55555556, s30;
	[smem:$0x78E] =	sst s7  }
0x200: {  	s15 =	sadd.s32 s24, s6;
	s24 =	sld [smem:$0x737]  }
0x201: {  	s12 =	sadd.s32 s16, s30;
	s30 =	sld [smem:$0x738]  }
0x202: {  	s6 =	spop (v2sf);
	s16 =	sld [smem:$0x73A]  }
0x203: {  	[smem:$0x78F] =	sst s6  }
0x204: {  	s11 =	sadd.s32 s21, s23;
	s23 =	sld [smem:$0x736]  }
0x205: {  	s7 =	sshra.s32 s7, $0x1F;
	s21 =	sld [smem:$0x73D]  }
0x206: {  	s5 =	spop (v2sf);
	[smem:$0x77B] =	sst s7  }
0x207: {  	[smem:$0x790] =	sst s5;
	s4 =	spop (v2sf)  }
0x208: {  	[dreg:$0x1f] =	wrdreg s4  }
0x209: {  	s5 =	sshra.s32 s5, $0x1F;
	s29 =	sadd.s32 s24, s29;
	s24 =	sld [smem:$0x73F]  }
0x20a: {  	s10 =	sadd.s32 s10, s16;
	s16 =	smulhi.u32 $0x55555556, s17;
	s17 =	sld [smem:$0x740]  }
0x20b: {  	[smem:$0x77E] =	sst s5  }
0x20c: {  	v55 =	vsub.s32 $0x0, v12;
	(v2sf) =	vpush v12, $0x7;
	v12 =	vmov s15;
	s3 =	spop (v2sf);
	s5 =	sshrl.u32 s15, $0x1F;
	s15 =	sld [smem:$0x74C]  }
0x20d: {  	[smem:$0x78D] =	sst s3  }
0x20e: {  	s4 =	sshra.s32 s4, $0x1F;
	s0 =	smulhi.u32 $0x55555556, s23;
	s23 =	sld [smem:$0x73E]  }
0x20f: {  	s2 =	spop (v2sf);
	[smem:$0x780] =	sst s4  }
0x210: {  	[smem:$0x786] =	sst s2  }
0x211: {  	s3 =	sshra.s32 s3, $0x1F;
	[smem:$0x759] =	sst s16  }
0x212: {  	[smem:$0x782] =	sst s3  }
0x213: {  	s3 =	sld [smem:$0x749]  }
0x214: {  	s1 =	spop (v2sf);
	[smem:$0x754] =	sst s0  }
0x215: {  	[smem:$0x78A] =	sst s1  }
0x216: {  	s2 =	sshra.s32 s2, $0x1F;
	s16 =	smulhi.u32 $0x55555556, s17;
	s17 =	sld [smem:$0x741]  }
0x217: {  	s0 =	smulhi.u32 $0x55555556, s30;
	[smem:$0x783] =	sst s2;
	s1 =	sshra.s32 s1, $0x1F  }
0x218: {  	[smem:$0x785] =	sst s1  }
0x219: {  	[smem:$0x756] =	sst s0  }
0x21a: {  	s0 =	spop (v2sf);
	[smem:$0x75E] =	sst s16  }
0x21b: {  	v57 =	vsub.s32 $0x0, v14;
	v17 =	vsel vm1, s11, v17;
	s2 =	smul.u32 $0x55555556, s3;
	s3 =	sshrl.u32 s11, $0x1F;
	s11 =	sld [smem:$0x74F]  }
0x21c: {  	v7 =	vand.u32 $0x1, v7;
	v10 =	vand.u32 $0x1, v10;
	v8 =	vand.u32 $0x1, v8;
	s19 =	sadd.s32 s19, s21;
	[smem:$0x784] =	sst s0  }
0x21d: {  	vm10 =	veq.s32 v7, $0x0;
	vm11 =	veq.s32 v8, $0x0;
	s30 =	smulhi.u32 $0x55555556, s23;
	s23 =	sadd.s32 s24, s28;
	v15 =	vsel vm1, s3, v15;
	s3 =	sld [smem:$0x756]  }
0x21e: {  	v30 =	vand.u32 $0xFFFF0000, v23;
	v23 =	vshll.u32 v23, $0x10;
	v9 =	vand.u32 $0x1, v9;
	s21 =	spop (v2sf);
	s26 =	sadd.s32 s17, s26;
	[smem:$0x776] =	sst s2  }
0x21f: {  	vm12 =	veq.s32 v9, $0x0;
	v27 =	vand.u32 $0xFFFF0000, v25;
	v25 =	vshll.u32 v25, $0x10;
	s24 =	spop (v2sf);
	[dreg:$0xd] =	wrdreg s21;
	s2 =	sshrl.u32 s12, $0x1F  }
0x220: {  	v9 =	vsel vm11, v25, v27;
	v21 =	vmov s12;
	v25 =	vmov s23;
	s12 =	sshrl.u32 s23, $0x1F;
	s23 =	sld [smem:$0x753];
	s17 =	spop (v2sf)  }
0x221: {  	v7 =	vsel vm10, v23, v30;
	vm9 =	veq.s32 v10, $0x0;
	(v2sf) =	vpush v13, $0x7;
	[smem:$0x76A] =	sst s17  }
0x222: {  	v10 =	vand.u32 $0xFFFF0000, v26;
	(v2sf) =	vpush v14, $0x7;
	v14 =	vsel vm1, s13, v19;
	s13 =	sshrl.u32 s13, $0x1F;
	s17 =	sld [smem:$0x742]  }
0x223: {  	v23 =	vshll.u32 v26, $0x10;
	v16 =	vsel vm1, s13, v16;
	v26 =	vmov s26;
	s13 =	sshrl.u32 s26, $0x1F;
	s26 =	sld [smem:$0x754]  }
0x224: {  	v30 =	vmov s2;
	s2 =	sld [smem:$0x755]  }
0x225: {  	s16 =	smulhi.u32 $0x55555556, s17;
	s17 =	sld [smem:$0x743]  }
0x226: {  	v27 =	vmov s5;
	s5 =	sshrl.u32 s29, $0x1F;
	v60 =	vmov s13;
	s13 =	sld [smem:$0x75A]  }
0x227: {  	v31 =	vmov s5;
	s5 =	smul.u32 $0x55555556, s11;
	[dreg:$0x10] =	wrdreg s24;
	s11 =	sadd.s32 s2, s3  }
0x228: {  	s3 =	sld [smem:$0x762];
	s18 =	sadd.s32 s17, s18;
	s17 =	spop (v2sf)  }
0x229: {  	[smem:$0x76B] =	sst s17  }
0x22a: {  	s13 =	sadd.s32 s13, s30;
	v14 =	vsel vm2, s11, v14;
	s11 =	sshrl.u32 s11, $0x1F;
	s17 =	sld [smem:$0x744]  }
0x22b: {  	v21 =	vsel vm0, s13, v21;
	v37 =	vsel vm2, s11, v16;
	s11 =	sshrl.u32 s13, $0x1F;
	s13 =	sld [smem:$0x76E]  }
0x22c: {  	s28 =	smulhi.u32 $0x55555556, s9;
	[smem:$0x760] =	sst s16  }
0x22d: {  	s16 =	smulhi.u32 $0x55555556, s17;
	s17 =	spop (v2sf)  }
0x22e: {  	v59 =	vmov s12;
	s12 =	sadd.s32 s23, s26;
	s26 =	sld [smem:$0x760];
	s9 =	spop (v2sf)  }
0x22f: {  	[dreg:$0xf] =	wrdreg s9;
	s9 =	sshra.s32 s31, $0x1F  }
0x230: {  	[smem:$0x779] =	sst s9  }
0x231: {  	s9 =	sld [smem:$0x746]  }
0x232: {  	v19 =	vmov s20;
	s1 =	sshrl.u32 s20, $0x1F;
	v18 =	vsel vm1, s18, v18;
	s20 =	sshrl.u32 s18, $0x1F;
	s18 =	sld [smem:$0x75D]  }
0x233: {  	v11 =	vsel vm1, s20, v11;
	s20 =	sld [smem:$0x75F]  }
0x234: {  	s31 =	smulhi.u32 $0x55555556, s9;
	s9 =	spop (v2sf)  }
0x235: {  	[dreg:$0xe] =	wrdreg s9;
	s8 =	spop (v2sf)  }
0x236: {  	[smem:$0x781] =	sst s8  }
0x237: {  	s9 =	spop (v2sf);
	s8 =	sld [smem:$0x747]  }
0x238: {  	[smem:$0x7DA] =	sst s9  }
0x239: {  	s7 =	sshra.s32 s6, $0x1F;
	s9 =	sld [smem:$0x748]  }
0x23a: {  	[dreg:$0x14] =	wrdreg s17;
	s6 =	smul.u32 $0x55555556, s8;
	s8 =	sshra.s32 s21, $0x1F  }
0x23b: {  	[smem:$0x788] =	sst s8  }
0x23c: {  	v56 =	vsub.s32 $0x0, v13;
	v13 =	vmov s14;
	s4 =	smul.u32 $0x55555556, s9;
	s9 =	sshrl.u32 s14, $0x1F;
	s14 =	sld [smem:$0x74B]  }
0x23d: {  	s8 =	smul.u32 $0x55555556, s15;
	s15 =	sld [smem:$0x751]  }
0x23e: {  	v29 =	vand.u32 $0xFFFF0000, v24;
	v24 =	vshll.u32 v24, $0x10;
	[smem:$0x772] =	sst s6  }
0x23f: {  	v8 =	vsel vm9, v24, v29;
	s6 =	sld [smem:$0x74A]  }
0x240: {  	v24 =	vmov s10;
	v20 =	vsel vm1, s19, v20;
	v28 =	vmov s9;
	s9 =	sshrl.u32 s10, $0x1F;
	s10 =	sshrl.u32 s19, $0x1F;
	s19 =	sld [smem:$0x752]  }
0x241: {  	[smem:$0x775] =	sst s4  }
0x242: {  	s4 =	sshra.s32 s0, $0x1F;
	v22 =	vsel vm1, s10, v22;
	s10 =	sld [smem:$0x759]  }
0x243: {  	[smem:$0x787] =	sst s4  }
0x244: {  	s4 =	sld [smem:$0x74D]  }
0x245: {  	s21 =	smul.u32 $0x55555556, s14;
	s14 =	sld [smem:$0x750]  }
0x246: {  	s0 =	smul.u32 $0x55555556, s6;
	s6 =	sld [smem:$0x74E]  }
0x247: {  	v29 =	vmov s1;
	s1 =	smul.u32 $0x55555556, s19;
	s19 =	sld [smem:$0x75E]  }
0x248: {  	[smem:$0x778] =	sst s0  }
0x249: {  	[smem:$0x77D] =	sst s1  }
0x24a: {  	s0 =	smul.u32 $0x55555556, s4;
	s4 =	sld [smem:$0x757]  }
0x24b: {  	v58 =	vmov s9;
	s9 =	sadd.s32 s14, s15;
	s14 =	sld [smem:$0x75B]  }
0x24c: {  	s15 =	sld [smem:$0x75C]  }
0x24d: {  	s1 =	sld [smem:$0x761]  }
0x24e: {  	[smem:$0x77A] =	sst s0  }
0x24f: {  	v12 =	vsel vm0, s9, v12;
	s9 =	sshrl.u32 s9, $0x1F;
	s0 =	smul.u32 $0x55555556, s6;
	s6 =	sld [smem:$0x758]  }
0x250: {  	v13 =	vsel vm0, s12, v13;
	v27 =	vsel vm0, s9, v27;
	s9 =	sshrl.u32 s12, $0x1F;
	s12 =	sld [smem:$0x76D];
	s2 =	smul.u32 $0x55555556, s4  }
0x251: {  	s30 =	smulhi.u32 $0x55555556, s15;
	s15 =	sadd.s32 s18, s19;
	s19 =	sld [smem:$0x765]  }
0x252: {  	s4 =	smulhi.u32 $0x55555556, s1;
	s1 =	sld [smem:$0x769]  }
0x253: {  	s18 =	sadd.s32 s3, s16;
	s3 =	sld [smem:$0x76C]  }
0x254: {  	[smem:$0x77C] =	sst s0  }
0x255: {  	s0 =	smul.u32 $0x55555556, s14;
	s14 =	sadd.s32 s20, s26;
	s20 =	sld [smem:$0x766]  }
0x256: {  	s26 =	sld [smem:$0x768]  }
0x257: {  	s23 =	sadd.s32 s6, s10;
	s6 =	sld [smem:$0x763]  }
0x258: {  	v17 =	vsel vm2, s15, v17;
	s15 =	sshrl.u32 s15, $0x1F;
	s10 =	sld [smem:$0x764]  }
0x259: {  	s25 =	smulhi.u32 $0x55555556, s25;
	v24 =	vsel vm0, s18, v24;
	v15 =	vsel vm2, s15, v15;
	s15 =	sshrl.u32 s18, $0x1F;
	s18 =	sld [smem:$0x770]  }
0x25a: {  	s22 =	smulhi.u32 $0x55555556, s22;
	[smem:$0x77F] =	sst s0  }
0x25b: {  	v28 =	vsel vm0, s9, v28;
	v19 =	vsel vm0, s23, v19;
	s9 =	sshrl.u32 s23, $0x1F;
	s23 =	smulhi.u32 $0x55555556, s13;
	s13 =	sld [smem:$0x76F]  }
0x25c: {  	s7 =	smul.u32 $0x55555556, s7;
	v32 =	vsel vm0, s15, v58;
	s15 =	sld [smem:$0x772]  }
0x25d: {  	v10 =	vsel vm12, v23, v10;
	v23 =	vmov s29;
	s22 =	sadd.s32 s26, s22;
	s26 =	smulhi.u32 $0x55555556, s1;
	s1 =	sld [smem:$0x76B]  }
0x25e: {  	v23 =	vsel vm0, s14, v23;
	s14 =	sshrl.u32 s14, $0x1F;
	v29 =	vsel vm0, s9, v29;
	s9 =	sld [smem:$0x771];
	s16 =	sadd.s32 s6, s28  }
0x25f: {  	s0 =	smulhi.u32 $0x55555556, s10;
	s6 =	sshra.s32 s24, $0x1F;
	s24 =	sld [smem:$0x767]  }
0x260: {  	v31 =	vsel vm0, s14, v31;
	s10 =	sadd.s32 s19, s31;
	s14 =	smulhi.u32 $0x55555556, s18;
	s31 =	rddreg [dreg:$0xf]  }
0x261: {  	v30 =	vsel vm0, s11, v30;
	s25 =	sadd.s32 s20, s25;
	s18 =	sld [smem:$0x773];
	s11 =	smulhi.u32 $0x55555556, s13  }
0x262: {  	v26 =	vsel vm0, s25, v26;
	s13 =	sshrl.u32 s25, $0x1F;
	s25 =	sadd.s32 s15, s30;
	s30 =	rddreg [dreg:$0xe]  }
0x263: {  	s12 =	smulhi.u32 $0x55555556, s12;
	s15 =	sld [smem:$0x774]  }
0x264: {  	s28 =	smulhi.u32 $0x55555556, s3;
	s21 =	sadd.s32 s21, s26;
	s26 =	sld [smem:$0x779]  }
0x265: {  	v36 =	vsel vm2, s22, v18;
	v25 =	vsel vm0, s10, v25;
	s10 =	sshrl.u32 s10, $0x1F;
	v34 =	vsel vm0, s13, v60;
	s13 =	sshrl.u32 s22, $0x1F;
	s22 =	sld [smem:$0x775]  }
0x266: {  	v61 =	vsel vm2, s16, v20;
	s16 =	sshrl.u32 s16, $0x1F;
	s3 =	sshra.s32 s31, $0x1F;
	v33 =	vsel vm0, s10, v59;
	s10 =	sld [smem:$0x77B]  }
0x267: {  	s19 =	sshra.s32 s1, $0x1F;
	s29 =	smulhi.u32 $0x55555556, s24;
	s24 =	sld [smem:$0x76A]  }
0x268: {  	v38 =	vsel vm2, s16, v22;
	s16 =	smulhi.u32 $0x55555556, s9;
	s5 =	sadd.s32 s5, s11;
	s11 =	sld [smem:$0x77E]  }
0x269: {  	s8 =	sadd.s32 s8, s28;
	s22 =	sadd.s32 s22, s4;
	s4 =	sld [smem:$0x776]  }
0x26a: {  	v11 =	vsel vm2, s13, v11;
	s13 =	sld [smem:$0x777];
	s9 =	smul.u32 $0x55555556, s15;
	s16 =	sadd.s32 s2, s16  }
0x26b: {  	s15 =	sld [smem:$0x778];
	v18 =	vsel vm1, s16, v26;
	s16 =	sshrl.u32 s16, $0x1F;
	s20 =	sshra.s32 s24, $0x1F  }
0x26c: {  	s2 =	smul.u32 $0x55555556, s11;
	s0 =	sadd.s32 s4, s0;
	s4 =	sld [smem:$0x77A]  }
0x26d: {  	s11 =	smov.u32 s24;
	s24 =	smov.u32 s19;
	s19 =	smov.u32 s6  }
0x26e: {  	v39 =	vsel vm1, s25, v12;
	s6 =	sshrl.u32 s25, $0x1F;
	s25 =	sld [smem:$0x7DA];
	s29 =	sadd.s32 s15, s29  }
0x26f: {  	s15 =	smul.u32 $0x55555556, s26;
	s26 =	sadd.s32 s4, s12;
	s12 =	sld [smem:$0x77C]  }
0x270: {  	v40 =	vsel vm1, s22, v13;
	v62 =	vsel vm1, s6, v27;
	s6 =	sshrl.u32 s22, $0x1F;
	s22 =	sld [smem:$0x783];
	v41 =	vsel vm4, s0, v14;
	s0 =	sshrl.u32 s0, $0x1F  }
0x271: {  	s31 =	smov.u32 s1;
	v27 =	vsel vm1, s16, v34;
	s16 =	rddreg [dreg:$0x6];
	v37 =	vsel vm4, s0, v37;
	s0 =	sshrl.u32 s29, $0x1F  }
0x272: {  	v63 =	vsel vm1, s6, v28;
	s6 =	sld [smem:$0x785];
	v29 =	vsel vm1, s0, v29;
	s0 =	sshrl.u32 s8, $0x1F;
	s23 =	sadd.s32 s12, s23  }
0x273: {  	s18 =	smulhi.u32 $0x55555556, s18;
	v26 =	vsel vm4, s0, v15;
	v14 =	vsel vm1, s23, v24;
	s0 =	sshrl.u32 s23, $0x1F;
	s23 =	sld [smem:$0x788]  }
0x274: {  	v20 =	vsel vm1, s21, v21;
	s21 =	sshrl.u32 s21, $0x1F;
	s13 =	smul.u32 $0x55555556, s13;
	s12 =	sld [smem:$0x77F]  }
0x275: {  	v42 =	vsel vm1, s29, v19;
	v28 =	vsel vm1, s21, v30;
	s4 =	smul.u32 $0x55555556, s10;
	s10 =	sld [smem:$0x77D];
	s21 =	sshrl.u32 s26, $0x1F  }
0x276: {  	v19 =	vsel vm4, s5, v61;
	v13 =	vsel vm1, s26, v23;
	v23 =	vsel vm1, s21, v31;
	s21 =	sshrl.u32 s5, $0x1F;
	s5 =	smul.u32 $0x55555556, s23;
	s23 =	sld [smem:$0x789]  }
0x277: {  	s1 =	sadd.s32 s12, s18;
	s18 =	sshra.s32 s30, $0x1F;
	s30 =	sld [smem:$0x781]  }
0x278: {  	s22 =	smul.u32 $0x55555556, s22;
	s29 =	sld [smem:$0x784];
	s28 =	sadd.s32 s10, s14  }
0x279: {  	v12 =	vsel vm4, s8, v17;
	s8 =	sld [smem:$0x787];
	v22 =	vsel vm1, s0, v32;
	s0 =	sshrl.u32 s28, $0x1F;
	s23 =	smulhi.u32 $0x55555556, s23  }
0x27a: {  	s26 =	sld [smem:$0x786];
	v21 =	vsel vm1, s0, v33;
	s0 =	sshrl.u32 s1, $0x1F;
	s12 =	sshra.s32 s30, $0x1F  }
0x27b: {  	v17 =	vsel vm4, s1, v36;
	s1 =	sadd.s32 s9, s23;
	s23 =	smov.u32 s30;
	s30 =	sld [smem:$0x78C]  }
0x27c: {  	s6 =	smul.u32 $0x55555556, s6;
	v24 =	vsel vm4, s21, v38;
	s21 =	sld [smem:$0x78B]  }
0x27d: {  	s14 =	sld [smem:$0x780];
	s8 =	smul.u32 $0x55555556, s8  }
0x27e: {  	s17 =	sshra.s32 s17, $0x1F;
	s9 =	smulhi.u32 $0x55555556, s30;
	s30 =	sld [smem:$0x78E]  }
0x27f: {  	s25 =	sshra.s32 s25, $0x1F;
	v16 =	vsel vm1, s28, v25;
	s28 =	sld [smem:$0x78A];
	s21 =	smulhi.u32 $0x55555556, s21  }
0x280: {  	s10 =	smul.u32 $0x55555556, s14;
	s9 =	sadd.s32 s15, s9;
	s15 =	sld [smem:$0x78F]  }
0x281: {  	s14 =	sld [smem:$0x782];
	v25 =	vsel vm4, s0, v11;
	s0 =	sadd.s32 s13, s21;
	s13 =	smulhi.u32 $0x55555556, s30  }
.Ltmp1:
0x282: {  	v11 =	vsel vm2, s1, v39;
	s1 =	sshrl.u32 s1, $0x1F;
	s30 =	sshrl.u32 s9, $0x1F;
	(pc) =	sbr.rel @p1 .LBB2_5-.Ltmp1, $4  }
0x283: {  	v30 =	vsel vm2, s1, v62;
	s1 =	smulhi.u32 $0x55555556, s15;
	s4 =	sadd.s32 s4, s13;
	s13 =	sld [smem:$0x790]  }
0x284: {  	s14 =	smul.u32 $0x55555556, s14;
	v15 =	vsel vm2, s0, v40;
	s0 =	sshrl.u32 s0, $0x1F;
	v31 =	vsel vm5, s30, v37;
	s30 =	rddreg [dreg:$0x1f]  }
0x285: {  	v6 =	vmovc v56;
	v5 =	vmov v57;
	v11 =	vcombine.low v15, v11;
	v15 =	vsel vm2, s0, v63;
	s15 =	rddreg [dreg:$0x9];
	s0 =	sadd.s32 s7, s1;
	s1 =	smulhi.u32 $0x55555556, s30  }
0x286: {  	v3 =	vmovc v54;
	v4 =	vmovc v55;
	s21 =	sld [smem:$0x78D];
	v33 =	vcombine.low v15, v30;
	v32 =	vsel vm5, s9, v41;
	v34 =	vsel vm2, s4, v42;
	s7 =	sadd.s32 $0x50, s15;
	s13 =	smulhi.u32 $0x55555556, s13  }
0x287: {  	s9 =	smulhi.u32 $0x55555556, s26  }
0x288: {  	s15 =	smulhi.u32 $0x55555556, s28  }
0x289: {  	s16 =	smulhi.u32 $0x55555556, s29  }
0x28a: {  	s19 =	smul.u32 $0x55555556, s19  }
0x28b: {  	s20 =	smul.u32 $0x55555556, s20  }
0x28c: {  	s4 =	sshrl.u32 s4, $0x1F;
	s2 =	sadd.s32 s2, s13;
	s13 =	smul.u32 $0x55555556, s24  }
0x28d: {  	s26 =	rddreg [dreg:$0xd];
	v15 =	vsel vm2, s4, v29;
	s4 =	smul.u32 $0x55555556, s17  }
0x28e: {  	s1 =	sadd.s32 s10, s1;
	s10 =	sshrl.u32 s0, $0x1F;
	s7 =	smulhi.u32 $0x55555556, s21  }
0x28f: {  	v28 =	vsel vm2, s10, v28;
	s10 =	rddreg [dreg:$0x10];
	v13 =	vsel vm2, s1, v13;
	s1 =	sshrl.u32 s1, $0x1F;
	s21 =	smulhi.u32 $0x55555556, s26  }
0x290: {  	v20 =	vsel vm2, s0, v20;
	s17 =	rddreg [dreg:$0x14];
	s26 =	sadd.s32 s22, s9;
	s9 =	smulhi.u32 $0x55555556, s10  }
0x291: {  	v20 =	vcombine.low v20, v34;
	v12 =	vsel vm5, s2, v12;
	s2 =	sshrl.u32 s2, $0x1F;
	s10 =	smulhi.u32 $0x55555556, s11;
	v15 =	vcombine.low v28, v15;
	s16 =	sadd.s32 s8, s16  }
0x292: {  	v11 =	vperm.xlane v11, v1;
	v29 =	vperm.xlane v33, v1;
	s8 =	smulhi.u32 $0x55555556, s17;
	v26 =	vsel vm5, s2, v26;
	s24 =	sadd.s32 s14, s7;
	s14 =	sadd.s32 s6, s15  }
0x293: {  	v18 =	vsel vm2, s16, v18;
	v20 =	vperm.xlane v20, v1;
	s6 =	smulhi.u32 $0x55555556, s31;
	s15 =	sshrl.u32 s26, $0x1F;
	s31 =	sadd.s32 s5, s21;
	v15 =	vperm.xlane v15, v1  }
0x294: {  	s5 =	smul.u32 $0x55555556, s18;
	s11 =	sadd.s32 s19, s9;
	s19 =	rddreg [dreg:$0xf];
	v14 =	vsel vm2, s24, v14;
	v16 =	vsel vm2, s14, v16;
	v17 =	vsel vm5, s31, v17  }
0x295: {  	s0 =	sshrl.u32 s24, $0x1F;
	s22 =	sshrl.u32 s14, $0x1F;
	s14 =	smul.u32 $0x55555556, s12;
	v13 =	vcombine.low v14, v13;
	v14 =	vsel vm5, s26, v19;
	v19 =	vsel vm2, s1, v23  }
0x296: {  	s24 =	sshrl.u32 s16, $0x1F;
	s16 =	sadd.s32 s20, s10;
	s10 =	smulhi.u32 $0x55555556, s19;
	v22 =	vsel vm2, s0, v22;
	v23 =	vsel vm5, s15, v24;
	v21 =	vsel vm2, s22, v21  }
0x297: {  	s4 =	sadd.s32 s4, s8;
	s7 =	sshrl.u32 s31, $0x1F;
	s26 =	smul.u32 $0x55555556, s3;
	v24 =	vsel vm2, s24, v27;
	v16 =	vcombine.low v18, v16;
	v12 =	vsel vm6, s16, v12  }
0x298: {  	s15 =	sshrl.u32 s11, $0x1F;
	s18 =	sshrl.u32 s16, $0x1F;
	s6 =	sadd.s32 s13, s6;
	v17 =	vsel vm6, s4, v17;
	v19 =	vcombine.low v22, v19;
	v21 =	vcombine.low v24, v21  }
0x299: {  	s21 =	rddreg [dreg:$0xe];
	s24 =	smulhi.u32 $0x55555556, s23;
	v22 =	vsel vm5, s7, v25;
	v24 =	vsel vm6, s15, v31;
	s20 =	sshrl.u32 s6, $0x1F;
	v25 =	vsel vm6, s18, v26  }
0x29a: {  	s22 =	sshrl.u32 s4, $0x1F;
	s7 =	smulhi.u32 $0x55555556, s21;
	v14 =	vsel vm6, s6, v14;
	v23 =	vsel vm6, s20, v23;
	v13 =	vperm.xlane v13, v1  }
0x29b: {  	s17 =	smul.u32 $0x55555556, s25;
	v22 =	vsel vm6, s22, v22;
	v16 =	vperm.xlane v16, v1;
	s3 =	sadd.s32 s14, s24;
	v18 =	vperm.xlane v19, v1  }
0x29c: {  	s25 =	sadd.s32 s26, s10;
	s26 =	sld [smem:$0x7DA];
	v19 =	vperm.xlane v21, v1;
	v21 =	vsel vm6, s11, v32;
	s0 =	sadd.s32 s5, s7;
	v14 =	vsel vm7, s3, v14  }
0x29d: {  	s1 =	sshrl.u32 s25, $0x1F;
	s31 =	sshrl.u32 s3, $0x1F;
	v21 =	vsel vm7, s25, v21;
	v12 =	vsel vm7, s0, v12;
	v14 =	vperm.xlane v14, v2  }
0x29e: {  	v24 =	vsel vm7, s1, v24;
	s0 =	sshrl.u32 s0, $0x1F;
	v23 =	vsel vm7, s31, v23;
	v21 =	vperm.xlane v21, v2  }
0x29f: {  	s2 =	smulhi.u32 $0x55555556, s26;
	v24 =	vperm.xlane v24, v2;
	v25 =	vsel vm7, s0, v25;
	v23 =	vperm.xlane v23, v2  }
0x2a0: {  	v12 =	vperm.xlane v12, v2;
	v25 =	vperm.xlane v25, v2;
	v13 =	vsel vm8, v14, v13  }
0x2a1: {  	s2 =	sadd.s32 s17, s2;
	v24 =	vsel vm8, v24, v29;
	v18 =	vsel vm8, v23, v18;
	v11 =	vsel vm8, v21, v11  }
0x2a2: {  	v12 =	vsel vm8, v12, v20;
	v17 =	vsel vm7, s2, v17;
	s1 =	sshrl.u32 s2, $0x1F;
	v15 =	vsel vm8, v25, v15  }
0x2a3: {  	v11 =	vadd.s32 v24, v11;
	s2 =	sld [smem:$0x7DB];
	v22 =	vsel vm7, s1, v22;
	v17 =	vperm.xlane v17, v2  }
0x2a4: {  	v12 =	vadd.s32 v15, v12;
	v14 =	vmul.u32 $0xFFFFFFFD, v11;
	v22 =	vperm.xlane v22, v2  }
0x2a5: {  	v13 =	vadd.s32 v18, v13;
	v15 =	vsel vm8, v17, v16;
	v16 =	vmul.u32 $0xFFFFFFFD, v12  }
0x2a6: {  	s3 =	sld [smem:$0x7DF];
	s0 =	sshll.u32 s2, $0x1;
	v17 =	vmul.u32 $0xFFFFFFFD, v13;
	vm9 =	veq.s32 v14, v3;
	v19 =	vsel vm8, v22, v19  }
0x2a7: {  	s4 =	simm.s32 $0xE380;
	[smem:$0x6C9] =	sst s0;
	v15 =	vadd.s32 v19, v15;
	vm10 =	veq.s32 v16, v4;
	v4 =	vnsel vm9, $0x0, v8  }
0x2a8: {  	vm9 =	veq.s32 v17, v6;
	v3 =	vmul.u32 $0xFFFFFFFD, v15;
	v6 =	vnsel vm10, $0x0, v7;
	[tilespmem:v11+s4+$0x0] =	vst.idx.add.f32.msk $0xffff, v4  }
0x2a9: {  	s0 =	sadd.s32 $0x2, s0;
	[tilespmem:v12+s4+$0x0] =	vst.idx.add.f32.msk $0xffff, v6  }
0x2aa: {  	p1 =	sge.u32 s0, s3;
	vm10 =	veq.s32 v3, v5;
	v3 =	vnsel vm9, $0x0, v9;
	s1 =	sld [smem:$0x7E0]  }
0x2ab: {  	s0 =	smul.u32 @!p1 $0x7D0, s0;
	v4 =	vnsel vm10, $0x0, v10;
	[tilespmem:v13+s4+$0x0] =	vst.idx.add.f32.msk $0xffff, v3  }
0x2ac: {  	[tilespmem:v15+s4+$0x0] =	vst.idx.add.f32.msk $0xffff, v4  }
0x2ad: {  	s0 =	sadd.s32 @!p1 s1, s0;
	s1 =	sld [smem:$0x7E3];
	_ =	sdelay $0x1  }
0x2ae: {  	s0 =	sshrl.u32 @!p1 s0, $0x3  }
0x2af: {  	s2 =	simm.s32 @!p1 $0x0;
	s3 =	simm.s32 @!p1 $0xC380;
	s1 =	sadd.s32 @!p1 s1, s0  }
0x2b0: {  	[tilespmem:s3], [sflag:$0x1] =	stream.linear.gather @!p1 [hbm4b:s1+s2], $0x7D0, $0x38;
	[tilespmem:$0x1F280] =	vst v63  }
0x2b1: {  	s1 =	sld [smem:$0x7E6];
	_ =	sdelay $0x2  }
0x2b2: {  	s5 =	simm.s32 $0x2;
	s0 =	sadd.s32 @!p1 s1, s0;
	s1 =	simm.s32 @!p1 $0xCB80  }
0x2b3: {  	[tilespmem:s1], [sflag:$0x1] =	stream.linear.gather @!p1 [hbm4b:s0+s2], $0x7D0, $0x38;
	[tilespmem:$0x1F280] =	vst v63  }
0x2b4: {  	_ =	swait.ge [sflag:s5], $0x7D0  }
0x2b5: {  	[sflag:s5] =	ssyncset.done $0x0  }
0x2b6: {  	[sflag:s5] =	ssyncadd.s32 $0xFFFFF830  }
0x2b7: {  	_ =	swait.ge [sflag:s5], $0x7D0  }
0x2b8: {  	[sflag:s5] =	ssyncset.done $0x0  }
0x2b9: {  	s6 =	simm.s32 $0xDBA0;
	[sflag:s5] =	ssyncadd.s32 $0xFFFFF830  }
0x2ba: {  	v6 =	vld [tilespmem:s6+$0x20];
	_ =	sdelay $0x4  }
0x2bb: {  	(v2sf) =	vpush v6, $0x7  }
0x2bc: {  	(v2sf) =	vpush v6, $0x6;
	_ =	sdelay $0x1  }
0x2bd: {  	(v2sf) =	vpush v6, $0xF  }
0x2be: {  	(v2sf) =	vpush v6, $0xB  }
0x2bf: {  	(v2sf) =	vpush v6, $0x5  }
0x2c0: {  	(v2sf) =	vpush v6, $0xE  }
0x2c1: {  	(v2sf) =	vpush v6, $0xA  }
0x2c2: {  	(v2sf) =	vpush v6, $0x4  }
0x2c3: {  	(v2sf) =	vpush v6, $0xD  }
0x2c4: {  	(v2sf) =	vpush v6, $0x9  }
0x2c5: {  	(v2sf) =	vpush v6, $0x3;
	_ =	sdelay $0x3  }
0x2c6: {  	s7 =	spop (v2sf)  }
0x2c7: {  	(v2sf) =	vpush v6, $0xC;
	s8 =	spop (v2sf);
	s22 =	smulhi.u32 $0x55555556, s7  }
0x2c8: {  	s2 =	sshra.s32 s7, $0x1F;
	s10 =	smulhi.u32 $0x55555556, s8  }
0x2c9: {  	s9 =	spop (v2sf);
	s2 =	smul.u32 $0x55555556, s2  }
0x2ca: {  	s11 =	spop (v2sf);
	s26 =	smulhi.u32 $0x55555556, s9  }
0x2cb: {  	s3 =	spop (v2sf);
	s12 =	smulhi.u32 $0x55555556, s11  }
0x2cc: {  	[smem:$0x6DB] =	sst s10;
	s13 =	spop (v2sf)  }
0x2cd: {  	[smem:$0x6D1] =	sst s12;
	s14 =	spop (v2sf)  }
0x2ce: {  	s15 =	smulhi.u32 $0x55555556, s14;
	s16 =	spop (v2sf)  }
0x2cf: {  	s17 =	smulhi.u32 $0x55555556, s16;
	s18 =	spop (v2sf)  }
0x2d0: {  	(v2sf) =	vpush v6, $0x8;
	[smem:$0x6CE] =	sst s15;
	s19 =	spop (v2sf)  }
0x2d1: {  	s20 =	smulhi.u32 $0x55555556, s19;
	s21 =	spop (v2sf)  }
0x2d2: {  	s4 =	sshra.s32 s8, $0x1F;
	[smem:$0x6D7] =	sst s17;
	s23 =	smulhi.u32 $0x55555556, s21  }
0x2d3: {  	s4 =	smul.u32 $0x55555556, s4;
	s5 =	sshra.s32 s11, $0x1F;
	(v2sf) =	vpush v6, $0x2;
	[smem:$0x6CA] =	sst s20  }
0x2d4: {  	s0 =	smul.u32 $0x55555556, s5;
	(v2sf) =	vpush v6, $0x1;
	[smem:$0x6D5] =	sst s23  }
0x2d5: {  	s24 =	smulhi.u32 $0x55555556, s13;
	v3 =	vld [tilespmem:s6+$0xFFFFFFE0]  }
0x2d6: {  	(v2sf) =	vpush v6, $0x0;
	s29 =	smulhi.u32 $0x55555556, s18;
	s25 =	spop (v2sf)  }
0x2d7: {  	s31 =	sshra.s32 s9, $0x1F;
	s1 =	smulhi.u32 $0x55555556, s25;
	v4 =	vld [tilespmem:s6+$0xFFFFFFF0];
	[smem:$0x6DD] =	sst s2  }
0x2d8: {  	s10 =	sshra.s32 s18, $0x1F;
	v5 =	vld [tilespmem:s6+$0x0];
	[smem:$0x6DC] =	sst s4;
	s4 =	smul.u32 $0x55555556, s31  }
0x2d9: {  	s8 =	sshra.s32 s14, $0x1F;
	s31 =	smul.u32 $0x55555556, s10  }
0x2da: {  	v11 =	vld [tilespmem:s6+$0x10];
	s6 =	sshra.s32 s13, $0x1F;
	[smem:$0x6D2] =	sst s0;
	s0 =	smul.u32 $0x55555556, s8;
	(v2sf) =	vpush v3, $0x0  }
0x2db: {  	s9 =	sshra.s32 s16, $0x1F;
	s7 =	smul.u32 $0x55555556, s6  }
0x2dc: {  	[smem:$0x6CF] =	sst s0;
	s0 =	smul.u32 $0x55555556, s9;
	(v2sf) =	vpush v4, $0x0  }
0x2dd: {  	s11 =	sshra.s32 s19, $0x1F;
	[smem:$0x6D0] =	sst s4;
	s6 =	smulhi.u32 $0x55555556, s3  }
0x2de: {  	s15 =	sshra.s32 s25, $0x1F;
	[smem:$0x6D8] =	sst s0;
	s0 =	smul.u32 $0x55555556, s11;
	(v2sf) =	vpush v5, $0x0  }
0x2df: {  	s13 =	spop (v2sf);
	s11 =	smul.u32 $0x55555556, s15;
	(v2sf) =	vpush v11, $0x0  }
0x2e0: {  	[smem:$0x6CD] =	sst s7;
	s7 =	sshra.s32 s3, $0x1F;
	s17 =	smulhi.u32 $0x55555556, s13  }
0x2e1: {  	[smem:$0x6D9] =	sst s6;
	s18 =	sshra.s32 s13, $0x1F;
	s8 =	smul.u32 $0x55555556, s7  }
0x2e2: {  	s16 =	spop (v2sf);
	s9 =	smul.u32 $0x55555556, s18;
	(v2sf) =	vpush v3, $0x1  }
0x2e3: {  	s12 =	sshra.s32 s21, $0x1F;
	s19 =	spop (v2sf);
	s25 =	smulhi.u32 $0x55555556, s16  }
0x2e4: {  	s2 =	sshra.s32 s16, $0x1F;
	[smem:$0x6CB] =	sst s0;
	s0 =	smul.u32 $0x55555556, s12;
	(v2sf) =	vpush v4, $0x1  }
0x2e5: {  	s21 =	spop (v2sf);
	s5 =	smul.u32 $0x55555556, s2  }
0x2e6: {  	s20 =	smulhi.u32 $0x55555556, s19;
	[smem:$0x6DA] =	sst s8  }
0x2e7: {  	s12 =	sshra.s32 s19, $0x1F;
	s23 =	smulhi.u32 $0x55555556, s21;
	[smem:$0x6D3] =	sst s25;
	(v2sf) =	vpush v5, $0x1  }
0x2e8: {  	s4 =	sshra.s32 s21, $0x1F;
	s21 =	smul.u32 $0x55555556, s12;
	[smem:$0x6D6] =	sst s0  }
0x2e9: {  	s10 =	smul.u32 $0x55555556, s4;
	(v2sf) =	vpush v11, $0x1;
	s14 =	spop (v2sf)  }
0x2ea: {  	[smem:$0x6CC] =	sst s23;
	s19 =	sshra.s32 s14, $0x1F;
	s8 =	smulhi.u32 $0x55555556, s14  }
0x2eb: {  	s12 =	spop (v2sf);
	s23 =	smul.u32 $0x55555556, s19  }
0x2ec: {  	[smem:$0x6D4] =	sst s5;
	s2 =	sshra.s32 s12, $0x1F;
	s12 =	smulhi.u32 $0x55555556, s12  }
0x2ed: {  	(v2sf) =	vpush v3, $0xC;
	s25 =	spop (v2sf);
	s3 =	smul.u32 $0x55555556, s2  }
0x2ee: {  	(v2sf) =	vpush v3, $0x8;
	s4 =	spop (v2sf);
	[smem:$0x6DF] =	sst s8  }
0x2ef: {  	(v2sf) =	vpush v3, $0x2;
	s5 =	sshra.s32 s25, $0x1F;
	s13 =	smulhi.u32 $0x55555556, s25;
	[smem:$0x6DE] =	sst s23  }
0x2f0: {  	(v2sf) =	vpush v4, $0xC;
	s6 =	smul.u32 $0x55555556, s5;
	[smem:$0x6E1] =	sst s12  }
0x2f1: {  	s7 =	sshra.s32 s4, $0x1F;
	s14 =	spop (v2sf);
	s16 =	smulhi.u32 $0x55555556, s4  }
0x2f2: {  	[smem:$0x6E0] =	sst s3;
	s18 =	smul.u32 $0x55555556, s7  }
0x2f3: {  	(v2sf) =	vpush v4, $0x8;
	[smem:$0x6E3] =	sst s13;
	s19 =	spop (v2sf)  }
0x2f4: {  	(v2sf) =	vpush v4, $0x2;
	s23 =	sshra.s32 s14, $0x1F;
	s15 =	smulhi.u32 $0x55555556, s14;
	[smem:$0x6E2] =	sst s6  }
0x2f5: {  	(v2sf) =	vpush v5, $0xC;
	[smem:$0x6E4] =	sst s16;
	s25 =	smul.u32 $0x55555556, s23  }
0x2f6: {  	s2 =	spop (v2sf);
	s3 =	sshra.s32 s19, $0x1F;
	s16 =	smulhi.u32 $0x55555556, s19  }
0x2f7: {  	s4 =	smul.u32 $0x55555556, s3;
	[smem:$0x6E6] =	sst s15  }
0x2f8: {  	(v2sf) =	vpush v5, $0x8;
	s5 =	spop (v2sf);
	s6 =	sshra.s32 s2, $0x1F;
	[smem:$0x6E5] =	sst s25  }
0x2f9: {  	s28 =	smulhi.u32 $0x55555556, s2;
	s8 =	sshra.s32 s5, $0x1F;
	[smem:$0x6E8] =	sst s16  }
0x2fa: {  	(v2sf) =	vpush v5, $0x2;
	s25 =	sadd.s32 s11, s1;
	[smem:$0x6E7] =	sst s4;
	s12 =	smul.u32 $0x55555556, s8  }
0x2fb: {  	s7 =	smul.u32 $0x55555556, s6;
	[smem:$0x6F6] =	sst s25  }
0x2fc: {  	(v2sf) =	vpush v11, $0xC;
	[smem:$0x6EA] =	sst s12;
	s12 =	spop (v2sf)  }
0x2fd: {  	s25 =	smulhi.u32 $0x55555556, s5;
	s15 =	spop (v2sf);
	s1 =	sshra.s32 s12, $0x1F  }
0x2fe: {  	(v2sf) =	vpush v11, $0x8;
	s23 =	smul.u32 $0x55555556, s1;
	s16 =	spop (v2sf);
	s2 =	sshra.s32 s15, $0x1F  }
0x2ff: {  	s4 =	smul.u32 $0x55555556, s2;
	s3 =	spop (v2sf);
	s5 =	sshra.s32 s16, $0x1F  }
0x300: {  	[smem:$0x6E9] =	sst s7;
	s6 =	smul.u32 $0x55555556, s5;
	s7 =	sshra.s32 s3, $0x1F  }
0x301: {  	(v2sf) =	vpush v11, $0x2;
	[smem:$0x6EB] =	sst s4;
	s8 =	smul.u32 $0x55555556, s7  }
0x302: {  	s4 =	spop (v2sf);
	[smem:$0x6EC] =	sst s6  }
0x303: {  	s5 =	spop (v2sf);
	s11 =	sshra.s32 s4, $0x1F;
	[smem:$0x6ED] =	sst s8  }
0x304: {  	s13 =	smul.u32 $0x55555556, s11;
	s6 =	spop (v2sf)  }
0x305: {  	s14 =	sshra.s32 s5, $0x1F;
	s11 =	sadd.s32 s31, s29;
	s31 =	sld [smem:$0x6CC]  }
0x306: {  	s19 =	smul.u32 $0x55555556, s14;
	[smem:$0x6F7] =	sst s11  }
0x307: {  	s7 =	spop (v2sf);
	s0 =	sshra.s32 s6, $0x1F;
	s11 =	sld [smem:$0x6CE]  }
0x308: {  	[smem:$0x6EE] =	sst s13;
	s1 =	smul.u32 $0x55555556, s0  }
0x309: {  	s8 =	spop (v2sf);
	s2 =	sshra.s32 s7, $0x1F;
	[smem:$0x6EF] =	sst s19  }
0x30a: {  	s13 =	smul.u32 $0x55555556, s2;
	s29 =	sadd.s32 s10, s31;
	s10 =	sld [smem:$0x6CD]  }
0x30b: {  	s14 =	sshra.s32 s8, $0x1F;
	s2 =	spop (v2sf);
	s31 =	sld [smem:$0x6D6]  }
0x30c: {  	[smem:$0x6F0] =	sst s1;
	s19 =	smul.u32 $0x55555556, s14  }
0x30d: {  	s0 =	sshra.s32 s2, $0x1F;
	s1 =	spop (v2sf);
	[smem:$0x6F1] =	sst s13  }
0x30e: {  	s13 =	smul.u32 $0x55555556, s0;
	s14 =	sshra.s32 s1, $0x1F;
	[smem:$0x6F2] =	sst s19  }
0x30f: {  	s30 =	sadd.s32 s9, s17;
	s17 =	smul.u32 $0x55555556, s14;
	s14 =	sld [smem:$0x6D0]  }
0x310: {  	s0 =	spop (v2sf);
	[smem:$0x6F3] =	sst s13  }
0x311: {  	s19 =	sshra.s32 s0, $0x1F;
	s13 =	sld [smem:$0x6CA]  }
0x312: {  	s19 =	smul.u32 $0x55555556, s19;
	[smem:$0x6F4] =	sst s17  }
0x313: {  	s17 =	sld [smem:$0x6CB]  }
0x314: {  	[smem:$0x6F5] =	sst s19  }
0x315: {  	s19 =	sld [smem:$0x6D3]  }
0x316: {  	s9 =	sadd.s32 s17, s13;
	s17 =	sld [smem:$0x6D2]  }
0x317: {  	s13 =	sadd.s32 s21, s20;
	s20 =	sld [smem:$0x6D4]  }
0x318: {  	s21 =	sld [smem:$0x6D5]  }
0x319: {  	[smem:$0x6F8] =	sst s9  }
0x31a: {  	s9 =	sadd.s32 s10, s24;
	[smem:$0x6F9] =	sst s13  }
0x31b: {  	[smem:$0x6FA] =	sst s9  }
0x31c: {  	s9 =	smulhi.u32 $0x55555556, s12;
	s12 =	sld [smem:$0x6CF]  }
0x31d: {  	s24 =	smulhi.u32 $0x55555556, s15;
	s15 =	sld [smem:$0x6D1]  }
0x31e: {  	s13 =	sld [smem:$0x6D8]  }
0x31f: {  	s10 =	sadd.s32 s12, s11;
	s12 =	sld [smem:$0x6D7]  }
0x320: {  	s11 =	sld [smem:$0x6E4]  }
0x321: {  	[smem:$0x6FB] =	sst s10  }
0x322: {  	s10 =	sadd.s32 s14, s26;
	s14 =	sld [smem:$0x6D9]  }
0x323: {  	s26 =	smulhi.u32 $0x55555556, s16;
	s16 =	sld [smem:$0x6DB]  }
0x324: {  	[smem:$0x6FD] =	sst s10  }
0x325: {  	s10 =	sadd.s32 s17, s15;
	s15 =	sld [smem:$0x6DA]  }
0x326: {  	s17 =	sld [smem:$0x6DC]  }
0x327: {  	[smem:$0x702] =	sst s10  }
0x328: {  	s10 =	sadd.s32 s20, s19;
	s20 =	sld [smem:$0x6DD]  }
0x329: {  	s19 =	smulhi.u32 $0x55555556, s3;
	s3 =	sadd.s32 s13, s12;
	s12 =	sld [smem:$0x6E5]  }
0x32a: {  	[smem:$0x6FC] =	sst s10  }
0x32b: {  	[smem:$0x6FF] =	sst s3  }
0x32c: {  	s10 =	sadd.s32 s31, s21;
	s31 =	sld [smem:$0x6DF]  }
0x32d: {  	s21 =	smulhi.u32 $0x55555556, s4;
	s4 =	sld [smem:$0x6E0]  }
0x32e: {  	[smem:$0x6FE] =	sst s10  }
0x32f: {  	s3 =	sadd.s32 s15, s14;
	s15 =	smulhi.u32 $0x55555556, s6;
	s6 =	sld [smem:$0x6E2]  }
0x330: {  	s10 =	sld [smem:$0x6E3]  }
0x331: {  	s14 =	sld [smem:$0x6E6]  }
0x332: {  	[smem:$0x700] =	sst s3  }
0x333: {  	(v2sf) =	vpush v3, $0xD;
	s3 =	sadd.s32 s17, s16;
	s16 =	smulhi.u32 $0x55555556, s5;
	s5 =	sld [smem:$0x6E1]  }
0x334: {  	s17 =	sld [smem:$0x6E7]  }
0x335: {  	[smem:$0x701] =	sst s3  }
0x336: {  	s3 =	sadd.s32 s20, s22;
	s22 =	sld [smem:$0x6DE]  }
0x337: {  	s20 =	sld [smem:$0x6E9]  }
0x338: {  	(v2sf) =	vpush v3, $0x9;
	[smem:$0x703] =	sst s3  }
0x339: {  	s3 =	sadd.s32 s22, s31;
	s22 =	sld [smem:$0x6EA]  }
0x33a: {  	(v2sf) =	vpush v3, $0x3;
	s31 =	sadd.s32 s23, s9;
	[smem:$0x704] =	sst s3  }
0x33b: {  	(v2sf) =	vpush v4, $0xD;
	[smem:$0x70C] =	sst s31  }
0x33c: {  	s3 =	sadd.s32 s4, s5;
	s31 =	sld [smem:$0x6EB]  }
0x33d: {  	[smem:$0x705] =	sst s3;
	s3 =	sadd.s32 s6, s10  }
0x33e: {  	[smem:$0x706] =	sst s3  }
0x33f: {  	(v2sf) =	vpush v4, $0x9;
	s3 =	sadd.s32 s18, s11;
	s18 =	sld [smem:$0x6E8]  }
0x340: {  	s13 =	smulhi.u32 $0x55555556, s7;
	[smem:$0x707] =	sst s3  }
0x341: {  	s3 =	sadd.s32 s12, s14;
	s24 =	sadd.s32 s31, s24;
	s31 =	sld [smem:$0x6EC]  }
0x342: {  	s23 =	spop (v2sf);
	[smem:$0x708] =	sst s3  }
0x343: {  	(v2sf) =	vpush v4, $0x3;
	s9 =	smulhi.u32 $0x55555556, s0;
	[smem:$0x70D] =	sst s24;
	s3 =	sadd.s32 s17, s18  }
0x344: {  	s10 =	smulhi.u32 $0x55555556, s1;
	[smem:$0x709] =	sst s3  }
0x345: {  	s3 =	sadd.s32 s20, s28;
	s26 =	sadd.s32 s31, s26;
	s31 =	sld [smem:$0x6ED]  }
0x346: {  	(v2sf) =	vpush v5, $0xD;
	s12 =	smulhi.u32 $0x55555556, s8;
	[smem:$0x70A] =	sst s3  }
0x347: {  	(v2sf) =	vpush v5, $0x9;
	s28 =	spop (v2sf);
	s3 =	sadd.s32 s22, s25;
	[smem:$0x70E] =	sst s26  }
0x348: {  	(v2sf) =	vpush v5, $0x3;
	s25 =	smulhi.u32 $0x55555556, s2;
	s4 =	sshra.s32 s28, $0x1F;
	s26 =	sld [smem:$0x6EF]  }
0x349: {  	s1 =	spop (v2sf);
	[smem:$0x70B] =	sst s3;
	s3 =	sshra.s32 s23, $0x1F  }
0x34a: {  	s11 =	smul.u32 $0x55555556, s4;
	s5 =	sshra.s32 s1, $0x1F;
	s2 =	spop (v2sf)  }
0x34b: {  	s1 =	smulhi.u32 $0x55555556, s1;
	s19 =	sadd.s32 s31, s19;
	s31 =	sld [smem:$0x6EE]  }
0x34c: {  	s8 =	smul.u32 $0x55555556, s3;
	[smem:$0x70F] =	sst s19  }
0x34d: {  	s14 =	smul.u32 $0x55555556, s5;
	s16 =	sadd.s32 s26, s16;
	s26 =	sld [smem:$0x6F4]  }
0x34e: {  	s3 =	spop (v2sf);
	[smem:$0x711] =	sst s16  }
0x34f: {  	s6 =	sshra.s32 s2, $0x1F;
	s16 =	smulhi.u32 $0x55555556, s23;
	s23 =	sld [smem:$0x6F2]  }
0x350: {  	s2 =	smulhi.u32 $0x55555556, s2;
	s21 =	sadd.s32 s31, s21;
	s31 =	sld [smem:$0x6F0]  }
0x351: {  	s17 =	smul.u32 $0x55555556, s6;
	[smem:$0x710] =	sst s21  }
0x352: {  	s7 =	sshra.s32 s3, $0x1F;
	s4 =	spop (v2sf);
	s21 =	sld [smem:$0x6F1]  }
0x353: {  	s10 =	sadd.s32 s26, s10;
	s8 =	sadd.s32 s8, s16;
	s16 =	sld [smem:$0x6F7]  }
0x354: {  	s22 =	smul.u32 $0x55555556, s7;
	[smem:$0x715] =	sst s10  }
0x355: {  	s5 =	spop (v2sf);
	[smem:$0x717] =	sst s8  }
0x356: {  	s20 =	sshra.s32 s5, $0x1F;
	s6 =	spop (v2sf);
	s10 =	sld [smem:$0x6F6]  }
0x357: {  	(v2sf) =	vpush v11, $0xD;
	s7 =	spop (v2sf);
	s12 =	sadd.s32 s23, s12;
	s23 =	sld [smem:$0x6FA]  }
0x358: {  	s5 =	smulhi.u32 $0x55555556, s5;
	s24 =	sshra.s32 s7, $0x1F;
	[smem:$0x713] =	sst s12  }
0x359: {  	(v2sf) =	vpush v11, $0x9;
	s19 =	smul.u32 $0x55555556, s24;
	s24 =	sld [smem:$0x6F3]  }
0x35a: {  	s20 =	smul.u32 $0x55555556, s20;
	s15 =	sadd.s32 s31, s15;
	s31 =	sld [smem:$0x6F5]  }
0x35b: {  	(v2sf) =	vpush v11, $0x3;
	s3 =	smulhi.u32 $0x55555556, s3;
	s18 =	sshra.s32 s4, $0x1F;
	[smem:$0x712] =	sst s15  }
0x35c: {  	s13 =	sadd.s32 s21, s13;
	s21 =	sadd.s32 s20, s5;
	s20 =	sld [smem:$0x6F8]  }
0x35d: {  	s9 =	sadd.s32 s31, s9;
	s31 =	sadd.s32 s22, s3;
	s22 =	sld [smem:$0x6F9]  }
0x35e: {  	s4 =	smulhi.u32 $0x55555556, s4;
	s12 =	sadd.s32 s24, s25;
	s24 =	sld [smem:$0x6FB]  }
0x35f: {  	s15 =	smulhi.u32 $0x55555556, s28;
	s8 =	sshrl.u32 s10, $0x1F;
	s25 =	sld [smem:$0x6FC]  }
0x360: {  	s18 =	smul.u32 $0x55555556, s18;
	s0 =	sshra.s32 s6, $0x1F;
	v8 =	vmov s8;
	s8 =	sld [smem:$0x6FE]  }
0x361: {  	s0 =	smul.u32 $0x55555556, s0;
	s11 =	sadd.s32 s11, s15;
	[smem:$0x714] =	sst s12  }
0x362: {  	s15 =	sadd.s32 s17, s2;
	s17 =	smulhi.u32 $0x55555556, s6;
	[smem:$0x716] =	sst s9  }
0x363: {  	v9 =	vmov s30;
	[smem:$0x718] =	sst s11;
	s12 =	sshrl.u32 s30, $0x1F;
	s30 =	sadd.s32 s14, s1  }
0x364: {  	(v2sf) =	vpush v3, $0xE;
	s14 =	sshrl.u32 s29, $0x1F;
	[smem:$0x719] =	sst s15;
	s1 =	sshrl.u32 s16, $0x1F  }
0x365: {  	v12 =	vmov s29;
	(v2sf) =	vpush v3, $0xA;
	s29 =	sadd.s32 s18, s4;
	s18 =	smulhi.u32 $0x55555556, s7;
	s3 =	sshrl.u32 s20, $0x1F  }
0x366: {  	s9 =	sld [smem:$0x6FF];
	s11 =	spop (v2sf);
	s28 =	sadd.s32 s0, s17  }
0x367: {  	(v2sf) =	vpush v3, $0x4;
	v7 =	vmov s10;
	v10 =	vmov s12;
	s0 =	sshrl.u32 s23, $0x1F;
	s12 =	sld [smem:$0x700];
	s15 =	sshra.s32 s11, $0x1F  }
0x368: {  	(v2sf) =	vpush v4, $0xE;
	v7 =	vsel vm0, s16, v7;
	s16 =	spop (v2sf);
	s4 =	sshrl.u32 s22, $0x1F;
	v10 =	vsel vm0, s3, v10;
	s3 =	sld [smem:$0x6FD]  }
0x369: {  	v12 =	vnsel vm3, $0x0, v12;
	(v2sf) =	vpush v4, $0xA;
	v8 =	vsel vm0, s1, v8;
	s26 =	sadd.s32 s19, s18;
	s1 =	sshrl.u32 s24, $0x1F;
	s19 =	sld [smem:$0x701]  }
0x36a: {  	v9 =	vsel vm0, s20, v9;
	v13 =	vmov s14;
	v12 =	vsel vm0, s22, v12;
	s2 =	sshrl.u32 s25, $0x1F;
	s18 =	spop (v2sf);
	s22 =	sld [smem:$0x702]  }
0x36b: {  	v13 =	vnsel vm3, $0x0, v13;
	v9 =	vsel vm1, s24, v9;
	s17 =	sshra.s32 s16, $0x1F;
	s24 =	sld [smem:$0x703];
	s6 =	smulhi.u32 $0x55555556, s16  }
0x36c: {  	v13 =	vsel vm0, s4, v13;
	v12 =	vsel vm1, s25, v12;
	s10 =	sshrl.u32 s9, $0x1F;
	v14 =	vsel vm1, s1, v10;
	s1 =	smul.u32 $0x55555556, s15;
	s20 =	sshra.s32 s18, $0x1F  }
0x36d: {  	s15 =	sld [smem:$0x707];
	s4 =	smulhi.u32 $0x55555556, s18;
	v13 =	vsel vm1, s2, v13;
	v12 =	vsel vm2, s8, v12;
	s2 =	sshrl.u32 s8, $0x1F  }
0x36e: {  	(v2sf) =	vpush v4, $0x4;
	v7 =	vsel vm1, s23, v7;
	s14 =	sshrl.u32 s12, $0x1F;
	s5 =	sshrl.u32 s3, $0x1F;
	v12 =	vsel vm4, s9, v12;
	s9 =	sld [smem:$0x704]  }
0x36f: {  	v8 =	vsel vm1, s0, v8;
	v7 =	vsel vm2, s3, v7;
	v13 =	vsel vm2, s2, v13;
	s0 =	sshrl.u32 s19, $0x1F;
	s3 =	smulhi.u32 $0x55555556, s11;
	s11 =	sld [smem:$0x705]  }
0x370: {  	s2 =	smul.u32 $0x55555556, s17;
	s23 =	sshrl.u32 s22, $0x1F;
	s17 =	sld [smem:$0x708];
	v13 =	vsel vm4, s10, v13  }
0x371: {  	s25 =	sshrl.u32 s24, $0x1F;
	v10 =	vsel vm2, s5, v8;
	s5 =	sshrl.u32 s15, $0x1F;
	v8 =	vsel vm5, s14, v13;
	s14 =	sld [smem:$0x706]  }
0x372: {  	v12 =	vsel vm5, s12, v12;
	v8 =	vsel vm6, s0, v8;
	s0 =	smul.u32 $0x55555556, s20;
	s10 =	sshrl.u32 s9, $0x1F;
	s12 =	sshrl.u32 s11, $0x1F  }
0x373: {  	v15 =	vsel vm6, s19, v12;
	v12 =	vsel vm2, s23, v14;
	v14 =	vmov s9;
	s9 =	spop (v2sf);
	s18 =	sshrl.u32 s17, $0x1F;
	s20 =	sld [smem:$0x709]  }
0x374: {  	(v2sf) =	vpush v5, $0xE;
	v13 =	vsel vm2, s22, v9;
	s16 =	sshra.s32 s9, $0x1F;
	s19 =	spop (v2sf);
	s9 =	smulhi.u32 $0x55555556, s9  }
0x375: {  	v21 =	vmov s5;
	v9 =	vsel vm7, s24, v15;
	v16 =	vmov s14;
	s8 =	sshrl.u32 s14, $0x1F;
	s5 =	smul.u32 $0x55555556, s16;
	s14 =	sld [smem:$0x70A]  }
0x376: {  	v15 =	vmov s11;
	v17 =	vmov s10;
	v18 =	vmov s12;
	s23 =	sshra.s32 s19, $0x1F;
	s12 =	spop (v2sf);
	s16 =	sld [smem:$0x70B]  }
0x377: {  	v19 =	vmov s15;
	v15 =	vnsel vm3, $0x0, v15;
	v17 =	vnsel vm3, $0x0, v17;
	s22 =	sshrl.u32 s20, $0x1F;
	s11 =	smul.u32 $0x55555556, s23;
	s15 =	spop (v2sf)  }
0x378: {  	v14 =	vnsel vm3, $0x0, v14;
	v15 =	vsel vm0, s20, v15;
	s24 =	sshra.s32 s12, $0x1F;
	v17 =	vsel vm0, s18, v17;
	s18 =	smulhi.u32 $0x55555556, s19;
	s20 =	sld [smem:$0x70C]  }
0x379: {  	v14 =	vsel vm0, s17, v14;
	v18 =	vnsel vm3, $0x0, v18;
	s23 =	sadd.s32 s2, s6;
	s7 =	smul.u32 $0x55555556, s24;
	s17 =	spop (v2sf)  }
0x37a: {  	v8 =	vsel vm7, s25, v8;
	v20 =	vmov s8;
	s25 =	sshra.s32 s15, $0x1F;
	v18 =	vsel vm0, s22, v18;
	s22 =	sld [smem:$0x70D];
	s8 =	smulhi.u32 $0x55555556, s15  }
0x37b: {  	s24 =	sadd.s32 s1, s3;
	s15 =	sld [smem:$0x712];
	s1 =	smul.u32 $0x55555556, s25  }
0x37c: {  	v19 =	vnsel vm3, $0x0, v19;
	s10 =	sshra.s32 s17, $0x1F;
	s2 =	sshrl.u32 s14, $0x1F;
	s6 =	sshrl.u32 s16, $0x1F  }
0x37d: {  	(v2sf) =	vpush v5, $0xA;
	v19 =	vsel vm0, s16, v19;
	s16 =	sadd.s32 s0, s4;
	s25 =	smulhi.u32 $0x55555556, s12;
	s12 =	sld [smem:$0x711]  }
0x37e: {  	(v2sf) =	vpush v5, $0x4;
	v21 =	vnsel vm3, $0x0, v21;
	s3 =	smul.u32 $0x55555556, s10;
	s10 =	spop (v2sf);
	s4 =	sshrl.u32 s20, $0x1F  }
0x37f: {  	(v2sf) =	vpush v11, $0xE;
	v21 =	vsel vm0, s6, v21;
	v23 =	vmov s22;
	s6 =	sshrl.u32 s22, $0x1F;
	s22 =	sadd.s32 s5, s9;
	s5 =	sld [smem:$0x70E]  }
0x380: {  	(v2sf) =	vpush v11, $0xA;
	v20 =	vnsel vm3, $0x0, v20;
	s9 =	smulhi.u32 $0x55555556, s17;
	s17 =	sadd.s32 s1, s8;
	s8 =	sld [smem:$0x715]  }
0x381: {  	(v2sf) =	vpush v11, $0x4;
	v20 =	vsel vm0, s2, v20;
	s19 =	sshra.s32 s10, $0x1F;
	v31 =	vmov s15;
	s2 =	sshrl.u32 s15, $0x1F;
	s15 =	sld [smem:$0x718]  }
0x382: {  	(v2sf) =	vpush v3, $0xF;
	v22 =	vmov s20;
	s20 =	sadd.s32 s7, s25;
	s0 =	smul.u32 $0x55555556, s19;
	v25 =	vmov s6;
	s6 =	sld [smem:$0x70F]  }
0x383: {  	(v2sf) =	vpush v3, $0xB;
	v16 =	vnsel vm3, $0x0, v16;
	s19 =	sadd.s32 s11, s18;
	s11 =	sld [smem:$0x710];
	s7 =	sshrl.u32 s12, $0x1F  }
0x384: {  	(v2sf) =	vpush v3, $0x5;
	v24 =	vmov s4;
	s25 =	simm.s32 $0xD3A0;
	s18 =	sshrl.u32 s13, $0x1F;
	v18 =	vsel vm1, s7, v18;
	s7 =	sld [smem:$0x714]  }
0x385: {  	v15 =	vsel vm1, s12, v15;
	v31 =	vsel vm0, s21, v31;
	s21 =	sshrl.u32 s21, $0x1F;
	s12 =	sadd.s32 s3, s9;
	s9 =	sld [smem:$0x716];
	v36 =	vmov s18  }
0x386: {  	v26 =	vsel vm1, s5, v14;
	s4 =	sshrl.u32 s5, $0x1F;
	v54 =	vmov s8;
	s18 =	sshrl.u32 s15, $0x1F;
	v23 =	vsel vm0, s15, v23;
	s5 =	sshrl.u32 s6, $0x1F  }
0x387: {  	v27 =	vmov s6;
	v17 =	vsel vm1, s4, v17;
	s4 =	spop (v2sf);
	s6 =	sld [smem:$0x713];
	v34 =	vsel vm0, s23, v54;
	s23 =	sshrl.u32 s23, $0x1F  }
0x388: {  	v16 =	vsel vm0, s14, v16;
	v45 =	vsel vm1, s19, v23;
	s19 =	sshrl.u32 s19, $0x1F;
	v28 =	vmov s5;
	s5 =	sshrl.u32 s11, $0x1F;
	s14 =	sshra.s32 s4, $0x1F  }
0x389: {  	v35 =	vmov s2;
	v29 =	vmov s11;
	v26 =	vsel vm2, s30, v26;
	s2 =	sshrl.u32 s9, $0x1F;
	s11 =	sld [smem:$0x717];
	s1 =	smul.u32 $0x55555556, s14  }
0x38a: {  	v19 =	vsel vm1, s9, v19;
	v46 =	vsel vm4, s20, v26;
	s20 =	sshrl.u32 s20, $0x1F;
	v21 =	vsel vm1, s2, v21;
	s14 =	smulhi.u32 $0x55555556, s4;
	s2 =	sshrl.u32 s30, $0x1F  }
0x38b: {  	v30 =	vmov s5;
	v19 =	vsel vm2, s16, v19;
	s16 =	sshrl.u32 s16, $0x1F;
	v16 =	vsel vm1, s6, v16;
	s5 =	sshrl.u32 s6, $0x1F;
	s6 =	sshrl.u32 s7, $0x1F  }
0x38c: {  	(v2sf) =	vpush v4, $0xF;
	v53 =	vmov s7;
	s7 =	sshrl.u32 s8, $0x1F;
	s8 =	smulhi.u32 $0x55555556, s10;
	s10 =	spop (v2sf)  }
0x38d: {  	v52 =	vmov s13;
	v37 =	vmov s6;
	s3 =	sshra.s32 s10, $0x1F;
	s6 =	spop (v2sf);
	s13 =	sshrl.u32 s11, $0x1F  }
0x38e: {  	(v2sf) =	vpush v4, $0xB;
	v38 =	vmov s7;
	s7 =	sadd.s32 s1, s14;
	s9 =	sadd.s32 s0, s8;
	s0 =	smul.u32 $0x55555556, s3  }
0x38f: {  	(v2sf) =	vpush v4, $0x5;
	v20 =	vsel vm1, s5, v20;
	v22 =	vsel vm0, s11, v22;
	s11 =	spop (v2sf);
	s5 =	sshra.s32 s6, $0x1F;
	s8 =	smulhi.u32 $0x55555556, s10  }
0x390: {  	v6 =	vsub.s32 $0x0, v6;
	v7 =	vcombine.low v13, v7;
	s3 =	sld [smem:$0x719];
	s10 =	sshrl.u32 s29, $0x1F;
	s6 =	smulhi.u32 $0x55555556, s6  }
0x391: {  	v10 =	vcombine.low v12, v10;
	(v2sf) =	vpush v5, $0xF;
	v24 =	vsel vm0, s13, v24;
	s15 =	sshra.s32 s11, $0x1F;
	s13 =	spop (v2sf);
	s11 =	smulhi.u32 $0x55555556, s11  }
0x392: {  	v9 =	vperm.xlane v9, v2;
	(v2sf) =	vpush v5, $0xB;
	v13 =	vld [tilespmem:s25+$0xFFFFFFE0];
	v25 =	vsel vm0, s18, v25;
	s18 =	sshra.s32 s13, $0x1F;
	s14 =	spop (v2sf);
	s15 =	smul.u32 $0x55555556, s15  }
0x393: {  	v7 =	vperm.xlane v7, v1;
	v40 =	vsel vm2, s29, v15;
	(v2sf) =	vpush v5, $0x5;
	s4 =	sadd.s32 s0, s8;
	s13 =	smulhi.u32 $0x55555556, s13;
	s1 =	sshrl.u32 s3, $0x1F  }
0x394: {  	v35 =	vsel vm0, s21, v35;
	v17 =	vsel vm2, s2, v17;
	(v2sf) =	vpush v11, $0xF;
	s2 =	spop (v2sf);
	s21 =	sshra.s32 s14, $0x1F;
	s18 =	smul.u32 $0x55555556, s18  }
0x395: {  	v14 =	vld [tilespmem:s25+$0x20];
	v16 =	vsel vm2, s26, v16;
	(v2sf) =	vpush v11, $0xB;
	v27 =	vsel vm0, s3, v27;
	s3 =	sshrl.u32 s26, $0x1F;
	s26 =	sshrl.u32 s24, $0x1F;
	s14 =	smulhi.u32 $0x55555556, s14  }
0x396: {  	v29 =	vsel vm0, s31, v29;
	(v2sf) =	vpush v11, $0x5;
	v28 =	vsel vm0, s1, v28;
	s1 =	smul.u32 $0x55555556, s5;
	s5 =	sshrl.u32 s31, $0x1F;
	s31 =	sshrl.u32 s28, $0x1F  }
0x397: {  	v12 =	vshra.s32 v13, $0x1;
	s21 =	smul.u32 $0x55555556, s21;
	v15 =	vsel vm1, s17, v27;
	s17 =	sshrl.u32 s17, $0x1F;
	v30 =	vsel vm0, s5, v30;
	s5 =	spop (v2sf)  }
0x398: {  	v10 =	vperm.xlane v10, v1;
	v44 =	vsel vm1, s22, v22;
	v36 =	vsel vm0, s31, v36;
	s31 =	sshrl.u32 s22, $0x1F;
	s22 =	sshra.s32 s2, $0x1F;
	s2 =	smulhi.u32 $0x55555556, s2  }
0x399: {  	v8 =	vperm.xlane v8, v2;
	v43 =	vsel vm2, s16, v21;
	v18 =	vsel vm2, s10, v18;
	s15 =	sadd.s32 s15, s11;
	s10 =	spop (v2sf);
	s16 =	smul.u32 $0x55555556, s22  }
0x39a: {  	v7 =	vsel vm8, v9, v7;
	v42 =	vld [tilespmem:s25+$0xFFFFFFF0];
	v33 =	vsel vm0, s24, v53;
	v39 =	vshra.s32 v14, $0x1;
	s0 =	sadd.s32 s1, s6;
	s24 =	sshra.s32 s5, $0x1F;
	s5 =	smulhi.u32 $0x55555556, s5  }
0x39b: {  	v8 =	vsel vm8, v8, v10;
	v10 =	vsel vm1, s19, v25;
	v25 =	vld [tilespmem:s25+$0x0];
	v37 =	vsel vm0, s26, v37;
	s22 =	simm.s32 $0x0;
	s6 =	spop (v2sf);
	s19 =	smul.u32 $0x55555556, s24  }
0x39c: {  	v9 =	vsel vm1, s31, v24;
	v24 =	vadd.s32 v8, v7;
	s26 =	sshra.s32 s10, $0x1F;
	v8 =	vld.idx.msk [tilespmem:v12+s22+$0x0], $0xffff;
	v12 =	vsel vm1, s12, v29;
	s12 =	sshrl.u32 s12, $0x1F;
	s10 =	smulhi.u32 $0x55555556, s10  }
0x39d: {  	(v2sf) =	vpush v3, $0x6;
	v41 =	vsel vm2, s3, v20;
	v20 =	vsel vm1, s17, v28;
	s8 =	spop (v2sf);
	s17 =	smul.u32 $0x55555556, s26;
	s31 =	sshra.s32 s6, $0x1F  }
0x39e: {  	v55 =	vsel vm4, s20, v17;
	(v2sf) =	vpush v4, $0x6;
	v21 =	vsel vm1, s12, v30;
	s12 =	simm.s32 $0xD3A0;
	s1 =	spop (v2sf);
	s20 =	smul.u32 $0x55555556, s31  }
0x39f: {  	v32 =	vsel vm0, s28, v52;
	v17 =	vshra.s32 v42, $0x1;
	(v2sf) =	vpush v5, $0x6;
	v22 =	vld.idx.msk [tilespmem:v39+s22+$0x0], $0xffff;
	[dreg:$0x3] =	wrdreg s12;
	s12 =	sadd.s32 s18, s13;
	s13 =	sadd.s32 s21, s14  }
0x3a0: {  	v38 =	vsel vm0, s23, v38;
	(v2sf) =	vpush v11, $0x6;
	v7 =	vmul.u32 $0xFFFFFFFD, v24;
	s14 =	sadd.s32 s16, s2;
	s18 =	smulhi.u32 $0x55555556, s6;
	s3 =	spop (v2sf)  }
0x3a1: {  	v23 =	vshra.s32 v25, $0x1;
	v56 =	vand.u32 $0x1, v25;
	(v2sf) =	vpush v3, $0x7;
	s16 =	sadd.s32 s19, s5;
	s19 =	sshra.s32 s8, $0x1F;
	s28 =	spop (v2sf)  }
0x3a2: {  	vm9 =	veq.s32 v7, v6;
	v6 =	vand.u32 $0x1, v14;
	v14 =	vsel vm1, s4, v32;
	s4 =	sshrl.u32 s4, $0x1F;
	s11 =	sadd.s32 s17, s10;
	s23 =	spop (v2sf)  }
0x3a3: {  	v47 =	vld [tilespmem:s25+$0x10];
	vm10 =	veq.s32 v6, $0x0;
	s6 =	sshra.s32 s1, $0x1F;
	s17 =	smul.u32 $0x55555556, s19;
	v28 =	vsel vm1, s4, v36;
	(v2sf) =	vpush v4, $0x7;
	s24 =	spop (v2sf)  }
0x3a4: {  	v26 =	vld.idx.msk [tilespmem:v17+s22+$0x0], $0xffff;
	v17 =	vsel vm4, s0, v16;
	s0 =	sshrl.u32 s0, $0x1F;
	v19 =	vsel vm4, s13, v19;
	s13 =	sshrl.u32 s13, $0x1F;
	(v2sf) =	vpush v5, $0x7;
	s29 =	spop (v2sf)  }
0x3a5: {  	v58 =	vsel vm2, s14, v44;
	s10 =	sadd.s32 s20, s18;
	s20 =	sshrl.u32 s9, $0x1F;
	v6 =	vand.u32 $0xFFFF0000, v22;
	s31 =	spop (v2sf);
	(v2sf) =	vpush v11, $0x7  }
0x3a6: {  	s14 =	sshrl.u32 s14, $0x1F;
	s2 =	smul.u32 $0x55555556, s6;
	v7 =	vshll.u32 v22, $0x10;
	v22 =	vsel vm4, s9, v40;
	v30 =	vsel vm4, s20, v18;
	s9 =	sshra.s32 s3, $0x1F  }
0x3a7: {  	s18 =	sshra.s32 s28, $0x1F;
	s20 =	sshrl.u32 s15, $0x1F;
	v6 =	vsel vm10, v7, v6;
	v7 =	vand.u32 $0x1, v13;
	v13 =	vsel vm1, s7, v31;
	s4 =	smul.u32 $0x55555556, s9  }
0x3a8: {  	s21 =	smov.u32 s23;
	v31 =	vld.idx.msk [tilespmem:v23+s22+$0x0], $0xffff;
	v23 =	vsel vm1, s20, v37;
	s9 =	sshrl.u32 s12, $0x1F;
	s20 =	smulhi.u32 $0x55555556, s8;
	vm10 =	veq.s32 v7, $0x0;
	v7 =	vand.u32 $0xFFFF0000, v8  }
0x3a9: {  	s7 =	sshrl.u32 s7, $0x1F;
	s6 =	smul.u32 $0x55555556, s18;
	v8 =	vshll.u32 v8, $0x10;
	s19 =	sshra.s32 s21, $0x1F;
	v25 =	vsel vm1, s9, v38;
	v29 =	vshra.s32 v47, $0x1  }
0x3aa: {  	s9 =	smulhi.u32 $0x55555556, s1;
	v7 =	vsel vm10, v8, v7;
	v8 =	vand.u32 $0x1, v42;
	v16 =	vshll.u32 v26, $0x10;
	s1 =	sadd.s32 s17, s20;
	[dreg:$0x15] =	wrdreg s24  }
0x3ab: {  	vm10 =	veq.s32 v8, $0x0;
	v8 =	vand.u32 $0xFFFF0000, v26;
	v26 =	vsel vm4, s0, v41;
	s24 =	sshra.s32 s24, $0x1F;
	s0 =	smul.u32 $0x55555556, s19;
	s19 =	sshrl.u32 s16, $0x1F  }
0x3ac: {  	v8 =	vsel vm10, v16, v8;
	v16 =	vsel vm1, s12, v34;
	s12 =	sshra.s32 s29, $0x1F;
	s5 =	smul.u32 $0x55555556, s24;
	s30 =	spop (v2sf)  }
0x3ad: {  	v27 =	vsel vm1, s7, v35;
	s7 =	smul.u32 $0x55555556, s12;
	s18 =	sshra.s32 s31, $0x1F;
	s25 =	spop (v2sf)  }
0x3ae: {  	v3 =	vsub.s32 $0x0, v3;
	v61 =	vsel vm2, s16, v45;
	v60 =	vsel vm2, s14, v9;
	s24 =	sshrl.u32 s11, $0x1F;
	s8 =	smul.u32 $0x55555556, s18;
	v57 =	vld.idx.msk [tilespmem:v29+s22+$0x0], $0xffff;
	[dreg:$0x16] =	wrdreg s29  }
0x3af: {  	v59 =	vand.u32 $0xFFFF0000, v31;
	v9 =	vshll.u32 v31, $0x10;
	v31 =	vsel vm5, s11, v46;
	s11 =	simm.s32 $0x0;
	s26 =	spop (v2sf);
	[dreg:$0x17] =	wrdreg s31  }
0x3b0: {  	v4 =	vsub.s32 $0x0, v4;
	v18 =	vsel vm1, s15, v33;
	s20 =	sshra.s32 s30, $0x1F;
	v29 =	vsel vm4, s13, v43;
	s13 =	smulhi.u32 $0x55555556, s3;
	s23 =	spop (v2sf)  }
0x3b1: {  	v63 =	vnsel vm9, $0x0, v6;
	v6 =	vsub.s32 $0x0, v5;
	v5 =	vsub.s32 $0x0, v11;
	s3 =	sshra.s32 s25, $0x1F;
	s31 =	simm.s32 $0xE380;
	s15 =	spop (v2sf)  }
0x3b2: {  	vm10 =	veq.s32 v56, $0x0;
	v62 =	vsel vm2, s19, v10;
	v10 =	vand.u32 $0x1, v47;
	s18 =	sshra.s32 s26, $0x1F;
	s29 =	sshra.s32 s23, $0x1F;
	s22 =	spop (v2sf)  }
0x3b3: {  	v11 =	vcombine.low v61, v58;
	v32 =	vsel vm5, s24, v55;
	v9 =	vsel vm10, v9, v59;
	[dreg:$0xc] =	wrdreg s15;
	s14 =	sshra.s32 s15, $0x1F;
	s16 =	spop (v2sf)  }
0x3b4: {  	vm10 =	veq.s32 v10, $0x0;
	s15 =	simm.s32 $0xDBF0;
	[tilespmem:v24+s31+$0x0] =	vst.idx.add.f32.msk $0xffff, v63;
	v10 =	vand.u32 $0xFFFF0000, v57;
	v33 =	vshll.u32 v57, $0x10;
	s19 =	sshra.s32 s22, $0x1F;
	s24 =	spop (v2sf)  }
0x3b5: {  	v34 =	vsel vm2, s10, v15;
	v10 =	vsel vm10, v33, v10;
	v33 =	vcombine.low v62, v60;
	[smem:$0x71A] =	sst s16;
	s17 =	sshra.s32 s16, $0x1F;
	s12 =	sshra.s32 s24, $0x1F  }
.LBB2_7:
0x3b6: {  	v15 =	vld [tilespmem:s15+$0x20];
	s2 =	sadd.s32 s2, s9;
	s3 =	smul.u32 $0x55555556, s3  }
0x3b7: {  	s16 =	sshrl.u32 s10, $0x1F;
	s9 =	sshrl.u32 s1, $0x1F;
	s31 =	smulhi.u32 $0x55555556, s28  }
0x3b8: {  	s10 =	rddreg [dreg:$0x16];
	s4 =	sadd.s32 s4, s13;
	s13 =	smulhi.u32 $0x55555556, s21  }
0x3b9: {  	v21 =	vsel vm2, s9, v21;
	v53 =	vsel vm2, s4, v13;
	s9 =	sshrl.u32 s4, $0x1F;
	s4 =	smulhi.u32 $0x55555556, s10  }
0x3ba: {  	s10 =	smulhi.u32 $0x55555556, s26  }
0x3bb: {  	v27 =	vsel vm2, s9, v27;
	s9 =	smulhi.u32 $0x55555556, s25;
	(v2sf) =	vpush v15, $0x7  }
0x3bc: {  	s25 =	smul.u32 $0x55555556, s17;
	s21 =	sadd.s32 s6, s31;
	s31 =	rddreg [dreg:$0x15];
	(v2sf) =	vpush v15, $0x6  }
0x3bd: {  	s6 =	smulhi.u32 $0x55555556, s31;
	(v2sf) =	vpush v15, $0xF  }
0x3be: {  	s0 =	sadd.s32 s0, s13;
	v54 =	vsel vm2, s21, v14;
	s13 =	sshrl.u32 s21, $0x1F;
	s21 =	smul.u32 $0x55555556, s20  }
0x3bf: {  	[dreg:$0xa] =	wrdreg s15;
	s31 =	sadd.s32 s7, s4;
	s7 =	smul.u32 $0x55555556, s29;
	(v2sf) =	vpush v15, $0xB  }
0x3c0: {  	v24 =	vperm.xlane v11, v1;
	v12 =	vsel vm2, s1, v12;
	v11 =	vld [tilespmem:s15+$0xFFFFFFE0];
	s11 =	sadd.s32 $0x5, s11;
	v35 =	vsel vm2, s16, v20;
	s16 =	sshrl.u32 s2, $0x1F;
	s20 =	smul.u32 $0x55555556, s19  }
0x3c1: {  	v34 =	vcombine.low v12, v34;
	v12 =	vld [tilespmem:s15+$0xFFFFFFF0];
	[dreg:$0x8] =	wrdreg s11;
	p1 =	slt.u32 s11, $0x78;
	v28 =	vsel vm2, s13, v28;
	s13 =	smulhi.u32 $0x55555556, s23;
	(v2sf) =	vpush v15, $0x5  }
0x3c2: {  	v13 =	vld [tilespmem:s15+$0x0];
	v30 =	vsel vm5, s16, v30;
	s16 =	rddreg [dreg:$0x17];
	v16 =	vsel vm2, s31, v16;
	s1 =	sshrl.u32 s31, $0x1F;
	s31 =	smul.u32 $0x55555556, s12  }
0x3c3: {  	v14 =	vld [tilespmem:s15+$0x10];
	v17 =	vsel vm5, s0, v17;
	s0 =	sshrl.u32 s0, $0x1F;
	s12 =	smulhi.u32 $0x55555556, s24;
	s15 =	sadd.s32 s5, s6  }
0x3c4: {  	s5 =	smulhi.u32 $0x55555556, s16;
	v25 =	vsel vm2, s1, v25;
	s1 =	sadd.s32 s3, s9;
	s9 =	sld [smem:$0x71A];
	(v2sf) =	vpush v15, $0xE  }
0x3c5: {  	v22 =	vsel vm5, s2, v22;
	v18 =	vsel vm2, s15, v18;
	s2 =	sshrl.u32 s15, $0x1F;
	s15 =	smul.u32 $0x55555556, s14;
	s16 =	sshrl.u32 s1, $0x1F;
	(v2sf) =	vpush v15, $0xA  }
0x3c6: {  	s23 =	sadd.s32 s7, s13;
	s4 =	sadd.s32 s8, s5;
	s8 =	smulhi.u32 $0x55555556, s30;
	(v2sf) =	vpush v15, $0x4  }
0x3c7: {  	v26 =	vsel vm5, s0, v26;
	v22 =	vsel vm6, s1, v22;
	s7 =	rddreg [dreg:$0xc];
	s5 =	smul.u32 $0x55555556, s18;
	s0 =	sshrl.u32 s4, $0x1F  }
0x3c8: {  	s1 =	sadd.s32 s31, s12;
	v23 =	vsel vm2, s2, v23;
	v29 =	vsel vm5, s0, v29;
	s0 =	sadd.s32 s21, s8;
	s8 =	smulhi.u32 $0x55555556, s22;
	(v2sf) =	vpush v15, $0xD  }
0x3c9: {  	v23 =	vcombine.low v25, v23;
	s18 =	sadd.s32 s5, s10;
	s5 =	smulhi.u32 $0x55555556, s9;
	v25 =	vsel vm6, s0, v31;
	s0 =	sshrl.u32 s0, $0x1F;
	(v2sf) =	vpush v15, $0x9  }
0x3ca: {  	v27 =	vcombine.low v28, v27;
	s26 =	sshrl.u32 s23, $0x1F;
	v28 =	vsel vm6, s0, v32;
	s0 =	smulhi.u32 $0x55555556, s7;
	s10 =	spop (v2sf)  }
0x3cb: {  	s21 =	sshrl.u32 s18, $0x1F;
	(v2sf) =	vpush v15, $0x3;
	s13 =	smulhi.u32 $0x55555556, s10;
	s14 =	spop (v2sf)  }
0x3cc: {  	v30 =	vsel vm6, s16, v30;
	s9 =	sshra.s32 s10, $0x1F;
	s16 =	smulhi.u32 $0x55555556, s14;
	s17 =	spop (v2sf)  }
0x3cd: {  	s3 =	sadd.s32 s20, s8;
	(v2sf) =	vpush v15, $0xC;
	s9 =	smul.u32 $0x55555556, s9;
	[dreg:$0x19] =	wrdreg s13  }
0x3ce: {  	s8 =	sshra.s32 s14, $0x1F;
	s19 =	smulhi.u32 $0x55555556, s17;
	s20 =	spop (v2sf)  }
0x3cf: {  	s2 =	sadd.s32 s25, s5;
	(v2sf) =	vpush v15, $0x8;
	s14 =	smul.u32 $0x55555556, s8;
	[dreg:$0x1c] =	wrdreg s16  }
0x3d0: {  	v19 =	vsel vm5, s4, v19;
	v26 =	vsel vm6, s21, v26;
	s31 =	sshra.s32 s17, $0x1F;
	s5 =	smulhi.u32 $0x55555556, s20;
	s21 =	spop (v2sf)  }
0x3d1: {  	v19 =	vsel vm6, s23, v19;
	s23 =	sshrl.u32 s1, $0x1F;
	(v2sf) =	vpush v15, $0x2;
	[smem:$0x65A] =	sst s9;
	s31 =	smul.u32 $0x55555556, s31  }
0x3d2: {  	s7 =	sshra.s32 s20, $0x1F;
	[smem:$0x656] =	sst s19;
	s12 =	smulhi.u32 $0x55555556, s21  }
0x3d3: {  	s6 =	sshrl.u32 s3, $0x1F;
	(v2sf) =	vpush v15, $0x1;
	s13 =	spop (v2sf);
	s20 =	smul.u32 $0x55555556, s7  }
0x3d4: {  	v21 =	vcombine.low v21, v35;
	s0 =	sadd.s32 s15, s0;
	(v2sf) =	vpush v15, $0x0;
	s22 =	smulhi.u32 $0x55555556, s13;
	s28 =	spop (v2sf)  }
0x3d5: {  	v20 =	vperm.xlane v33, v1;
	v25 =	vsel vm7, s0, v25;
	s0 =	sshrl.u32 s0, $0x1F;
	s24 =	smulhi.u32 $0x55555556, s28;
	s30 =	spop (v2sf)  }
0x3d6: {  	v21 =	vperm.xlane v21, v1;
	v16 =	vcombine.low v16, v18;
	[smem:$0x657] =	sst s5;
	s8 =	sshra.s32 s28, $0x1F;
	s25 =	smulhi.u32 $0x55555556, s30  }
0x3d7: {  	v29 =	vsel vm6, s26, v29;
	v28 =	vsel vm7, s0, v28;
	(v2sf) =	vpush v11, $0x0;
	s10 =	simm.s32 $0xE380;
	s0 =	spop (v2sf);
	s8 =	smul.u32 $0x55555556, s8  }
0x3d8: {  	v29 =	vsel vm7, s23, v29;
	v30 =	vsel vm7, s6, v30;
	(v2sf) =	vpush v12, $0x0;
	s19 =	sshrl.u32 s2, $0x1F;
	s23 =	smulhi.u32 $0x55555556, s0;
	s6 =	spop (v2sf)  }
0x3d9: {  	v33 =	vcombine.low v54, v53;
	v18 =	vperm.xlane v27, v1;
	(v2sf) =	vpush v13, $0x0;
	s0 =	sshra.s32 s0, $0x1F;
	[smem:$0x659] =	sst s25;
	s25 =	smulhi.u32 $0x55555556, s6  }
0x3da: {  	v27 =	vperm.xlane v34, v1;
	v16 =	vperm.xlane v16, v1;
	(v2sf) =	vpush v14, $0x0;
	s21 =	sshra.s32 s21, $0x1F;
	s5 =	spop (v2sf);
	s7 =	smul.u32 $0x55555556, s0  }
0x3db: {  	v23 =	vperm.xlane v23, v1;
	v17 =	vsel vm6, s18, v17;
	(v2sf) =	vpush v11, $0x1;
	[smem:$0x654] =	sst s22;
	s6 =	sshra.s32 s6, $0x1F;
	s26 =	smulhi.u32 $0x55555556, s5  }
0x3dc: {  	v31 =	vperm.xlane v33, v1;
	v19 =	vsel vm7, s1, v19;
	v17 =	vsel vm7, s2, v17;
	s13 =	sshra.s32 s13, $0x1F;
	s2 =	spop (v2sf);
	s6 =	smul.u32 $0x55555556, s6  }
0x3dd: {  	v22 =	vsel vm7, s3, v22;
	(v2sf) =	vpush v12, $0x1;
	v26 =	vsel vm7, s19, v26;
	[smem:$0x655] =	sst s24;
	s5 =	sshra.s32 s5, $0x1F;
	s19 =	smulhi.u32 $0x55555556, s2  }
0x3de: {  	v19 =	vperm.xlane v19, v2;
	v22 =	vperm.xlane v22, v2;
	(v2sf) =	vpush v13, $0x1;
	s30 =	sshra.s32 s30, $0x1F;
	s4 =	spop (v2sf);
	s5 =	smul.u32 $0x55555556, s5  }
0x3df: {  	v17 =	vperm.xlane v17, v2;
	v30 =	vperm.xlane v30, v2;
	(v2sf) =	vpush v14, $0x1;
	s2 =	sshra.s32 s2, $0x1F;
	[smem:$0x658] =	sst s26;
	s18 =	smulhi.u32 $0x55555556, s4  }
0x3e0: {  	v16 =	vsel vm8, v19, v16;
	v25 =	vperm.xlane v25, v2;
	v28 =	vperm.xlane v28, v2;
	s29 =	spop (v2sf);
	s2 =	smul.u32 $0x55555556, s2;
	s4 =	sshra.s32 s4, $0x1F  }
0x3e1: {  	v22 =	vsel vm8, v22, v27;
	v21 =	vsel vm8, v30, v21;
	(v2sf) =	vpush v11, $0xC;
	s6 =	sadd.s32 s6, s25;
	s25 =	sld [smem:$0x655];
	s24 =	smulhi.u32 $0x55555556, s29  }
0x3e2: {  	v24 =	vsel vm8, v25, v24;
	v20 =	vsel vm8, v28, v20;
	(v2sf) =	vpush v11, $0x8;
	s3 =	spop (v2sf);
	s4 =	smul.u32 $0x55555556, s4;
	s29 =	sshra.s32 s29, $0x1F  }
0x3e3: {  	v28 =	vperm.xlane v29, v2;
	v26 =	vperm.xlane v26, v2;
	(v2sf) =	vpush v11, $0x2;
	s26 =	smulhi.u32 $0x55555556, s3;
	s1 =	spop (v2sf);
	s3 =	sshra.s32 s3, $0x1F  }
0x3e4: {  	v17 =	vsel vm8, v17, v31;
	v19 =	vadd.s32 v20, v24;
	v20 =	vadd.s32 v21, v22;
	s2 =	sadd.s32 s2, s19;
	s19 =	sadd.s32 s7, s23;
	s11 =	smulhi.u32 $0x55555556, s1  }
0x3e5: {  	v23 =	vsel vm8, v28, v23;
	v21 =	vmul.u32 $0xFFFFFFFD, v19;
	v18 =	vsel vm8, v26, v18;
	s23 =	sld [smem:$0x654];
	s4 =	sadd.s32 s4, s18;
	s18 =	smul.u32 $0x55555556, s29  }
0x3e6: {  	v16 =	vadd.s32 v23, v16;
	v17 =	vadd.s32 v18, v17;
	v18 =	vmul.u32 $0xFFFFFFFD, v20;
	s15 =	spop (v2sf);
	s1 =	sshra.s32 s1, $0x1F;
	s3 =	smul.u32 $0x55555556, s3  }
0x3e7: {  	v23 =	vmul.u32 $0xFFFFFFFD, v16;
	vm9 =	veq.s32 v21, v3;
	s7 =	sadd.s32 s8, s25;
	s8 =	sld [smem:$0x656];
	s16 =	spop (v2sf)  }
0x3e8: {  	v7 =	vnsel vm9, $0x0, v7;
	vm10 =	veq.s32 v18, v4;
	v18 =	vmov s2;
	s2 =	sshrl.u32 s2, $0x1F;
	s1 =	smul.u32 $0x55555556, s1;
	s17 =	spop (v2sf)  }
0x3e9: {  	[tilespmem:v19+s10+$0x0] =	vst.idx.add.f32.msk $0xffff, v7;
	s25 =	smul.u32 $0x55555556, s21;
	v19 =	vmov s4;
	s4 =	sshrl.u32 s4, $0x1F;
	s22 =	spop (v2sf)  }
0x3ea: {  	vm12 =	veq.s32 v23, v5;
	v22 =	vmul.u32 $0xFFFFFFFD, v17;
	s1 =	sadd.s32 s1, s11;
	s11 =	sld [smem:$0x657];
	s9 =	spop (v2sf)  }
0x3eb: {  	v7 =	vnsel vm12, $0x0, v10;
	s21 =	sshra.s32 s17, $0x1F;
	s17 =	smulhi.u32 $0x55555556, s17;
	[smem:$0x65B] =	sst s9  }
0x3ec: {  	[tilespmem:v16+s10+$0x0] =	vst.idx.add.f32.msk $0xffff, v7;
	vm11 =	veq.s32 v22, v6;
	v8 =	vnsel vm10, $0x0, v8;
	s26 =	sadd.s32 s3, s26;
	s9 =	smul.u32 $0x55555556, s13;
	s13 =	spop (v2sf)  }
0x3ed: {  	v9 =	vnsel vm11, $0x0, v9;
	[tilespmem:v20+s10+$0x0] =	vst.idx.add.f32.msk $0xffff, v8;
	v19 =	vsel vm0, s6, v19;
	s6 =	sshrl.u32 s6, $0x1F;
	[smem:$0x65C] =	sst s13;
	s13 =	spop (v2sf)  }
0x3ee: {  	[tilespmem:v17+s10+$0x0] =	vst.idx.add.f32.msk $0xffff, v9;
	v21 =	vmov s2;
	s2 =	sshrl.u32 s26, $0x1F;
	[smem:$0x65D] =	sst s13;
	s10 =	spop (v2sf)  }
0x3ef: {  	v20 =	vmov s1;
	s1 =	sshrl.u32 s1, $0x1F;
	s13 =	smul.u32 $0x55555556, s30;
	[smem:$0x65E] =	sst s10  }
0x3f0: {  	v23 =	vmov s1;
	s1 =	sadd.s32 s31, s8;
	s30 =	spop (v2sf);
	(v2sf) =	vpush v12, $0xC;
	s10 =	rddreg [dreg:$0x3]  }
0x3f1: {  	v18 =	vsel vm0, s19, v18;
	s31 =	sld [smem:$0x659];
	s0 =	sadd.s32 $0x50, s10;
	s10 =	spop (v2sf);
	(v2sf) =	vpush v12, $0x8  }
0x3f2: {  	v22 =	vmov s4;
	s8 =	rddreg [dreg:$0x1c];
	s4 =	sadd.s32 s20, s11;
	v23 =	vnsel vm3, $0x0, v23;
	v16 =	vld [tilespmem:s0+$0x20];
	s28 =	spop (v2sf);
	(v2sf) =	vpush v12, $0x2  }
0x3f3: {  	v22 =	vsel vm0, s6, v22;
	s11 =	rddreg [dreg:$0x19];
	s9 =	sadd.s32 s9, s23;
	s23 =	sshrl.u32 s7, $0x1F;
	v23 =	vsel vm0, s2, v23;
	v7 =	vld [tilespmem:s0+$0xFFFFFFF0];
	(v2sf) =	vpush v13, $0xC  }
0x3f4: {  	s6 =	sshrl.u32 s4, $0x1F;
	v18 =	vsel vm1, s9, v18;
	s20 =	sshrl.u32 s9, $0x1F;
	v22 =	vsel vm1, s23, v22;
	s2 =	sadd.s32 s13, s31;
	v8 =	vld [tilespmem:s0+$0x0];
	(v2sf) =	vpush v13, $0x8  }
0x3f5: {  	v18 =	vsel vm2, s1, v18;
	s1 =	sshrl.u32 s1, $0x1F;
	v22 =	vsel vm2, s6, v22;
	s6 =	sshra.s32 s22, $0x1F;
	v9 =	vld [tilespmem:s0+$0x10];
	[dreg:$0x3] =	wrdreg s0;
	(v2sf) =	vpush v13, $0x2  }
0x3f6: {  	v10 =	vld [tilespmem:s0+$0xFFFFFFE0];
	s0 =	sshrl.u32 s19, $0x1F;
	s19 =	sadd.s32 s18, s24;
	s24 =	sld [smem:$0x658]  }
0x3f7: {  	v19 =	vsel vm1, s7, v19;
	v20 =	vnsel vm3, $0x0, v20;
	s29 =	smov.u32 s30;
	[smem:$0x65F] =	sst s10;
	s7 =	sshrl.u32 s2, $0x1F  }
0x3f8: {  	v20 =	vsel vm0, s26, v20;
	v19 =	vsel vm2, s4, v19;
	[smem:$0x660] =	sst s28;
	v21 =	vsel vm0, s0, v21;
	s26 =	sshrl.u32 s19, $0x1F;
	s0 =	sshra.s32 s28, $0x1F  }
0x3f9: {  	v18 =	vcombine.low v19, v18;
	v19 =	vsel vm1, s19, v20;
	s0 =	smul.u32 $0x55555556, s0;
	s5 =	sadd.s32 s5, s24;
	s24 =	sld [smem:$0x65C]  }
0x3fa: {  	s3 =	sshrl.u32 s5, $0x1F;
	v19 =	vsel vm2, s5, v19;
	s5 =	sadd.s32 s25, s12;
	s12 =	sld [smem:$0x65A]  }
0x3fb: {  	v20 =	vsel vm1, s26, v23;
	v19 =	vsel vm4, s2, v19;
	s2 =	sadd.s32 s14, s8;
	s14 =	sshra.s32 s15, $0x1F;
	s15 =	smulhi.u32 $0x55555556, s15  }
0x3fc: {  	v21 =	vsel vm1, s20, v21;
	s20 =	sshra.s32 s16, $0x1F;
	s25 =	sld [smem:$0x65D];
	v20 =	vsel vm2, s3, v20;
	s3 =	smul.u32 $0x55555556, s14  }
0x3fd: {  	[smem:$0x668] =	sst s0;
	s9 =	sshrl.u32 s5, $0x1F;
	s14 =	smul.u32 $0x55555556, s21  }
0x3fe: {  	s13 =	sshrl.u32 s2, $0x1F;
	s8 =	sshra.s32 s24, $0x1F;
	s21 =	smul.u32 $0x55555556, s6  }
0x3ff: {  	v17 =	vshra.s32 v16, $0x1;
	v19 =	vsel vm5, s5, v19;
	s6 =	sshra.s32 s10, $0x1F;
	s10 =	smulhi.u32 $0x55555556, s16;
	s18 =	spop (v2sf)  }
0x400: {  	v21 =	vsel vm2, s1, v21;
	v20 =	vsel vm4, s7, v20;
	s1 =	sadd.s32 s12, s11;
	v19 =	vsel vm6, s2, v19;
	s2 =	smul.u32 $0x55555556, s20;
	s5 =	spop (v2sf)  }
0x401: {  	v18 =	vperm.xlane v18, v1;
	v20 =	vsel vm5, s9, v20;
	s11 =	sshra.s32 s30, $0x1F;
	s30 =	sld [smem:$0x65E];
	s26 =	spop (v2sf)  }
0x402: {  	v21 =	vcombine.low v22, v21;
	s8 =	smul.u32 $0x55555556, s8;
	v20 =	vsel vm6, s13, v20;
	s19 =	sshrl.u32 s1, $0x1F;
	v19 =	vsel vm7, s1, v19;
	s12 =	spop (v2sf)  }
0x403: {  	s23 =	simm.s32 $0x0;
	s13 =	sld [smem:$0x65B];
	v20 =	vsel vm7, s19, v20;
	v19 =	vperm.xlane v19, v2;
	s1 =	spop (v2sf);
	(v2sf) =	vpush v14, $0xC  }
0x404: {  	v21 =	vperm.xlane v21, v1;
	s14 =	sadd.s32 s14, s17;
	s17 =	smulhi.u32 $0x55555556, s24;
	v17 =	vld.idx.msk [tilespmem:v17+s23+$0x0], $0xffff;
	v20 =	vperm.xlane v20, v2;
	s31 =	spop (v2sf);
	(v2sf) =	vpush v14, $0x8  }
0x405: {  	s9 =	sshra.s32 s25, $0x1F;
	s16 =	sadd.s32 s3, s15;
	s24 =	smul.u32 $0x55555556, s11;
	v18 =	vsel vm8, v19, v18;
	(v2sf) =	vpush v14, $0x2  }
0x406: {  	s15 =	sadd.s32 s2, s10;
	s7 =	sshra.s32 s13, $0x1F;
	s13 =	smulhi.u32 $0x55555556, s13;
	v19 =	vsel vm8, v20, v21;
	v20 =	vshra.s32 v8, $0x1;
	(v2sf) =	vpush v11, $0xD  }
0x407: {  	s19 =	sshra.s32 s30, $0x1F;
	[smem:$0x666] =	sst s24;
	s7 =	smul.u32 $0x55555556, s7;
	v18 =	vadd.s32 v19, v18  }
0x408: {  	v16 =	vand.u32 $0x1, v16;
	[smem:$0x661] =	sst s18;
	v19 =	vmul.u32 $0xFFFFFFFD, v18;
	s18 =	sshra.s32 s18, $0x1F;
	s20 =	sshra.s32 s5, $0x1F  }
0x409: {  	vm9 =	veq.s32 v16, $0x0;
	v16 =	vand.u32 $0xFFFF0000, v17;
	v17 =	vshll.u32 v17, $0x10;
	[smem:$0x663] =	sst s26;
	s3 =	sshra.s32 s26, $0x1F;
	s26 =	smulhi.u32 $0x55555556, s22  }
0x40a: {  	s7 =	sadd.s32 s7, s13;
	v16 =	vsel vm9, v17, v16;
	v17 =	vmov s15;
	s15 =	sshrl.u32 s15, $0x1F;
	s13 =	smul.u32 $0x55555556, s20;
	(v2sf) =	vpush v11, $0x9  }
0x40b: {  	v15 =	vsub.s32 $0x0, v15;
	[smem:$0x662] =	sst s5;
	s5 =	simm.s32 $0xE380;
	v25 =	vld.idx.msk [tilespmem:v20+s23+$0x0], $0xffff;
	v20 =	vmov s15;
	s15 =	smul.u32 $0x55555556, s19  }
0x40c: {  	vm9 =	veq.s32 v19, v15;
	v15 =	vmov s16;
	s16 =	sshrl.u32 s16, $0x1F;
	s2 =	sshra.s32 s12, $0x1F;
	s19 =	smulhi.u32 $0x55555556, s25  }
0x40d: {  	s28 =	smov.u32 s12;
	s25 =	smul.u32 $0x55555556, s6;
	s4 =	sshra.s32 s1, $0x1F;
	(v2sf) =	vpush v11, $0x3  }
0x40e: {  	s12 =	smov.u32 s1;
	s1 =	smul.u32 $0x55555556, s18;
	[smem:$0x66A] =	sst s13  }
0x40f: {  	v16 =	vnsel vm9, $0x0, v16;
	s10 =	sadd.s32 s21, s26;
	s18 =	smul.u32 $0x55555556, s3;
	[smem:$0x667] =	sst s25  }
0x410: {  	v22 =	vshra.s32 v10, $0x1;
	[tilespmem:v18+s5+$0x0] =	vst.idx.add.f32.msk $0xffff, v16;
	v16 =	vnsel vm3, $0x0, v17;
	v17 =	vmov s14;
	s14 =	sshrl.u32 s14, $0x1F;
	s21 =	smulhi.u32 $0x55555556, s30;
	[smem:$0x669] =	sst s1  }
0x411: {  	v18 =	vnsel vm3, $0x0, v17;
	v17 =	vmov s10;
	s10 =	sshrl.u32 s10, $0x1F;
	s24 =	smul.u32 $0x55555556, s4;
	[smem:$0x66C] =	sst s18  }
0x412: {  	v26 =	vmov s10;
	s11 =	sadd.s32 s15, s21;
	s21 =	smul.u32 $0x55555556, s2;
	(v2sf) =	vpush v12, $0xD;
	s10 =	spop (v2sf)  }
0x413: {  	v23 =	vshra.s32 v7, $0x1;
	v19 =	vmov s16;
	v21 =	vmov s14;
	s14 =	sadd.s32 s8, s17;
	[smem:$0x670] =	sst s24;
	s16 =	spop (v2sf)  }
0x414: {  	v15 =	vnsel vm3, $0x0, v15;
	v27 =	vnsel vm3, $0x0, v19;
	[smem:$0x66E] =	sst s21;
	(v2sf) =	vpush v12, $0x9;
	s8 =	sshra.s32 s10, $0x1F;
	s17 =	spop (v2sf)  }
0x415: {  	v24 =	vld.idx.msk [tilespmem:v22+s23+$0x0], $0xffff;
	v19 =	vsel vm0, s7, v15;
	s7 =	sshrl.u32 s7, $0x1F;
	v22 =	vnsel vm3, $0x0, v21;
	v15 =	vnsel vm3, $0x0, v17;
	s3 =	smul.u32 $0x55555556, s8;
	s26 =	spop (v2sf)  }
0x416: {  	v17 =	vsel vm0, s14, v16;
	v16 =	vsel vm0, s7, v27;
	(v2sf) =	vpush v12, $0x3;
	s6 =	sshra.s32 s16, $0x1F;
	[smem:$0x66B] =	sst s26  }
0x417: {  	s22 =	sshra.s32 s31, $0x1F;
	v21 =	vnsel vm3, $0x0, v26;
	v26 =	vshra.s32 v9, $0x1;
	(v2sf) =	vpush v13, $0xD;
	s7 =	smul.u32 $0x55555556, s6;
	[smem:$0x674] =	sst s3  }
0x418: {  	s0 =	sshra.s32 s26, $0x1F;
	s26 =	smul.u32 $0x55555556, s22;
	s22 =	sld [smem:$0x661]  }
0x419: {  	s20 =	spop (v2sf);
	[smem:$0x664] =	sst s0  }
0x41a: {  	(v2sf) =	vpush v13, $0x9;
	[smem:$0x66D] =	sst s20  }
0x41b: {  	s9 =	smul.u32 $0x55555556, s9;
	v23 =	vld.idx.msk [tilespmem:v23+s23+$0x0], $0xffff;
	s5 =	sshra.s32 s17, $0x1F;
	[smem:$0x676] =	sst s7  }
0x41c: {  	v26 =	vld.idx.msk [tilespmem:v26+s23+$0x0], $0xffff;
	(v2sf) =	vpush v13, $0x3;
	s15 =	sshra.s32 s20, $0x1F;
	s23 =	spop (v2sf);
	s20 =	sld [smem:$0x660]  }
0x41d: {  	s13 =	smul.u32 $0x55555556, s5;
	[smem:$0x66F] =	sst s23  }
0x41e: {  	(v2sf) =	vpush v14, $0xD;
	[smem:$0x672] =	sst s26  }
0x41f: {  	v28 =	vnsel vm3, $0x0, v20;
	s0 =	sadd.s32 s9, s19;
	s19 =	sshrl.u32 s14, $0x1F;
	[smem:$0x678] =	sst s13  }
0x420: {  	v20 =	vsel vm0, s0, v18;
	v18 =	vsel vm0, s11, v15;
	v15 =	vsel vm0, s19, v28;
	s19 =	sld [smem:$0x65F]  }
0x421: {  	s1 =	sshra.s32 s23, $0x1F;
	s25 =	spop (v2sf);
	s23 =	sld [smem:$0x662]  }
0x422: {  	(v2sf) =	vpush v14, $0x9;
	s15 =	smul.u32 $0x55555556, s15;
	[smem:$0x665] =	sst s1  }
0x423: {  	(v2sf) =	vpush v14, $0x3;
	[smem:$0x671] =	sst s25;
	s2 =	spop (v2sf)  }
0x424: {  	(v2sf) =	vpush v11, $0xE;
	[smem:$0x673] =	sst s2  }
0x425: {  	s25 =	sshra.s32 s25, $0x1F;
	s4 =	spop (v2sf);
	[smem:$0x688] =	sst s15  }
0x426: {  	(v2sf) =	vpush v11, $0xA;
	s2 =	sshra.s32 s2, $0x1F;
	[smem:$0x675] =	sst s4;
	s8 =	spop (v2sf)  }
0x427: {  	s15 =	smul.u32 $0x55555556, s25;
	s9 =	sshra.s32 s4, $0x1F;
	[smem:$0x677] =	sst s8  }
0x428: {  	(v2sf) =	vpush v11, $0x4;
	s2 =	smul.u32 $0x55555556, s2;
	s4 =	sshra.s32 s8, $0x1F;
	s8 =	sld [smem:$0x663]  }
0x429: {  	s14 =	spop (v2sf);
	[smem:$0x68D] =	sst s15  }
0x42a: {  	s1 =	smulhi.u32 $0x55555556, s19;
	[smem:$0x679] =	sst s14  }
0x42b: {  	s24 =	sshra.s32 s14, $0x1F;
	s18 =	spop (v2sf);
	[smem:$0x68F] =	sst s2  }
0x42c: {  	[smem:$0x67A] =	sst s18;
	s15 =	smul.u32 $0x55555556, s24  }
0x42d: {  	(v2sf) =	vpush v12, $0xE;
	s5 =	sshra.s32 s18, $0x1F;
	s30 =	spop (v2sf);
	s24 =	sld [smem:$0x667]  }
0x42e: {  	s14 =	sshra.s32 s30, $0x1F;
	s2 =	smul.u32 $0x55555556, s5;
	[smem:$0x696] =	sst s15  }
0x42f: {  	(v2sf) =	vpush v12, $0xA;
	s5 =	smul.u32 $0x55555556, s14;
	s14 =	sld [smem:$0x66A]  }
0x430: {  	s6 =	smulhi.u32 $0x55555556, s29;
	[smem:$0x697] =	sst s2  }
0x431: {  	(v2sf) =	vpush v12, $0x4;
	s21 =	spop (v2sf);
	s15 =	sadd.s32 s24, s1;
	s24 =	sld [smem:$0x66C]  }
0x432: {  	[smem:$0x67B] =	sst s21;
	s29 =	spop (v2sf)  }
0x433: {  	(v2sf) =	vpush v13, $0xE;
	[smem:$0x699] =	sst s5;
	s7 =	spop (v2sf)  }
0x434: {  	[smem:$0x691] =	sst s7;
	s3 =	sshra.s32 s7, $0x1F  }
0x435: {  	s26 =	sshra.s32 s21, $0x1F;
	s13 =	spop (v2sf);
	[smem:$0x67C] =	sst s3  }
0x436: {  	(v2sf) =	vpush v13, $0xA;
	s21 =	smulhi.u32 $0x55555556, s23;
	[smem:$0x695] =	sst s13;
	s3 =	sshra.s32 s13, $0x1F  }
0x437: {  	s18 =	sshra.s32 s29, $0x1F;
	s23 =	spop (v2sf);
	[smem:$0x67D] =	sst s3  }
0x438: {  	s18 =	smul.u32 $0x55555556, s18;
	[smem:$0x698] =	sst s23  }
0x439: {  	(v2sf) =	vpush v13, $0x4;
	s3 =	sshra.s32 s23, $0x1F;
	s23 =	smulhi.u32 $0x55555556, s10;
	s10 =	sld [smem:$0x664]  }
0x43a: {  	s19 =	smulhi.u32 $0x55555556, s20;
	[smem:$0x69C] =	sst s18  }
0x43b: {  	s20 =	smulhi.u32 $0x55555556, s22;
	(v2sf) =	vpush v14, $0xE;
	s18 =	sld [smem:$0x671]  }
0x43c: {  	s7 =	spop (v2sf);
	[smem:$0x67E] =	sst s3  }
0x43d: {  	(v2sf) =	vpush v14, $0xA;
	s22 =	smulhi.u32 $0x55555556, s8;
	[smem:$0x69B] =	sst s7;
	s3 =	sshra.s32 s7, $0x1F  }
0x43e: {  	s8 =	spop (v2sf);
	[smem:$0x67F] =	sst s3  }
0x43f: {  	s13 =	smulhi.u32 $0x55555556, s12;
	[smem:$0x69D] =	sst s8;
	s3 =	sshra.s32 s8, $0x1F  }
0x440: {  	s12 =	spop (v2sf);
	[smem:$0x680] =	sst s3  }
0x441: {  	(v2sf) =	vpush v14, $0x4;
	[smem:$0x6A0] =	sst s12;
	s3 =	sshra.s32 s12, $0x1F  }
0x442: {  	s7 =	spop (v2sf);
	[smem:$0x681] =	sst s3  }
0x443: {  	(v2sf) =	vpush v11, $0xF;
	[smem:$0x6A2] =	sst s7  }
0x444: {  	s3 =	sshra.s32 s7, $0x1F;
	s7 =	smul.u32 $0x55555556, s10;
	s10 =	sld [smem:$0x665]  }
0x445: {  	(v2sf) =	vpush v11, $0xB;
	s8 =	spop (v2sf);
	[smem:$0x682] =	sst s3  }
0x446: {  	[smem:$0x6A3] =	sst s8  }
0x447: {  	(v2sf) =	vpush v11, $0x5;
	s3 =	sshra.s32 s8, $0x1F;
	[smem:$0x685] =	sst s7  }
0x448: {  	(v2sf) =	vpush v12, $0xF;
	s12 =	spop (v2sf);
	[smem:$0x683] =	sst s3  }
0x449: {  	(v2sf) =	vpush v12, $0xB;
	[smem:$0x6A4] =	sst s12;
	s3 =	sshra.s32 s12, $0x1F  }
0x44a: {  	(v2sf) =	vpush v12, $0x5;
	s8 =	spop (v2sf);
	[smem:$0x684] =	sst s3  }
0x44b: {  	(v2sf) =	vpush v13, $0xF;
	[smem:$0x6A5] =	sst s8;
	s3 =	sshra.s32 s8, $0x1F  }
0x44c: {  	(v2sf) =	vpush v13, $0xB;
	s12 =	spop (v2sf);
	[smem:$0x687] =	sst s3  }
0x44d: {  	(v2sf) =	vpush v13, $0x5;
	s7 =	smul.u32 $0x55555556, s10;
	[smem:$0x6A6] =	sst s12  }
0x44e: {  	(v2sf) =	vpush v14, $0xF;
	s3 =	sshra.s32 s12, $0x1F;
	s12 =	sld [smem:$0x666]  }
0x44f: {  	(v2sf) =	vpush v14, $0xB;
	[smem:$0x68A] =	sst s7  }
0x450: {  	(v2sf) =	vpush v14, $0x5;
	s25 =	spop (v2sf);
	[smem:$0x68C] =	sst s3  }
0x451: {  	(v2sf) =	vpush v11, $0x6;
	[smem:$0x6A8] =	sst s25;
	s3 =	sshra.s32 s25, $0x1F  }
0x452: {  	(v2sf) =	vpush v12, $0x6;
	s8 =	spop (v2sf);
	[smem:$0x690] =	sst s3  }
0x453: {  	(v2sf) =	vpush v13, $0x6;
	s7 =	smul.u32 $0x55555556, s9;
	[smem:$0x6BE] =	sst s8  }
0x454: {  	s11 =	sshrl.u32 s11, $0x1F;
	(v2sf) =	vpush v14, $0x6;
	s10 =	spop (v2sf);
	s3 =	sld [smem:$0x668]  }
0x455: {  	v55 =	vsub.s32 $0x0, v11;
	(v2sf) =	vpush v11, $0x7;
	v11 =	vsel vm0, s11, v21;
	s11 =	smul.u32 $0x55555556, s26;
	s26 =	sld [smem:$0x66D]  }
0x456: {  	s9 =	smul.u32 $0x55555556, s4;
	[smem:$0x692] =	sst s7  }
0x457: {  	[smem:$0x6C0] =	sst s10  }
0x458: {  	[smem:$0x694] =	sst s9  }
0x459: {  	s8 =	sshra.s32 s8, $0x1F;
	s9 =	sld [smem:$0x669]  }
0x45a: {  	s7 =	spop (v2sf);
	[smem:$0x6A9] =	sst s8  }
0x45b: {  	[smem:$0x6C3] =	sst s7  }
0x45c: {  	[smem:$0x69A] =	sst s11  }
0x45d: {  	s10 =	sshra.s32 s10, $0x1F;
	s11 =	sld [smem:$0x66F]  }
0x45e: {  	s25 =	sadd.s32 s12, s6;
	s6 =	spop (v2sf);
	[smem:$0x6AC] =	sst s10  }
0x45f: {  	[smem:$0x6C5] =	sst s6  }
0x460: {  	s7 =	sshra.s32 s7, $0x1F;
	s5 =	smulhi.u32 $0x55555556, s26;
	s26 =	sld [smem:$0x672]  }
0x461: {  	[smem:$0x6AF] =	sst s7  }
0x462: {  	s4 =	spop (v2sf);
	s7 =	sld [smem:$0x67B]  }
0x463: {  	s12 =	sadd.s32 s3, s19;
	[smem:$0x6C6] =	sst s4  }
0x464: {  	s19 =	sadd.s32 s9, s20;
	s20 =	sadd.s32 s14, s21;
	s21 =	sld [smem:$0x66B]  }
0x465: {  	s9 =	sld [smem:$0x66E]  }
0x466: {  	s6 =	sshra.s32 s6, $0x1F;
	s14 =	sld [smem:$0x670]  }
0x467: {  	s3 =	spop (v2sf);
	[smem:$0x6B1] =	sst s6  }
0x468: {  	[smem:$0x6C7] =	sst s3  }
0x469: {  	s4 =	sshra.s32 s4, $0x1F;
	[smem:$0x689] =	sst s5  }
0x46a: {  	s2 =	spop (v2sf);
	[smem:$0x6B2] =	sst s4  }
0x46b: {  	s3 =	sshra.s32 s3, $0x1F;
	[smem:$0x6C8] =	sst s2  }
0x46c: {  	s28 =	smulhi.u32 $0x55555556, s28;
	[smem:$0x6B3] =	sst s3  }
0x46d: {  	s1 =	spop (v2sf);
	s3 =	sld [smem:$0x67D]  }
0x46e: {  	s31 =	smulhi.u32 $0x55555556, s31;
	s0 =	sshrl.u32 s0, $0x1F;
	[smem:$0x6B8] =	sst s1  }
0x46f: {  	v22 =	vsel vm0, s0, v22;
	s0 =	smulhi.u32 $0x55555556, s21;
	s21 =	sadd.s32 s24, s22;
	s24 =	sadd.s32 s9, s28  }
0x470: {  	s9 =	smulhi.u32 $0x55555556, s11;
	s11 =	sadd.s32 s26, s31;
	s31 =	sld [smem:$0x673]  }
0x471: {  	s2 =	sshra.s32 s2, $0x1F;
	s26 =	sld [smem:$0x675]  }
0x472: {  	(v2sf) =	vpush v12, $0x7;
	[smem:$0x6B5] =	sst s2;
	s1 =	sshra.s32 s1, $0x1F  }
0x473: {  	(v2sf) =	vpush v13, $0x7;
	[smem:$0x6B7] =	sst s1  }
0x474: {  	v58 =	vsub.s32 $0x0, v14;
	(v2sf) =	vpush v14, $0x7;
	v14 =	vsel vm1, s12, v19;
	s1 =	sshrl.u32 s12, $0x1F;
	s12 =	sld [smem:$0x682]  }
0x475: {  	[smem:$0x686] =	sst s0  }
0x476: {  	s0 =	spop (v2sf);
	[smem:$0x68B] =	sst s9  }
0x477: {  	s9 =	smulhi.u32 $0x55555556, s18;
	s18 =	sld [smem:$0x674]  }
0x478: {  	s2 =	smul.u32 $0x55555556, s3;
	s3 =	sld [smem:$0x681]  }
0x479: {  	[smem:$0x6C4] =	sst s0  }
0x47a: {  	[smem:$0x68E] =	sst s9  }
0x47b: {  	s9 =	smulhi.u32 $0x55555556, s26;
	s26 =	sld [smem:$0x676]  }
0x47c: {  	s0 =	sshra.s32 s0, $0x1F;
	[smem:$0x6AA] =	sst s2  }
0x47d: {  	s5 =	spop (v2sf);
	[smem:$0x6B9] =	sst s0  }
0x47e: {  	[dreg:$0x15] =	wrdreg s5  }
0x47f: {  	s5 =	sshra.s32 s5, $0x1F;
	s2 =	sld [smem:$0x680]  }
0x480: {  	s22 =	sadd.s32 s14, s13;
	s13 =	spop (v2sf);
	[smem:$0x6BB] =	sst s5  }
0x481: {  	[dreg:$0x16] =	wrdreg s13  }
0x482: {  	s6 =	sshra.s32 s13, $0x1F;
	s13 =	sld [smem:$0x67F]  }
0x483: {  	v21 =	vmov s20;
	v20 =	vsel vm1, s11, v20;
	s5 =	sshrl.u32 s20, $0x1F;
	s20 =	sshrl.u32 s11, $0x1F;
	s11 =	sld [smem:$0x688]  }
0x484: {  	v7 =	vand.u32 $0x1, v7;
	s16 =	smulhi.u32 $0x55555556, s16;
	[smem:$0x693] =	sst s9  }
0x485: {  	vm10 =	veq.s32 v7, $0x0;
	s14 =	spop (v2sf);
	[smem:$0x6BC] =	sst s6  }
0x486: {  	v8 =	vand.u32 $0x1, v8;
	v30 =	vand.u32 $0xFFFF0000, v23;
	v23 =	vshll.u32 v23, $0x10;
	s18 =	sadd.s32 s18, s23;
	s23 =	spop (v2sf);
	[dreg:$0x17] =	wrdreg s14  }
0x487: {  	vm11 =	veq.s32 v8, $0x0;
	v8 =	vsel vm10, v23, v30;
	v30 =	vmov s5;
	s5 =	sld [smem:$0x686];
	s16 =	sadd.s32 s26, s16;
	s26 =	spop (v2sf)  }
0x488: {  	[smem:$0x69E] =	sst s26  }
0x489: {  	s26 =	sld [smem:$0x677]  }
0x48a: {  	v22 =	vsel vm1, s20, v22;
	s20 =	sld [smem:$0x68E]  }
0x48b: {  	[smem:$0x6C1] =	sst s23  }
0x48c: {  	s14 =	sshra.s32 s14, $0x1F;
	s28 =	smulhi.u32 $0x55555556, s26;
	s26 =	sld [smem:$0x678]  }
0x48d: {  	s17 =	smulhi.u32 $0x55555556, s17;
	[smem:$0x6BD] =	sst s14  }
0x48e: {  	s6 =	sshrl.u32 s21, $0x1F;
	s14 =	sld [smem:$0x683]  }
0x48f: {  	v15 =	vsel vm1, s6, v15;
	s6 =	sld [smem:$0x687];
	s9 =	sadd.s32 s26, s17;
	s26 =	spop (v2sf)  }
0x490: {  	[smem:$0x69F] =	sst s26  }
0x491: {  	s26 =	sld [smem:$0x679];
	s17 =	spop (v2sf)  }
0x492: {  	[smem:$0x6A1] =	sst s17  }
0x493: {  	v18 =	vsel vm1, s9, v18;
	s9 =	sshrl.u32 s9, $0x1F;
	s17 =	sld [smem:$0x67A]  }
0x494: {  	s10 =	spop (v2sf);
	v11 =	vsel vm1, s9, v11;
	s9 =	sld [smem:$0x694]  }
0x495: {  	[dreg:$0xc] =	wrdreg s10;
	s10 =	spop (v2sf)  }
0x496: {  	v56 =	vsub.s32 $0x0, v12;
	v10 =	vand.u32 $0x1, v10;
	[smem:$0x6B4] =	sst s10;
	s8 =	spop (v2sf)  }
0x497: {  	v29 =	vand.u32 $0xFFFF0000, v24;
	v24 =	vshll.u32 v24, $0x10;
	vm9 =	veq.s32 v10, $0x0;
	s10 =	smulhi.u32 $0x55555556, s7;
	[smem:$0x71A] =	sst s8  }
0x498: {  	v57 =	vsub.s32 $0x0, v13;
	v7 =	vsel vm9, v24, v29;
	v9 =	vand.u32 $0x1, v9;
	s7 =	spop (v2sf);
	s8 =	sld [smem:$0x67C]  }
0x499: {  	v27 =	vand.u32 $0xFFFF0000, v25;
	v25 =	vshll.u32 v25, $0x10;
	vm12 =	veq.s32 v9, $0x0;
	[smem:$0x6B6] =	sst s7;
	s7 =	sshrl.u32 s25, $0x1F  }
0x49a: {  	v12 =	vmov s25;
	v13 =	vmov s15;
	v24 =	vmov s22;
	s25 =	sshrl.u32 s15, $0x1F;
	s15 =	sshrl.u32 s22, $0x1F;
	s22 =	sld [smem:$0x684]  }
0x49b: {  	v9 =	vsel vm11, v25, v27;
	v10 =	vand.u32 $0xFFFF0000, v26;
	v27 =	vmov s7;
	s7 =	smul.u32 $0x55555556, s12;
	s12 =	sld [smem:$0x689]  }
0x49c: {  	v23 =	vshll.u32 v26, $0x10;
	v26 =	vmov s16;
	v28 =	vmov s25;
	s25 =	sshrl.u32 s16, $0x1F;
	s16 =	sld [smem:$0x68C];
	s4 =	smul.u32 $0x55555556, s8  }
0x49d: {  	s8 =	smul.u32 $0x55555556, s14;
	s14 =	sld [smem:$0x68B]  }
0x49e: {  	[smem:$0x6A7] =	sst s4  }
0x49f: {  	s4 =	sld [smem:$0x67E]  }
0x4a0: {  	v61 =	vmov s25;
	s25 =	sld [smem:$0x690]  }
0x4a1: {  	v16 =	vsel vm1, s1, v16;
	s1 =	smul.u32 $0x55555556, s16;
	s16 =	sld [smem:$0x697]  }
0x4a2: {  	v19 =	vmov s19;
	s0 =	smul.u32 $0x55555556, s4;
	s4 =	sshrl.u32 s19, $0x1F;
	s19 =	sld [smem:$0x68D]  }
0x4a3: {  	v29 =	vmov s4;
	s4 =	sld [smem:$0x685]  }
0x4a4: {  	[smem:$0x6AB] =	sst s0  }
0x4a5: {  	v10 =	vsel vm12, v23, v10;
	v23 =	vmov s24;
	s0 =	smul.u32 $0x55555556, s13;
	s13 =	sshrl.u32 s24, $0x1F;
	s24 =	sshrl.u32 s18, $0x1F  }
0x4a6: {  	v25 =	vmov s18;
	s18 =	smul.u32 $0x55555556, s6;
	s6 =	sadd.s32 s11, s12;
	s11 =	sld [smem:$0x695]  }
0x4a7: {  	v31 =	vmov s13;
	s13 =	sld [smem:$0x68A]  }
0x4a8: {  	v60 =	vmov s24;
	s24 =	sld [smem:$0x68F]  }
0x4a9: {  	[smem:$0x6AD] =	sst s0  }
0x4aa: {  	v59 =	vmov s15;
	s15 =	sadd.s32 s4, s5;
	s5 =	sld [smem:$0x693]  }
0x4ab: {  	s0 =	smul.u32 $0x55555556, s2;
	s4 =	sadd.s32 s19, s20;
	s19 =	sld [smem:$0x698]  }
0x4ac: {  	s31 =	smulhi.u32 $0x55555556, s31;
	s20 =	sld [smem:$0x699]  }
0x4ad: {  	s30 =	smulhi.u32 $0x55555556, s30;
	[smem:$0x6AE] =	sst s0  }
0x4ae: {  	s29 =	smulhi.u32 $0x55555556, s29;
	s12 =	sadd.s32 s24, s31;
	s31 =	sld [smem:$0x691]  }
0x4af: {  	s0 =	smul.u32 $0x55555556, s3;
	s3 =	sld [smem:$0x692]  }
0x4b0: {  	v17 =	vsel vm1, s21, v17;
	s21 =	smul.u32 $0x55555556, s22;
	s22 =	sadd.s32 s13, s14;
	s14 =	sld [smem:$0x696]  }
0x4b1: {  	v13 =	vsel vm0, s6, v13;
	s6 =	sshrl.u32 s6, $0x1F;
	s13 =	sadd.s32 s9, s28;
	s9 =	sld [smem:$0x69C]  }
0x4b2: {  	s26 =	smulhi.u32 $0x55555556, s26;
	v28 =	vsel vm0, s6, v28;
	s6 =	sld [smem:$0x6AE]  }
0x4b3: {  	s17 =	smulhi.u32 $0x55555556, s17;
	[smem:$0x6B0] =	sst s0  }
0x4b4: {  	v23 =	vsel vm0, s13, v23;
	s13 =	sshrl.u32 s13, $0x1F;
	s0 =	smul.u32 $0x55555556, s25;
	s25 =	sld [smem:$0x69A]  }
0x4b5: {  	s2 =	smulhi.u32 $0x55555556, s11;
	v31 =	vsel vm0, s13, v31;
	s13 =	sld [smem:$0x6A6]  }
0x4b6: {  	s17 =	sadd.s32 s16, s17;
	s24 =	smulhi.u32 $0x55555556, s31;
	s31 =	sld [smem:$0x69B]  }
0x4b7: {  	s5 =	sadd.s32 s3, s5;
	s14 =	sadd.s32 s14, s26;
	s3 =	sld [smem:$0x69F]  }
0x4b8: {  	s26 =	sshra.s32 s23, $0x1F;
	s28 =	sadd.s32 s9, s29;
	s29 =	sld [smem:$0x6A1]  }
0x4b9: {  	v12 =	vsel vm0, s15, v12;
	v19 =	vsel vm0, s4, v19;
	s15 =	sshrl.u32 s15, $0x1F;
	s4 =	sshrl.u32 s4, $0x1F;
	[smem:$0x6BA] =	sst s26  }
0x4ba: {  	s16 =	sadd.s32 s20, s30;
	s30 =	sadd.s32 s25, s10;
	s10 =	sld [smem:$0x69D]  }
0x4bb: {  	v27 =	vsel vm0, s15, v27;
	s15 =	sshrl.u32 s12, $0x1F;
	s9 =	sshrl.u32 s5, $0x1F;
	s25 =	sld [smem:$0x6A0]  }
0x4bc: {  	v29 =	vsel vm0, s4, v29;
	v30 =	vsel vm0, s15, v30;
	s15 =	sshrl.u32 s14, $0x1F;
	s4 =	smulhi.u32 $0x55555556, s13;
	s13 =	sld [smem:$0x6AB]  }
0x4bd: {  	s11 =	smulhi.u32 $0x55555556, s19;
	v15 =	vsel vm2, s9, v15;
	v32 =	vsel vm0, s15, v59;
	s15 =	sshrl.u32 s16, $0x1F;
	s9 =	sld [smem:$0x6AF]  }
0x4be: {  	s26 =	smulhi.u32 $0x55555556, s31;
	s31 =	sld [smem:$0x69E];
	s19 =	sshra.s32 s3, $0x1F  }
0x4bf: {  	v33 =	vsel vm0, s15, v60;
	s15 =	sshrl.u32 s28, $0x1F;
	[smem:$0x6BF] =	sst s19  }
0x4c0: {  	s19 =	sshrl.u32 s22, $0x1F;
	v11 =	vsel vm2, s15, v11;
	s15 =	sld [smem:$0x6AC]  }
0x4c1: {  	s23 =	smulhi.u32 $0x55555556, s10;
	s10 =	sshra.s32 s29, $0x1F;
	v36 =	vsel vm2, s19, v16;
	s19 =	sld [smem:$0x6A3]  }
0x4c2: {  	[smem:$0x6C2] =	sst s10  }
0x4c3: {  	s10 =	sld [smem:$0x6A2]  }
0x4c4: {  	s1 =	sadd.s32 s1, s4;
	s4 =	sld [smem:$0x6B3]  }
0x4c5: {  	v21 =	vsel vm0, s12, v21;
	s11 =	sadd.s32 s13, s11;
	s13 =	sld [smem:$0x6B0];
	s12 =	smulhi.u32 $0x55555556, s19  }
0x4c6: {  	v14 =	vsel vm2, s22, v14;
	s19 =	sshrl.u32 s17, $0x1F;
	s22 =	smulhi.u32 $0x55555556, s10;
	s10 =	sld [smem:$0x6A4]  }
0x4c7: {  	v37 =	vsel vm2, s19, v22;
	s19 =	sld [smem:$0x6A7]  }
0x4c8: {  	s25 =	smulhi.u32 $0x55555556, s25;
	s23 =	sadd.s32 s6, s23;
	s6 =	sld [smem:$0x71A]  }
0x4c9: {  	v25 =	vsel vm0, s16, v25;
	v17 =	vsel vm2, s5, v17;
	v26 =	vsel vm0, s30, v26;
	s16 =	sshrl.u32 s30, $0x1F;
	s5 =	smulhi.u32 $0x55555556, s10;
	s10 =	sld [smem:$0x6A5]  }
0x4ca: {  	v16 =	vsel vm1, s1, v26;
	s1 =	sshrl.u32 s1, $0x1F;
	s24 =	sadd.s32 s19, s24;
	s19 =	sld [smem:$0x6A9]  }
0x4cb: {  	s20 =	sshra.s32 s31, $0x1F;
	s7 =	sadd.s32 s7, s22;
	s22 =	sld [smem:$0x6B2]  }
0x4cc: {  	v24 =	vsel vm0, s14, v24;
	v40 =	vsel vm4, s11, v14;
	s11 =	sshrl.u32 s11, $0x1F;
	s14 =	smulhi.u32 $0x55555556, s10;
	s10 =	sld [smem:$0x6A8]  }
0x4cd: {  	v34 =	vsel vm0, s16, v61;
	s25 =	sadd.s32 s13, s25;
	s16 =	smul.u32 $0x55555556, s19;
	s19 =	sld [smem:$0x6AD]  }
0x4ce: {  	s8 =	sadd.s32 s8, s12;
	s13 =	smul.u32 $0x55555556, s22;
	s22 =	sld [smem:$0x6B4]  }
0x4cf: {  	v38 =	vsel vm1, s24, v12;
	v12 =	vsel vm1, s23, v21;
	s23 =	sshrl.u32 s23, $0x1F;
	s21 =	sadd.s32 s21, s5;
	s5 =	sld [smem:$0x6B5]  }
0x4d0: {  	v20 =	vsel vm2, s17, v20;
	s17 =	smulhi.u32 $0x55555556, s10;
	s10 =	sld [smem:$0x6AA];
	s26 =	sadd.s32 s19, s26  }
0x4d1: {  	v36 =	vsel vm4, s11, v36;
	v21 =	vsel vm1, s23, v30;
	s23 =	sshrl.u32 s7, $0x1F;
	s19 =	sld [smem:$0x6B1];
	s11 =	sshrl.u32 s26, $0x1F  }
0x4d2: {  	v41 =	vsel vm1, s26, v19;
	s26 =	smov.u32 s3;
	s3 =	smov.u32 s20;
	s20 =	sld [smem:$0x6BA]  }
0x4d3: {  	v22 =	vsel vm4, s25, v17;
	v17 =	vsel vm4, s21, v20;
	v20 =	vsel vm1, s11, v29;
	s11 =	sshrl.u32 s25, $0x1F;
	s25 =	smov.u32 s31;
	s31 =	sld [smem:$0x6BC]  }
0x4d4: {  	v62 =	vsel vm2, s28, v18;
	s30 =	sadd.s32 s0, s17;
	s0 =	sshrl.u32 s24, $0x1F;
	s24 =	sld [smem:$0x6B6]  }
0x4d5: {  	v14 =	vsel vm1, s8, v24;
	s28 =	sadd.s32 s10, s2;
	s10 =	smul.u32 $0x55555556, s15;
	v24 =	vsel vm1, s0, v27;
	v27 =	vsel vm1, s23, v31;
	s23 =	sld [smem:$0x6BD]  }
0x4d6: {  	s21 =	sshrl.u32 s21, $0x1F;
	v39 =	vsel vm1, s28, v13;
	v13 =	vsel vm1, s7, v23;
	s7 =	smul.u32 $0x55555556, s31;
	s31 =	sld [smem:$0x6BE]  }
0x4d7: {  	s12 =	sadd.s32 s18, s14;
	s17 =	sld [smem:$0x6B7];
	s15 =	smul.u32 $0x55555556, s9  }
0x4d8: {  	s2 =	rddreg [dreg:$0xc];
	v30 =	vsel vm4, s11, v15;
	s11 =	sshrl.u32 s8, $0x1F;
	s8 =	smul.u32 $0x55555556, s23  }
0x4d9: {  	s18 =	sshra.s32 s6, $0x1F;
	s23 =	smulhi.u32 $0x55555556, s31;
	s31 =	sld [smem:$0x6C0]  }
0x4da: {  	v18 =	vsel vm1, s12, v25;
	v25 =	vsel vm1, s1, v34;
	s9 =	smul.u32 $0x55555556, s19;
	s0 =	sld [smem:$0x6B9];
	s1 =	sshrl.u32 s30, $0x1F  }
0x4db: {  	v19 =	vsel vm4, s30, v62;
	s30 =	sld [smem:$0x6C1];
	s14 =	sshra.s32 s2, $0x1F;
	s2 =	smul.u32 $0x55555556, s4  }
0x4dc: {  	v26 =	vsel vm4, s21, v37;
	s19 =	sshra.s32 s22, $0x1F;
	s21 =	smulhi.u32 $0x55555556, s31;
	s31 =	sld [smem:$0x6C3]  }
0x4dd: {  	s4 =	smul.u32 $0x55555556, s5;
	s5 =	sshrl.u32 s28, $0x1F;
	s28 =	sld [smem:$0x6B8]  }
0x4de: {  	s6 =	smul.u32 $0x55555556, s17;
	s17 =	sshra.s32 s24, $0x1F;
	v63 =	vsel vm1, s5, v28;
	v28 =	vsel vm1, s11, v32;
	s11 =	sshrl.u32 s12, $0x1F  }
0x4df: {  	v23 =	vsel vm1, s11, v33;
	s11 =	sadd.s32 s16, s23;
	s16 =	smulhi.u32 $0x55555556, s31;
	s31 =	sld [smem:$0x6C5]  }
0x4e0: {  	s5 =	sld [smem:$0x6BB];
	s0 =	smul.u32 $0x55555556, s0;
	s12 =	smov.u32 s17  }
0x4e1: {  	v29 =	vsel vm4, s1, v11;
	s17 =	smov.u32 s18;
	s18 =	sld [smem:$0x6BF];
	s1 =	sadd.s32 s10, s21  }
0x4e2: {  	v11 =	vsel vm2, s11, v38;
	s10 =	sshrl.u32 s11, $0x1F;
	s11 =	smulhi.u32 $0x55555556, s31;
	s31 =	sld [smem:$0x6C7]  }
0x4e3: {  	s23 =	smov.u32 s29;
	s15 =	sadd.s32 s15, s16;
	s16 =	sld [smem:$0x6C6]  }
.Ltmp2:
0x4e4: {  	s29 =	sld [smem:$0x6C2];
	v15 =	vsel vm2, s1, v39;
	s1 =	sshrl.u32 s1, $0x1F;
	(pc) =	sbr.rel @p1 .LBB2_7-.Ltmp2, $4  }
0x4e5: {  	v24 =	vsel vm2, s10, v24;
	s10 =	sadd.s32 s9, s11;
	s9 =	smulhi.u32 $0x55555556, s31;
	s31 =	sld [smem:$0x6C8]  }
0x4e6: {  	v11 =	vcombine.low v15, v11;
	v15 =	vsel vm2, s1, v63;
	v31 =	vsel vm5, s15, v40;
	s1 =	sshrl.u32 s15, $0x1F;
	s15 =	rddreg [dreg:$0xa];
	s16 =	smulhi.u32 $0x55555556, s16  }
0x4e7: {  	v3 =	vmov v55;
	v5 =	vmov v58;
	s5 =	smul.u32 $0x55555556, s5;
	s21 =	sld [smem:$0x6C4];
	s15 =	sadd.s32 $0x50, s15  }
0x4e8: {  	v4 =	vmovc v56;
	v6 =	vmovc v57;
	v33 =	vcombine.low v15, v24;
	v32 =	vsel vm5, s1, v36;
	s11 =	rddreg [dreg:$0x8];
	v34 =	vsel vm2, s10, v41;
	s1 =	sadd.s32 s13, s16;
	s13 =	smulhi.u32 $0x55555556, s31  }
0x4e9: {  	s11 =	smulhi.u32 $0x55555556, s28  }
0x4ea: {  	s3 =	smul.u32 $0x55555556, s3  }
0x4eb: {  	s14 =	smul.u32 $0x55555556, s14  }
0x4ec: {  	s16 =	rddreg [dreg:$0x15];
	s15 =	smulhi.u32 $0x55555556, s21  }
0x4ed: {  	s31 =	rddreg [dreg:$0x16];
	s16 =	smulhi.u32 $0x55555556, s16  }
0x4ee: {  	s28 =	rddreg [dreg:$0x17];
	s21 =	smulhi.u32 $0x55555556, s31  }
0x4ef: {  	s2 =	sadd.s32 s2, s9;
	s9 =	smulhi.u32 $0x55555556, s28  }
0x4f0: {  	s31 =	smul.u32 $0x55555556, s20  }
0x4f1: {  	s10 =	sshrl.u32 s10, $0x1F;
	v12 =	vsel vm2, s1, v12;
	s4 =	sadd.s32 s4, s13;
	s13 =	smul.u32 $0x55555556, s18  }
0x4f2: {  	v11 =	vperm.xlane v11, v1;
	v15 =	vsel vm2, s10, v20;
	s10 =	sshrl.u32 s1, $0x1F;
	v45 =	vsel vm5, s2, v22;
	s20 =	smul.u32 $0x55555556, s29  }
0x4f3: {  	s29 =	smulhi.u32 $0x55555556, s25;
	v12 =	vcombine.low v12, v34;
	v51 =	vperm.xlane v33, v1;
	s6 =	sadd.s32 s6, s11;
	v44 =	vsel vm2, s10, v21;
	s18 =	sshrl.u32 s4, $0x1F  }
0x4f4: {  	v13 =	vsel vm2, s4, v13;
	s0 =	sadd.s32 s0, s15;
	s5 =	sadd.s32 s5, s16;
	s16 =	sshrl.u32 s2, $0x1F;
	v24 =	vsel vm2, s18, v27;
	v14 =	vsel vm2, s6, v14  }
0x4f5: {  	s7 =	sadd.s32 s7, s21;
	s15 =	smulhi.u32 $0x55555556, s30;
	s28 =	sshrl.u32 s6, $0x1F;
	v15 =	vcombine.low v44, v15;
	v12 =	vperm.xlane v12, v1;
	v46 =	vsel vm5, s16, v30  }
0x4f6: {  	s8 =	sadd.s32 s8, s9;
	s9 =	smulhi.u32 $0x55555556, s23;
	s10 =	sadd.s32 s3, s29;
	v47 =	vsel vm2, s28, v28;
	v17 =	vsel vm5, s0, v17;
	v18 =	vsel vm2, s5, v18  }
0x4f7: {  	s18 =	smul.u32 $0x55555556, s17;
	s0 =	sshrl.u32 s0, $0x1F;
	s30 =	sshrl.u32 s5, $0x1F;
	v16 =	vsel vm2, s7, v16;
	v19 =	vsel vm5, s8, v19;
	v21 =	vsel vm6, s10, v45  }
0x4f8: {  	s23 =	smulhi.u32 $0x55555556, s24;
	s7 =	sshrl.u32 s7, $0x1F;
	s8 =	sshrl.u32 s8, $0x1F;
	v13 =	vcombine.low v14, v13;
	v26 =	vsel vm5, s0, v26;
	v23 =	vsel vm2, s30, v23  }
0x4f9: {  	s21 =	sadd.s32 s31, s15;
	s31 =	smulhi.u32 $0x55555556, s26;
	v25 =	vsel vm2, s7, v25;
	v48 =	vsel vm5, s8, v29;
	v53 =	vcombine.low v47, v24  }
0x4fa: {  	s0 =	sshrl.u32 s10, $0x1F;
	s15 =	smul.u32 $0x55555556, s19;
	s4 =	sadd.s32 s20, s9;
	v15 =	vperm.xlane v15, v1;
	v16 =	vcombine.low v16, v18;
	v49 =	vsel vm6, s21, v31  }
0x4fb: {  	s19 =	smul.u32 $0x55555556, s12;
	s11 =	sshrl.u32 s21, $0x1F;
	v22 =	vsel vm6, s0, v46;
	v23 =	vcombine.low v25, v23;
	v19 =	vsel vm6, s4, v19;
	s4 =	sshrl.u32 s4, $0x1F  }
0x4fc: {  	s21 =	smulhi.u32 $0x55555556, s22;
	s22 =	sld [smem:$0x71A];
	v13 =	vperm.xlane v13, v1;
	v50 =	vsel vm6, s11, v32;
	s16 =	sadd.s32 s13, s31;
	v54 =	vsel vm6, s4, v48  }
0x4fd: {  	s20 =	rddreg [dreg:$0xc];
	v14 =	vperm.xlane v53, v1;
	v16 =	vperm.xlane v16, v1;
	s24 =	sadd.s32 s19, s23;
	v17 =	vsel vm6, s16, v17;
	s2 =	sshrl.u32 s16, $0x1F  }
0x4fe: {  	v55 =	vperm.xlane v23, v1;
	s1 =	sadd.s32 s15, s21;
	v19 =	vsel vm7, s24, v19;
	s25 =	sshrl.u32 s24, $0x1F;
	v52 =	vsel vm6, s2, v26;
	s2 =	smulhi.u32 $0x55555556, s20  }
0x4ff: {  	s3 =	smulhi.u32 $0x55555556, s22;
	v21 =	vsel vm7, s1, v21;
	s1 =	sshrl.u32 s1, $0x1F;
	v24 =	vsel vm7, s25, v54;
	v19 =	vperm.xlane v19, v2  }
0x500: {  	v21 =	vperm.xlane v21, v2;
	v22 =	vsel vm7, s1, v22;
	v24 =	vperm.xlane v24, v2;
	s2 =	sadd.s32 s14, s2  }
0x501: {  	s0 =	sadd.s32 s18, s3;
	v22 =	vperm.xlane v22, v2;
	v16 =	vsel vm8, v19, v16;
	v56 =	vsel vm7, s2, v49;
	s2 =	sshrl.u32 s2, $0x1F  }
0x502: {  	v17 =	vsel vm7, s0, v17;
	s0 =	sshrl.u32 s0, $0x1F;
	v12 =	vsel vm8, v21, v12;
	v57 =	vsel vm7, s2, v50  }
0x503: {  	v23 =	vperm.xlane v56, v2;
	v20 =	vsel vm7, s0, v52;
	v25 =	vperm.xlane v57, v2  }
0x504: {  	v17 =	vperm.xlane v17, v2;
	v15 =	vsel vm8, v22, v15;
	v20 =	vperm.xlane v20, v2  }
0x505: {  	v12 =	vadd.s32 v15, v12;
	v11 =	vsel vm8, v23, v11;
	v25 =	vsel vm8, v25, v51  }
0x506: {  	v18 =	vsel vm8, v24, v55;
	v59 =	vmul.u32 $0xFFFFFFFD, v12;
	v11 =	vadd.s32 v25, v11  }
0x507: {  	v13 =	vsel vm8, v17, v13;
	v14 =	vsel vm8, v20, v14;
	v58 =	vmul.u32 $0xFFFFFFFD, v11  }
0x508: {  	s26 =	sld [smem:$0x6C9];
	v16 =	vadd.s32 v18, v16;
	v13 =	vadd.s32 v14, v13;
	vm10 =	veq.s32 v59, v4  }
0x509: {  	s29 =	simm.s32 $0xE380;
	s28 =	sld [smem:$0x7DF];
	v60 =	vmul.u32 $0xFFFFFFFD, v13;
	v62 =	vnsel vm10, $0x0, v8;
	vm9 =	veq.s32 v58, v3  }
0x50a: {  	[tilespmem:v12+s29+$0x0] =	vst.idx.add.f32.msk $0xffff, v62;
	v3 =	vmul.u32 $0xFFFFFFFD, v16;
	v61 =	vnsel vm9, $0x0, v7  }
0x50b: {  	s0 =	sadd.s32 $0x3, s26;
	vm9 =	veq.s32 v60, v6;
	[tilespmem:v11+s29+$0x0] =	vst.idx.add.f32.msk $0xffff, v61  }
0x50c: {  	p1 =	sge.u32 s0, s28;
	vm10 =	veq.s32 v3, v5;
	v3 =	vnsel vm9, $0x0, v9;
	s1 =	sld [smem:$0x7E0]  }
0x50d: {  	s0 =	smul.u32 @!p1 $0x7D0, s0;
	v63 =	vnsel vm10, $0x0, v10;
	[tilespmem:v13+s29+$0x0] =	vst.idx.add.f32.msk $0xffff, v3  }
0x50e: {  	[tilespmem:v16+s29+$0x0] =	vst.idx.add.f32.msk $0xffff, v63  }
0x50f: {  	s0 =	sadd.s32 @!p1 s1, s0;
	s1 =	sld [smem:$0x7E3];
	_ =	sdelay $0x1  }
0x510: {  	s0 =	sshrl.u32 @!p1 s0, $0x3  }
0x511: {  	s2 =	simm.s32 @!p1 $0x0;
	s3 =	simm.s32 @!p1 $0xD380;
	s1 =	sadd.s32 @!p1 s1, s0  }
0x512: {  	[tilespmem:s3], [sflag:$0x2] =	stream.linear.gather @!p1 [hbm4b:s1+s2], $0x7D0, $0x38;
	[tilespmem:$0x1F280] =	vst v63  }
0x513: {  	s1 =	sld [smem:$0x7E6];
	_ =	sdelay $0x1  }
0x514: {  	s30 =	sld [smem:$0x7DB]  }
0x515: {  	s31 =	sld [smem:$0x7DE];
	s0 =	sadd.s32 @!p1 s1, s0;
	s1 =	simm.s32 @!p1 $0xDB80  }
0x516: {  	[tilespmem:s1], [sflag:$0x2] =	stream.linear.gather @!p1 [hbm4b:s0+s2], $0x7D0, $0x38;
	[tilespmem:$0x1F280] =	vst v63  }
0x517: {  	s1 =	sadd.s32 $0x1, s30  }
0x518: {  	p1 =	sne.s32 s1, s31  }
.Ltmp3:
0x519: {  	_ = 	snop;
	(pc) =	sbr.rel @p1 .LBB2_4-.Ltmp3, $2  }
0x51a: {  	_ =	sdelay $0x2  }
0x51b: {  	s9 =	simm.s32 $0xE380;
	[smem:$0x7DB] =	sst s1  }
.Ltmp4:
0x51c: {  	(pc) =	sbr.rel @p0 .LBB2_14-.Ltmp4, $2  }
0x51d: {  	_ =	sdelay $0x2  }
0x51e: {  	s3 =	simm.s32 $0x0  }
0x51f: {  	s0 =	sld [smem:$0x7E5];
	_ =	sdelay $0x1  }
0x520: {  	s1 =	simm.s32 $0xC380;
	s16 =	simm.s32 $0x3  }
0x521: {  	[tilespmem:s1], [sflag:$0x3] =	stream.linear.gather [hbm4b:s0+s3], $0x7D0, $0x38;
	[tilespmem:$0x1F280] =	vst v63  }
0x522: {  	_ =	swait.ge [sflag:s16], $0x7D0  }
0x523: {  	s17 =	sld [smem:$0x7E8]  }
0x524: {  	[sflag:s16] =	ssyncset.done $0x0  }
0x525: {  	s2 =	simm.s32 $0xCB80;
	[sflag:s16] =	ssyncadd.s32 $0xFFFFF830  }
0x526: {  	[tilespmem:s2], [sflag:$0x3] =	stream.linear.gather [hbm4b:s17+s3], $0x7D0, $0x38;
	[tilespmem:$0x1F280] =	vst v63  }
0x527: {  	_ =	swait.ge [sflag:s16], $0x7D0  }
0x528: {  	[sflag:s16] =	ssyncset.done $0x0  }
0x529: {  	s18 =	simm.s32 $0xCBA0;
	[sflag:s16] =	ssyncadd.s32 $0xFFFFF830  }
0x52a: {  	v6 =	vld [tilespmem:s18+$0x20];
	_ =	sdelay $0x4  }
0x52b: {  	(v2sf) =	vpush v6, $0x7  }
0x52c: {  	(v2sf) =	vpush v6, $0x6;
	_ =	sdelay $0x1  }
0x52d: {  	(v2sf) =	vpush v6, $0xF;
	_ =	sdelay $0x1  }
0x52e: {  	(v2sf) =	vpush v6, $0xB  }
0x52f: {  	(v2sf) =	vpush v6, $0x5  }
0x530: {  	(v2sf) =	vpush v6, $0xE  }
0x531: {  	(v2sf) =	vpush v6, $0xA  }
0x532: {  	(v2sf) =	vpush v6, $0x4  }
0x533: {  	(v2sf) =	vpush v6, $0xD  }
0x534: {  	(v2sf) =	vpush v6, $0x9  }
0x535: {  	(v2sf) =	vpush v6, $0x3;
	_ =	sdelay $0x2  }
0x536: {  	s19 =	spop (v2sf)  }
0x537: {  	s6 =	spop (v2sf);
	s20 =	smulhi.u32 $0x55555556, s19  }
0x538: {  	(v2sf) =	vpush v6, $0xC;
	s3 =	sshra.s32 s19, $0x1F;
	s21 =	smulhi.u32 $0x55555556, s6  }
0x539: {  	(v2sf) =	vpush v6, $0x8;
	s7 =	spop (v2sf);
	s3 =	smul.u32 $0x55555556, s3  }
0x53a: {  	s6 =	sshra.s32 s6, $0x1F;
	[smem:$0x619] =	sst s20;
	s22 =	smulhi.u32 $0x55555556, s7  }
0x53b: {  	s9 =	spop (v2sf);
	s26 =	smul.u32 $0x55555556, s6  }
0x53c: {  	[smem:$0x617] =	sst s21;
	s2 =	spop (v2sf)  }
0x53d: {  	s25 =	sshra.s32 s7, $0x1F;
	s23 =	smulhi.u32 $0x55555556, s9;
	s10 =	spop (v2sf)  }
0x53e: {  	s0 =	smul.u32 $0x55555556, s25;
	s11 =	spop (v2sf)  }
0x53f: {  	[smem:$0x60D] =	sst s23;
	s12 =	spop (v2sf)  }
0x540: {  	s23 =	smulhi.u32 $0x55555556, s10;
	s13 =	spop (v2sf)  }
0x541: {  	s31 =	smulhi.u32 $0x55555556, s11;
	s14 =	spop (v2sf)  }
0x542: {  	s24 =	smulhi.u32 $0x55555556, s12;
	s15 =	spop (v2sf)  }
0x543: {  	[smem:$0x60B] =	sst s22;
	s6 =	sshra.s32 s10, $0x1F;
	s5 =	smulhi.u32 $0x55555556, s15  }
0x544: {  	(v2sf) =	vpush v6, $0x2;
	s7 =	smul.u32 $0x55555556, s6;
	[smem:$0x613] =	sst s24  }
0x545: {  	(v2sf) =	vpush v6, $0x1;
	s4 =	smulhi.u32 $0x55555556, s13;
	[smem:$0x611] =	sst s5  }
0x546: {  	s1 =	smulhi.u32 $0x55555556, s14;
	v3 =	vld [tilespmem:s18+$0xFFFFFFE0]  }
0x547: {  	(v2sf) =	vpush v6, $0x0;
	s24 =	smulhi.u32 $0x55555556, s2;
	s2 =	sshra.s32 s2, $0x1F;
	s16 =	spop (v2sf)  }
0x548: {  	s6 =	smul.u32 $0x55555556, s2;
	s17 =	spop (v2sf);
	v4 =	vld [tilespmem:s18+$0xFFFFFFF0]  }
0x549: {  	s5 =	smulhi.u32 $0x55555556, s16;
	v5 =	vld [tilespmem:s18+$0x0];
	[smem:$0x61A] =	sst s3  }
0x54a: {  	s8 =	smulhi.u32 $0x55555556, s17;
	v11 =	vld [tilespmem:s18+$0x10]  }
0x54b: {  	s3 =	sshra.s32 s9, $0x1F;
	s9 =	sshra.s32 s11, $0x1F;
	[smem:$0x618] =	sst s26;
	(v2sf) =	vpush v3, $0x0  }
0x54c: {  	s11 =	sshra.s32 s13, $0x1F;
	[smem:$0x60C] =	sst s0;
	s0 =	smul.u32 $0x55555556, s3  }
0x54d: {  	s10 =	sshra.s32 s12, $0x1F;
	[smem:$0x607] =	sst s7;
	s3 =	smul.u32 $0x55555556, s11;
	(v2sf) =	vpush v4, $0x0  }
0x54e: {  	s12 =	sshra.s32 s14, $0x1F;
	[smem:$0x60E] =	sst s0;
	s0 =	smul.u32 $0x55555556, s9;
	(v2sf) =	vpush v5, $0x0  }
0x54f: {  	s13 =	sshra.s32 s15, $0x1F;
	s7 =	smul.u32 $0x55555556, s12;
	[smem:$0x615] =	sst s24;
	(v2sf) =	vpush v11, $0x0  }
0x550: {  	s15 =	sshra.s32 s16, $0x1F;
	[smem:$0x608] =	sst s0;
	s0 =	smul.u32 $0x55555556, s10  }
0x551: {  	s16 =	sshra.s32 s17, $0x1F;
	[smem:$0x616] =	sst s6;
	s10 =	smul.u32 $0x55555556, s15  }
0x552: {  	s12 =	smul.u32 $0x55555556, s16;
	[smem:$0x614] =	sst s0;
	(v2sf) =	vpush v3, $0x1  }
0x553: {  	s14 =	spop (v2sf);
	s0 =	smul.u32 $0x55555556, s13;
	s10 =	sadd.s32 s10, s5  }
0x554: {  	s17 =	spop (v2sf);
	s19 =	smulhi.u32 $0x55555556, s14;
	s9 =	sshra.s32 s14, $0x1F  }
0x555: {  	[smem:$0x62B] =	sst s10;
	s21 =	smul.u32 $0x55555556, s9;
	(v2sf) =	vpush v4, $0x1  }
0x556: {  	s18 =	spop (v2sf);
	s22 =	smulhi.u32 $0x55555556, s17  }
0x557: {  	[smem:$0x612] =	sst s0;
	s11 =	sshra.s32 s17, $0x1F;
	s25 =	smulhi.u32 $0x55555556, s18  }
0x558: {  	s0 =	sshra.s32 s18, $0x1F;
	[smem:$0x60F] =	sst s19;
	s26 =	smul.u32 $0x55555556, s11;
	(v2sf) =	vpush v5, $0x1  }
0x559: {  	s20 =	smul.u32 $0x55555556, s0;
	[smem:$0x610] =	sst s21;
	(v2sf) =	vpush v11, $0x1  }
0x55a: {  	[smem:$0x609] =	sst s22;
	s11 =	spop (v2sf)  }
0x55b: {  	[smem:$0x60A] =	sst s26;
	(v2sf) =	vpush v3, $0xC;
	s9 =	sshra.s32 s11, $0x1F;
	s6 =	smulhi.u32 $0x55555556, s11  }
0x55c: {  	(v2sf) =	vpush v3, $0x8;
	s2 =	spop (v2sf);
	s13 =	smul.u32 $0x55555556, s9  }
0x55d: {  	(v2sf) =	vpush v3, $0x2;
	s14 =	spop (v2sf);
	s17 =	sshra.s32 s2, $0x1F;
	s9 =	smulhi.u32 $0x55555556, s2  }
0x55e: {  	(v2sf) =	vpush v4, $0xC;
	s18 =	smul.u32 $0x55555556, s17;
	s19 =	spop (v2sf)  }
0x55f: {  	(v2sf) =	vpush v4, $0x8;
	s21 =	sshra.s32 s14, $0x1F;
	[smem:$0x61C] =	sst s6;
	s11 =	smulhi.u32 $0x55555556, s14  }
0x560: {  	(v2sf) =	vpush v4, $0x2;
	[smem:$0x61B] =	sst s13;
	s22 =	smul.u32 $0x55555556, s21  }
0x561: {  	(v2sf) =	vpush v5, $0xC;
	[smem:$0x61E] =	sst s9;
	s13 =	spop (v2sf)  }
0x562: {  	s24 =	sshra.s32 s19, $0x1F;
	s14 =	smulhi.u32 $0x55555556, s19;
	[smem:$0x61D] =	sst s18  }
0x563: {  	s26 =	smul.u32 $0x55555556, s24;
	[smem:$0x620] =	sst s11  }
0x564: {  	(v2sf) =	vpush v5, $0x8;
	s15 =	spop (v2sf);
	s11 =	sadd.s32 s12, s8;
	[smem:$0x61F] =	sst s22  }
0x565: {  	(v2sf) =	vpush v5, $0x2;
	s16 =	sshra.s32 s13, $0x1F;
	s12 =	sadd.s32 s3, s4;
	[smem:$0x62C] =	sst s11  }
0x566: {  	s17 =	smul.u32 $0x55555556, s16;
	[smem:$0x62D] =	sst s12  }
0x567: {  	(v2sf) =	vpush v11, $0xC;
	s18 =	spop (v2sf);
	s19 =	sshra.s32 s15, $0x1F;
	[smem:$0x621] =	sst s26  }
0x568: {  	(v2sf) =	vpush v11, $0x8;
	s21 =	smul.u32 $0x55555556, s19;
	s22 =	spop (v2sf);
	s24 =	sshra.s32 s18, $0x1F  }
0x569: {  	[smem:$0x623] =	sst s17;
	s26 =	smul.u32 $0x55555556, s24  }
0x56a: {  	s6 =	sshra.s32 s22, $0x1F;
	s24 =	smulhi.u32 $0x55555556, s15;
	s19 =	spop (v2sf)  }
0x56b: {  	s9 =	smul.u32 $0x55555556, s6;
	s30 =	spop (v2sf)  }
0x56c: {  	[smem:$0x625] =	sst s26;
	s6 =	spop (v2sf)  }
0x56d: {  	s26 =	smulhi.u32 $0x55555556, s13;
	s8 =	spop (v2sf)  }
0x56e: {  	s13 =	sadd.s32 s7, s1;
	s15 =	sshra.s32 s30, $0x1F;
	s2 =	spop (v2sf)  }
0x56f: {  	s17 =	smul.u32 $0x55555556, s15;
	s16 =	sshra.s32 s6, $0x1F;
	s10 =	spop (v2sf)  }
0x570: {  	s15 =	smul.u32 $0x55555556, s16;
	s11 =	spop (v2sf);
	s4 =	sshra.s32 s10, $0x1F  }
0x571: {  	[smem:$0x626] =	sst s9;
	s5 =	smul.u32 $0x55555556, s4;
	s7 =	sshra.s32 s11, $0x1F  }
0x572: {  	[smem:$0x62E] =	sst s13;
	s12 =	smul.u32 $0x55555556, s7  }
0x573: {  	s1 =	sshra.s32 s2, $0x1F;
	[smem:$0x628] =	sst s5;
	s5 =	spop (v2sf)  }
0x574: {  	s3 =	smul.u32 $0x55555556, s1;
	s9 =	spop (v2sf);
	s13 =	sshra.s32 s5, $0x1F  }
0x575: {  	[smem:$0x629] =	sst s12;
	s16 =	smul.u32 $0x55555556, s13;
	s1 =	sshra.s32 s9, $0x1F  }
0x576: {  	s4 =	spop (v2sf);
	s13 =	sadd.s32 s20, s25;
	s25 =	sld [smem:$0x607]  }
0x577: {  	s29 =	smul.u32 $0x55555556, s1;
	s1 =	spop (v2sf)  }
0x578: {  	s12 =	sld [smem:$0x609];
	s7 =	sshra.s32 s1, $0x1F  }
0x579: {  	s20 =	smul.u32 $0x55555556, s7;
	s7 =	sld [smem:$0x608]  }
0x57a: {  	s25 =	sadd.s32 s25, s23;
	s23 =	sld [smem:$0x60A];
	_ =	sdelay $0x1  }
0x57b: {  	s31 =	sadd.s32 s7, s31;
	s7 =	sld [smem:$0x60B]  }
0x57c: {  	s23 =	sadd.s32 s23, s12;
	s12 =	sld [smem:$0x60C]  }
0x57d: {  	[smem:$0x622] =	sst s14  }
0x57e: {  	[smem:$0x627] =	sst s3;
	s3 =	sshra.s32 s4, $0x1F  }
0x57f: {  	s28 =	smul.u32 $0x55555556, s3;
	s3 =	sadd.s32 s12, s7;
	s12 =	sld [smem:$0x60D]  }
0x580: {  	s14 =	sshra.s32 s19, $0x1F;
	s7 =	smulhi.u32 $0x55555556, s19;
	s19 =	sld [smem:$0x60E]  }
0x581: {  	_ = 	snop  }
0x582: {  	[smem:$0x62F] =	sst s3  }
0x583: {  	s3 =	sadd.s32 s19, s12;
	s12 =	sld [smem:$0x60F]  }
0x584: {  	s19 =	sld [smem:$0x610]  }
0x585: {  	[smem:$0x632] =	sst s3  }
0x586: {  	s3 =	smulhi.u32 $0x55555556, s30;
	s30 =	sld [smem:$0x612]  }
0x587: {  	s19 =	sadd.s32 s19, s12;
	s12 =	sld [smem:$0x611];
	_ =	sdelay $0x2  }
0x588: {  	s12 =	sadd.s32 s30, s12;
	s30 =	sld [smem:$0x614]  }
0x589: {  	[smem:$0x630] =	sst s12  }
0x58a: {  	s12 =	sld [smem:$0x613];
	_ =	sdelay $0x2  }
0x58b: {  	s12 =	sadd.s32 s30, s12;
	s30 =	sld [smem:$0x616]  }
0x58c: {  	[smem:$0x631] =	sst s12  }
0x58d: {  	s12 =	sld [smem:$0x615];
	_ =	sdelay $0x2  }
0x58e: {  	s12 =	sadd.s32 s30, s12;
	s30 =	sld [smem:$0x618]  }
0x58f: {  	[smem:$0x633] =	sst s12  }
0x590: {  	s12 =	sld [smem:$0x617];
	_ =	sdelay $0x2  }
0x591: {  	s12 =	sadd.s32 s30, s12;
	s30 =	sld [smem:$0x61A]  }
0x592: {  	[smem:$0x634] =	sst s12  }
0x593: {  	s12 =	sld [smem:$0x619];
	_ =	sdelay $0x2  }
0x594: {  	s12 =	sadd.s32 s30, s12;
	s30 =	sld [smem:$0x61C]  }
0x595: {  	[smem:$0x635] =	sst s12  }
0x596: {  	s12 =	sld [smem:$0x61B];
	_ =	sdelay $0x2  }
0x597: {  	s12 =	sadd.s32 s12, s30;
	s30 =	sld [smem:$0x61E]  }
0x598: {  	[smem:$0x636] =	sst s12  }
0x599: {  	s12 =	smulhi.u32 $0x55555556, s2;
	s2 =	sld [smem:$0x61D]  }
0x59a: {  	_ =	sdelay $0x1  }
0x59b: {  	s2 =	sadd.s32 s2, s30;
	s30 =	sld [smem:$0x620]  }
0x59c: {  	[smem:$0x637] =	sst s2  }
0x59d: {  	s2 =	sld [smem:$0x61F];
	_ =	sdelay $0x1  }
0x59e: {  	(v2sf) =	vpush v11, $0x2  }
0x59f: {  	s2 =	sadd.s32 s2, s30;
	s30 =	sld [smem:$0x622]  }
0x5a0: {  	(v2sf) =	vpush v3, $0xD;
	[smem:$0x638] =	sst s2  }
0x5a1: {  	(v2sf) =	vpush v3, $0x9;
	s2 =	smulhi.u32 $0x55555556, s10;
	s10 =	sld [smem:$0x621]  }
0x5a2: {  	(v2sf) =	vpush v3, $0x3;
	_ =	sdelay $0x1  }
0x5a3: {  	s10 =	sadd.s32 s10, s30  }
0x5a4: {  	[smem:$0x639] =	sst s10  }
0x5a5: {  	s10 =	sld [smem:$0x623]  }
0x5a6: {  	s22 =	smulhi.u32 $0x55555556, s22;
	(v2sf) =	vpush v4, $0xD  }
0x5a7: {  	[smem:$0x624] =	sst s21;
	s21 =	smulhi.u32 $0x55555556, s18  }
0x5a8: {  	s10 =	sadd.s32 s10, s26;
	s26 =	smulhi.u32 $0x55555556, s11;
	s11 =	sld [smem:$0x624]  }
0x5a9: {  	s18 =	smul.u32 $0x55555556, s14  }
0x5aa: {  	s6 =	smulhi.u32 $0x55555556, s6;
	s0 =	sshra.s32 s8, $0x1F  }
0x5ab: {  	s8 =	smulhi.u32 $0x55555556, s8;
	s11 =	sadd.s32 s11, s24;
	s24 =	sld [smem:$0x625]  }
0x5ac: {  	s14 =	smul.u32 $0x55555556, s0;
	s0 =	spop (v2sf);
	s3 =	sadd.s32 s17, s3  }
0x5ad: {  	s15 =	sadd.s32 s15, s6;
	[smem:$0x63C] =	sst s3;
	s3 =	smulhi.u32 $0x55555556, s4  }
0x5ae: {  	(v2sf) =	vpush v4, $0x9;
	s4 =	spop (v2sf);
	s21 =	sadd.s32 s24, s21;
	s24 =	sld [smem:$0x626]  }
0x5af: {  	[smem:$0x63D] =	sst s15;
	(v2sf) =	vpush v4, $0x3;
	s17 =	sadd.s32 s14, s8;
	s8 =	spop (v2sf)  }
0x5b0: {  	s7 =	sadd.s32 s18, s7;
	s18 =	sshra.s32 s4, $0x1F;
	s14 =	spop (v2sf)  }
0x5b1: {  	s6 =	smul.u32 $0x55555556, s18;
	s24 =	sadd.s32 s24, s22;
	s22 =	sshra.s32 s14, $0x1F  }
0x5b2: {  	(v2sf) =	vpush v5, $0xD;
	s18 =	smul.u32 $0x55555556, s22;
	s22 =	sld [smem:$0x627]  }
0x5b3: {  	[smem:$0x62A] =	sst s16;
	s1 =	smulhi.u32 $0x55555556, s1  }
0x5b4: {  	s16 =	sshra.s32 s0, $0x1F;
	s0 =	smulhi.u32 $0x55555556, s0;
	[smem:$0x63B] =	sst s7  }
0x5b5: {  	[smem:$0x63E] =	sst s17;
	s17 =	spop (v2sf);
	s12 =	sadd.s32 s22, s12  }
0x5b6: {  	s7 =	smulhi.u32 $0x55555556, s9;
	s9 =	sshra.s32 s17, $0x1F;
	[smem:$0x63F] =	sst s12  }
0x5b7: {  	s12 =	smul.u32 $0x55555556, s9;
	s9 =	sld [smem:$0x628]  }
0x5b8: {  	s16 =	smul.u32 $0x55555556, s16;
	s1 =	sadd.s32 s20, s1;
	s20 =	sld [smem:$0x62B];
	(v2sf) =	vpush v5, $0x9  }
0x5b9: {  	s5 =	smulhi.u32 $0x55555556, s5;
	[smem:$0x646] =	sst s1  }
0x5ba: {  	s0 =	sadd.s32 s16, s0;
	(v2sf) =	vpush v5, $0x3;
	s9 =	sadd.s32 s9, s2;
	s2 =	sld [smem:$0x629]  }
0x5bb: {  	s4 =	smulhi.u32 $0x55555556, s4;
	[smem:$0x63A] =	sst s21;
	s21 =	sshra.s32 s8, $0x1F  }
0x5bc: {  	[smem:$0x647] =	sst s0;
	(v2sf) =	vpush v11, $0xD;
	s3 =	sadd.s32 s28, s3;
	s15 =	smul.u32 $0x55555556, s21  }
0x5bd: {  	s21 =	spop (v2sf);
	s2 =	sadd.s32 s2, s26;
	s26 =	sld [smem:$0x62A]  }
0x5be: {  	(v2sf) =	vpush v11, $0x9;
	[smem:$0x644] =	sst s3;
	s3 =	spop (v2sf);
	s22 =	sshra.s32 s21, $0x1F  }
0x5bf: {  	[smem:$0x640] =	sst s2;
	s2 =	smul.u32 $0x55555556, s22  }
0x5c0: {  	s22 =	sld [smem:$0x62C];
	s5 =	sadd.s32 s26, s5;
	s26 =	sadd.s32 s29, s7  }
0x5c1: {  	s7 =	sadd.s32 s6, s4;
	s6 =	spop (v2sf);
	[smem:$0x641] =	sst s5  }
0x5c2: {  	(v2sf) =	vpush v11, $0x3;
	[smem:$0x643] =	sst s26;
	s5 =	smulhi.u32 $0x55555556, s8  }
0x5c3: {  	[smem:$0x648] =	sst s7;
	s8 =	smulhi.u32 $0x55555556, s14  }
0x5c4: {  	s14 =	smulhi.u32 $0x55555556, s17;
	s17 =	sshra.s32 s6, $0x1F;
	s1 =	sadd.s32 s15, s5  }
0x5c5: {  	v7 =	vmov s20;
	(v2sf) =	vpush v3, $0xE;
	s15 =	smulhi.u32 $0x55555556, s21;
	s21 =	sshrl.u32 s20, $0x1F;
	s20 =	sld [smem:$0x62E]  }
0x5c6: {  	s6 =	smulhi.u32 $0x55555556, s6;
	s0 =	sadd.s32 s18, s8;
	[smem:$0x649] =	sst s1  }
0x5c7: {  	s16 =	sshra.s32 s3, $0x1F;
	s5 =	spop (v2sf);
	[smem:$0x64A] =	sst s0  }
0x5c8: {  	s26 =	sshrl.u32 s22, $0x1F;
	s0 =	smul.u32 $0x55555556, s16;
	s16 =	sld [smem:$0x62D]  }
0x5c9: {  	s1 =	sadd.s32 s12, s14;
	s14 =	spop (v2sf);
	v10 =	vmov s21;
	s21 =	smulhi.u32 $0x55555556, s3  }
0x5ca: {  	(v2sf) =	vpush v3, $0xA;
	[smem:$0x64B] =	sst s1;
	s18 =	sadd.s32 s2, s15;
	s2 =	smul.u32 $0x55555556, s17  }
0x5cb: {  	v8 =	vmov s22;
	s15 =	sshrl.u32 s13, $0x1F;
	s22 =	sshra.s32 s14, $0x1F;
	s4 =	spop (v2sf)  }
0x5cc: {  	v9 =	vmov s13;
	[smem:$0x64C] =	sst s18;
	s18 =	sshra.s32 s5, $0x1F;
	s13 =	sshrl.u32 s20, $0x1F  }
0x5cd: {  	v12 =	vmov s26;
	s3 =	smul.u32 $0x55555556, s22;
	s26 =	sshra.s32 s4, $0x1F;
	s8 =	spop (v2sf)  }
0x5ce: {  	v9 =	vnsel vm3, $0x0, v9;
	v8 =	vsel vm0, s20, v8;
	s0 =	sadd.s32 s0, s21;
	s20 =	sld [smem:$0x62F];
	s5 =	smulhi.u32 $0x55555556, s5  }
0x5cf: {  	v9 =	vsel vm0, s23, v9;
	v13 =	vmov s15;
	s15 =	sshrl.u32 s23, $0x1F;
	s23 =	sld [smem:$0x630];
	s12 =	smul.u32 $0x55555556, s18  }
0x5d0: {  	(v2sf) =	vpush v3, $0x4;
	s17 =	sshrl.u32 s16, $0x1F;
	v7 =	vsel vm0, s16, v7;
	[smem:$0x64D] =	sst s0;
	s16 =	smul.u32 $0x55555556, s26  }
0x5d1: {  	(v2sf) =	vpush v4, $0xE;
	v12 =	vsel vm0, s13, v12;
	s7 =	sshra.s32 s8, $0x1F;
	s13 =	sshrl.u32 s25, $0x1F;
	s22 =	spop (v2sf)  }
0x5d2: {  	v13 =	vnsel vm3, $0x0, v13;
	s18 =	sshrl.u32 s19, $0x1F;
	v10 =	vsel vm0, s17, v10;
	v7 =	vsel vm1, s25, v7;
	s25 =	smulhi.u32 $0x55555556, s14;
	s14 =	sld [smem:$0x633]  }
0x5d3: {  	(v2sf) =	vpush v4, $0xA;
	s0 =	smul.u32 $0x55555556, s7;
	v13 =	vsel vm0, s15, v13;
	s17 =	sshrl.u32 s31, $0x1F;
	v10 =	vsel vm1, s13, v10;
	s13 =	sld [smem:$0x632]  }
0x5d4: {  	v14 =	vsel vm1, s31, v8;
	s26 =	sshra.s32 s22, $0x1F;
	s31 =	spop (v2sf);
	v13 =	vsel vm1, s18, v13;
	s18 =	sld [smem:$0x634]  }
0x5d5: {  	(v2sf) =	vpush v4, $0x4;
	v8 =	vsel vm2, s20, v7;
	s21 =	sshrl.u32 s20, $0x1F;
	s20 =	sadd.s32 s12, s5;
	s12 =	sld [smem:$0x637]  }
0x5d6: {  	v9 =	vsel vm1, s19, v9;
	s1 =	smul.u32 $0x55555556, s26;
	[smem:$0x642] =	sst s0  }
0x5d7: {  	v9 =	vsel vm2, s23, v9;
	s0 =	sshrl.u32 s23, $0x1F;
	s23 =	sadd.s32 s2, s6;
	s2 =	sld [smem:$0x631]  }
0x5d8: {  	(v2sf) =	vpush v5, $0xE;
	v7 =	vsel vm2, s21, v10;
	s21 =	sadd.s32 s3, s25;
	s25 =	smulhi.u32 $0x55555556, s22;
	s22 =	sld [smem:$0x635]  }
0x5d9: {  	(v2sf) =	vpush v5, $0xA;
	v12 =	vsel vm1, s17, v12;
	s7 =	spop (v2sf);
	[smem:$0x645] =	sst s1;
	s17 =	sshrl.u32 s14, $0x1F  }
0x5da: {  	(v2sf) =	vpush v5, $0x4;
	v10 =	vsel vm2, s0, v13;
	s1 =	sld [smem:$0x636];
	v13 =	vsel vm2, s13, v14;
	s0 =	sshrl.u32 s13, $0x1F;
	s13 =	sshrl.u32 s12, $0x1F  }
0x5db: {  	s19 =	sshrl.u32 s18, $0x1F;
	s6 =	sshrl.u32 s2, $0x1F;
	v9 =	vsel vm4, s2, v9;
	s2 =	smulhi.u32 $0x55555556, s4;
	v18 =	vmov s13  }
0x5dc: {  	s26 =	sshrl.u32 s22, $0x1F;
	s13 =	sshrl.u32 s11, $0x1F;
	v10 =	vsel vm4, s6, v10;
	v9 =	vsel vm5, s14, v9;
	s14 =	sld [smem:$0x638];
	v18 =	vnsel vm3, $0x0, v18  }
0x5dd: {  	s6 =	smulhi.u32 $0x55555556, s8;
	v10 =	vsel vm5, s17, v10;
	v9 =	vsel vm6, s18, v9;
	s17 =	sshra.s32 s31, $0x1F;
	v18 =	vsel vm0, s13, v18;
	s13 =	sld [smem:$0x63B]  }
0x5de: {  	(v2sf) =	vpush v11, $0xE;
	s18 =	sshra.s32 s7, $0x1F;
	v14 =	vsel vm6, s19, v10;
	v10 =	vsel vm7, s22, v9;
	s22 =	smul.u32 $0x55555556, s17;
	s19 =	sld [smem:$0x639]  }
0x5df: {  	v15 =	vmov s12;
	s3 =	sshrl.u32 s1, $0x1F;
	s12 =	smul.u32 $0x55555556, s18;
	v9 =	vsel vm7, s26, v14;
	v14 =	vmov s1;
	s26 =	spop (v2sf)  }
0x5e0: {  	(v2sf) =	vpush v11, $0xA;
	s18 =	sld [smem:$0x63A];
	s15 =	sshrl.u32 s14, $0x1F;
	v14 =	vnsel vm3, $0x0, v14;
	s8 =	sshra.s32 s26, $0x1F  }
0x5e1: {  	v17 =	vmov s3;
	s1 =	spop (v2sf);
	s3 =	sshrl.u32 s19, $0x1F;
	v14 =	vsel vm0, s10, v14;
	s10 =	sshrl.u32 s10, $0x1F  }
0x5e2: {  	(v2sf) =	vpush v11, $0x4;
	v16 =	vmov s14;
	v20 =	vmov s15;
	s5 =	smul.u32 $0x55555556, s8;
	s14 =	sshra.s32 s1, $0x1F;
	s29 =	spop (v2sf)  }
0x5e3: {  	v15 =	vnsel vm3, $0x0, v15;
	v19 =	vmov s19;
	v20 =	vnsel vm3, $0x0, v20;
	s19 =	sshrl.u32 s18, $0x1F;
	s4 =	smul.u32 $0x55555556, s14;
	s14 =	sld [smem:$0x63C]  }
0x5e4: {  	v15 =	vsel vm0, s11, v15;
	v17 =	vnsel vm3, $0x0, v17;
	s15 =	sshra.s32 s29, $0x1F;
	s28 =	spop (v2sf);
	v20 =	vsel vm0, s19, v20;
	s19 =	sld [smem:$0x63F]  }
0x5e5: {  	v16 =	vnsel vm3, $0x0, v16;
	v21 =	vmov s3;
	s3 =	sadd.s32 s16, s2;
	v19 =	vnsel vm3, $0x0, v19;
	s16 =	smul.u32 $0x55555556, s15;
	s17 =	sshra.s32 s28, $0x1F  }
0x5e6: {  	v16 =	vsel vm0, s18, v16;
	s18 =	sld [smem:$0x63E];
	v21 =	vnsel vm3, $0x0, v21;
	v19 =	vsel vm0, s24, v19;
	s24 =	sshrl.u32 s24, $0x1F;
	s11 =	smul.u32 $0x55555556, s17  }
0x5e7: {  	v17 =	vsel vm0, s10, v17;
	v21 =	vsel vm0, s24, v21;
	s17 =	spop (v2sf);
	s10 =	sshrl.u32 s14, $0x1F;
	s24 =	sshrl.u32 s19, $0x1F  }
0x5e8: {  	v23 =	vmov s14;
	s15 =	sshra.s32 s17, $0x1F;
	s14 =	spop (v2sf);
	v29 =	vmov s24;
	s24 =	sld [smem:$0x640]  }
0x5e9: {  	s2 =	sshrl.u32 s13, $0x1F;
	s8 =	smul.u32 $0x55555556, s15;
	s15 =	spop (v2sf)  }
0x5ea: {  	v22 =	vmov s13;
	v26 =	vmov s2;
	s2 =	sld [smem:$0x642];
	s13 =	sshrl.u32 s18, $0x1F;
	v27 =	vmov s10;
	s10 =	sshra.s32 s15, $0x1F  }
0x5eb: {  	v28 =	vmov s13;
	s13 =	smul.u32 $0x55555556, s10;
	v30 =	vmov s24;
	s10 =	sshrl.u32 s24, $0x1F;
	s24 =	sld [smem:$0x641]  }
0x5ec: {  	[smem:$0x64E] =	sst s16  }
0x5ed: {  	s30 =	sshrl.u32 s9, $0x1F;
	v32 =	vmov s10;
	s10 =	sld [smem:$0x643]  }
0x5ee: {  	v18 =	vsel vm1, s30, v18;
	v24 =	vmov s18;
	s16 =	sld [smem:$0x63D];
	s18 =	spop (v2sf);
	s30 =	sshrl.u32 s24, $0x1F  }
0x5ef: {  	v25 =	vmov s19;
	[smem:$0x64F] =	sst s11;
	s19 =	spop (v2sf);
	v33 =	vmov s30;
	s30 =	sadd.s32 s2, s6  }
0x5f0: {  	s6 =	smulhi.u32 $0x55555556, s31;
	v16 =	vsel vm1, s10, v16;
	s31 =	sld [smem:$0x644];
	s10 =	sshrl.u32 s10, $0x1F  }
0x5f1: {  	v12 =	vsel vm2, s0, v12;
	s0 =	sshra.s32 s14, $0x1F;
	v31 =	vmov s24;
	s24 =	spop (v2sf);
	v20 =	vsel vm1, s10, v20;
	s10 =	sld [smem:$0x646]  }
0x5f2: {  	(v2sf) =	vpush v3, $0xF;
	s11 =	sshrl.u32 s16, $0x1F;
	v14 =	vsel vm1, s16, v14;
	s16 =	smul.u32 $0x55555556, s0;
	s2 =	sshra.s32 s24, $0x1F  }
0x5f3: {  	v34 =	vmov s31;
	s0 =	sshrl.u32 s31, $0x1F;
	s31 =	smul.u32 $0x55555556, s2;
	s2 =	sld [smem:$0x645]  }
0x5f4: {  	(v2sf) =	vpush v3, $0xB;
	s1 =	smulhi.u32 $0x55555556, s1;
	s22 =	sadd.s32 s22, s6;
	s6 =	sshrl.u32 s10, $0x1F  }
0x5f5: {  	s28 =	smulhi.u32 $0x55555556, s28;
	(v2sf) =	vpush v3, $0x5;
	v37 =	vmov s6;
	s6 =	sld [smem:$0x648]  }
0x5f6: {  	(v2sf) =	vpush v4, $0xF;
	v35 =	vmov s0;
	s0 =	smulhi.u32 $0x55555556, s7;
	s2 =	sadd.s32 s2, s25;
	s25 =	sld [smem:$0x647]  }
0x5f7: {  	(v2sf) =	vpush v4, $0xB;
	v36 =	vmov s10;
	s10 =	smulhi.u32 $0x55555556, s26;
	s26 =	sld [smem:$0x64A]  }
0x5f8: {  	(v2sf) =	vpush v4, $0x5;
	s15 =	smulhi.u32 $0x55555556, s15;
	v17 =	vsel vm1, s11, v17;
	s11 =	sshra.s32 s18, $0x1F  }
0x5f9: {  	(v2sf) =	vpush v5, $0xF;
	v19 =	vsel vm1, s25, v19;
	s7 =	sshrl.u32 s25, $0x1F;
	s25 =	sadd.s32 s12, s0;
	s0 =	sshrl.u32 s6, $0x1F  }
0x5fa: {  	(v2sf) =	vpush v5, $0xB;
	v14 =	vsel vm2, s26, v14;
	v22 =	vsel vm0, s6, v22;
	s6 =	sshrl.u32 s26, $0x1F;
	s26 =	sadd.s32 s5, s10;
	s10 =	sld [smem:$0x64D]  }
0x5fb: {  	v15 =	vsel vm1, s9, v15;
	s9 =	sshra.s32 s19, $0x1F;
	s11 =	smul.u32 $0x55555556, s11;
	(v2sf) =	vpush v5, $0x5;
	v21 =	vsel vm1, s7, v21;
	s7 =	sld [smem:$0x649]  }
0x5fc: {  	s9 =	smul.u32 $0x55555556, s9;
	s13 =	sadd.s32 s13, s15;
	(v2sf) =	vpush v11, $0xF;
	v34 =	vsel vm0, s3, v34;
	s3 =	sshrl.u32 s3, $0x1F  }
0x5fd: {  	(v2sf) =	vpush v11, $0xB;
	s12 =	smulhi.u32 $0x55555556, s29;
	v17 =	vsel vm2, s6, v17;
	s6 =	sld [smem:$0x64B];
	s5 =	sshrl.u32 s10, $0x1F  }
0x5fe: {  	v26 =	vsel vm0, s0, v26;
	v38 =	vsel vm2, s10, v15;
	s10 =	sshrl.u32 s20, $0x1F;
	v23 =	vsel vm0, s7, v23;
	s0 =	sshrl.u32 s7, $0x1F;
	s7 =	sld [smem:$0x64C]  }
0x5ff: {  	(v2sf) =	vpush v11, $0x5;
	v19 =	vsel vm2, s2, v19;
	s2 =	sshrl.u32 s2, $0x1F;
	v33 =	vsel vm0, s10, v33;
	s10 =	sadd.s32 s4, s1;
	s4 =	sld [smem:$0x64E]  }
0x600: {  	v31 =	vsel vm0, s20, v31;
	v16 =	vsel vm2, s21, v16;
	s20 =	sshrl.u32 s21, $0x1F;
	s21 =	sshrl.u32 s30, $0x1F;
	v27 =	vsel vm0, s0, v27;
	s0 =	sshrl.u32 s6, $0x1F  }
0x601: {  	v41 =	vsel vm2, s20, v20;
	s20 =	smulhi.u32 $0x55555556, s17;
	v28 =	vsel vm0, s0, v28;
	v25 =	vsel vm0, s7, v25;
	s0 =	sshrl.u32 s7, $0x1F;
	s7 =	spop (v2sf)  }
0x602: {  	v8 =	vcombine.low v13, v8;
	s17 =	sadd.s32 s4, s12;
	s12 =	smulhi.u32 $0x55555556, s14;
	s14 =	sld [smem:$0x64F]  }
0x603: {  	v40 =	vsel vm0, s23, v30;
	v24 =	vsel vm0, s6, v24;
	s6 =	sshrl.u32 s23, $0x1F;
	s23 =	simm.s32 $0xC3A0;
	v39 =	vsel vm0, s0, v29;
	s0 =	spop (v2sf)  }
0x604: {  	v7 =	vcombine.low v12, v7;
	v44 =	vsel vm2, s2, v21;
	v32 =	vsel vm0, s6, v32;
	s2 =	sshra.s32 s7, $0x1F;
	s7 =	smulhi.u32 $0x55555556, s7;
	s6 =	spop (v2sf)  }
0x605: {  	v37 =	vsel vm0, s21, v37;
	s21 =	sadd.s32 s14, s28;
	s14 =	sadd.s32 s8, s20;
	s8 =	smulhi.u32 $0x55555556, s18  }
0x606: {  	v8 =	vperm.xlane v8, v1;
	v7 =	vperm.xlane v7, v1;
	v18 =	vsel vm2, s5, v18;
	s15 =	sshrl.u32 s10, $0x1F;
	v29 =	vld [tilespmem:s23+$0x20];
	s5 =	spop (v2sf);
	s18 =	smulhi.u32 $0x55555556, s19  }
0x607: {  	v10 =	vperm.xlane v10, v2;
	v9 =	vperm.xlane v9, v2;
	s20 =	sadd.s32 s16, s12;
	s19 =	smulhi.u32 $0x55555556, s24;
	s1 =	spop (v2sf)  }
0x608: {  	v6 =	vsub.s32 $0x0, v6;
	s12 =	sshra.s32 s6, $0x1F;
	s6 =	smulhi.u32 $0x55555556, s6;
	s4 =	spop (v2sf)  }
0x609: {  	v8 =	vsel vm8, v10, v8;
	v7 =	vsel vm8, v9, v7;
	v36 =	vsel vm0, s30, v36;
	s16 =	sadd.s32 s11, s8;
	s9 =	sadd.s32 s9, s18;
	s11 =	sadd.s32 s31, s19  }
0x60a: {  	v35 =	vsel vm0, s3, v35;
	v45 =	vsel vm1, s22, v22;
	v15 =	vadd.s32 v7, v8;
	v42 =	vld [tilespmem:s23+$0xFFFFFFE0];
	s19 =	sshrl.u32 s22, $0x1F;
	s22 =	sshrl.u32 s25, $0x1F;
	s8 =	sshrl.u32 s26, $0x1F  }
0x60b: {  	v49 =	vsel vm4, s26, v14;
	v8 =	vmul.u32 $0xFFFFFFFD, v15;
	s26 =	sshra.s32 s1, $0x1F;
	s1 =	smulhi.u32 $0x55555556, s1;
	s3 =	spop (v2sf);
	v12 =	vshra.s32 v29, $0x1  }
0x60c: {  	v43 =	vld [tilespmem:s23+$0xFFFFFFF0];
	v20 =	vsel vm1, s17, v25;
	v47 =	vsel vm1, s19, v26;
	v48 =	vsel vm1, s22, v27;
	s22 =	smul.u32 $0x55555556, s2;
	s19 =	simm.s32 $0x0;
	s28 =	spop (v2sf)  }
0x60d: {  	v30 =	vld [tilespmem:s23+$0x0];
	(v2sf) =	vpush v3, $0x6;
	v7 =	vand.u32 $0x1, v29;
	v29 =	vsel vm1, s15, v28;
	s15 =	sshrl.u32 s17, $0x1F;
	s17 =	sshrl.u32 s21, $0x1F;
	s29 =	spop (v2sf)  }
0x60e: {  	v46 =	vsel vm1, s25, v23;
	v52 =	vsel vm4, s8, v17;
	s8 =	smul.u32 $0x55555556, s26;
	v17 =	vsel vm4, s13, v16;
	s13 =	sshrl.u32 s13, $0x1F;
	s24 =	spop (v2sf)  }
0x60f: {  	(v2sf) =	vpush v4, $0x6;
	v13 =	vshra.s32 v42, $0x1;
	v16 =	vsel vm1, s16, v34;
	s16 =	sshrl.u32 s16, $0x1F;
	[smem:$0x651] =	sst s3;
	s30 =	spop (v2sf)  }
0x610: {  	(v2sf) =	vpush v5, $0x6;
	v19 =	vsel vm4, s11, v19;
	s11 =	sshrl.u32 s11, $0x1F;
	s18 =	spop (v2sf);
	v27 =	vld.idx.msk [tilespmem:v12+s19+$0x0], $0xffff;
	v12 =	vsel vm4, s21, v38;
	s21 =	sshra.s32 s4, $0x1F  }
0x611: {  	v50 =	vsel vm1, s10, v24;
	v10 =	vshra.s32 v43, $0x1;
	(v2sf) =	vpush v11, $0x6;
	s25 =	smov.u32 s18;
	s18 =	sshra.s32 s0, $0x1F;
	s2 =	smul.u32 $0x55555556, s21  }
0x612: {  	vm9 =	veq.s32 v8, v6;
	v9 =	vshra.s32 v30, $0x1;
	v28 =	vsel vm1, s15, v39;
	s15 =	sshrl.u32 s20, $0x1F;
	s31 =	smul.u32 $0x55555556, s18;
	s18 =	simm.s32 $0xC3A0  }
0x613: {  	v14 =	vsel vm1, s20, v31;
	v24 =	vsel vm4, s17, v18;
	s17 =	simm.s32 $0x0;
	(v2sf) =	vpush v3, $0x7;
	s0 =	smulhi.u32 $0x55555556, s0;
	[dreg:$0x5] =	wrdreg s18  }
0x614: {  	vm10 =	veq.s32 v7, $0x0;
	v18 =	vand.u32 $0x1, v42;
	(v2sf) =	vpush v4, $0x7;
	s18 =	smul.u32 $0x55555556, s12;
	v51 =	vld [tilespmem:s23+$0x10];
	s23 =	sshra.s32 s5, $0x1F;
	[smem:$0x650] =	sst s8  }
0x615: {  	v22 =	vsel vm4, s13, v41;
	v21 =	vsel vm1, s16, v35;
	s7 =	sadd.s32 s22, s7;
	(v2sf) =	vpush v5, $0x7;
	s21 =	sshra.s32 s28, $0x1F;
	s12 =	smul.u32 $0x55555556, s23;
	v7 =	vld.idx.msk [tilespmem:v13+s19+$0x0], $0xffff  }
0x616: {  	vm11 =	veq.s32 v18, $0x0;
	v18 =	vsel vm1, s9, v36;
	s9 =	sshrl.u32 s9, $0x1F;
	s13 =	sshra.s32 s24, $0x1F;
	(v2sf) =	vpush v11, $0x7;
	v8 =	vld.idx.msk [tilespmem:v10+s19+$0x0], $0xffff;
	s19 =	smul.u32 $0x55555556, s21  }
0x617: {  	s16 =	sshrl.u32 s7, $0x1F;
	v6 =	vand.u32 $0xFFFF0000, v27;
	v31 =	vshll.u32 v27, $0x10;
	v27 =	vsel vm4, s11, v44;
	s11 =	sadd.s32 s31, s0;
	s0 =	smul.u32 $0x55555556, s13  }
0x618: {  	v25 =	vsel vm1, s9, v37;
	s22 =	sshra.s32 s25, $0x1F;
	s9 =	sadd.s32 s18, s6;
	s18 =	smulhi.u32 $0x55555556, s5  }
0x619: {  	v59 =	vsel vm2, s16, v47;
	s16 =	simm.s32 $0x0;
	s23 =	sshra.s32 s3, $0x1F;
	s6 =	smul.u32 $0x55555556, s22  }
0x61a: {  	v13 =	vsel vm1, s14, v40;
	s14 =	sshrl.u32 s14, $0x1F;
	s10 =	smul.u32 $0x55555556, s23;
	s23 =	sshra.s32 s29, $0x1F;
	v10 =	vshra.s32 v51, $0x1  }
0x61b: {  	v9 =	vld.idx.msk [tilespmem:v9+s17+$0x0], $0xffff;
	s22 =	sld [smem:$0x651];
	v26 =	vsel vm1, s14, v32;
	s14 =	sshra.s32 s30, $0x1F;
	s21 =	smul.u32 $0x55555556, s23  }
0x61c: {  	v54 =	vand.u32 $0x1, v43;
	v6 =	vsel vm10, v31, v6;
	v31 =	vsel vm5, s9, v49;
	s9 =	sshrl.u32 s9, $0x1F;
	s26 =	spop (v2sf);
	s5 =	smul.u32 $0x55555556, s14  }
0x61d: {  	v30 =	vand.u32 $0x1, v30;
	v58 =	vsel vm2, s7, v45;
	s7 =	sadd.s32 s12, s18;
	v32 =	vsel vm5, s9, v52;
	s9 =	smulhi.u32 $0x55555556, s4;
	s18 =	sld [smem:$0x650]  }
0x61e: {  	vm12 =	veq.s32 v54, $0x0;
	v23 =	vsel vm1, s15, v33;
	v3 =	vsub.s32 $0x0, v3;
	s20 =	smov.u32 s30;
	s3 =	spop (v2sf);
	s4 =	smulhi.u32 $0x55555556, s22  }
0x61f: {  	v4 =	vsub.s32 $0x0, v4;
	vm10 =	veq.s32 v30, $0x0;
	v63 =	vnsel vm9, $0x0, v6;
	s12 =	sshra.s32 s26, $0x1F;
	s8 =	spop (v2sf);
	v10 =	vld.idx.msk [tilespmem:v10+s17+$0x0], $0xffff;
	[dreg:$0x11] =	wrdreg s3  }
0x620: {  	v6 =	vsub.s32 $0x0, v5;
	v30 =	vand.u32 $0xFFFF0000, v9;
	v9 =	vshll.u32 v9, $0x10;
	s1 =	sadd.s32 s18, s1;
	s15 =	spop (v2sf);
	[dreg:$0x12] =	wrdreg s8  }
0x621: {  	v5 =	vsub.s32 $0x0, v11;
	v9 =	vsel vm10, v9, v30;
	v30 =	vsel vm2, s11, v46;
	s11 =	sshrl.u32 s11, $0x1F;
	s8 =	sshra.s32 s8, $0x1F;
	[dreg:$0x13] =	wrdreg s15  }
0x622: {  	v61 =	vand.u32 $0x1, v51;
	v55 =	vand.u32 $0xFFFF0000, v7;
	v7 =	vshll.u32 v7, $0x10;
	s14 =	sshra.s32 s15, $0x1F;
	s17 =	spop (v2sf);
	[dreg:$0x1e] =	wrdreg s8  }
0x623: {  	v56 =	vand.u32 $0xFFFF0000, v8;
	v57 =	vshll.u32 v8, $0x10;
	v8 =	vsel vm11, v7, v55;
	s3 =	sshra.s32 s3, $0x1F;
	s23 =	spop (v2sf);
	[smem:$0x652] =	sst s17  }
0x624: {  	v7 =	vsel vm12, v57, v56;
	vm10 =	veq.s32 v61, $0x0;
	v60 =	vsel vm2, s11, v48;
	s18 =	sshra.s32 s17, $0x1F;
	s30 =	spop (v2sf);
	[smem:$0x653] =	sst s23  }
0x625: {  	v11 =	vcombine.low v30, v58;
	s17 =	sshra.s32 s23, $0x1F;
	s23 =	simm.s32 $0xE380;
	s31 =	spop (v2sf);
	v62 =	vand.u32 $0xFFFF0000, v10;
	v10 =	vshll.u32 v10, $0x10  }
0x626: {  	v34 =	vsel vm2, s7, v50;
	v33 =	vcombine.low v60, v59;
	s8 =	simm.s32 $0xCBF0;
	[tilespmem:v15+s23+$0x0] =	vst.idx.add.f32.msk $0xffff, v63;
	s15 =	sshra.s32 s30, $0x1F;
	s11 =	sshra.s32 s31, $0x1F;
	v10 =	vsel vm10, v10, v62  }
.LBB2_11:
0x627: {  	v15 =	vld [tilespmem:s8+$0x20];
	s3 =	smul.u32 $0x55555556, s3  }
0x628: {  	[dreg:$0xb] =	wrdreg s8;
	s8 =	smulhi.u32 $0x55555556, s28  }
0x629: {  	s13 =	sshrl.u32 s1, $0x1F;
	s22 =	smulhi.u32 $0x55555556, s29  }
0x62a: {  	s7 =	sshrl.u32 s7, $0x1F;
	s23 =	rddreg [dreg:$0xb];
	v28 =	vsel vm2, s13, v28;
	s13 =	smulhi.u32 $0x55555556, s24  }
0x62b: {  	v30 =	vperm.xlane v11, v1;
	s2 =	sadd.s32 s2, s9;
	v11 =	vld [tilespmem:s23+$0xFFFFFFE0];
	s23 =	rddreg [dreg:$0xb];
	s9 =	smulhi.u32 $0x55555556, s25  }
0x62c: {  	s16 =	sadd.s32 $0x5, s16;
	s4 =	sadd.s32 s10, s4;
	v35 =	vsel vm5, s2, v12;
	v12 =	vld [tilespmem:s23+$0xFFFFFFF0];
	s23 =	smulhi.u32 $0x55555556, s20;
	(v2sf) =	vpush v15, $0x7  }
0x62d: {  	[dreg:$0x7] =	wrdreg s16;
	s22 =	sadd.s32 s21, s22;
	s21 =	smul.u32 $0x55555556, s14;
	(v2sf) =	vpush v15, $0x6  }
0x62e: {  	v29 =	vsel vm2, s7, v29;
	s2 =	sshrl.u32 s2, $0x1F;
	s10 =	sadd.s32 s19, s8;
	s8 =	smul.u32 $0x55555556, s17;
	(v2sf) =	vpush v15, $0xF  }
0x62f: {  	v53 =	vsel vm2, s4, v13;
	v28 =	vcombine.low v28, v29;
	s4 =	sshrl.u32 s4, $0x1F;
	s24 =	rddreg [dreg:$0xb];
	s14 =	smul.u32 $0x55555556, s11  }
0x630: {  	s25 =	rddreg [dreg:$0x13];
	v24 =	vsel vm5, s2, v24;
	v29 =	vsel vm2, s10, v14;
	s2 =	sshrl.u32 s10, $0x1F;
	s10 =	smul.u32 $0x55555556, s12;
	(v2sf) =	vpush v15, $0xB  }
0x631: {  	v20 =	vsel vm2, s1, v20;
	s19 =	rddreg [dreg:$0xb];
	v17 =	vsel vm5, s22, v17;
	s1 =	sshrl.u32 s22, $0x1F;
	s22 =	smulhi.u32 $0x55555556, s26  }
0x632: {  	s0 =	sadd.s32 s0, s13;
	s17 =	sld [smem:$0x653];
	s26 =	smul.u32 $0x55555556, s18;
	(v2sf) =	vpush v15, $0x5  }
0x633: {  	s13 =	sadd.s32 s6, s9;
	v13 =	vld [tilespmem:s19+$0x0];
	s19 =	rddreg [dreg:$0x1e];
	s18 =	smulhi.u32 $0x55555556, s30  }
0x634: {  	v26 =	vsel vm2, s4, v26;
	v14 =	vld [tilespmem:s24+$0x10];
	s12 =	sadd.s32 s5, s23;
	s24 =	rddreg [dreg:$0x12];
	s4 =	smul.u32 $0x55555556, s19  }
0x635: {  	v16 =	vsel vm2, s0, v16;
	s23 =	rddreg [dreg:$0x11];
	v22 =	vsel vm5, s1, v22;
	s1 =	sshrl.u32 s13, $0x1F;
	s5 =	smulhi.u32 $0x55555556, s24;
	(v2sf) =	vpush v15, $0xE  }
0x636: {  	s0 =	sshrl.u32 s0, $0x1F;
	v23 =	vsel vm2, s2, v23;
	v18 =	vsel vm2, s12, v18;
	s20 =	sshrl.u32 s12, $0x1F;
	v27 =	vsel vm5, s1, v27;
	s1 =	smulhi.u32 $0x55555556, s23  }
0x637: {  	v21 =	vsel vm2, s0, v21;
	s12 =	smul.u32 $0x55555556, s15;
	s15 =	sld [smem:$0x652];
	v23 =	vcombine.low v23, v26;
	s0 =	sadd.s32 s10, s22;
	(v2sf) =	vpush v15, $0xA  }
0x638: {  	v25 =	vsel vm2, s20, v25;
	s7 =	sadd.s32 s4, s5;
	s1 =	sadd.s32 s3, s1;
	s3 =	smulhi.u32 $0x55555556, s25;
	(v2sf) =	vpush v15, $0x4  }
0x639: {  	v16 =	vcombine.low v18, v16;
	s20 =	smulhi.u32 $0x55555556, s31;
	v18 =	vperm.xlane v23, v1;
	v23 =	vsel vm6, s0, v31;
	s0 =	sshrl.u32 s0, $0x1F;
	s9 =	sshrl.u32 s7, $0x1F  }
0x63a: {  	v21 =	vcombine.low v25, v21;
	v31 =	vsel vm6, s1, v35;
	s1 =	sshrl.u32 s1, $0x1F;
	s10 =	sadd.s32 s21, s3;
	s3 =	smulhi.u32 $0x55555556, s17;
	(v2sf) =	vpush v15, $0xD  }
0x63b: {  	v25 =	vperm.xlane v28, v1;
	v28 =	vsel vm6, s0, v32;
	s0 =	smulhi.u32 $0x55555556, s15;
	v24 =	vsel vm6, s1, v24;
	s1 =	sadd.s32 s14, s20;
	s19 =	spop (v2sf)  }
0x63c: {  	s3 =	sadd.s32 s8, s3;
	(v2sf) =	vpush v15, $0x9;
	s21 =	smulhi.u32 $0x55555556, s19;
	s22 =	spop (v2sf)  }
0x63d: {  	v17 =	vsel vm6, s7, v17;
	s8 =	sshra.s32 s19, $0x1F;
	s6 =	smulhi.u32 $0x55555556, s22;
	s7 =	spop (v2sf)  }
0x63e: {  	v19 =	vsel vm5, s13, v19;
	s13 =	sshrl.u32 s10, $0x1F;
	(v2sf) =	vpush v15, $0x3;
	s8 =	smul.u32 $0x55555556, s8;
	[dreg:$0x1a] =	wrdreg s21  }
0x63f: {  	v19 =	vsel vm6, s10, v19;
	(v2sf) =	vpush v15, $0xC;
	s10 =	sshra.s32 s22, $0x1F;
	s14 =	smulhi.u32 $0x55555556, s7;
	s15 =	spop (v2sf)  }
0x640: {  	(v2sf) =	vpush v15, $0x8;
	s22 =	smul.u32 $0x55555556, s10;
	[dreg:$0x1d] =	wrdreg s6  }
0x641: {  	v22 =	vsel vm6, s9, v22;
	s9 =	sshrl.u32 s3, $0x1F;
	(v2sf) =	vpush v15, $0x2;
	s5 =	smulhi.u32 $0x55555556, s15;
	s20 =	spop (v2sf)  }
0x642: {  	(v2sf) =	vpush v15, $0x1;
	[smem:$0x597] =	sst s8;
	s6 =	sshra.s32 s7, $0x1F;
	s11 =	smulhi.u32 $0x55555556, s20  }
0x643: {  	(v2sf) =	vpush v15, $0x0;
	s7 =	sshra.s32 s15, $0x1F;
	[smem:$0x592] =	sst s14;
	s10 =	smul.u32 $0x55555556, s6  }
0x644: {  	s2 =	sadd.s32 s12, s18;
	v24 =	vsel vm7, s9, v24;
	(v2sf) =	vpush v11, $0x0;
	s12 =	spop (v2sf);
	s9 =	smul.u32 $0x55555556, s7  }
0x645: {  	s23 =	sshrl.u32 s2, $0x1F;
	(v2sf) =	vpush v12, $0x0;
	[smem:$0x593] =	sst s5;
	s24 =	smulhi.u32 $0x55555556, s12  }
0x646: {  	v34 =	vcombine.low v20, v34;
	s0 =	sadd.s32 s26, s0;
	(v2sf) =	vpush v13, $0x0;
	s28 =	spop (v2sf);
	[smem:$0x596] =	sst s11  }
0x647: {  	v20 =	vperm.xlane v33, v1;
	v27 =	vsel vm6, s13, v27;
	(v2sf) =	vpush v14, $0x0;
	s8 =	sshra.s32 s12, $0x1F;
	s26 =	smulhi.u32 $0x55555556, s28;
	s13 =	spop (v2sf)  }
0x648: {  	v29 =	vcombine.low v29, v53;
	v23 =	vsel vm7, s0, v23;
	s0 =	sshrl.u32 s0, $0x1F;
	(v2sf) =	vpush v11, $0x1;
	s7 =	smul.u32 $0x55555556, s8;
	[smem:$0x590] =	sst s24  }
0x649: {  	v17 =	vsel vm7, s2, v17;
	v28 =	vsel vm7, s0, v28;
	(v2sf) =	vpush v12, $0x1;
	s28 =	sshra.s32 s28, $0x1F;
	s2 =	smulhi.u32 $0x55555556, s13;
	s0 =	spop (v2sf)  }
0x64a: {  	v26 =	vperm.xlane v34, v1;
	v29 =	vperm.xlane v29, v1;
	s8 =	smul.u32 $0x55555556, s28;
	[smem:$0x591] =	sst s26  }
0x64b: {  	v16 =	vperm.xlane v16, v1;
	v17 =	vperm.xlane v17, v2;
	v22 =	vsel vm7, s23, v22;
	s23 =	smulhi.u32 $0x55555556, s0;
	s5 =	spop (v2sf)  }
0x64c: {  	v21 =	vperm.xlane v21, v1;
	v22 =	vperm.xlane v22, v2;
	v19 =	vsel vm7, s1, v19;
	s0 =	sshra.s32 s0, $0x1F;
	[smem:$0x595] =	sst s2;
	s18 =	smulhi.u32 $0x55555556, s5  }
0x64d: {  	s25 =	sshrl.u32 s1, $0x1F;
	v17 =	vsel vm8, v17, v29;
	v23 =	vperm.xlane v23, v2;
	(v2sf) =	vpush v13, $0x1;
	s4 =	spop (v2sf);
	s6 =	smul.u32 $0x55555556, s0  }
0x64e: {  	v31 =	vsel vm7, s3, v31;
	v19 =	vperm.xlane v19, v2;
	(v2sf) =	vpush v14, $0x1;
	s5 =	sshra.s32 s5, $0x1F;
	s3 =	smulhi.u32 $0x55555556, s4;
	s1 =	spop (v2sf)  }
0x64f: {  	p1 =	slt.u32 s16, $0x78;
	v27 =	vsel vm7, s25, v27;
	v18 =	vsel vm8, v22, v18;
	v31 =	vperm.xlane v31, v2;
	s5 =	smul.u32 $0x55555556, s5;
	s2 =	spop (v2sf)  }
0x650: {  	v28 =	vperm.xlane v28, v2;
	v27 =	vperm.xlane v27, v2;
	v17 =	vadd.s32 v18, v17;
	s19 =	simm.s32 $0xE380;
	s21 =	smulhi.u32 $0x55555556, s1;
	s29 =	spop (v2sf)  }
0x651: {  	v24 =	vperm.xlane v24, v2;
	v22 =	vsel vm8, v23, v30;
	v16 =	vsel vm8, v19, v16;
	s4 =	sshra.s32 s4, $0x1F;
	[smem:$0x594] =	sst s3;
	s3 =	spop (v2sf)  }
0x652: {  	v20 =	vsel vm8, v28, v20;
	v23 =	vsel vm8, v31, v26;
	v21 =	vsel vm8, v27, v21;
	s28 =	sshra.s32 s13, $0x1F;
	s4 =	smul.u32 $0x55555556, s4;
	s30 =	spop (v2sf)  }
0x653: {  	v24 =	vsel vm8, v24, v25;
	v19 =	vadd.s32 v20, v22;
	(v2sf) =	vpush v11, $0xC;
	s26 =	smulhi.u32 $0x55555556, s2;
	s2 =	sshra.s32 s2, $0x1F;
	s14 =	spop (v2sf)  }
0x654: {  	v16 =	vadd.s32 v21, v16;
	v21 =	vmul.u32 $0xFFFFFFFD, v17;
	(v2sf) =	vpush v11, $0x8;
	s1 =	sshra.s32 s1, $0x1F;
	s2 =	smul.u32 $0x55555556, s2;
	s16 =	spop (v2sf)  }
0x655: {  	v20 =	vadd.s32 v24, v23;
	v22 =	vmul.u32 $0xFFFFFFFD, v19;
	(v2sf) =	vpush v11, $0x2;
	s5 =	sadd.s32 s5, s18;
	s25 =	smulhi.u32 $0x55555556, s3;
	s17 =	spop (v2sf)  }
0x656: {  	v18 =	vmul.u32 $0xFFFFFFFD, v20;
	vm11 =	veq.s32 v21, v6;
	s31 =	smulhi.u32 $0x55555556, s30;
	s30 =	sshra.s32 s30, $0x1F;
	s15 =	spop (v2sf)  }
0x657: {  	v23 =	vmul.u32 $0xFFFFFFFD, v16;
	vm9 =	veq.s32 v22, v3;
	v9 =	vnsel vm11, $0x0, v9;
	s3 =	sshra.s32 s3, $0x1F;
	s30 =	smul.u32 $0x55555556, s30;
	s11 =	spop (v2sf)  }
0x658: {  	vm10 =	veq.s32 v18, v4;
	v8 =	vnsel vm9, $0x0, v8;
	[tilespmem:v17+s19+$0x0] =	vst.idx.add.f32.msk $0xffff, v9;
	s2 =	sadd.s32 s2, s26;
	s26 =	sld [smem:$0x591];
	s12 =	spop (v2sf)  }
0x659: {  	vm12 =	veq.s32 v23, v5;
	v7 =	vnsel vm10, $0x0, v7;
	[tilespmem:v19+s19+$0x0] =	vst.idx.add.f32.msk $0xffff, v8;
	s3 =	smul.u32 $0x55555556, s3;
	s18 =	sadd.s32 s30, s31;
	[smem:$0x599] =	sst s12  }
0x65a: {  	v8 =	vnsel vm12, $0x0, v10;
	[tilespmem:v20+s19+$0x0] =	vst.idx.add.f32.msk $0xffff, v7;
	s1 =	smul.u32 $0x55555556, s1;
	v19 =	vmov s2;
	s2 =	sshrl.u32 s2, $0x1F;
	v20 =	vmov s18;
	s12 =	rddreg [dreg:$0x5]  }
0x65b: {  	[tilespmem:v16+s19+$0x0] =	vst.idx.add.f32.msk $0xffff, v8;
	s25 =	sadd.s32 s3, s25;
	[smem:$0x598] =	sst s11;
	v20 =	vnsel vm3, $0x0, v20;
	s0 =	sadd.s32 $0x50, s12  }
0x65c: {  	v22 =	vmov s2;
	s2 =	sshrl.u32 s25, $0x1F;
	s13 =	spop (v2sf);
	v20 =	vsel vm0, s25, v20;
	s25 =	sld [smem:$0x595];
	v16 =	vld [tilespmem:s0+$0x20]  }
0x65d: {  	[smem:$0x59A] =	sst s13;
	s11 =	spop (v2sf);
	v7 =	vld [tilespmem:s0+$0xFFFFFFF0]  }
0x65e: {  	s24 =	smulhi.u32 $0x55555556, s29;
	s29 =	sshra.s32 s29, $0x1F;
	[smem:$0x59B] =	sst s11;
	v8 =	vld [tilespmem:s0+$0x0]  }
0x65f: {  	s1 =	sadd.s32 s1, s21;
	s21 =	smul.u32 $0x55555556, s29;
	v9 =	vld [tilespmem:s0+$0x10];
	[dreg:$0x5] =	wrdreg s0  }
0x660: {  	s13 =	smul.u32 $0x55555556, s28;
	v10 =	vld [tilespmem:s0+$0xFFFFFFE0];
	s0 =	sadd.s32 s6, s23;
	s23 =	sld [smem:$0x590]  }
0x661: {  	v19 =	vsel vm0, s5, v19;
	s6 =	sadd.s32 s8, s26;
	s26 =	sshrl.u32 s5, $0x1F;
	s5 =	sld [smem:$0x592]  }
0x662: {  	s20 =	sshra.s32 s20, $0x1F;
	s28 =	spop (v2sf);
	s8 =	sld [smem:$0x593]  }
0x663: {  	v18 =	vmov s1;
	s1 =	sshrl.u32 s1, $0x1F;
	s29 =	sld [smem:$0x59A];
	s12 =	spop (v2sf)  }
0x664: {  	(v2sf) =	vpush v12, $0xC;
	v18 =	vsel vm0, s0, v18;
	s0 =	sshrl.u32 s0, $0x1F;
	[smem:$0x59C] =	sst s12;
	s11 =	spop (v2sf)  }
0x665: {  	(v2sf) =	vpush v12, $0x8;
	[smem:$0x59D] =	sst s11;
	s7 =	sadd.s32 s7, s23;
	s23 =	sshrl.u32 s18, $0x1F  }
0x666: {  	v21 =	vmov s1;
	v19 =	vsel vm1, s6, v19;
	(v2sf) =	vpush v12, $0x2;
	s1 =	sadd.s32 s10, s5;
	s5 =	sadd.s32 s9, s8;
	s9 =	sadd.s32 s21, s24  }
0x667: {  	v22 =	vsel vm0, s26, v22;
	v21 =	vsel vm0, s0, v21;
	(v2sf) =	vpush v13, $0xC;
	s18 =	sshrl.u32 s6, $0x1F;
	s21 =	sld [smem:$0x594];
	s10 =	sshrl.u32 s7, $0x1F  }
0x668: {  	(v2sf) =	vpush v13, $0x8;
	v23 =	vmov s23;
	v19 =	vsel vm2, s5, v19;
	s23 =	smul.u32 $0x55555556, s20;
	s24 =	sshrl.u32 s9, $0x1F;
	s5 =	sshrl.u32 s5, $0x1F  }
0x669: {  	v18 =	vsel vm1, s7, v18;
	v22 =	vsel vm1, s18, v22;
	s7 =	rddreg [dreg:$0x1d];
	s18 =	sshra.s32 s14, $0x1F;
	s14 =	smulhi.u32 $0x55555556, s14;
	(v2sf) =	vpush v13, $0x2  }
0x66a: {  	v18 =	vsel vm2, s1, v18;
	v21 =	vsel vm1, s10, v21;
	s1 =	sshrl.u32 s1, $0x1F;
	v22 =	vsel vm2, s5, v22;
	s10 =	sld [smem:$0x597];
	s5 =	sshra.s32 s15, $0x1F  }
0x66b: {  	v23 =	vnsel vm3, $0x0, v23;
	s15 =	smulhi.u32 $0x55555556, s15;
	s4 =	sadd.s32 s4, s21;
	v18 =	vcombine.low v19, v18;
	v19 =	vsel vm1, s9, v20;
	s9 =	rddreg [dreg:$0x1a]  }
0x66c: {  	v23 =	vsel vm0, s2, v23;
	s2 =	sadd.s32 s13, s25;
	s26 =	sshrl.u32 s4, $0x1F;
	v19 =	vsel vm2, s4, v19;
	s4 =	sld [smem:$0x596]  }
0x66d: {  	v17 =	vshra.s32 v16, $0x1;
	s21 =	sshra.s32 s16, $0x1F;
	s25 =	sshra.s32 s17, $0x1F;
	s17 =	smulhi.u32 $0x55555556, s17  }
0x66e: {  	v20 =	vsel vm1, s24, v23;
	s6 =	sshrl.u32 s2, $0x1F;
	s24 =	simm.s32 $0x0;
	v19 =	vsel vm4, s2, v19;
	s2 =	sadd.s32 s22, s7  }
0x66f: {  	v21 =	vsel vm2, s1, v21;
	v20 =	vsel vm2, s26, v20;
	s1 =	sadd.s32 s10, s9;
	s10 =	smul.u32 $0x55555556, s25;
	s3 =	sadd.s32 s23, s4  }
0x670: {  	s9 =	sshra.s32 s29, $0x1F;
	v20 =	vsel vm4, s6, v20;
	s6 =	smul.u32 $0x55555556, s18;
	s8 =	sshrl.u32 s3, $0x1F  }
0x671: {  	v21 =	vcombine.low v22, v21;
	s13 =	sshrl.u32 s2, $0x1F;
	s18 =	sld [smem:$0x59B];
	s9 =	smul.u32 $0x55555556, s9;
	v19 =	vsel vm5, s3, v19;
	v20 =	vsel vm5, s8, v20  }
0x672: {  	v18 =	vperm.xlane v18, v1;
	s20 =	sshrl.u32 s1, $0x1F;
	v17 =	vld.idx.msk [tilespmem:v17+s24+$0x0], $0xffff;
	s3 =	sld [smem:$0x598];
	v19 =	vsel vm6, s2, v19;
	s2 =	smul.u32 $0x55555556, s21;
	v20 =	vsel vm6, s13, v20  }
0x673: {  	v21 =	vperm.xlane v21, v1;
	s21 =	smul.u32 $0x55555556, s5;
	s5 =	sshra.s32 s12, $0x1F;
	v19 =	vsel vm7, s1, v19;
	s13 =	sld [smem:$0x599];
	v20 =	vsel vm7, s20, v20  }
0x674: {  	s12 =	sshra.s32 s11, $0x1F;
	s11 =	smulhi.u32 $0x55555556, s16;
	v19 =	vperm.xlane v19, v2;
	s22 =	spop (v2sf);
	v20 =	vperm.xlane v20, v2  }
0x675: {  	v16 =	vand.u32 $0x1, v16;
	s12 =	smul.u32 $0x55555556, s12;
	s7 =	sshra.s32 s3, $0x1F;
	s31 =	spop (v2sf)  }
0x676: {  	vm9 =	veq.s32 v16, $0x0;
	s7 =	smul.u32 $0x55555556, s7;
	s8 =	sshra.s32 s13, $0x1F;
	v18 =	vsel vm8, v19, v18;
	s23 =	spop (v2sf);
	v19 =	vsel vm8, v20, v21  }
0x677: {  	v16 =	vand.u32 $0xFFFF0000, v17;
	v17 =	vshll.u32 v17, $0x10;
	s0 =	sshra.s32 s22, $0x1F;
	s8 =	smul.u32 $0x55555556, s8;
	s1 =	spop (v2sf);
	v18 =	vadd.s32 v19, v18  }
0x678: {  	s16 =	sadd.s32 s6, s14;
	v20 =	vshra.s32 v8, $0x1;
	s0 =	smul.u32 $0x55555556, s0;
	s26 =	spop (v2sf);
	(v2sf) =	vpush v14, $0xC;
	v19 =	vmul.u32 $0xFFFFFFFD, v18  }
0x679: {  	v15 =	vsub.s32 $0x0, v15;
	s20 =	sshra.s32 s18, $0x1F;
	v16 =	vsel vm9, v17, v16;
	[smem:$0x59F] =	sst s23;
	s30 =	spop (v2sf);
	(v2sf) =	vpush v14, $0x8  }
0x67a: {  	s4 =	sshra.s32 s23, $0x1F;
	s23 =	smulhi.u32 $0x55555556, s29;
	(v2sf) =	vpush v14, $0x2;
	vm9 =	veq.s32 v19, v15;
	v15 =	vmov s16;
	s16 =	sshrl.u32 s16, $0x1F  }
0x67b: {  	s25 =	sshra.s32 s28, $0x1F;
	s11 =	sadd.s32 s2, s11;
	(v2sf) =	vpush v11, $0xD;
	v19 =	vmov s16;
	s16 =	smul.u32 $0x55555556, s20  }
0x67c: {  	s10 =	sadd.s32 s10, s17;
	v17 =	vmov s11;
	s11 =	sshrl.u32 s11, $0x1F;
	s20 =	smulhi.u32 $0x55555556, s13;
	(v2sf) =	vpush v11, $0x9  }
0x67d: {  	[smem:$0x5A4] =	sst s12;
	s6 =	sshra.s32 s26, $0x1F;
	v25 =	vld.idx.msk [tilespmem:v20+s24+$0x0], $0xffff;
	v20 =	vmov s11;
	s11 =	smul.u32 $0x55555556, s5  }
0x67e: {  	s15 =	sadd.s32 s21, s15;
	[smem:$0x59E] =	sst s22;
	v16 =	vnsel vm9, $0x0, v16;
	s13 =	smul.u32 $0x55555556, s6  }
0x67f: {  	s22 =	sshra.s32 s31, $0x1F;
	[smem:$0x5A0] =	sst s1;
	[tilespmem:v18+s19+$0x0] =	vst.idx.add.f32.msk $0xffff, v16;
	s19 =	smulhi.u32 $0x55555556, s3;
	(v2sf) =	vpush v11, $0x3  }
0x680: {  	s2 =	sshra.s32 s1, $0x1F;
	[smem:$0x5A5] =	sst s0;
	s3 =	smulhi.u32 $0x55555556, s18  }
0x681: {  	v22 =	vshra.s32 v10, $0x1;
	s14 =	sshra.s32 s30, $0x1F;
	v16 =	vnsel vm3, $0x0, v17;
	v17 =	vmov s10;
	s10 =	sshrl.u32 s10, $0x1F;
	s18 =	smul.u32 $0x55555556, s25  }
0x682: {  	[smem:$0x5A3] =	sst s11;
	(v2sf) =	vpush v12, $0xD;
	s21 =	sadd.s32 s7, s19;
	s19 =	smul.u32 $0x55555556, s14  }
0x683: {  	v15 =	vnsel vm3, $0x0, v15;
	v18 =	vnsel vm3, $0x0, v17;
	v17 =	vmov s15;
	s15 =	sshrl.u32 s15, $0x1F;
	s8 =	sadd.s32 s8, s20;
	[smem:$0x5AD] =	sst s13  }
0x684: {  	v23 =	vshra.s32 v7, $0x1;
	v27 =	vnsel vm3, $0x0, v19;
	v19 =	vsel vm0, s21, v15;
	s20 =	sshrl.u32 s21, $0x1F;
	s21 =	smul.u32 $0x55555556, s22;
	[smem:$0x5AF] =	sst s19  }
0x685: {  	s0 =	sadd.s32 s9, s23;
	v21 =	vmov s10;
	v26 =	vmov s15;
	(v2sf) =	vpush v12, $0x9;
	s22 =	smul.u32 $0x55555556, s4;
	s19 =	sld [smem:$0x59D]  }
0x686: {  	v24 =	vld.idx.msk [tilespmem:v22+s24+$0x0], $0xffff;
	v22 =	vnsel vm3, $0x0, v21;
	s9 =	sadd.s32 s16, s3;
	v21 =	vnsel vm3, $0x0, v26;
	v26 =	vshra.s32 v9, $0x1;
	s4 =	smul.u32 $0x55555556, s2;
	[smem:$0x5A7] =	sst s21  }
0x687: {  	s23 =	sshrl.u32 s8, $0x1F;
	[smem:$0x5A9] =	sst s22;
	s10 =	spop (v2sf)  }
0x688: {  	(v2sf) =	vpush v12, $0x3;
	[smem:$0x5AB] =	sst s4;
	s7 =	sshra.s32 s10, $0x1F;
	s17 =	spop (v2sf)  }
0x689: {  	v28 =	vnsel vm3, $0x0, v20;
	v20 =	vsel vm0, s0, v18;
	v15 =	vnsel vm3, $0x0, v17;
	s11 =	sshra.s32 s17, $0x1F;
	s25 =	spop (v2sf);
	s21 =	smul.u32 $0x55555556, s7  }
0x68a: {  	v23 =	vld.idx.msk [tilespmem:v23+s24+$0x0], $0xffff;
	v18 =	vsel vm0, s9, v15;
	v15 =	vsel vm0, s23, v28;
	(v2sf) =	vpush v13, $0xD;
	s29 =	spop (v2sf);
	s23 =	smul.u32 $0x55555556, s11  }
0x68b: {  	(v2sf) =	vpush v13, $0x9;
	v26 =	vld.idx.msk [tilespmem:v26+s24+$0x0], $0xffff;
	s12 =	sshra.s32 s25, $0x1F;
	s24 =	spop (v2sf);
	[smem:$0x5B1] =	sst s21  }
0x68c: {  	s3 =	smul.u32 $0x55555556, s12;
	s12 =	sld [smem:$0x59C]  }
0x68d: {  	[smem:$0x5AA] =	sst s24  }
0x68e: {  	v17 =	vsel vm0, s8, v16;
	(v2sf) =	vpush v13, $0x3;
	s8 =	spop (v2sf);
	[smem:$0x5B3] =	sst s23  }
0x68f: {  	(v2sf) =	vpush v14, $0xD;
	s5 =	sshra.s32 s29, $0x1F;
	[smem:$0x5AC] =	sst s8  }
0x690: {  	s5 =	smul.u32 $0x55555556, s5;
	s1 =	sshra.s32 s8, $0x1F;
	[smem:$0x5B5] =	sst s3  }
0x691: {  	(v2sf) =	vpush v14, $0x9;
	s15 =	spop (v2sf);
	[smem:$0x5A1] =	sst s1  }
0x692: {  	[smem:$0x5AE] =	sst s15  }
0x693: {  	(v2sf) =	vpush v14, $0x3;
	s1 =	sshra.s32 s15, $0x1F;
	[smem:$0x5C3] =	sst s5  }
0x694: {  	v16 =	vsel vm0, s20, v27;
	s16 =	sshra.s32 s24, $0x1F;
	s20 =	spop (v2sf);
	[smem:$0x5A2] =	sst s1  }
0x695: {  	s16 =	smul.u32 $0x55555556, s16;
	[smem:$0x5B0] =	sst s20  }
0x696: {  	(v2sf) =	vpush v11, $0xE;
	s2 =	sshra.s32 s20, $0x1F;
	s20 =	sld [smem:$0x59E]  }
0x697: {  	s22 =	spop (v2sf);
	[smem:$0x5C6] =	sst s16  }
0x698: {  	(v2sf) =	vpush v11, $0xA;
	[smem:$0x5B2] =	sst s22  }
0x699: {  	s24 =	spop (v2sf);
	s2 =	smul.u32 $0x55555556, s2  }
0x69a: {  	(v2sf) =	vpush v11, $0x4;
	[smem:$0x5B4] =	sst s24;
	s4 =	spop (v2sf)  }
0x69b: {  	[smem:$0x5B6] =	sst s4  }
0x69c: {  	(v2sf) =	vpush v12, $0xE;
	[smem:$0x5CD] =	sst s2  }
0x69d: {  	s7 =	spop (v2sf);
	s2 =	sld [smem:$0x5A7]  }
0x69e: {  	(v2sf) =	vpush v12, $0xA;
	[smem:$0x5B7] =	sst s7;
	s15 =	sshra.s32 s7, $0x1F;
	s13 =	spop (v2sf)  }
0x69f: {  	s7 =	sld [smem:$0x59F];
	s15 =	smul.u32 $0x55555556, s15  }
0x6a0: {  	(v2sf) =	vpush v12, $0x4;
	[smem:$0x5B8] =	sst s13;
	s23 =	spop (v2sf)  }
0x6a1: {  	[smem:$0x5D5] =	sst s15;
	s21 =	sshra.s32 s23, $0x1F  }
0x6a2: {  	(v2sf) =	vpush v13, $0xE;
	s8 =	sshra.s32 s22, $0x1F;
	s22 =	spop (v2sf);
	[smem:$0x5A6] =	sst s21  }
0x6a3: {  	[smem:$0x5B9] =	sst s22  }
0x6a4: {  	s3 =	sshra.s32 s4, $0x1F;
	s4 =	sshra.s32 s22, $0x1F;
	s21 =	sld [smem:$0x5A0]  }
0x6a5: {  	(v2sf) =	vpush v13, $0xA;
	s11 =	sshra.s32 s24, $0x1F;
	s24 =	spop (v2sf);
	[smem:$0x5A8] =	sst s4  }
0x6a6: {  	s14 =	smulhi.u32 $0x55555556, s12;
	[smem:$0x5CF] =	sst s24;
	s4 =	sshra.s32 s24, $0x1F  }
0x6a7: {  	(v2sf) =	vpush v13, $0x4;
	s12 =	spop (v2sf);
	[smem:$0x5BA] =	sst s4  }
0x6a8: {  	[smem:$0x5D2] =	sst s12;
	s4 =	sshra.s32 s12, $0x1F  }
0x6a9: {  	s24 =	spop (v2sf);
	[smem:$0x5BB] =	sst s4  }
0x6aa: {  	(v2sf) =	vpush v14, $0xE;
	s22 =	smulhi.u32 $0x55555556, s7;
	[smem:$0x5D6] =	sst s24;
	s4 =	sshra.s32 s24, $0x1F  }
0x6ab: {  	s7 =	spop (v2sf);
	[smem:$0x5BC] =	sst s4  }
0x6ac: {  	s6 =	smulhi.u32 $0x55555556, s28;
	(v2sf) =	vpush v14, $0xA;
	[smem:$0x5DB] =	sst s7;
	s4 =	sshra.s32 s7, $0x1F  }
0x6ad: {  	s12 =	spop (v2sf);
	[smem:$0x5BD] =	sst s4  }
0x6ae: {  	s28 =	smulhi.u32 $0x55555556, s21;
	[smem:$0x5DD] =	sst s12;
	s4 =	sshra.s32 s12, $0x1F  }
0x6af: {  	s21 =	spop (v2sf);
	[smem:$0x5BE] =	sst s4  }
0x6b0: {  	(v2sf) =	vpush v14, $0x4;
	[smem:$0x5DE] =	sst s21;
	s4 =	sshra.s32 s21, $0x1F  }
0x6b1: {  	s7 =	spop (v2sf);
	[smem:$0x5BF] =	sst s4  }
0x6b2: {  	[smem:$0x5DF] =	sst s7  }
0x6b3: {  	(v2sf) =	vpush v11, $0xF;
	s24 =	smulhi.u32 $0x55555556, s10;
	s4 =	sshra.s32 s7, $0x1F;
	s7 =	sld [smem:$0x5A1]  }
0x6b4: {  	s10 =	spop (v2sf);
	[smem:$0x5C0] =	sst s4  }
0x6b5: {  	[smem:$0x5E0] =	sst s10;
	s4 =	sshra.s32 s10, $0x1F  }
0x6b6: {  	s12 =	spop (v2sf);
	[smem:$0x5C1] =	sst s4  }
0x6b7: {  	[smem:$0x5E1] =	sst s12  }
0x6b8: {  	(v2sf) =	vpush v11, $0xB;
	s21 =	smulhi.u32 $0x55555556, s17;
	s4 =	sshra.s32 s12, $0x1F;
	s12 =	sld [smem:$0x5A2]  }
0x6b9: {  	s17 =	spop (v2sf);
	[smem:$0x5C2] =	sst s4  }
0x6ba: {  	[smem:$0x5E2] =	sst s17;
	s4 =	sshra.s32 s17, $0x1F  }
0x6bb: {  	s10 =	spop (v2sf);
	[smem:$0x5C5] =	sst s4  }
0x6bc: {  	s5 =	smul.u32 $0x55555556, s7;
	[smem:$0x5E3] =	sst s10  }
0x6bd: {  	s4 =	sshra.s32 s10, $0x1F;
	s10 =	smul.u32 $0x55555556, s3;
	s3 =	sld [smem:$0x5A8]  }
0x6be: {  	[smem:$0x5C8] =	sst s5  }
0x6bf: {  	s16 =	spop (v2sf);
	[smem:$0x5CA] =	sst s4  }
0x6c0: {  	[smem:$0x5E5] =	sst s16  }
0x6c1: {  	s17 =	sshra.s32 s16, $0x1F;
	s16 =	sld [smem:$0x5A4]  }
0x6c2: {  	s7 =	spop (v2sf);
	[smem:$0x5CE] =	sst s17  }
0x6c3: {  	[smem:$0x5FD] =	sst s7  }
0x6c4: {  	s5 =	smul.u32 $0x55555556, s12;
	[smem:$0x5D3] =	sst s10  }
0x6c5: {  	(v2sf) =	vpush v11, $0x5;
	s4 =	smul.u32 $0x55555556, s8;
	s10 =	sld [smem:$0x5A9]  }
0x6c6: {  	[smem:$0x5CB] =	sst s5  }
0x6c7: {  	s8 =	spop (v2sf);
	[smem:$0x5D0] =	sst s4  }
0x6c8: {  	s12 =	sadd.s32 s18, s6;
	s6 =	smulhi.u32 $0x55555556, s29;
	[smem:$0x600] =	sst s8  }
0x6c9: {  	(v2sf) =	vpush v12, $0xF;
	s5 =	smul.u32 $0x55555556, s11;
	s11 =	sld [smem:$0x5A3]  }
0x6ca: {  	s13 =	sshra.s32 s13, $0x1F;
	(v2sf) =	vpush v12, $0xB;
	[smem:$0x5C4] =	sst s6  }
0x6cb: {  	(v2sf) =	vpush v12, $0x5;
	s17 =	smul.u32 $0x55555556, s13;
	s7 =	sshra.s32 s7, $0x1F;
	s6 =	sld [smem:$0x5AE]  }
0x6cc: {  	s19 =	smulhi.u32 $0x55555556, s19;
	(v2sf) =	vpush v13, $0xF;
	[smem:$0x5E6] =	sst s7  }
0x6cd: {  	(v2sf) =	vpush v13, $0xB;
	[smem:$0x5D7] =	sst s17  }
0x6ce: {  	(v2sf) =	vpush v13, $0x5;
	s18 =	sadd.s32 s16, s19;
	s19 =	sld [smem:$0x5A5]  }
0x6cf: {  	(v2sf) =	vpush v14, $0xF;
	s8 =	sshra.s32 s8, $0x1F;
	s17 =	sld [smem:$0x5AC]  }
0x6d0: {  	(v2sf) =	vpush v14, $0xB;
	[smem:$0x5E9] =	sst s8  }
0x6d1: {  	(v2sf) =	vpush v14, $0x5;
	s8 =	sld [smem:$0x5B7]  }
0x6d2: {  	(v2sf) =	vpush v11, $0x6;
	[smem:$0x5D1] =	sst s5  }
0x6d3: {  	v54 =	vsub.s32 $0x0, v11;
	(v2sf) =	vpush v12, $0x6;
	s15 =	sadd.s32 s10, s22;
	s22 =	sld [smem:$0x5AD]  }
0x6d4: {  	v55 =	vsub.s32 $0x0, v12;
	v8 =	vand.u32 $0x1, v8;
	(v2sf) =	vpush v13, $0x6;
	s5 =	spop (v2sf);
	s10 =	sld [smem:$0x5AF]  }
0x6d5: {  	vm11 =	veq.s32 v8, $0x0;
	v9 =	vand.u32 $0x1, v9;
	s9 =	sshrl.u32 s9, $0x1F;
	(v2sf) =	vpush v14, $0x6;
	[smem:$0x601] =	sst s5  }
0x6d6: {  	v27 =	vand.u32 $0xFFFF0000, v25;
	(v2sf) =	vpush v11, $0x7;
	v11 =	vsel vm0, s9, v21;
	s9 =	sadd.s32 s11, s14;
	s11 =	sld [smem:$0x5AA]  }
0x6d7: {  	v25 =	vshll.u32 v25, $0x10;
	s20 =	smulhi.u32 $0x55555556, s20;
	(v2sf) =	vpush v12, $0x7;
	v12 =	vmov s12;
	s12 =	sshrl.u32 s12, $0x1F;
	s14 =	sld [smem:$0x5AB]  }
0x6d8: {  	vm12 =	veq.s32 v9, $0x0;
	v9 =	vsel vm11, v25, v27;
	s4 =	spop (v2sf);
	v27 =	vmov s12;
	s12 =	sld [smem:$0x5C1]  }
0x6d9: {  	s1 =	smulhi.u32 $0x55555556, s31;
	[smem:$0x602] =	sst s4  }
0x6da: {  	s5 =	sshra.s32 s5, $0x1F;
	s19 =	sadd.s32 s19, s20;
	s20 =	sld [smem:$0x5A6]  }
0x6db: {  	s31 =	spop (v2sf);
	[smem:$0x5EC] =	sst s5  }
0x6dc: {  	v56 =	vsub.s32 $0x0, v13;
	s4 =	sshra.s32 s4, $0x1F;
	[smem:$0x604] =	sst s31  }
0x6dd: {  	v57 =	vsub.s32 $0x0, v14;
	(v2sf) =	vpush v13, $0x7;
	v13 =	vmov s9;
	s9 =	sshrl.u32 s9, $0x1F;
	[smem:$0x5EF] =	sst s4  }
0x6de: {  	(v2sf) =	vpush v14, $0x7;
	v14 =	vsel vm1, s18, v19;
	s18 =	sshrl.u32 s18, $0x1F;
	v28 =	vmov s9;
	s9 =	sld [smem:$0x5C0]  }
0x6df: {  	s16 =	spop (v2sf);
	v16 =	vsel vm1, s18, v16;
	s18 =	sld [smem:$0x5C3]  }
0x6e0: {  	s0 =	sshrl.u32 s0, $0x1F;
	[smem:$0x605] =	sst s16  }
0x6e1: {  	v22 =	vsel vm0, s0, v22;
	s13 =	spop (v2sf);
	s0 =	smul.u32 $0x55555556, s20  }
0x6e2: {  	[smem:$0x606] =	sst s13  }
0x6e3: {  	[smem:$0x5D9] =	sst s0  }
0x6e4: {  	s0 =	smul.u32 $0x55555556, s3;
	s3 =	spop (v2sf)  }
0x6e5: {  	s26 =	smulhi.u32 $0x55555556, s26;
	[smem:$0x5FB] =	sst s3  }
0x6e6: {  	s20 =	sadd.s32 s2, s1;
	s2 =	spop (v2sf);
	[smem:$0x5DC] =	sst s0  }
0x6e7: {  	[smem:$0x5FE] =	sst s2;
	s0 =	smulhi.u32 $0x55555556, s11  }
0x6e8: {  	s11 =	sadd.s32 s14, s28;
	s14 =	sadd.s32 s22, s26;
	s22 =	sld [smem:$0x5B0]  }
0x6e9: {  	s3 =	sshra.s32 s3, $0x1F;
	s26 =	sld [smem:$0x5B1]  }
0x6ea: {  	[smem:$0x5F4] =	sst s3  }
0x6eb: {  	v19 =	vmov s19;
	s1 =	spop (v2sf);
	s3 =	sshrl.u32 s19, $0x1F;
	s19 =	sld [smem:$0x5C4]  }
0x6ec: {  	[smem:$0x5FF] =	sst s1  }
0x6ed: {  	s2 =	sshra.s32 s2, $0x1F;
	[smem:$0x5C7] =	sst s0;
	s0 =	smulhi.u32 $0x55555556, s17  }
0x6ee: {  	[smem:$0x5F6] =	sst s2  }
0x6ef: {  	s1 =	sshra.s32 s1, $0x1F;
	[smem:$0x5C9] =	sst s0;
	s0 =	smulhi.u32 $0x55555556, s6  }
0x6f0: {  	v7 =	vand.u32 $0x1, v7;
	s17 =	spop (v2sf);
	[smem:$0x5F8] =	sst s1  }
0x6f1: {  	vm10 =	veq.s32 v7, $0x0;
	v30 =	vand.u32 $0xFFFF0000, v23;
	v23 =	vshll.u32 v23, $0x10;
	[smem:$0x5CC] =	sst s0;
	s0 =	spop (v2sf)  }
0x6f2: {  	v10 =	vand.u32 $0x1, v10;
	v7 =	vsel vm10, v23, v30;
	s29 =	smulhi.u32 $0x55555556, s22;
	s22 =	spop (v2sf)  }
0x6f3: {  	vm9 =	veq.s32 v10, $0x0;
	v10 =	vand.u32 $0xFFFF0000, v26;
	v23 =	vshll.u32 v26, $0x10;
	[smem:$0x5DA] =	sst s22  }
0x6f4: {  	v10 =	vsel vm12, v23, v10;
	v23 =	vmov s11;
	s11 =	sshrl.u32 s11, $0x1F;
	s22 =	sld [smem:$0x5B3]  }
0x6f5: {  	v31 =	vmov s11;
	s11 =	sld [smem:$0x5CA]  }
0x6f6: {  	[smem:$0x603] =	sst s17  }
0x6f7: {  	s28 =	sadd.s32 s22, s21;
	s21 =	sld [smem:$0x5B5]  }
0x6f8: {  	v29 =	vand.u32 $0xFFFF0000, v24;
	v24 =	vshll.u32 v24, $0x10;
	s25 =	smulhi.u32 $0x55555556, s25;
	s24 =	sadd.s32 s26, s24;
	s26 =	sld [smem:$0x5B2]  }
0x6f9: {  	s30 =	smulhi.u32 $0x55555556, s30;
	v8 =	vsel vm9, v24, v29;
	v29 =	vmov s3;
	s3 =	sld [smem:$0x5C7]  }
0x6fa: {  	s6 =	sadd.s32 s21, s25;
	s21 =	sld [smem:$0x5B6]  }
0x6fb: {  	s10 =	sadd.s32 s10, s30;
	s30 =	smulhi.u32 $0x55555556, s26;
	s26 =	sld [smem:$0x5B4]  }
0x6fc: {  	[smem:$0x5F9] =	sst s0;
	s22 =	spop (v2sf)  }
0x6fd: {  	s25 =	spop (v2sf);
	s7 =	smulhi.u32 $0x55555556, s21  }
0x6fe: {  	[dreg:$0x11] =	wrdreg s22;
	s21 =	spop (v2sf)  }
0x6ff: {  	[smem:$0x5D4] =	sst s7;
	s7 =	spop (v2sf)  }
0x700: {  	[smem:$0x652] =	sst s7  }
0x701: {  	s7 =	sld [smem:$0x5B8]  }
0x702: {  	[dreg:$0x12] =	wrdreg s25  }
0x703: {  	[dreg:$0x13] =	wrdreg s21  }
0x704: {  	s5 =	smulhi.u32 $0x55555556, s7;
	s7 =	spop (v2sf)  }
0x705: {  	[smem:$0x653] =	sst s7  }
0x706: {  	s7 =	sshra.s32 s31, $0x1F;
	[smem:$0x5D8] =	sst s5  }
0x707: {  	s5 =	spop (v2sf);
	[smem:$0x5F0] =	sst s7  }
0x708: {  	[smem:$0x5F3] =	sst s5  }
0x709: {  	s5 =	sld [smem:$0x5B9];
	s7 =	spop (v2sf)  }
0x70a: {  	[smem:$0x5F5] =	sst s7;
	s7 =	sshra.s32 s16, $0x1F  }
0x70b: {  	s16 =	sshra.s32 s13, $0x1F;
	[smem:$0x5F1] =	sst s7  }
0x70c: {  	[smem:$0x5F2] =	sst s16  }
0x70d: {  	s13 =	sshra.s32 s17, $0x1F;
	s7 =	sld [smem:$0x5BC]  }
0x70e: {  	[smem:$0x5FA] =	sst s13  }
0x70f: {  	s17 =	sshra.s32 s0, $0x1F;
	s16 =	sld [smem:$0x5BD]  }
0x710: {  	[smem:$0x5FC] =	sst s17  }
0x711: {  	s13 =	sshrl.u32 s14, $0x1F;
	s31 =	smulhi.u32 $0x55555556, s5;
	s5 =	sld [smem:$0x5BA]  }
0x712: {  	v24 =	vmov s14;
	s14 =	sshrl.u32 s10, $0x1F;
	v58 =	vmov s13;
	s13 =	sld [smem:$0x5CC];
	s2 =	smul.u32 $0x55555556, s7  }
0x713: {  	v22 =	vsel vm1, s14, v22;
	s14 =	sld [smem:$0x5CD];
	s1 =	smul.u32 $0x55555556, s16  }
0x714: {  	v25 =	vmov s24;
	v18 =	vsel vm1, s6, v18;
	s16 =	sshrl.u32 s24, $0x1F;
	s24 =	sshrl.u32 s6, $0x1F;
	s6 =	sld [smem:$0x5C9]  }
0x715: {  	s7 =	smul.u32 $0x55555556, s12;
	s12 =	sld [smem:$0x5CB]  }
0x716: {  	s4 =	smul.u32 $0x55555556, s5;
	s5 =	sld [smem:$0x5BB]  }
0x717: {  	v59 =	vmov s16;
	s16 =	sld [smem:$0x5CF]  }
0x718: {  	v11 =	vsel vm1, s24, v11;
	s24 =	sld [smem:$0x5D1]  }
0x719: {  	[smem:$0x5E8] =	sst s2  }
0x71a: {  	[smem:$0x5EA] =	sst s1  }
0x71b: {  	s1 =	sld [smem:$0x5BE]  }
0x71c: {  	s2 =	sld [smem:$0x5BF]  }
0x71d: {  	[smem:$0x5E4] =	sst s4  }
0x71e: {  	s13 =	sadd.s32 s12, s13;
	s12 =	sld [smem:$0x5D5]  }
0x71f: {  	v17 =	vsel vm1, s15, v17;
	s4 =	smul.u32 $0x55555556, s5;
	s5 =	sshrl.u32 s15, $0x1F;
	s15 =	sld [smem:$0x5C2]  }
0x720: {  	s8 =	smulhi.u32 $0x55555556, s8;
	v15 =	vsel vm1, s5, v15;
	s5 =	sld [smem:$0x5C8]  }
0x721: {  	s0 =	smul.u32 $0x55555556, s1;
	s1 =	sld [smem:$0x5D2]  }
0x722: {  	s26 =	smulhi.u32 $0x55555556, s26;
	[smem:$0x5E7] =	sst s4  }
0x723: {  	v21 =	vmov s20;
	s4 =	sshrl.u32 s20, $0x1F;
	s20 =	sld [smem:$0x5C5]  }
0x724: {  	s26 =	sadd.s32 s24, s26;
	s24 =	sadd.s32 s12, s8;
	s8 =	sld [smem:$0x5D9]  }
0x725: {  	s12 =	sld [smem:$0x5DB]  }
0x726: {  	[smem:$0x5EB] =	sst s0  }
0x727: {  	s0 =	smul.u32 $0x55555556, s2;
	s2 =	sld [smem:$0x5C6]  }
0x728: {  	v30 =	vmov s4;
	s4 =	smul.u32 $0x55555556, s15;
	s15 =	sld [smem:$0x5CE]  }
0x729: {  	[smem:$0x5ED] =	sst s0  }
0x72a: {  	s0 =	smul.u32 $0x55555556, s9;
	s9 =	sadd.s32 s18, s19;
	s18 =	sld [smem:$0x5D0]  }
0x72b: {  	s23 =	smulhi.u32 $0x55555556, s23;
	s19 =	sadd.s32 s14, s29;
	s14 =	sld [smem:$0x5D6]  }
0x72c: {  	s17 =	sshrl.u32 s28, $0x1F;
	s29 =	smulhi.u32 $0x55555556, s16;
	s16 =	sld [smem:$0x5D7]  }
0x72d: {  	v26 =	vmov s28;
	v60 =	vmov s17;
	s28 =	sadd.s32 s8, s23;
	s17 =	sadd.s32 s2, s3;
	s3 =	sld [smem:$0x5D3]  }
0x72e: {  	s8 =	sshra.s32 s25, $0x1F;
	s2 =	smul.u32 $0x55555556, s11;
	s11 =	sld [smem:$0x5D4]  }
0x72f: {  	v20 =	vsel vm1, s10, v20;
	s10 =	smul.u32 $0x55555556, s20;
	s20 =	sadd.s32 s5, s6;
	[dreg:$0x1e] =	wrdreg s8  }
0x730: {  	s8 =	sshrl.u32 s20, $0x1F;
	[smem:$0x5EE] =	sst s0  }
0x731: {  	v12 =	vsel vm0, s9, v12;
	s9 =	sshrl.u32 s9, $0x1F;
	v37 =	vsel vm2, s8, v16;
	s8 =	sld [smem:$0x5E0]  }
0x732: {  	v14 =	vsel vm2, s20, v14;
	s20 =	sshrl.u32 s13, $0x1F;
	v27 =	vsel vm0, s9, v27;
	s9 =	sld [smem:$0x5E3]  }
0x733: {  	v29 =	vsel vm0, s20, v29;
	s20 =	sshrl.u32 s26, $0x1F;
	s30 =	sadd.s32 s18, s30;
	s18 =	sld [smem:$0x5D8]  }
0x734: {  	v23 =	vsel vm0, s26, v23;
	s26 =	sshrl.u32 s24, $0x1F;
	s0 =	smulhi.u32 $0x55555556, s14;
	s14 =	sld [smem:$0x5DA]  }
0x735: {  	s6 =	smul.u32 $0x55555556, s15;
	v22 =	vsel vm2, s26, v22;
	s26 =	sld [smem:$0x5E4]  }
0x736: {  	v31 =	vsel vm0, s20, v31;
	s20 =	sshrl.u32 s28, $0x1F;
	s15 =	sadd.s32 s3, s11;
	s3 =	sld [smem:$0x5DD]  }
0x737: {  	v34 =	vsel vm0, s20, v60;
	s20 =	sld [smem:$0x5E8]  }
0x738: {  	v19 =	vsel vm0, s13, v19;
	v17 =	vsel vm2, s30, v17;
	s13 =	sshrl.u32 s30, $0x1F;
	s30 =	sld [smem:$0x5F3]  }
0x739: {  	v61 =	vsel vm2, s24, v20;
	s24 =	smulhi.u32 $0x55555556, s9;
	s9 =	sld [smem:$0x5E6]  }
0x73a: {  	s16 =	sadd.s32 s16, s18;
	s11 =	sshra.s32 s14, $0x1F;
	s18 =	sld [smem:$0x5DC]  }
0x73b: {  	[smem:$0x5F7] =	sst s11  }
0x73c: {  	v15 =	vsel vm2, s13, v15;
	v25 =	vsel vm0, s16, v25;
	s13 =	sshrl.u32 s16, $0x1F;
	s16 =	sadd.s32 s26, s29;
	s26 =	sld [smem:$0x5E9]  }
0x73d: {  	s0 =	sadd.s32 s20, s0;
	s20 =	sld [smem:$0x5EC]  }
0x73e: {  	s5 =	smulhi.u32 $0x55555556, s1;
	v33 =	vsel vm0, s13, v59;
	s13 =	sld [smem:$0x5E7];
	s11 =	sadd.s32 s18, s31  }
0x73f: {  	s31 =	smulhi.u32 $0x55555556, s3;
	s18 =	sld [smem:$0x5DE];
	s3 =	sshra.s32 s21, $0x1F  }
0x740: {  	v13 =	vsel vm0, s17, v13;
	s21 =	sshrl.u32 s17, $0x1F;
	s17 =	smulhi.u32 $0x55555556, s8;
	s8 =	sld [smem:$0x5E2]  }
0x741: {  	v21 =	vsel vm0, s19, v21;
	v36 =	vsel vm2, s11, v18;
	v28 =	vsel vm0, s21, v28;
	s21 =	sshrl.u32 s19, $0x1F;
	s19 =	sld [smem:$0x5E1];
	s11 =	sshrl.u32 s11, $0x1F  }
0x742: {  	s23 =	smulhi.u32 $0x55555556, s12;
	s12 =	sshra.s32 s22, $0x1F;
	v11 =	vsel vm2, s11, v11;
	s11 =	sld [smem:$0x5EB]  }
0x743: {  	v30 =	vsel vm0, s21, v30;
	s21 =	sshrl.u32 s15, $0x1F;
	s22 =	smulhi.u32 $0x55555556, s18;
	s18 =	sld [smem:$0x5DF]  }
0x744: {  	v24 =	vsel vm0, s15, v24;
	s5 =	sadd.s32 s13, s5;
	s15 =	smulhi.u32 $0x55555556, s8;
	s8 =	sld [smem:$0x5E5]  }
0x745: {  	s13 =	smul.u32 $0x55555556, s26;
	s26 =	sadd.s32 s11, s31;
	s11 =	sld [smem:$0x653]  }
0x746: {  	s29 =	sadd.s32 s10, s15;
	s10 =	sld [smem:$0x5F1]  }
0x747: {  	s15 =	sld [smem:$0x5F2]  }
0x748: {  	v32 =	vsel vm0, s21, v58;
	s21 =	smulhi.u32 $0x55555556, s8;
	s8 =	sld [smem:$0x5EA]  }
0x749: {  	s19 =	smulhi.u32 $0x55555556, s19;
	s31 =	sld [smem:$0x5F5]  }
0x74a: {  	s24 =	sadd.s32 s2, s24;
	s25 =	smulhi.u32 $0x55555556, s18;
	s18 =	sld [smem:$0x652]  }
0x74b: {  	s9 =	smul.u32 $0x55555556, s9;
	s23 =	sadd.s32 s8, s23;
	s8 =	sld [smem:$0x5ED]  }
0x74c: {  	v26 =	vsel vm0, s28, v26;
	v38 =	vsel vm1, s16, v12;
	s16 =	sshrl.u32 s16, $0x1F;
	s28 =	sadd.s32 s4, s19;
	s4 =	sld [smem:$0x5F0]  }
0x74d: {  	s1 =	sadd.s32 s6, s21;
	v41 =	vsel vm1, s23, v19;
	s6 =	sshrl.u32 s23, $0x1F;
	s23 =	sld [smem:$0x5F8]  }
0x74e: {  	v40 =	vsel vm4, s0, v14;
	s0 =	sshrl.u32 s0, $0x1F;
	s22 =	sadd.s32 s8, s22;
	s8 =	sld [smem:$0x5EE]  }
0x74f: {  	v62 =	vsel vm1, s16, v27;
	v39 =	vsel vm1, s5, v13;
	s5 =	sshrl.u32 s5, $0x1F;
	s19 =	sld [smem:$0x5F4];
	s16 =	sshrl.u32 s26, $0x1F  }
0x750: {  	v20 =	vsel vm1, s26, v21;
	s26 =	smov.u32 s14;
	s14 =	smov.u32 s3;
	s3 =	smov.u32 s12  }
0x751: {  	v37 =	vsel vm4, s0, v37;
	s0 =	smul.u32 $0x55555556, s23;
	s23 =	sld [smem:$0x5FA];
	s25 =	sadd.s32 s8, s25  }
0x752: {  	v63 =	vsel vm1, s5, v28;
	s12 =	sld [smem:$0x5F7];
	v28 =	vsel vm1, s16, v30;
	v12 =	vsel vm4, s22, v17;
	s16 =	sshrl.u32 s22, $0x1F;
	s22 =	sshrl.u32 s25, $0x1F  }
0x753: {  	s20 =	smul.u32 $0x55555556, s20;
	v18 =	vsel vm1, s24, v26;
	v26 =	vsel vm1, s22, v31;
	s22 =	sld [smem:$0x5FC]  }
0x754: {  	s7 =	sadd.s32 s7, s17;
	s5 =	smul.u32 $0x55555556, s23;
	s23 =	sld [smem:$0x5FD]  }
0x755: {  	v14 =	vsel vm1, s7, v24;
	s7 =	sshrl.u32 s7, $0x1F;
	s2 =	smul.u32 $0x55555556, s10;
	s21 =	sld [smem:$0x5F6]  }
0x756: {  	v29 =	vsel vm1, s6, v29;
	v17 =	vsel vm4, s28, v61;
	v24 =	vsel vm4, s16, v15;
	s16 =	sshrl.u32 s28, $0x1F;
	s28 =	sld [smem:$0x5FB];
	s6 =	smul.u32 $0x55555556, s22  }
0x757: {  	s17 =	sshra.s32 s11, $0x1F;
	s8 =	sld [smem:$0x5EF];
	s22 =	smulhi.u32 $0x55555556, s23  }
0x758: {  	s10 =	smul.u32 $0x55555556, s15;
	v22 =	vsel vm4, s16, v22;
	s16 =	sshrl.u32 s24, $0x1F;
	s23 =	sld [smem:$0x600]  }
0x759: {  	v16 =	vsel vm1, s29, v25;
	s4 =	smul.u32 $0x55555556, s4;
	v25 =	vsel vm1, s16, v34;
	s16 =	sadd.s32 s9, s22;
	s22 =	sld [smem:$0x601]  }
0x75a: {  	v19 =	vsel vm4, s1, v36;
	s1 =	sshrl.u32 s1, $0x1F;
	s24 =	sld [smem:$0x5FF];
	v13 =	vsel vm1, s25, v23;
	v23 =	vsel vm1, s7, v32;
	s7 =	sshrl.u32 s29, $0x1F  }
0x75b: {  	v27 =	vsel vm4, s1, v11;
	v21 =	vsel vm1, s7, v33;
	s23 =	smulhi.u32 $0x55555556, s23;
	v11 =	vsel vm2, s16, v38;
	s7 =	sshrl.u32 s16, $0x1F;
	s16 =	sld [smem:$0x602]  }
0x75c: {  	s15 =	sshra.s32 s30, $0x1F;
	s9 =	smulhi.u32 $0x55555556, s22;
	s22 =	sld [smem:$0x604]  }
0x75d: {  	s11 =	sshra.s32 s31, $0x1F;
	s25 =	sld [smem:$0x5F9];
	s8 =	smul.u32 $0x55555556, s8  }
0x75e: {  	s29 =	sld [smem:$0x5FE];
	s23 =	sadd.s32 s13, s23;
	s13 =	smulhi.u32 $0x55555556, s16  }
0x75f: {  	s1 =	sshrl.u32 s23, $0x1F;
	s9 =	sadd.s32 s20, s9;
	s16 =	smulhi.u32 $0x55555556, s22  }
.Ltmp5:
0x760: {  	v15 =	vsel vm2, s23, v39;
	s23 =	sshrl.u32 s9, $0x1F;
	s22 =	sld [smem:$0x605];
	(pc) =	sbr.rel @p1 .LBB2_11-.Ltmp5, $4  }
0x761: {  	s18 =	sshra.s32 s18, $0x1F;
	s19 =	smul.u32 $0x55555556, s19;
	v32 =	vsel vm5, s23, v37;
	s23 =	sld [smem:$0x606]  }
0x762: {  	s21 =	smul.u32 $0x55555556, s21;
	v30 =	vsel vm2, s7, v62;
	s7 =	sadd.s32 s8, s13;
	s13 =	rddreg [dreg:$0xb]  }
0x763: {  	v6 =	vmovc v56;
	s20 =	sld [smem:$0x603];
	v11 =	vcombine.low v15, v11;
	v15 =	vsel vm2, s1, v63;
	v31 =	vsel vm5, s9, v40;
	s8 =	sadd.s32 $0x50, s13;
	s9 =	smulhi.u32 $0x55555556, s22  }
0x764: {  	v3 =	vmovc v54;
	v5 =	vmovc v57;
	v4 =	vmov v55;
	v33 =	vcombine.low v15, v30;
	v34 =	vsel vm2, s7, v41;
	s1 =	sadd.s32 s4, s16;
	s16 =	rddreg [dreg:$0x7];
	s4 =	smulhi.u32 $0x55555556, s23  }
0x765: {  	s8 =	smulhi.u32 $0x55555556, s28  }
0x766: {  	s13 =	smulhi.u32 $0x55555556, s29  }
0x767: {  	s16 =	smulhi.u32 $0x55555556, s24  }
0x768: {  	s22 =	smulhi.u32 $0x55555556, s25  }
0x769: {  	s23 =	smul.u32 $0x55555556, s12  }
0x76a: {  	s3 =	smul.u32 $0x55555556, s3  }
0x76b: {  	s28 =	smulhi.u32 $0x55555556, s26  }
0x76c: {  	s2 =	sadd.s32 s2, s9;
	s7 =	sshrl.u32 s7, $0x1F;
	s15 =	smul.u32 $0x55555556, s15  }
0x76d: {  	s24 =	rddreg [dreg:$0x1e];
	s25 =	sshrl.u32 s1, $0x1F;
	s20 =	smulhi.u32 $0x55555556, s20  }
0x76e: {  	s4 =	sadd.s32 s10, s4;
	s12 =	smul.u32 $0x55555556, s24;
	s24 =	rddreg [dreg:$0x12]  }
0x76f: {  	v20 =	vsel vm2, s1, v20;
	v11 =	vperm.xlane v11, v1;
	s9 =	sshrl.u32 s2, $0x1F;
	s10 =	smul.u32 $0x55555556, s18;
	s18 =	sld [smem:$0x652]  }
0x770: {  	v15 =	vsel vm2, s7, v29;
	v28 =	vsel vm2, s25, v28;
	v12 =	vsel vm5, s2, v12;
	s8 =	sadd.s32 s19, s8;
	s13 =	sadd.s32 s21, s13;
	s19 =	smul.u32 $0x55555556, s14  }
0x771: {  	v20 =	vcombine.low v20, v34;
	v52 =	vperm.xlane v33, v1;
	s0 =	sadd.s32 s0, s16;
	v13 =	vsel vm2, s4, v13;
	s16 =	sshrl.u32 s4, $0x1F;
	s14 =	smul.u32 $0x55555556, s17  }
0x772: {  	s6 =	sadd.s32 s6, s22;
	v24 =	vsel vm5, s9, v24;
	s22 =	rddreg [dreg:$0x11];
	v15 =	vcombine.low v28, v15;
	s17 =	smul.u32 $0x55555556, s11;
	v26 =	vsel vm2, s16, v26  }
0x773: {  	s5 =	sadd.s32 s5, s20;
	s20 =	sadd.s32 s23, s28;
	v14 =	vsel vm2, s8, v14;
	s21 =	sshrl.u32 s8, $0x1F;
	v17 =	vsel vm5, s13, v17;
	v16 =	vsel vm2, s0, v16  }
0x774: {  	s7 =	smulhi.u32 $0x55555556, s22;
	s23 =	sshrl.u32 s13, $0x1F;
	s0 =	sshrl.u32 s0, $0x1F;
	v19 =	vsel vm5, s6, v19;
	v20 =	vperm.xlane v20, v1;
	v23 =	vsel vm2, s21, v23  }
0x775: {  	s8 =	smulhi.u32 $0x55555556, s24;
	s26 =	sshrl.u32 s6, $0x1F;
	s28 =	rddreg [dreg:$0x13];
	v22 =	vsel vm5, s23, v22;
	v18 =	vsel vm2, s5, v18;
	v21 =	vsel vm2, s0, v21  }
0x776: {  	s25 =	sshrl.u32 s5, $0x1F;
	s6 =	smulhi.u32 $0x55555556, s28;
	v27 =	vsel vm5, s26, v27;
	s9 =	sshrl.u32 s20, $0x1F;
	v51 =	vsel vm6, s20, v31;
	v13 =	vcombine.low v14, v13  }
0x777: {  	v15 =	vperm.xlane v15, v1;
	s20 =	smulhi.u32 $0x55555556, s30;
	v25 =	vsel vm2, s25, v25;
	s13 =	sadd.s32 s3, s7;
	v30 =	vsel vm6, s9, v32  }
0x778: {  	s16 =	sadd.s32 s12, s8;
	v53 =	vcombine.low v23, v26;
	s7 =	smulhi.u32 $0x55555556, s18;
	v16 =	vcombine.low v18, v16;
	v12 =	vsel vm6, s13, v12;
	s1 =	sshrl.u32 s13, $0x1F  }
0x779: {  	v21 =	vcombine.low v25, v21;
	v17 =	vsel vm6, s16, v17;
	s5 =	sshrl.u32 s16, $0x1F;
	s4 =	sadd.s32 s19, s6;
	s19 =	sld [smem:$0x653];
	v13 =	vperm.xlane v13, v1  }
0x77a: {  	s21 =	smulhi.u32 $0x55555556, s31;
	s3 =	sadd.s32 s15, s20;
	v24 =	vsel vm6, s1, v24;
	v22 =	vsel vm6, s5, v22;
	v14 =	vperm.xlane v53, v1  }
0x77b: {  	v19 =	vsel vm6, s4, v19;
	s4 =	sshrl.u32 s4, $0x1F;
	s2 =	sadd.s32 s10, s7;
	v16 =	vperm.xlane v16, v1;
	v17 =	vsel vm7, s3, v17  }
0x77c: {  	s1 =	sadd.s32 s17, s21;
	s22 =	sshrl.u32 s3, $0x1F;
	v54 =	vperm.xlane v21, v1;
	v55 =	vsel vm6, s4, v27;
	v56 =	vsel vm7, s2, v51;
	s5 =	smulhi.u32 $0x55555556, s19  }
0x77d: {  	s2 =	sshrl.u32 s2, $0x1F;
	v17 =	vperm.xlane v17, v2;
	v19 =	vsel vm7, s1, v19;
	v22 =	vsel vm7, s22, v22  }
0x77e: {  	s23 =	sshrl.u32 s1, $0x1F;
	v23 =	vperm.xlane v56, v2;
	v57 =	vsel vm7, s2, v30;
	v22 =	vperm.xlane v22, v2;
	s0 =	sadd.s32 s14, s5  }
0x77f: {  	v21 =	vsel vm7, s23, v55;
	v19 =	vperm.xlane v19, v2;
	v12 =	vsel vm7, s0, v12;
	s0 =	sshrl.u32 s0, $0x1F  }
0x780: {  	v25 =	vperm.xlane v57, v2;
	v21 =	vperm.xlane v21, v2;
	v24 =	vsel vm7, s0, v24  }
0x781: {  	v13 =	vsel vm8, v17, v13;
	v12 =	vperm.xlane v12, v2;
	v24 =	vperm.xlane v24, v2  }
0x782: {  	v14 =	vsel vm8, v22, v14;
	v11 =	vsel vm8, v23, v11;
	v25 =	vsel vm8, v25, v52  }
0x783: {  	v11 =	vadd.s32 v25, v11;
	v12 =	vsel vm8, v12, v20;
	v15 =	vsel vm8, v24, v15  }
0x784: {  	v16 =	vsel vm8, v19, v16;
	v58 =	vmul.u32 $0xFFFFFFFD, v11;
	v12 =	vadd.s32 v15, v12  }
0x785: {  	v18 =	vsel vm8, v21, v54;
	v13 =	vadd.s32 v14, v13;
	v59 =	vmul.u32 $0xFFFFFFFD, v12  }
0x786: {  	v16 =	vadd.s32 v18, v16;
	v60 =	vmul.u32 $0xFFFFFFFD, v13;
	vm9 =	veq.s32 v58, v3  }
0x787: {  	s24 =	simm.s32 $0xE380;
	v3 =	vmul.u32 $0xFFFFFFFD, v16;
	v61 =	vnsel vm9, $0x0, v8;
	vm10 =	veq.s32 v59, v4  }
0x788: {  	vm9 =	veq.s32 v60, v6;
	[tilespmem:v11+s24+$0x0] =	vst.idx.add.f32.msk $0xffff, v61;
	v62 =	vnsel vm10, $0x0, v7  }
0x789: {  	vm10 =	veq.s32 v3, v5;
	v3 =	vnsel vm9, $0x0, v9;
	[tilespmem:v12+s24+$0x0] =	vst.idx.add.f32.msk $0xffff, v62  }
0x78a: {  	v63 =	vnsel vm10, $0x0, v10;
	[tilespmem:v13+s24+$0x0] =	vst.idx.add.f32.msk $0xffff, v3  }
0x78b: {  	[tilespmem:v16+s24+$0x0] =	vst.idx.add.f32.msk $0xffff, v63  }
0x78c: {  	s0 =	sld [smem:$0x7E9];
	_ =	sdelay $0x1  }
0x78d: {  	s29 =	simm.s32 $0x0;
	s26 =	simm.s32 $0x3;
	s25 =	simm.s32 $0xC380  }
0x78e: {  	[tilespmem:s25], [sflag:$0x3] =	stream.linear.gather [hbm4b:s0+s29], $0x790, $0x38;
	[tilespmem:$0x1F280] =	vst v63  }
0x78f: {  	_ =	swait.ge [sflag:s26], $0x790  }
0x790: {  	s28 =	sld [smem:$0x7EA]  }
0x791: {  	[sflag:s26] =	ssyncset.done $0x0  }
0x792: {  	s30 =	simm.s32 $0xCB80;
	[sflag:s26] =	ssyncadd.s32 $0xFFFFF870  }
0x793: {  	[tilespmem:s30], [sflag:$0x3] =	stream.linear.gather [hbm4b:s28+s29], $0x790, $0x38;
	[tilespmem:$0x1F280] =	vst v63  }
0x794: {  	_ =	swait.ge [sflag:s26], $0x790  }
0x795: {  	s31 =	simm.s32 $0xC3D0;
	[sflag:s26] =	ssyncset.done $0x0  }
0x796: {  	s1 =	simm.s32 $0xCBD0;
	s0 =	simm.s32 $0xFFFFFFF5;
	[sflag:s26] =	ssyncadd.s32 $0xFFFFF870  }
.LBB2_13:
0x797: {  	v6 =	vld [tilespmem:s1+$0xFFFFFFB0];
	_ =	sdelay $0x4  }
0x798: {  	(v2sf) =	vpush v6, $0xD;
	_ =	sdelay $0x1  }
0x799: {  	(v2sf) =	vpush v6, $0xC;
	_ =	sdelay $0x1  }
0x79a: {  	(v2sf) =	vpush v6, $0xE;
	_ =	sdelay $0x1  }
0x79b: {  	(v2sf) =	vpush v6, $0xF;
	_ =	sdelay $0x1  }
0x79c: {  	(v2sf) =	vpush v6, $0x9;
	_ =	sdelay $0x1  }
0x79d: {  	(v2sf) =	vpush v6, $0x8;
	_ =	sdelay $0x1  }
0x79e: {  	(v2sf) =	vpush v6, $0xA;
	_ =	sdelay $0x1  }
0x79f: {  	(v2sf) =	vpush v6, $0xB  }
0x7a0: {  	s15 =	spop (v2sf)  }
0x7a1: {  	[smem:$0x58F] =	sst s0;
	(v2sf) =	vpush v6, $0x1;
	s2 =	smulhi.u32 $0x55555556, s15;
	s0 =	sshra.s32 s15, $0x1F  }
0x7a2: {  	s16 =	spop (v2sf);
	s4 =	smul.u32 $0x55555556, s0  }
0x7a3: {  	(v2sf) =	vpush v6, $0x0;
	s3 =	smulhi.u32 $0x55555556, s16;
	s0 =	sshra.s32 s16, $0x1F  }
0x7a4: {  	s17 =	spop (v2sf);
	s6 =	smul.u32 $0x55555556, s0  }
0x7a5: {  	(v2sf) =	vpush v6, $0x2;
	s5 =	smulhi.u32 $0x55555556, s17;
	s0 =	sshra.s32 s17, $0x1F  }
0x7a6: {  	s18 =	spop (v2sf);
	s8 =	smul.u32 $0x55555556, s0  }
0x7a7: {  	(v2sf) =	vpush v6, $0x3;
	s7 =	smulhi.u32 $0x55555556, s18;
	s0 =	sshra.s32 s18, $0x1F  }
0x7a8: {  	s19 =	spop (v2sf);
	s10 =	smul.u32 $0x55555556, s0  }
0x7a9: {  	(v2sf) =	vpush v6, $0x4;
	s9 =	smulhi.u32 $0x55555556, s19;
	s0 =	sshra.s32 s19, $0x1F  }
0x7aa: {  	s20 =	spop (v2sf);
	s12 =	smul.u32 $0x55555556, s0  }
0x7ab: {  	(v2sf) =	vpush v6, $0x5;
	s11 =	smulhi.u32 $0x55555556, s20;
	s0 =	sshra.s32 s20, $0x1F  }
0x7ac: {  	s21 =	spop (v2sf);
	(v2sf) =	vpush v6, $0x6;
	s14 =	smul.u32 $0x55555556, s0  }
0x7ad: {  	s13 =	smulhi.u32 $0x55555556, s21;
	s0 =	sshra.s32 s21, $0x1F  }
0x7ae: {  	s22 =	spop (v2sf);
	s16 =	smul.u32 $0x55555556, s0  }
0x7af: {  	v7 =	vld [tilespmem:s1+$0xFFFFFFC0];
	s15 =	smulhi.u32 $0x55555556, s22;
	s0 =	sshra.s32 s22, $0x1F  }
0x7b0: {  	(v2sf) =	vpush v6, $0x7;
	s23 =	spop (v2sf);
	s18 =	smul.u32 $0x55555556, s0  }
0x7b1: {  	s17 =	smulhi.u32 $0x55555556, s23;
	s0 =	sshra.s32 s23, $0x1F  }
0x7b2: {  	s20 =	smul.u32 $0x55555556, s0;
	s24 =	spop (v2sf)  }
0x7b3: {  	s19 =	smulhi.u32 $0x55555556, s24;
	s0 =	sshra.s32 s24, $0x1F  }
0x7b4: {  	(v2sf) =	vpush v7, $0xD;
	s25 =	spop (v2sf);
	s22 =	smul.u32 $0x55555556, s0  }
0x7b5: {  	s21 =	smulhi.u32 $0x55555556, s25;
	s0 =	sshra.s32 s25, $0x1F  }
0x7b6: {  	s26 =	spop (v2sf);
	s24 =	smul.u32 $0x55555556, s0  }
0x7b7: {  	[smem:$0x58D] =	sst s29;
	s23 =	smulhi.u32 $0x55555556, s26;
	s0 =	sshra.s32 s26, $0x1F  }
0x7b8: {  	(v2sf) =	vpush v7, $0xC;
	s28 =	spop (v2sf);
	s26 =	smul.u32 $0x55555556, s0  }
0x7b9: {  	[smem:$0x4F2] =	sst s2;
	s25 =	smulhi.u32 $0x55555556, s28;
	s0 =	sshra.s32 s28, $0x1F  }
0x7ba: {  	s30 =	spop (v2sf);
	s29 =	smul.u32 $0x55555556, s0  }
0x7bb: {  	s28 =	smulhi.u32 $0x55555556, s30;
	s0 =	sshra.s32 s30, $0x1F;
	s2 =	spop (v2sf)  }
0x7bc: {  	[smem:$0x53E] =	sst s31;
	(v2sf) =	vpush v7, $0xE;
	s31 =	smul.u32 $0x55555556, s0;
	s0 =	sshra.s32 s2, $0x1F  }
0x7bd: {  	s0 =	smul.u32 $0x55555556, s0  }
0x7be: {  	s30 =	smulhi.u32 $0x55555556, s2  }
0x7bf: {  	[smem:$0x4F3] =	sst s0;
	s0 =	spop (v2sf)  }
0x7c0: {  	(v2sf) =	vpush v7, $0xF;
	s2 =	smulhi.u32 $0x55555556, s0;
	s0 =	sshra.s32 s0, $0x1F  }
0x7c1: {  	s0 =	smul.u32 $0x55555556, s0;
	_ =	sdelay $0x1  }
0x7c2: {  	[smem:$0x4F5] =	sst s0;
	s0 =	spop (v2sf)  }
0x7c3: {  	(v2sf) =	vpush v7, $0x9;
	[smem:$0x4F4] =	sst s2;
	s2 =	smulhi.u32 $0x55555556, s0;
	s0 =	sshra.s32 s0, $0x1F  }
0x7c4: {  	s0 =	smul.u32 $0x55555556, s0;
	_ =	sdelay $0x1  }
0x7c5: {  	[smem:$0x4F7] =	sst s0;
	s0 =	spop (v2sf)  }
0x7c6: {  	(v2sf) =	vpush v7, $0x8;
	[smem:$0x4F6] =	sst s2;
	s2 =	smulhi.u32 $0x55555556, s0;
	s0 =	sshra.s32 s0, $0x1F  }
0x7c7: {  	s0 =	smul.u32 $0x55555556, s0;
	_ =	sdelay $0x1  }
0x7c8: {  	[smem:$0x4F9] =	sst s0;
	s0 =	spop (v2sf)  }
0x7c9: {  	(v2sf) =	vpush v7, $0xA;
	[smem:$0x4F8] =	sst s2;
	s2 =	smulhi.u32 $0x55555556, s0;
	s0 =	sshra.s32 s0, $0x1F  }
0x7ca: {  	s0 =	smul.u32 $0x55555556, s0;
	_ =	sdelay $0x1  }
0x7cb: {  	[smem:$0x4FB] =	sst s0;
	s0 =	spop (v2sf)  }
0x7cc: {  	(v2sf) =	vpush v7, $0xB;
	[smem:$0x4FA] =	sst s2;
	s2 =	smulhi.u32 $0x55555556, s0;
	s0 =	sshra.s32 s0, $0x1F  }
0x7cd: {  	s0 =	smul.u32 $0x55555556, s0;
	_ =	sdelay $0x1  }
0x7ce: {  	[smem:$0x4FD] =	sst s0;
	s0 =	spop (v2sf)  }
0x7cf: {  	(v2sf) =	vpush v7, $0x1;
	[smem:$0x4FC] =	sst s2;
	s2 =	smulhi.u32 $0x55555556, s0;
	s0 =	sshra.s32 s0, $0x1F  }
0x7d0: {  	s0 =	smul.u32 $0x55555556, s0;
	_ =	sdelay $0x1  }
0x7d1: {  	[smem:$0x4FF] =	sst s0;
	s0 =	spop (v2sf)  }
0x7d2: {  	(v2sf) =	vpush v7, $0x0;
	[smem:$0x4FE] =	sst s2;
	s2 =	smulhi.u32 $0x55555556, s0;
	s0 =	sshra.s32 s0, $0x1F  }
0x7d3: {  	s0 =	smul.u32 $0x55555556, s0;
	_ =	sdelay $0x1  }
0x7d4: {  	[smem:$0x501] =	sst s0;
	s0 =	spop (v2sf)  }
0x7d5: {  	(v2sf) =	vpush v7, $0x2;
	[smem:$0x500] =	sst s2;
	s2 =	smulhi.u32 $0x55555556, s0;
	s0 =	sshra.s32 s0, $0x1F  }
0x7d6: {  	s0 =	smul.u32 $0x55555556, s0;
	_ =	sdelay $0x1  }
0x7d7: {  	[smem:$0x503] =	sst s0;
	s0 =	spop (v2sf)  }
0x7d8: {  	(v2sf) =	vpush v7, $0x3;
	[smem:$0x502] =	sst s2;
	s2 =	smulhi.u32 $0x55555556, s0;
	s0 =	sshra.s32 s0, $0x1F  }
0x7d9: {  	s0 =	smul.u32 $0x55555556, s0;
	_ =	sdelay $0x1  }
0x7da: {  	[smem:$0x505] =	sst s0;
	s0 =	spop (v2sf)  }
0x7db: {  	(v2sf) =	vpush v7, $0x4;
	[smem:$0x504] =	sst s2;
	s2 =	smulhi.u32 $0x55555556, s0;
	s0 =	sshra.s32 s0, $0x1F  }
0x7dc: {  	s0 =	smul.u32 $0x55555556, s0;
	_ =	sdelay $0x1  }
0x7dd: {  	[smem:$0x507] =	sst s0;
	s0 =	spop (v2sf)  }
0x7de: {  	(v2sf) =	vpush v7, $0x5;
	[smem:$0x506] =	sst s2;
	s2 =	smulhi.u32 $0x55555556, s0;
	s0 =	sshra.s32 s0, $0x1F  }
0x7df: {  	s0 =	smul.u32 $0x55555556, s0;
	_ =	sdelay $0x1  }
0x7e0: {  	[smem:$0x509] =	sst s0;
	s0 =	spop (v2sf)  }
0x7e1: {  	(v2sf) =	vpush v7, $0x6;
	[smem:$0x508] =	sst s2;
	s2 =	smulhi.u32 $0x55555556, s0;
	s0 =	sshra.s32 s0, $0x1F  }
0x7e2: {  	s0 =	smul.u32 $0x55555556, s0;
	_ =	sdelay $0x1  }
0x7e3: {  	v3 =	vld [tilespmem:s1+$0xFFFFFFD0];
	[smem:$0x50B] =	sst s0;
	s0 =	spop (v2sf)  }
0x7e4: {  	(v2sf) =	vpush v7, $0x7;
	[smem:$0x50A] =	sst s2;
	s2 =	smulhi.u32 $0x55555556, s0;
	s0 =	sshra.s32 s0, $0x1F  }
0x7e5: {  	s0 =	smul.u32 $0x55555556, s0;
	_ =	sdelay $0x1  }
0x7e6: {  	[smem:$0x50D] =	sst s0;
	s0 =	spop (v2sf)  }
0x7e7: {  	(v2sf) =	vpush v3, $0xD;
	[smem:$0x50C] =	sst s2;
	s2 =	smulhi.u32 $0x55555556, s0;
	s0 =	sshra.s32 s0, $0x1F  }
0x7e8: {  	s0 =	smul.u32 $0x55555556, s0;
	_ =	sdelay $0x1  }
0x7e9: {  	[smem:$0x50F] =	sst s0;
	s0 =	spop (v2sf)  }
0x7ea: {  	(v2sf) =	vpush v3, $0xC;
	[smem:$0x50E] =	sst s2;
	s2 =	smulhi.u32 $0x55555556, s0;
	s0 =	sshra.s32 s0, $0x1F  }
0x7eb: {  	s0 =	smul.u32 $0x55555556, s0;
	_ =	sdelay $0x1  }
0x7ec: {  	[smem:$0x511] =	sst s0;
	s0 =	spop (v2sf)  }
0x7ed: {  	(v2sf) =	vpush v3, $0xE;
	[smem:$0x510] =	sst s2;
	s2 =	smulhi.u32 $0x55555556, s0;
	s0 =	sshra.s32 s0, $0x1F  }
0x7ee: {  	s0 =	smul.u32 $0x55555556, s0;
	_ =	sdelay $0x1  }
0x7ef: {  	[smem:$0x513] =	sst s0;
	s0 =	spop (v2sf)  }
0x7f0: {  	(v2sf) =	vpush v3, $0xF;
	[smem:$0x512] =	sst s2;
	s2 =	smulhi.u32 $0x55555556, s0;
	s0 =	sshra.s32 s0, $0x1F  }
0x7f1: {  	s0 =	smul.u32 $0x55555556, s0;
	_ =	sdelay $0x1  }
0x7f2: {  	[smem:$0x515] =	sst s0;
	s0 =	spop (v2sf)  }
0x7f3: {  	(v2sf) =	vpush v3, $0x9;
	[smem:$0x514] =	sst s2;
	s2 =	smulhi.u32 $0x55555556, s0;
	s0 =	sshra.s32 s0, $0x1F  }
0x7f4: {  	s0 =	smul.u32 $0x55555556, s0;
	_ =	sdelay $0x1  }
0x7f5: {  	[smem:$0x517] =	sst s0;
	s0 =	spop (v2sf)  }
0x7f6: {  	(v2sf) =	vpush v3, $0x8;
	[smem:$0x516] =	sst s2;
	s2 =	smulhi.u32 $0x55555556, s0;
	s0 =	sshra.s32 s0, $0x1F  }
0x7f7: {  	s0 =	smul.u32 $0x55555556, s0;
	_ =	sdelay $0x1  }
0x7f8: {  	[smem:$0x519] =	sst s0;
	s0 =	spop (v2sf)  }
0x7f9: {  	(v2sf) =	vpush v3, $0xA;
	[smem:$0x518] =	sst s2;
	s2 =	smulhi.u32 $0x55555556, s0;
	s0 =	sshra.s32 s0, $0x1F  }
0x7fa: {  	[smem:$0x58E] =	sst s1;
	s6 =	sadd.s32 s6, s3;
	s0 =	smul.u32 $0x55555556, s0  }
0x7fb: {  	[smem:$0x53F] =	sst s6  }
0x7fc: {  	s8 =	sadd.s32 s8, s5;
	[smem:$0x51B] =	sst s0;
	s0 =	spop (v2sf)  }
0x7fd: {  	(v2sf) =	vpush v3, $0xB;
	[smem:$0x51A] =	sst s2;
	s2 =	smulhi.u32 $0x55555556, s0;
	s0 =	sshra.s32 s0, $0x1F  }
0x7fe: {  	[smem:$0x541] =	sst s8;
	s7 =	sadd.s32 s10, s7;
	s0 =	smul.u32 $0x55555556, s0  }
0x7ff: {  	[smem:$0x542] =	sst s7  }
0x800: {  	s9 =	sadd.s32 s12, s9;
	[smem:$0x51D] =	sst s0;
	s0 =	spop (v2sf)  }
0x801: {  	(v2sf) =	vpush v3, $0x1;
	[smem:$0x51C] =	sst s2;
	s2 =	smulhi.u32 $0x55555556, s0;
	s0 =	sshra.s32 s0, $0x1F  }
0x802: {  	[smem:$0x544] =	sst s9;
	s12 =	sadd.s32 s14, s11;
	s0 =	smul.u32 $0x55555556, s0  }
0x803: {  	[smem:$0x543] =	sst s12  }
0x804: {  	s13 =	sadd.s32 s16, s13;
	[smem:$0x51F] =	sst s0;
	s0 =	spop (v2sf)  }
0x805: {  	(v2sf) =	vpush v3, $0x0;
	[smem:$0x51E] =	sst s2;
	s2 =	smulhi.u32 $0x55555556, s0;
	s0 =	sshra.s32 s0, $0x1F  }
0x806: {  	[smem:$0x546] =	sst s13;
	s16 =	sadd.s32 s18, s15;
	s0 =	smul.u32 $0x55555556, s0  }
0x807: {  	[smem:$0x547] =	sst s16  }
0x808: {  	s11 =	sadd.s32 s22, s19;
	[smem:$0x521] =	sst s0;
	s0 =	spop (v2sf)  }
0x809: {  	(v2sf) =	vpush v3, $0x2;
	[smem:$0x520] =	sst s2;
	s2 =	smulhi.u32 $0x55555556, s0;
	s0 =	sshra.s32 s0, $0x1F  }
0x80a: {  	[smem:$0x545] =	sst s11;
	s13 =	sadd.s32 s24, s21;
	s0 =	smul.u32 $0x55555556, s0  }
0x80b: {  	[smem:$0x549] =	sst s13  }
0x80c: {  	s15 =	sadd.s32 s26, s23;
	[smem:$0x523] =	sst s0;
	s0 =	spop (v2sf)  }
0x80d: {  	[smem:$0x522] =	sst s2;
	s2 =	smulhi.u32 $0x55555556, s0;
	s0 =	sshra.s32 s0, $0x1F  }
0x80e: {  	[smem:$0x54A] =	sst s15;
	s19 =	sadd.s32 s31, s28;
	s0 =	smul.u32 $0x55555556, s0  }
0x80f: {  	[smem:$0x54C] =	sst s19  }
0x810: {  	(v2sf) =	vpush v3, $0x3;
	[smem:$0x525] =	sst s0;
	s0 =	spop (v2sf)  }
0x811: {  	[smem:$0x524] =	sst s2;
	s2 =	smulhi.u32 $0x55555556, s0;
	s0 =	sshra.s32 s0, $0x1F  }
0x812: {  	s21 =	sld [smem:$0x4F3];
	(v2sf) =	vpush v3, $0x4;
	s0 =	smul.u32 $0x55555556, s0  }
0x813: {  	s23 =	sld [smem:$0x4F4]  }
0x814: {  	(v2sf) =	vpush v3, $0x5;
	[smem:$0x527] =	sst s0;
	s0 =	spop (v2sf)  }
0x815: {  	[smem:$0x526] =	sst s2;
	s2 =	smulhi.u32 $0x55555556, s0;
	s0 =	sshra.s32 s0, $0x1F  }
0x816: {  	s24 =	sld [smem:$0x4F5];
	(v2sf) =	vpush v3, $0x6;
	s0 =	smul.u32 $0x55555556, s0  }
0x817: {  	v4 =	vld [tilespmem:s1+$0xFFFFFFE0];
	s26 =	sld [smem:$0x4F6]  }
0x818: {  	[smem:$0x529] =	sst s0;
	s0 =	spop (v2sf)  }
0x819: {  	(v2sf) =	vpush v3, $0x7;
	[smem:$0x528] =	sst s2;
	s2 =	smulhi.u32 $0x55555556, s0  }
0x81a: {  	s28 =	sld [smem:$0x4F7]  }
0x81b: {  	[smem:$0x52A] =	sst s2  }
0x81c: {  	(v2sf) =	vpush v4, $0xD;
	s2 =	sld [smem:$0x4F2]  }
0x81d: {  	s11 =	sld [smem:$0x4F9]  }
0x81e: {  	s13 =	sld [smem:$0x4FA];
	(v2sf) =	vpush v4, $0xC;
	s0 =	sshra.s32 s0, $0x1F  }
0x81f: {  	s2 =	sadd.s32 s4, s2;
	s4 =	smul.u32 $0x55555556, s0;
	s0 =	spop (v2sf)  }
0x820: {  	(v2sf) =	vpush v4, $0xE;
	[smem:$0x540] =	sst s2;
	s6 =	smulhi.u32 $0x55555556, s0;
	s0 =	sshra.s32 s0, $0x1F  }
0x821: {  	s3 =	spop (v2sf);
	s8 =	smul.u32 $0x55555556, s0  }
0x822: {  	s2 =	sadd.s32 s21, s30;
	s5 =	smulhi.u32 $0x55555556, s3;
	s0 =	sshra.s32 s3, $0x1F  }
0x823: {  	s10 =	spop (v2sf);
	s3 =	sadd.s32 s20, s17;
	s7 =	smul.u32 $0x55555556, s0  }
0x824: {  	s17 =	sadd.s32 s29, s25;
	[smem:$0x54D] =	sst s2;
	s9 =	smulhi.u32 $0x55555556, s10  }
0x825: {  	(v2sf) =	vpush v4, $0xF;
	s0 =	sshra.s32 s10, $0x1F;
	s14 =	spop (v2sf);
	[smem:$0x548] =	sst s3  }
0x826: {  	s2 =	sadd.s32 s24, s23;
	[smem:$0x54B] =	sst s17;
	s0 =	smul.u32 $0x55555556, s0  }
0x827: {  	[smem:$0x54F] =	sst s2;
	s2 =	sadd.s32 s28, s26;
	s18 =	smulhi.u32 $0x55555556, s14  }
0x828: {  	s10 =	spop (v2sf);
	[smem:$0x550] =	sst s2  }
0x829: {  	s12 =	smulhi.u32 $0x55555556, s10;
	[smem:$0x52B] =	sst s0;
	s0 =	sshra.s32 s14, $0x1F  }
0x82a: {  	[smem:$0x52C] =	sst s18;
	s0 =	smul.u32 $0x55555556, s0  }
0x82b: {  	s14 =	spop (v2sf);
	[smem:$0x52E] =	sst s12  }
0x82c: {  	s16 =	smulhi.u32 $0x55555556, s14;
	[smem:$0x52D] =	sst s0;
	s0 =	sshra.s32 s10, $0x1F  }
0x82d: {  	s18 =	spop (v2sf);
	s0 =	smul.u32 $0x55555556, s0  }
0x82e: {  	s20 =	smulhi.u32 $0x55555556, s18;
	[smem:$0x530] =	sst s16  }
0x82f: {  	s22 =	spop (v2sf);
	[smem:$0x52F] =	sst s0;
	s0 =	sshra.s32 s14, $0x1F  }
0x830: {  	s10 =	sld [smem:$0x4F8];
	s0 =	smul.u32 $0x55555556, s0  }
0x831: {  	[smem:$0x532] =	sst s20;
	s25 =	smulhi.u32 $0x55555556, s22  }
0x832: {  	(v2sf) =	vpush v4, $0x9;
	[smem:$0x531] =	sst s0;
	s0 =	sshra.s32 s18, $0x1F  }
0x833: {  	(v2sf) =	vpush v4, $0x8;
	[smem:$0x534] =	sst s25;
	s0 =	smul.u32 $0x55555556, s0  }
0x834: {  	(v2sf) =	vpush v4, $0xA;
	s2 =	sadd.s32 s11, s10;
	s14 =	sld [smem:$0x4FB];
	s30 =	spop (v2sf)  }
0x835: {  	(v2sf) =	vpush v4, $0xB;
	s12 =	smulhi.u32 $0x55555556, s30;
	[smem:$0x533] =	sst s0;
	s0 =	sshra.s32 s22, $0x1F  }
0x836: {  	(v2sf) =	vpush v4, $0x1;
	[smem:$0x54E] =	sst s2;
	s0 =	smul.u32 $0x55555556, s0  }
0x837: {  	(v2sf) =	vpush v4, $0x0;
	[smem:$0x536] =	sst s12  }
0x838: {  	(v2sf) =	vpush v4, $0x2;
	s2 =	sadd.s32 s14, s13;
	[smem:$0x535] =	sst s0  }
0x839: {  	(v2sf) =	vpush v4, $0x3;
	[smem:$0x551] =	sst s2  }
0x83a: {  	s2 =	sld [smem:$0x4FC]  }
0x83b: {  	s16 =	sld [smem:$0x4FD]  }
0x83c: {  	s18 =	sld [smem:$0x4FE]  }
0x83d: {  	s19 =	sld [smem:$0x4FF]  }
0x83e: {  	s21 =	sld [smem:$0x500]  }
0x83f: {  	s22 =	sld [smem:$0x501]  }
0x840: {  	s24 =	sld [smem:$0x502]  }
0x841: {  	s25 =	sld [smem:$0x503]  }
0x842: {  	s28 =	sld [smem:$0x504]  }
0x843: {  	s0 =	sshra.s32 s30, $0x1F;
	s30 =	sld [smem:$0x505]  }
0x844: {  	s10 =	sld [smem:$0x506]  }
0x845: {  	s0 =	smul.u32 $0x55555556, s0;
	s11 =	sld [smem:$0x507]  }
0x846: {  	s15 =	spop (v2sf);
	s13 =	sld [smem:$0x508]  }
0x847: {  	s14 =	sld [smem:$0x509];
	s17 =	smulhi.u32 $0x55555556, s15  }
0x848: {  	[smem:$0x537] =	sst s0  }
0x849: {  	[smem:$0x538] =	sst s17  }
0x84a: {  	s2 =	sadd.s32 s16, s2;
	s16 =	sld [smem:$0x50A]  }
0x84b: {  	s20 =	spop (v2sf);
	s17 =	sld [smem:$0x50B]  }
0x84c: {  	v8 =	vld [tilespmem:s1+$0xFFFFFFF0];
	s23 =	smulhi.u32 $0x55555556, s20;
	s1 =	sadd.s32 s30, s28;
	s30 =	sld [smem:$0x511]  }
0x84d: {  	[smem:$0x553] =	sst s2  }
0x84e: {  	[smem:$0x53A] =	sst s23  }
0x84f: {  	s0 =	sshra.s32 s15, $0x1F;
	[smem:$0x557] =	sst s1  }
0x850: {  	s26 =	spop (v2sf);
	s2 =	sadd.s32 s19, s18;
	s19 =	sld [smem:$0x50C]  }
0x851: {  	s0 =	smul.u32 $0x55555556, s0;
	s1 =	sadd.s32 s11, s10;
	s11 =	sld [smem:$0x514]  }
0x852: {  	s3 =	smulhi.u32 $0x55555556, s26;
	[smem:$0x554] =	sst s2  }
0x853: {  	[smem:$0x539] =	sst s0  }
0x854: {  	[smem:$0x53C] =	sst s3  }
0x855: {  	[smem:$0x558] =	sst s1  }
0x856: {  	s0 =	sshra.s32 s20, $0x1F;
	s20 =	sld [smem:$0x50D]  }
0x857: {  	s2 =	sadd.s32 s22, s21;
	s21 =	sld [smem:$0x50E]  }
0x858: {  	s22 =	sld [smem:$0x50F]  }
0x859: {  	s3 =	sld [smem:$0x513]  }
0x85a: {  	s1 =	sadd.s32 s14, s13;
	s13 =	sld [smem:$0x516]  }
0x85b: {  	s12 =	spop (v2sf);
	s14 =	sld [smem:$0x517]  }
0x85c: {  	s15 =	smulhi.u32 $0x55555556, s12;
	[smem:$0x552] =	sst s2  }
0x85d: {  	[smem:$0x555] =	sst s1  }
0x85e: {  	[smem:$0x53D] =	sst s15  }
0x85f: {  	s2 =	sadd.s32 s25, s24;
	s25 =	sld [smem:$0x510]  }
0x860: {  	s1 =	sadd.s32 s17, s16;
	s16 =	sld [smem:$0x518]  }
0x861: {  	s17 =	sld [smem:$0x519]  }
0x862: {  	s31 =	sld [smem:$0x539]  }
0x863: {  	s18 =	spop (v2sf);
	[smem:$0x556] =	sst s2  }
0x864: {  	s0 =	smul.u32 $0x55555556, s0;
	[smem:$0x559] =	sst s1  }
0x865: {  	s28 =	smulhi.u32 $0x55555556, s18;
	s2 =	sld [smem:$0x512]  }
0x866: {  	s23 =	spop (v2sf);
	[smem:$0x53B] =	sst s0  }
0x867: {  	s0 =	sshra.s32 s26, $0x1F;
	s1 =	sadd.s32 s20, s19;
	s19 =	sld [smem:$0x51B]  }
0x868: {  	s29 =	smul.u32 $0x55555556, s0;
	[smem:$0x55A] =	sst s1  }
0x869: {  	s0 =	sshra.s32 s12, $0x1F;
	s1 =	sadd.s32 s22, s21;
	s12 =	sld [smem:$0x515]  }
0x86a: {  	(v2sf) =	vpush v4, $0x4;
	s26 =	smul.u32 $0x55555556, s0;
	[smem:$0x55B] =	sst s1  }
0x86b: {  	s0 =	sshra.s32 s18, $0x1F;
	s1 =	sadd.s32 s30, s25;
	s18 =	sld [smem:$0x51A]  }
0x86c: {  	s10 =	spop (v2sf);
	[smem:$0x55C] =	sst s1  }
0x86d: {  	s25 =	smulhi.u32 $0x55555556, s23;
	s1 =	sadd.s32 s3, s2;
	s2 =	sld [smem:$0x51C]  }
0x86e: {  	s24 =	smul.u32 $0x55555556, s0;
	s3 =	sld [smem:$0x51D]  }
0x86f: {  	(v2sf) =	vpush v4, $0x5;
	s0 =	sshra.s32 s23, $0x1F;
	s23 =	smulhi.u32 $0x55555556, s10;
	[smem:$0x55D] =	sst s1  }
0x870: {  	s22 =	smul.u32 $0x55555556, s0;
	s0 =	sshra.s32 s10, $0x1F;
	s10 =	sld [smem:$0x51E]  }
0x871: {  	s1 =	sadd.s32 s12, s11;
	s11 =	sld [smem:$0x51F]  }
0x872: {  	[smem:$0x55F] =	sst s1  }
0x873: {  	(v2sf) =	vpush v4, $0x6;
	s15 =	spop (v2sf);
	s1 =	sadd.s32 s14, s13;
	s13 =	sld [smem:$0x520]  }
0x874: {  	s21 =	smulhi.u32 $0x55555556, s15;
	s14 =	sld [smem:$0x521]  }
0x875: {  	s20 =	smul.u32 $0x55555556, s0;
	s0 =	sshra.s32 s15, $0x1F;
	s15 =	sld [smem:$0x522]  }
0x876: {  	s24 =	sadd.s32 s24, s28;
	[smem:$0x560] =	sst s1  }
0x877: {  	s1 =	sadd.s32 s17, s16;
	[smem:$0x576] =	sst s24  }
0x878: {  	(v2sf) =	vpush v4, $0x7;
	[smem:$0x55E] =	sst s1;
	s1 =	sadd.s32 s19, s18;
	s18 =	smul.u32 $0x55555556, s0  }
0x879: {  	s30 =	spop (v2sf);
	s20 =	sadd.s32 s20, s23;
	[smem:$0x561] =	sst s1  }
0x87a: {  	s19 =	smulhi.u32 $0x55555556, s30;
	s0 =	sshra.s32 s30, $0x1F;
	s30 =	sld [smem:$0x523]  }
0x87b: {  	s1 =	sadd.s32 s3, s2;
	s2 =	sadd.s32 s8, s6;
	s6 =	sld [smem:$0x52C]  }
0x87c: {  	(v2sf) =	vpush v8, $0xD;
	[smem:$0x577] =	sst s20  }
0x87d: {  	[smem:$0x563] =	sst s1  }
0x87e: {  	s12 =	spop (v2sf);
	s1 =	sadd.s32 s11, s10;
	s10 =	sld [smem:$0x524]  }
0x87f: {  	(v2sf) =	vpush v8, $0xC;
	s16 =	smul.u32 $0x55555556, s0;
	s11 =	sld [smem:$0x525]  }
0x880: {  	s17 =	smulhi.u32 $0x55555556, s12;
	s0 =	sshra.s32 s12, $0x1F;
	s12 =	sld [smem:$0x526]  }
0x881: {  	[smem:$0x564] =	sst s1  }
0x882: {  	(v2sf) =	vpush v8, $0xE;
	s3 =	spop (v2sf);
	s1 =	sadd.s32 s14, s13;
	s13 =	sld [smem:$0x527]  }
0x883: {  	s14 =	smul.u32 $0x55555556, s0;
	s0 =	sshra.s32 s3, $0x1F;
	[smem:$0x562] =	sst s1  }
0x884: {  	s1 =	sadd.s32 s30, s15;
	s15 =	smulhi.u32 $0x55555556, s3;
	s3 =	sld [smem:$0x528]  }
0x885: {  	[smem:$0x565] =	sst s1  }
0x886: {  	s1 =	sadd.s32 s11, s10;
	s10 =	sld [smem:$0x529]  }
0x887: {  	s30 =	spop (v2sf);
	s11 =	sld [smem:$0x52A]  }
0x888: {  	[smem:$0x567] =	sst s1;
	s1 =	sadd.s32 s13, s12;
	s12 =	smul.u32 $0x55555556, s0  }
0x889: {  	(v2sf) =	vpush v8, $0xF;
	s13 =	smulhi.u32 $0x55555556, s30;
	[smem:$0x568] =	sst s1  }
0x88a: {  	s1 =	sadd.s32 s10, s3;
	s3 =	sadd.s32 s7, s5;
	s5 =	sld [smem:$0x52B]  }
0x88b: {  	s0 =	sshra.s32 s30, $0x1F;
	s30 =	spop (v2sf);
	s7 =	sld [smem:$0x52D]  }
0x88c: {  	s10 =	smul.u32 $0x55555556, s0;
	[smem:$0x566] =	sst s1  }
0x88d: {  	s1 =	sadd.s32 s4, s11;
	s11 =	smulhi.u32 $0x55555556, s30;
	[smem:$0x56B] =	sst s3  }
0x88e: {  	s0 =	sshra.s32 s30, $0x1F;
	s4 =	spop (v2sf);
	s3 =	sld [smem:$0x52E]  }
0x88f: {  	s8 =	smul.u32 $0x55555556, s0;
	[smem:$0x569] =	sst s1;
	s0 =	sshra.s32 s4, $0x1F  }
0x890: {  	s1 =	sadd.s32 s5, s9;
	s9 =	smulhi.u32 $0x55555556, s4;
	s4 =	sld [smem:$0x52F]  }
0x891: {  	s30 =	spop (v2sf);
	s5 =	sld [smem:$0x530]  }
0x892: {  	[smem:$0x56C] =	sst s1;
	s1 =	sadd.s32 s7, s6;
	s6 =	smul.u32 $0x55555556, s0  }
0x893: {  	s7 =	smulhi.u32 $0x55555556, s30;
	s0 =	sshra.s32 s30, $0x1F;
	s30 =	sld [smem:$0x531]  }
0x894: {  	[smem:$0x56D] =	sst s1;
	s1 =	sadd.s32 s4, s3  }
0x895: {  	[smem:$0x56E] =	sst s1  }
0x896: {  	s1 =	sadd.s32 s30, s5;
	s5 =	sld [smem:$0x532]  }
0x897: {  	s30 =	sld [smem:$0x533]  }
0x898: {  	[smem:$0x56A] =	sst s2;
	s3 =	spop (v2sf)  }
0x899: {  	s4 =	smul.u32 $0x55555556, s0;
	s0 =	sshra.s32 s3, $0x1F;
	[smem:$0x570] =	sst s1  }
0x89a: {  	s1 =	sadd.s32 s30, s5;
	s5 =	smulhi.u32 $0x55555556, s3;
	s3 =	sld [smem:$0x534]  }
0x89b: {  	s18 =	sadd.s32 s18, s21;
	s30 =	sld [smem:$0x535]  }
0x89c: {  	[smem:$0x578] =	sst s18  }
0x89d: {  	[smem:$0x56F] =	sst s1  }
0x89e: {  	(v2sf) =	vpush v8, $0x9;
	s1 =	sadd.s32 s30, s3;
	s3 =	sld [smem:$0x536]  }
0x89f: {  	s16 =	sadd.s32 s16, s19;
	s30 =	sld [smem:$0x537]  }
0x8a0: {  	(v2sf) =	vpush v8, $0x8;
	[smem:$0x579] =	sst s16  }
0x8a1: {  	[smem:$0x571] =	sst s1  }
0x8a2: {  	(v2sf) =	vpush v8, $0xA;
	s14 =	sadd.s32 s14, s17;
	s1 =	sadd.s32 s30, s3;
	s30 =	sld [smem:$0x538]  }
0x8a3: {  	[smem:$0x57B] =	sst s14  }
0x8a4: {  	(v2sf) =	vpush v8, $0xB;
	[smem:$0x573] =	sst s1  }
0x8a5: {  	s1 =	sadd.s32 s31, s30;
	s31 =	sld [smem:$0x53A]  }
0x8a6: {  	(v2sf) =	vpush v8, $0x1;
	s12 =	sadd.s32 s12, s15;
	s30 =	sld [smem:$0x53B]  }
0x8a7: {  	[smem:$0x57C] =	sst s12;
	s10 =	sadd.s32 s10, s13  }
0x8a8: {  	(v2sf) =	vpush v8, $0x0;
	[smem:$0x57D] =	sst s10  }
0x8a9: {  	s8 =	sadd.s32 s8, s11;
	s31 =	sadd.s32 s30, s31;
	s30 =	sld [smem:$0x53C]  }
0x8aa: {  	(v2sf) =	vpush v8, $0x2;
	[smem:$0x57F] =	sst s8  }
0x8ab: {  	[smem:$0x574] =	sst s1  }
0x8ac: {  	(v2sf) =	vpush v8, $0x3;
	s2 =	smul.u32 $0x55555556, s0;
	s29 =	sadd.s32 s29, s30;
	s30 =	sld [smem:$0x53D]  }
0x8ad: {  	s0 =	spop (v2sf);
	[smem:$0x575] =	sst s29  }
0x8ae: {  	(v2sf) =	vpush v8, $0x4;
	s3 =	smulhi.u32 $0x55555556, s0;
	s0 =	sshra.s32 s0, $0x1F;
	s29 =	sld [smem:$0x58E]  }
0x8af: {  	s1 =	smul.u32 $0x55555556, s0;
	s0 =	spop (v2sf)  }
0x8b0: {  	(v2sf) =	vpush v8, $0x5;
	[smem:$0x572] =	sst s31;
	s31 =	smulhi.u32 $0x55555556, s0;
	s0 =	sshra.s32 s0, $0x1F  }
0x8b1: {  	s0 =	smul.u32 $0x55555556, s0;
	s26 =	sadd.s32 s26, s30;
	v5 =	vld [tilespmem:s29+$0x0];
	s29 =	spop (v2sf)  }
0x8b2: {  	[smem:$0x57A] =	sst s26;
	(v2sf) =	vpush v8, $0x6;
	s26 =	smulhi.u32 $0x55555556, s29;
	s29 =	sshra.s32 s29, $0x1F  }
0x8b3: {  	s28 =	spop (v2sf);
	s24 =	smul.u32 $0x55555556, s29  }
0x8b4: {  	s30 =	sadd.s32 s22, s25;
	(v2sf) =	vpush v8, $0x7;
	s22 =	smulhi.u32 $0x55555556, s28;
	s28 =	sshra.s32 s28, $0x1F  }
0x8b5: {  	s6 =	sadd.s32 s6, s9;
	s20 =	smul.u32 $0x55555556, s28;
	s28 =	spop (v2sf)  }
0x8b6: {  	[smem:$0x57E] =	sst s6;
	s18 =	smulhi.u32 $0x55555556, s28;
	s23 =	sshra.s32 s28, $0x1F  }
0x8b7: {  	s4 =	sadd.s32 s4, s7;
	s25 =	spop (v2sf);
	s16 =	smul.u32 $0x55555556, s23  }
0x8b8: {  	[smem:$0x580] =	sst s4;
	(v2sf) =	vpush v5, $0xD;
	s14 =	smulhi.u32 $0x55555556, s25;
	s28 =	sshra.s32 s25, $0x1F  }
0x8b9: {  	s1 =	sadd.s32 s1, s3;
	s17 =	spop (v2sf);
	(v2sf) =	vpush v5, $0xC;
	s12 =	smul.u32 $0x55555556, s28  }
0x8ba: {  	[smem:$0x582] =	sst s1;
	s10 =	smulhi.u32 $0x55555556, s17;
	s19 =	sshra.s32 s17, $0x1F  }
0x8bb: {  	s0 =	sadd.s32 s0, s31;
	s21 =	spop (v2sf);
	s8 =	smul.u32 $0x55555556, s19  }
0x8bc: {  	[smem:$0x581] =	sst s0;
	(v2sf) =	vpush v5, $0xE;
	s6 =	smulhi.u32 $0x55555556, s21;
	s23 =	sshra.s32 s21, $0x1F  }
0x8bd: {  	s11 =	spop (v2sf);
	(v2sf) =	vpush v5, $0xF;
	s25 =	smul.u32 $0x55555556, s23  }
0x8be: {  	s28 =	sadd.s32 s2, s5;
	s2 =	smulhi.u32 $0x55555556, s11;
	s13 =	sshra.s32 s11, $0x1F  }
0x8bf: {  	s21 =	sadd.s32 s24, s26;
	s15 =	spop (v2sf);
	s1 =	smul.u32 $0x55555556, s13  }
0x8c0: {  	s26 =	sadd.s32 s20, s22;
	s20 =	sadd.s32 s12, s14;
	s0 =	smulhi.u32 $0x55555556, s15  }
0x8c1: {  	[smem:$0x583] =	sst s20;
	s24 =	sadd.s32 s8, s10;
	s17 =	spop (v2sf)  }
0x8c2: {  	(v2sf) =	vpush v5, $0x9;
	s10 =	sld [smem:$0x53F];
	s7 =	smulhi.u32 $0x55555556, s17;
	s5 =	sshra.s32 s17, $0x1F  }
0x8c3: {  	s3 =	sshra.s32 s15, $0x1F;
	s19 =	spop (v2sf);
	s5 =	smul.u32 $0x55555556, s5  }
0x8c4: {  	s1 =	sadd.s32 s1, s2;
	s22 =	smulhi.u32 $0x55555556, s19;
	s9 =	sshra.s32 s19, $0x1F  }
0x8c5: {  	[smem:$0x584] =	sst s1;
	s12 =	smul.u32 $0x55555556, s9;
	s19 =	sadd.s32 s5, s7  }
0x8c6: {  	s3 =	smul.u32 $0x55555556, s3;
	[smem:$0x585] =	sst s19  }
0x8c7: {  	s13 =	spop (v2sf);
	s22 =	sadd.s32 s12, s22;
	s12 =	sld [smem:$0x540]  }
0x8c8: {  	s14 =	smulhi.u32 $0x55555556, s13;
	s15 =	sshra.s32 s13, $0x1F;
	s17 =	spop (v2sf)  }
0x8c9: {  	s23 =	sadd.s32 s16, s18;
	[smem:$0x587] =	sst s22;
	s16 =	smul.u32 $0x55555556, s15  }
0x8ca: {  	s29 =	sadd.s32 s3, s0;
	s22 =	sld [smem:$0x544];
	s18 =	smulhi.u32 $0x55555556, s17  }
0x8cb: {  	s2 =	sshra.s32 s17, $0x1F;
	s20 =	spop (v2sf);
	s17 =	sld [smem:$0x542]  }
0x8cc: {  	s2 =	smul.u32 $0x55555556, s2;
	s3 =	sshra.s32 s20, $0x1F;
	s9 =	spop (v2sf)  }
0x8cd: {  	s1 =	sadd.s32 s16, s14;
	s8 =	smul.u32 $0x55555556, s3;
	s14 =	sld [smem:$0x541]  }
0x8ce: {  	(v2sf) =	vpush v5, $0x8;
	s11 =	smulhi.u32 $0x55555556, s9;
	s3 =	sshra.s32 s9, $0x1F;
	s9 =	sld [smem:$0x547]  }
0x8cf: {  	s25 =	sadd.s32 s25, s6;
	(v2sf) =	vpush v5, $0xA;
	[smem:$0x588] =	sst s1  }
0x8d0: {  	s6 =	smulhi.u32 $0x55555556, s20;
	s0 =	sadd.s32 s2, s18;
	s18 =	sld [smem:$0x543]  }
0x8d1: {  	s13 =	spop (v2sf);
	s1 =	sld [smem:$0x545]  }
0x8d2: {  	s15 =	smulhi.u32 $0x55555556, s13;
	s7 =	sshra.s32 s13, $0x1F;
	s13 =	sld [smem:$0x549]  }
0x8d3: {  	[smem:$0x586] =	sst s0  }
0x8d4: {  	s3 =	smul.u32 $0x55555556, s3;
	s16 =	sadd.s32 s8, s6;
	s6 =	sld [smem:$0x546]  }
0x8d5: {  	[smem:$0x589] =	sst s16  }
0x8d6: {  	v9 =	vmov s10;
	(v2sf) =	vpush v5, $0xB;
	s19 =	smul.u32 $0x55555556, s7;
	s20 =	sadd.s32 s3, s11;
	s11 =	sld [smem:$0x548]  }
0x8d7: {  	v9 =	vsel vm0, s12, v9;
	[smem:$0x58B] =	sst s20  }
0x8d8: {  	s4 =	sshrl.u32 s10, $0x1F;
	v9 =	vsel vm1, s14, v9;
	s0 =	sadd.s32 s19, s15;
	s15 =	sld [smem:$0x54A]  }
0x8d9: {  	v10 =	vmov s4;
	(v2sf) =	vpush v5, $0x1;
	s4 =	sshrl.u32 s12, $0x1F;
	s2 =	sshrl.u32 s17, $0x1F;
	v12 =	vsel vm2, s17, v9;
	s17 =	sld [smem:$0x54B]  }
0x8da: {  	v10 =	vsel vm0, s4, v10;
	(v2sf) =	vpush v5, $0x0;
	s4 =	sshrl.u32 s14, $0x1F;
	s20 =	sld [smem:$0x54C]  }
0x8db: {  	s7 =	sshrl.u32 s22, $0x1F;
	v10 =	vsel vm1, s4, v10;
	v30 =	vmov s18;
	v13 =	vmov s1;
	s8 =	sshrl.u32 s18, $0x1F;
	[smem:$0x58C] =	sst s0  }
0x8dc: {  	s5 =	sshrl.u32 s1, $0x1F;
	v9 =	vsel vm0, s22, v30;
	v11 =	vsel vm2, s2, v10;
	s2 =	sshrl.u32 s6, $0x1F;
	v33 =	vmov s8;
	s8 =	sld [smem:$0x54E]  }
0x8dd: {  	v31 =	vmov s5;
	v32 =	vnsel vm3, $0x0, v13;
	s10 =	spop (v2sf);
	s1 =	sshrl.u32 s11, $0x1F;
	v13 =	vsel vm0, s7, v33;
	s7 =	sld [smem:$0x54D]  }
0x8de: {  	(v2sf) =	vpush v5, $0x2;
	v9 =	vsel vm1, s6, v9;
	v10 =	vnsel vm3, $0x0, v31;
	s12 =	smulhi.u32 $0x55555556, s10;
	s4 =	sshra.s32 s10, $0x1F;
	s14 =	spop (v2sf)  }
0x8df: {  	v19 =	vsel vm2, s9, v9;
	v9 =	vsel vm0, s11, v32;
	v10 =	vsel vm0, s1, v10;
	s1 =	sshrl.u32 s13, $0x1F;
	s11 =	sld [smem:$0x550];
	s4 =	smul.u32 $0x55555556, s4  }
0x8e0: {  	s10 =	sld [smem:$0x54F];
	s16 =	smulhi.u32 $0x55555556, s14;
	s6 =	sshra.s32 s14, $0x1F  }
0x8e1: {  	(v2sf) =	vpush v5, $0x3;
	s0 =	sshrl.u32 s15, $0x1F;
	v9 =	vsel vm1, s13, v9;
	v34 =	vmov s8;
	s13 =	sld [smem:$0x551];
	s18 =	smul.u32 $0x55555556, s6  }
0x8e2: {  	v10 =	vsel vm1, s1, v10;
	s5 =	sadd.s32 s4, s12;
	v35 =	vsel vm0, s11, v34;
	s14 =	sshrl.u32 s11, $0x1F;
	s11 =	sld [smem:$0x555]  }
0x8e3: {  	s3 =	sshrl.u32 s9, $0x1F;
	(v2sf) =	vpush v5, $0x4;
	v9 =	vsel vm2, s15, v9;
	v10 =	vsel vm2, s0, v10;
	s0 =	sshrl.u32 s17, $0x1F;
	[smem:$0x58A] =	sst s5  }
0x8e4: {  	v9 =	vsel vm4, s17, v9;
	v10 =	vsel vm4, s0, v10;
	s0 =	sshrl.u32 s20, $0x1F;
	s15 =	sadd.s32 s18, s16;
	s16 =	sld [smem:$0x552]  }
0x8e5: {  	s12 =	sshrl.u32 s8, $0x1F;
	s19 =	spop (v2sf);
	v9 =	vsel vm5, s20, v9;
	s18 =	sld [smem:$0x553]  }
0x8e6: {  	v10 =	vsel vm5, s0, v10;
	s0 =	sshrl.u32 s7, $0x1F;
	s20 =	sld [smem:$0x554];
	s22 =	smulhi.u32 $0x55555556, s19;
	v9 =	vsel vm6, s7, v9  }
0x8e7: {  	s6 =	sshra.s32 s19, $0x1F;
	v10 =	vsel vm6, s0, v10;
	s0 =	sshrl.u32 s10, $0x1F;
	v28 =	vsel vm7, s10, v9;
	s10 =	sld [smem:$0x58E]  }
0x8e8: {  	s1 =	sshrl.u32 s13, $0x1F;
	s9 =	smul.u32 $0x55555556, s6;
	v9 =	vsel vm1, s13, v35;
	s13 =	sld [smem:$0x556]  }
0x8e9: {  	v36 =	vmov s12;
	v25 =	vsel vm7, s0, v10;
	v38 =	vmov s11;
	s0 =	sshrl.u32 s11, $0x1F;
	s11 =	sld [smem:$0x55B]  }
0x8ea: {  	v10 =	vsel vm0, s14, v36;
	s19 =	sshrl.u32 s18, $0x1F;
	s8 =	spop (v2sf);
	s17 =	sadd.s32 s9, s22  }
0x8eb: {  	v13 =	vsel vm1, s2, v13;
	v37 =	vmov s16;
	v10 =	vsel vm1, s1, v10;
	s9 =	sshrl.u32 s16, $0x1F;
	s4 =	smulhi.u32 $0x55555556, s8;
	s16 =	sld [smem:$0x557]  }
0x8ec: {  	v22 =	vsel vm2, s3, v13;
	s3 =	sshra.s32 s8, $0x1F;
	v14 =	vsel vm2, s19, v10;
	s12 =	spop (v2sf);
	s19 =	sld [smem:$0x558]  }
0x8ed: {  	s22 =	sshrl.u32 s20, $0x1F;
	v13 =	vsel vm0, s20, v37;
	s20 =	sld [smem:$0x559];
	s3 =	smul.u32 $0x55555556, s3  }
0x8ee: {  	v21 =	vsel vm2, s18, v9;
	s6 =	smulhi.u32 $0x55555556, s12;
	s14 =	sshra.s32 s12, $0x1F;
	s18 =	spop (v2sf)  }
0x8ef: {  	(v2sf) =	vpush v5, $0x5;
	v16 =	vmov s0;
	v9 =	vld [tilespmem:s10+$0x10];
	v15 =	vmov s9;
	s0 =	sshrl.u32 s13, $0x1F;
	s10 =	sld [smem:$0x55A];
	s7 =	smul.u32 $0x55555556, s14  }
0x8f0: {  	v39 =	vsel vm0, s22, v15;
	s8 =	smulhi.u32 $0x55555556, s18;
	s1 =	sshra.s32 s18, $0x1F;
	s22 =	spop (v2sf)  }
0x8f1: {  	(v2sf) =	vpush v5, $0x6;
	v10 =	vnsel vm3, $0x0, v38;
	v13 =	vsel vm1, s13, v13;
	s14 =	sld [smem:$0x55C];
	s2 =	sshrl.u32 s19, $0x1F;
	s9 =	smul.u32 $0x55555556, s1  }
0x8f2: {  	v40 =	vnsel vm3, $0x0, v16;
	v27 =	vsel vm2, s16, v13;
	v10 =	vsel vm0, s19, v10;
	s1 =	sshra.s32 s22, $0x1F;
	s13 =	spop (v2sf);
	s19 =	sld [smem:$0x55D]  }
0x8f3: {  	v13 =	vsel vm1, s0, v39;
	v15 =	vsel vm0, s2, v40;
	v10 =	vsel vm1, s20, v10;
	s2 =	sshrl.u32 s20, $0x1F;
	s0 =	sshrl.u32 s10, $0x1F;
	s20 =	sld [smem:$0x55E]  }
0x8f4: {  	s12 =	smul.u32 $0x55555556, s1;
	v15 =	vsel vm1, s2, v15;
	s2 =	sadd.s32 s9, s8;
	s8 =	sld [smem:$0x55F]  }
0x8f5: {  	(v2sf) =	vpush v5, $0x7;
	s18 =	sshra.s32 s13, $0x1F;
	v10 =	vsel vm2, s10, v10;
	s10 =	smulhi.u32 $0x55555556, s22;
	s9 =	sld [smem:$0x560]  }
0x8f6: {  	s5 =	sshrl.u32 s16, $0x1F;
	s22 =	smul.u32 $0x55555556, s18;
	s18 =	sld [smem:$0x565]  }
0x8f7: {  	s16 =	smulhi.u32 $0x55555556, s13;
	v15 =	vsel vm2, s0, v15;
	v10 =	vsel vm4, s11, v10;
	s0 =	sshrl.u32 s11, $0x1F;
	s11 =	sld [smem:$0x562]  }
0x8f8: {  	s1 =	sadd.s32 s3, s4;
	(v2sf) =	vpush v9, $0xD;
	s4 =	sadd.s32 s12, s10;
	s10 =	sld [smem:$0x561]  }
0x8f9: {  	v40 =	vsel vm2, s5, v13;
	s5 =	sadd.s32 s7, s6;
	(v2sf) =	vpush v9, $0xC;
	v41 =	vsel vm4, s0, v15;
	s0 =	sshrl.u32 s14, $0x1F;
	s12 =	sld [smem:$0x563]  }
0x8fa: {  	v10 =	vsel vm5, s14, v10;
	v42 =	vmov s20;
	s14 =	sld [smem:$0x564];
	v13 =	vsel vm5, s0, v41;
	s0 =	sshrl.u32 s19, $0x1F;
	s3 =	sshrl.u32 s9, $0x1F  }
0x8fb: {  	v10 =	vsel vm6, s19, v10;
	v43 =	vsel vm0, s9, v42;
	s19 =	sld [smem:$0x566];
	v13 =	vsel vm6, s0, v13;
	s0 =	sshrl.u32 s8, $0x1F;
	s9 =	sshrl.u32 s11, $0x1F  }
0x8fc: {  	(v2sf) =	vpush v9, $0xE;
	v30 =	vsel vm7, s0, v13;
	s0 =	sadd.s32 s22, s16;
	s16 =	sshrl.u32 s20, $0x1F;
	s7 =	sshrl.u32 s10, $0x1F  }
0x8fd: {  	v36 =	vsel vm7, s8, v10;
	v44 =	vmov s11;
	v10 =	vsel vm1, s10, v43;
	s8 =	sshrl.u32 s12, $0x1F;
	s6 =	sshrl.u32 s14, $0x1F;
	s20 =	sld [smem:$0x567]  }
0x8fe: {  	v45 =	vsel vm0, s14, v44;
	s10 =	sshrl.u32 s18, $0x1F;
	s22 =	spop (v2sf);
	s14 =	sld [smem:$0x568];
	v13 =	vsel vm2, s12, v10;
	v47 =	vmov s19  }
0x8ff: {  	v46 =	vmov s16;
	v10 =	vsel vm1, s18, v45;
	s12 =	sshrl.u32 s19, $0x1F;
	s13 =	sshra.s32 s22, $0x1F;
	s16 =	sld [smem:$0x569];
	v48 =	vnsel vm3, $0x0, v47  }
0x900: {  	s18 =	spop (v2sf);
	s19 =	sld [smem:$0x56A];
	v15 =	vsel vm0, s3, v46;
	v49 =	vmov s12;
	v23 =	vsel vm2, s20, v10;
	s11 =	sshrl.u32 s20, $0x1F  }
0x901: {  	v10 =	vsel vm0, s14, v48;
	s3 =	sshrl.u32 s14, $0x1F;
	v16 =	vnsel vm3, $0x0, v49;
	v15 =	vsel vm1, s7, v15;
	s7 =	smulhi.u32 $0x55555556, s18;
	s20 =	sld [smem:$0x56B]  }
0x902: {  	v10 =	vsel vm1, s16, v10;
	s14 =	sshrl.u32 s16, $0x1F;
	v16 =	vsel vm0, s3, v16;
	s16 =	sshra.s32 s18, $0x1F;
	s18 =	sld [smem:$0x56C]  }
0x903: {  	s12 =	smulhi.u32 $0x55555556, s22;
	s3 =	sshrl.u32 s19, $0x1F;
	v10 =	vsel vm2, s19, v10;
	v16 =	vsel vm1, s14, v16;
	s19 =	sld [smem:$0x56D]  }
0x904: {  	v17 =	vmov s9;
	s13 =	smul.u32 $0x55555556, s13;
	s22 =	spop (v2sf);
	s9 =	sshrl.u32 s20, $0x1F;
	v16 =	vsel vm2, s3, v16  }
0x905: {  	(v2sf) =	vpush v9, $0xF;
	v17 =	vsel vm0, s6, v17;
	s6 =	smulhi.u32 $0x55555556, s22;
	s3 =	sshrl.u32 s18, $0x1F;
	v16 =	vsel vm4, s9, v16  }
0x906: {  	s14 =	sshra.s32 s22, $0x1F;
	s22 =	sld [smem:$0x56E];
	s9 =	sshrl.u32 s19, $0x1F;
	v16 =	vsel vm5, s3, v16  }
0x907: {  	(v2sf) =	vpush v9, $0x9;
	s16 =	smul.u32 $0x55555556, s16;
	v50 =	vsel vm6, s9, v16;
	s9 =	sld [smem:$0x56F]  }
0x908: {  	v17 =	vsel vm1, s10, v17;
	v10 =	vsel vm4, s20, v10;
	s10 =	smul.u32 $0x55555556, s14;
	s20 =	spop (v2sf)  }
0x909: {  	v10 =	vsel vm5, s18, v10;
	s18 =	smulhi.u32 $0x55555556, s20;
	s14 =	sshra.s32 s20, $0x1F;
	s20 =	sld [smem:$0x570]  }
0x90a: {  	v42 =	vsel vm2, s8, v15;
	v43 =	vsel vm2, s11, v17;
	v10 =	vsel vm6, s19, v10;
	s11 =	sshrl.u32 s9, $0x1F;
	s19 =	spop (v2sf);
	s8 =	smul.u32 $0x55555556, s14  }
0x90b: {  	s3 =	sshrl.u32 s22, $0x1F;
	v51 =	vmov s9;
	v52 =	vmov s11;
	s9 =	smulhi.u32 $0x55555556, s19;
	s11 =	sshra.s32 s19, $0x1F  }
0x90c: {  	v37 =	vsel vm7, s22, v10;
	s19 =	smul.u32 $0x55555556, s11;
	s22 =	sshrl.u32 s20, $0x1F;
	v53 =	vsel vm0, s20, v51;
	s20 =	sld [smem:$0x571]  }
0x90d: {  	s14 =	sadd.s32 s13, s12;
	s13 =	sadd.s32 s16, s7;
	v54 =	vsel vm0, s22, v52;
	s22 =	sld [smem:$0x572]  }
0x90e: {  	s7 =	sadd.s32 s8, s18;
	s8 =	sadd.s32 s19, s9;
	s9 =	sld [smem:$0x573]  }
0x90f: {  	s12 =	sld [smem:$0x574];
	s16 =	sshrl.u32 s30, $0x1F;
	s11 =	sadd.s32 s10, s6  }
0x910: {  	v57 =	vmov s30;
	(v2sf) =	vpush v9, $0x8;
	v41 =	vsel vm7, s3, v50;
	s18 =	spop (v2sf);
	s19 =	sld [smem:$0x575];
	s6 =	sshrl.u32 s20, $0x1F  }
0x911: {  	s10 =	sshra.s32 s18, $0x1F;
	v10 =	vsel vm1, s20, v53;
	s20 =	sld [smem:$0x576];
	v55 =	vmov s22;
	v15 =	vsel vm1, s6, v54;
	s3 =	sshrl.u32 s9, $0x1F  }
0x912: {  	v58 =	vmov s16;
	s16 =	sld [smem:$0x577];
	s10 =	smul.u32 $0x55555556, s10;
	v56 =	vsel vm0, s12, v55;
	v24 =	vsel vm2, s3, v15;
	s3 =	sshrl.u32 s22, $0x1F  }
0x913: {  	v38 =	vsel vm2, s9, v10;
	s6 =	sshrl.u32 s12, $0x1F;
	s9 =	sshrl.u32 s19, $0x1F;
	v10 =	vsel vm1, s19, v56;
	v59 =	vmov s3;
	s19 =	sld [smem:$0x578]  }
0x914: {  	v16 =	vnsel vm3, $0x0, v58;
	s30 =	spop (v2sf);
	v15 =	vnsel vm3, $0x0, v57;
	s12 =	smulhi.u32 $0x55555556, s18;
	s22 =	sshrl.u32 s20, $0x1F;
	v17 =	vsel vm0, s6, v59  }
0x915: {  	s18 =	sshra.s32 s30, $0x1F;
	v15 =	vsel vm0, s20, v15;
	s3 =	sshrl.u32 s16, $0x1F;
	v16 =	vsel vm0, s22, v16;
	v17 =	vsel vm1, s9, v17;
	s9 =	sld [smem:$0x579]  }
0x916: {  	v15 =	vsel vm1, s16, v15;
	s16 =	smulhi.u32 $0x55555556, s30;
	s22 =	spop (v2sf);
	v16 =	vsel vm1, s3, v16;
	s20 =	sshrl.u32 s19, $0x1F  }
0x917: {  	s6 =	smul.u32 $0x55555556, s18;
	s18 =	sshra.s32 s22, $0x1F;
	v15 =	vsel vm2, s19, v15;
	v16 =	vsel vm2, s20, v16;
	s20 =	sld [smem:$0x57A]  }
0x918: {  	(v2sf) =	vpush v9, $0xA;
	v15 =	vsel vm4, s9, v15;
	s19 =	sshrl.u32 s9, $0x1F;
	s9 =	smulhi.u32 $0x55555556, s22;
	s22 =	sld [smem:$0x57B]  }
0x919: {  	(v2sf) =	vpush v9, $0xB;
	s12 =	sadd.s32 s10, s12;
	s10 =	sadd.s32 s6, s16;
	s16 =	sld [smem:$0x57C]  }
0x91a: {  	(v2sf) =	vpush v9, $0x1;
	v46 =	vsel vm2, s20, v10;
	s30 =	sshrl.u32 s20, $0x1F;
	s20 =	sld [smem:$0x57E]  }
0x91b: {  	v16 =	vsel vm4, s19, v16;
	v60 =	vsel vm5, s22, v15;
	s19 =	sshrl.u32 s22, $0x1F;
	s22 =	sld [smem:$0x57F]  }
0x91c: {  	s18 =	smul.u32 $0x55555556, s18;
	v61 =	vsel vm5, s19, v16;
	s19 =	sld [smem:$0x57D]  }
0x91d: {  	(v2sf) =	vpush v9, $0x0;
	s3 =	sshrl.u32 s16, $0x1F  }
0x91e: {  	v10 =	vsel vm6, s16, v60;
	v15 =	vsel vm6, s3, v61;
	s3 =	sadd.s32 s18, s9;
	v62 =	vmov s20  }
0x91f: {  	v44 =	vsel vm2, s30, v17;
	s30 =	sshrl.u32 s20, $0x1F;
	s9 =	sshrl.u32 s22, $0x1F;
	v45 =	vsel vm7, s19, v10;
	v10 =	vsel vm0, s22, v62;
	s22 =	sld [smem:$0x581]  }
0x920: {  	v35 =	vmov s30;
	s30 =	sld [smem:$0x582];
	_ =	sdelay $0x1  }
0x921: {  	s18 =	sld [smem:$0x580];
	v39 =	vmov s22  }
0x922: {  	s6 =	sshrl.u32 s19, $0x1F;
	s19 =	sshrl.u32 s30, $0x1F;
	v16 =	vsel vm0, s30, v39;
	s30 =	sld [smem:$0x583]  }
0x923: {  	s20 =	spop (v2sf)  }
0x924: {  	s16 =	sshrl.u32 s18, $0x1F;
	v63 =	vsel vm1, s18, v10;
	s18 =	sshra.s32 s20, $0x1F  }
0x925: {  	v20 =	vsel vm7, s6, v15;
	v10 =	vsel vm0, s9, v35;
	s9 =	smul.u32 $0x55555556, s18;
	s18 =	sshrl.u32 s30, $0x1F;
	v47 =	vmov s30  }
0x926: {  	s6 =	smulhi.u32 $0x55555556, s20;
	s20 =	spop (v2sf);
	v18 =	vsel vm1, s16, v10;
	s30 =	sshrl.u32 s22, $0x1F;
	v48 =	vmov s18;
	v17 =	vnsel vm3, $0x0, v47  }
0x927: {  	s31 =	sld [smem:$0x53E];
	s22 =	spop (v2sf);
	v26 =	vmov s30;
	s30 =	sshrl.u32 s23, $0x1F;
	v17 =	vsel vm0, s23, v17;
	v10 =	vnsel vm3, $0x0, v48  }
0x928: {  	s16 =	sshrl.u32 s25, $0x1F;
	v10 =	vsel vm0, s30, v10;
	v17 =	vsel vm1, s24, v17;
	s24 =	sshrl.u32 s24, $0x1F;
	s30 =	spop (v2sf)  }
0x929: {  	(v2sf) =	vpush v9, $0x2;
	v26 =	vsel vm0, s19, v26;
	v17 =	vsel vm2, s25, v17;
	s25 =	smulhi.u32 $0x55555556, s30;
	s19 =	sshra.s32 s30, $0x1F;
	s30 =	sld [smem:$0x58E]  }
0x92a: {  	v16 =	vsel vm1, s21, v16;
	s21 =	sshrl.u32 s21, $0x1F;
	s18 =	smulhi.u32 $0x55555556, s20;
	v29 =	vsel vm1, s24, v10;
	s24 =	sld [smem:$0x584]  }
0x92b: {  	(v2sf) =	vpush v9, $0x3;
	v31 =	vsel vm2, s26, v16;
	s26 =	sshrl.u32 s26, $0x1F;
	s23 =	smulhi.u32 $0x55555556, s22;
	s22 =	sshra.s32 s22, $0x1F;
	v26 =	vsel vm1, s21, v26  }
0x92c: {  	v6 =	vsub.s32 $0x0, v6;
	v12 =	vcombine.low v19, v12;
	v53 =	vld [tilespmem:s31+$0xFFFFFFB0];
	s20 =	sshra.s32 s20, $0x1F;
	s22 =	smul.u32 $0x55555556, s22;
	v35 =	vsel vm2, s26, v26;
	s26 =	sld [smem:$0x588]  }
0x92d: {  	(v2sf) =	vpush v9, $0x4;
	v29 =	vsel vm2, s16, v29;
	v10 =	vld [tilespmem:s30+$0x20];
	v17 =	vsel vm4, s24, v17;
	s16 =	sshrl.u32 s24, $0x1F;
	s24 =	smul.u32 $0x55555556, s19;
	s30 =	spop (v2sf)  }
0x92e: {  	v11 =	vcombine.low v22, v11;
	v12 =	vperm.xlane v12, v1;
	v32 =	vsel vm4, s16, v29;
	s16 =	sshrl.u32 s28, $0x1F;
	s21 =	smulhi.u32 $0x55555556, s30;
	s19 =	sshra.s32 s30, $0x1F  }
0x92f: {  	(v2sf) =	vpush v9, $0x5;
	v29 =	vsel vm2, s28, v63;
	v49 =	vsel vm5, s29, v17;
	s30 =	sshrl.u32 s29, $0x1F;
	s28 =	sld [smem:$0x589];
	s29 =	smul.u32 $0x55555556, s19  }
0x930: {  	v11 =	vperm.xlane v11, v1;
	v28 =	vperm.xlane v28, v2;
	v56 =	vmov s5;
	s19 =	sadd.s32 s9, s6;
	s6 =	sadd.s32 s22, s23;
	s22 =	sld [smem:$0x585]  }
0x931: {  	v25 =	vperm.xlane v25, v2;
	(v2sf) =	vpush v9, $0x6;
	s20 =	smul.u32 $0x55555556, s20;
	v17 =	vnsel vm3, $0x0, v56;
	s9 =	sadd.s32 s24, s25;
	s24 =	sld [smem:$0x586]  }
0x932: {  	s5 =	sshrl.u32 s5, $0x1F;
	v58 =	vshra.s32 v53, $0x1;
	(v2sf) =	vpush v9, $0x7;
	s25 =	sld [smem:$0x587];
	v17 =	vsel vm0, s1, v17  }
0x933: {  	s18 =	sadd.s32 s20, s18;
	v34 =	vsel vm2, s16, v18;
	v50 =	vsel vm5, s30, v32;
	s30 =	sld [smem:$0x58C];
	s1 =	sshrl.u32 s1, $0x1F;
	v47 =	vsel vm1, s2, v17  }
0x934: {  	s16 =	sadd.s32 s29, s21;
	s29 =	sld [smem:$0x58A];
	v59 =	vsel vm2, s4, v47;
	v15 =	vsel vm6, s22, v49;
	s23 =	sshrl.u32 s22, $0x1F;
	v51 =	vmov s24  }
0x935: {  	s21 =	sshrl.u32 s26, $0x1F;
	(v2sf) =	vpush v10, $0xD;
	s22 =	sshrl.u32 s24, $0x1F;
	v16 =	vsel vm6, s23, v50;
	v52 =	vsel vm0, s26, v51;
	s26 =	sld [smem:$0x58B]  }
0x936: {  	s2 =	sshrl.u32 s2, $0x1F;
	s4 =	sshrl.u32 s4, $0x1F;
	s20 =	sshrl.u32 s25, $0x1F;
	v33 =	vsel vm7, s25, v15;
	(v2sf) =	vpush v10, $0xC;
	v57 =	vmov s22  }
0x937: {  	s23 =	sshrl.u32 s28, $0x1F;
	s25 =	sshrl.u32 s30, $0x1F;
	v15 =	vsel vm1, s28, v52;
	v54 =	vmov s29;
	v39 =	vsel vm7, s20, v16;
	s20 =	sshrl.u32 s29, $0x1F  }
0x938: {  	(v2sf) =	vpush v10, $0xE;
	s29 =	sshrl.u32 s17, $0x1F;
	v52 =	vmov s8;
	v55 =	vsel vm0, s30, v54;
	s30 =	spop (v2sf);
	s24 =	sshrl.u32 s26, $0x1F  }
0x939: {  	(v2sf) =	vpush v10, $0xF;
	v16 =	vsel vm2, s26, v15;
	s26 =	sshrl.u32 s15, $0x1F;
	v15 =	vsel vm1, s15, v55;
	s15 =	smulhi.u32 $0x55555556, s30;
	s28 =	sshra.s32 s30, $0x1F  }
0x93a: {  	s8 =	sshrl.u32 s8, $0x1F;
	v60 =	vmov s20;
	v22 =	vsel vm0, s7, v52;
	s30 =	spop (v2sf);
	v18 =	vsel vm2, s17, v15;
	s17 =	smul.u32 $0x55555556, s28  }
0x93b: {  	v54 =	vmov s19;
	s19 =	sshrl.u32 s19, $0x1F;
	v52 =	vmov s16;
	v15 =	vsel vm0, s21, v57;
	s21 =	smulhi.u32 $0x55555556, s30;
	s22 =	sshra.s32 s30, $0x1F  }
0x93c: {  	v47 =	vsel vm0, s25, v60;
	s25 =	sshrl.u32 s13, $0x1F;
	v52 =	vnsel vm3, $0x0, v52;
	s28 =	spop (v2sf);
	v15 =	vsel vm1, s23, v15;
	s22 =	smul.u32 $0x55555556, s22  }
0x93d: {  	(v2sf) =	vpush v10, $0x9;
	v52 =	vsel vm0, s9, v52;
	s9 =	sshrl.u32 s9, $0x1F;
	s23 =	sshra.s32 s28, $0x1F;
	v17 =	vsel vm2, s24, v15;
	s24 =	smulhi.u32 $0x55555556, s28  }
0x93e: {  	v12 =	vsel vm8, v28, v12;
	v48 =	vmov s5;
	s30 =	spop (v2sf);
	v15 =	vsel vm4, s0, v59;
	s0 =	sshrl.u32 s0, $0x1F;
	s5 =	smul.u32 $0x55555556, s23  }
0x93f: {  	v48 =	vnsel vm3, $0x0, v48;
	(v2sf) =	vpush v10, $0x8;
	s23 =	sshrl.u32 s14, $0x1F;
	s20 =	sshra.s32 s30, $0x1F;
	v15 =	vsel vm5, s14, v15;
	s14 =	smulhi.u32 $0x55555556, s30  }
0x940: {  	v11 =	vsel vm8, v25, v11;
	v48 =	vsel vm0, s1, v48;
	(v2sf) =	vpush v10, $0xA;
	s28 =	sshrl.u32 s11, $0x1F;
	s1 =	smul.u32 $0x55555556, s20;
	s20 =	spop (v2sf)  }
0x941: {  	v11 =	vadd.s32 v11, v12;
	v14 =	vcombine.low v40, v14;
	v48 =	vsel vm1, s2, v48;
	s30 =	simm.s32 $0x0;
	s2 =	smulhi.u32 $0x55555556, s20;
	s20 =	sshra.s32 s20, $0x1F  }
0x942: {  	v21 =	vcombine.low v27, v21;
	s15 =	sadd.s32 s17, s15;
	(v2sf) =	vpush v10, $0xB;
	v15 =	vsel vm6, s13, v15;
	v49 =	vld.idx.msk [tilespmem:v58+s30+$0x0], $0xffff;
	s30 =	smul.u32 $0x55555556, s20;
	s20 =	spop (v2sf)  }
0x943: {  	v14 =	vperm.xlane v14, v1;
	v30 =	vperm.xlane v30, v2;
	s13 =	sadd.s32 s22, s21;
	v15 =	vsel vm7, s11, v15;
	s22 =	smulhi.u32 $0x55555556, s20;
	s11 =	sshra.s32 s20, $0x1F  }
0x944: {  	v21 =	vperm.xlane v21, v1;
	v32 =	vand.u32 $0x1, v53;
	v61 =	vsel vm1, s26, v47;
	s17 =	sadd.s32 s5, s24;
	s24 =	smul.u32 $0x55555556, s11;
	s26 =	spop (v2sf)  }
0x945: {  	v36 =	vperm.xlane v36, v2;
	v14 =	vsel vm8, v30, v14;
	vm9 =	veq.s32 v32, $0x0;
	s14 =	sadd.s32 s1, s14;
	s1 =	smulhi.u32 $0x55555556, s26;
	s11 =	sshra.s32 s26, $0x1F  }
0x946: {  	v62 =	vsel vm2, s4, v48;
	v50 =	vmul.u32 $0xFFFFFFFD, v11;
	v56 =	vsel vm0, s3, v54;
	s20 =	sadd.s32 s30, s2;
	s30 =	spop (v2sf);
	s4 =	smul.u32 $0x55555556, s11  }
0x947: {  	v54 =	vld [tilespmem:s31+$0xFFFFFFD0];
	v26 =	vsel vm2, s29, v61;
	s29 =	sld [smem:$0x58D];
	v63 =	vsel vm4, s0, v62;
	(v2sf) =	vpush v10, $0x1;
	s2 =	smulhi.u32 $0x55555556, s30;
	s21 =	sshra.s32 s30, $0x1F  }
0x948: {  	v53 =	vsel vm1, s12, v22;
	v12 =	vsel vm1, s18, v56;
	v19 =	vsel vm5, s23, v63;
	s11 =	sadd.s32 s24, s22;
	s23 =	spop (v2sf);
	s5 =	smul.u32 $0x55555556, s21  }
0x949: {  	v47 =	vand.u32 $0xFFFF0000, v49;
	v48 =	vshll.u32 v49, $0x10;
	v49 =	vld [tilespmem:s31+$0xFFFFFFC0];
	(v2sf) =	vpush v10, $0x0;
	s22 =	sshrl.u32 s7, $0x1F;
	s7 =	smulhi.u32 $0x55555556, s23;
	s0 =	sshra.s32 s23, $0x1F  }
0x94a: {  	v55 =	vmov s8;
	v28 =	vsel vm2, s6, v12;
	v19 =	vsel vm6, s25, v19;
	s24 =	sshrl.u32 s12, $0x1F;
	s25 =	spop (v2sf);
	s12 =	smul.u32 $0x55555556, s0  }
0x94b: {  	v52 =	vsel vm1, s15, v52;
	v22 =	vsel vm7, s28, v19;
	s28 =	sshrl.u32 s3, $0x1F;
	(v2sf) =	vpush v10, $0x2;
	s8 =	smulhi.u32 $0x55555556, s25;
	s0 =	sshra.s32 s25, $0x1F  }
0x94c: {  	v58 =	vmov s19;
	v63 =	vshra.s32 v54, $0x1;
	v19 =	vsel vm2, s10, v53;
	s26 =	sshrl.u32 s10, $0x1F;
	s30 =	spop (v2sf);
	s10 =	smul.u32 $0x55555556, s0  }
0x94d: {  	v59 =	vsel vm0, s28, v58;
	s28 =	sshrl.u32 s16, $0x1F;
	(v2sf) =	vpush v10, $0x3;
	v57 =	vsel vm0, s22, v55;
	s3 =	smulhi.u32 $0x55555556, s30;
	s0 =	sshra.s32 s30, $0x1F  }
0x94e: {  	v60 =	vsel vm2, s13, v52;
	v25 =	vsel vm1, s24, v57;
	v51 =	vshra.s32 v49, $0x1;
	s24 =	sshrl.u32 s18, $0x1F;
	s25 =	spop (v2sf);
	s19 =	smul.u32 $0x55555556, s0  }
0x94f: {  	v53 =	vmov s28;
	(v2sf) =	vpush v10, $0x4;
	v32 =	vsel vm1, s24, v59;
	s24 =	sshrl.u32 s15, $0x1F;
	s18 =	smulhi.u32 $0x55555556, s25;
	s30 =	spop (v2sf)  }
0x950: {  	v27 =	vsel vm4, s17, v60;
	v53 =	vnsel vm3, $0x0, v53;
	v25 =	vsel vm2, s26, v25;
	s26 =	sshra.s32 s25, $0x1F;
	s0 =	sand.u32 $0x7F0, s29;
	s21 =	sshra.s32 s30, $0x1F  }
0x951: {  	v27 =	vsel vm5, s14, v27;
	v53 =	vsel vm0, s9, v53;
	(v2sf) =	vpush v10, $0x5;
	s25 =	sshrl.u32 s13, $0x1F;
	v12 =	vld [tilespmem:s0+$0xCC00];
	s23 =	smul.u32 $0x55555556, s21;
	s21 =	spop (v2sf)  }
0x952: {  	vm10 =	veq.s32 v50, v6;
	v27 =	vsel vm6, s20, v27;
	v61 =	vsel vm1, s24, v53;
	s15 =	smulhi.u32 $0x55555556, s21;
	s9 =	sshra.s32 s21, $0x1F;
	s21 =	simm.s32 $0x0  }
0x953: {  	s6 =	sshrl.u32 s6, $0x1F;
	s28 =	sshrl.u32 s17, $0x1F;
	v47 =	vsel vm9, v48, v47;
	(v2sf) =	vpush v10, $0x6;
	v52 =	vsel vm2, s25, v61;
	v51 =	vld.idx.msk [tilespmem:v51+s21+$0x0], $0xffff  }
0x954: {  	v48 =	vsel vm8, v36, v21;
	v27 =	vsel vm7, s11, v27;
	s11 =	sshrl.u32 s11, $0x1F;
	s5 =	sadd.s32 s5, s2;
	s16 =	smul.u32 $0x55555556, s26;
	v62 =	vsel vm4, s28, v52;
	v52 =	vld.idx.msk [tilespmem:v63+s21+$0x0], $0xffff  }
0x955: {  	v6 =	vadd.s32 v14, v48;
	v32 =	vsel vm2, s6, v32;
	s6 =	sadd.s32 s4, s1;
	s22 =	smulhi.u32 $0x55555556, s30;
	(v2sf) =	vpush v10, $0x7;
	s30 =	sshrl.u32 s14, $0x1F  }
0x956: {  	v50 =	vand.u32 $0x1, v49;
	s14 =	sshrl.u32 s20, $0x1F;
	v40 =	vsel vm5, s30, v62;
	s24 =	smul.u32 $0x55555556, s9;
	s26 =	spop (v2sf);
	(v2sf) =	vpush v12, $0xD  }
0x957: {  	vm9 =	veq.s32 v50, $0x0;
	v40 =	vsel vm6, s14, v40;
	s14 =	sadd.s32 s10, s8;
	s17 =	smulhi.u32 $0x55555556, s26;
	s9 =	sshra.s32 s26, $0x1F;
	(v2sf) =	vpush v12, $0xC  }
0x958: {  	s21 =	sadd.s32 s16, s18;
	s26 =	smul.u32 $0x55555556, s9;
	v56 =	vand.u32 $0xFFFF0000, v51;
	v58 =	vshll.u32 v51, $0x10;
	v51 =	vmov s5;
	s13 =	spop (v2sf)  }
0x959: {  	v61 =	vand.u32 $0xFFFF0000, v52;
	v14 =	vshll.u32 v52, $0x10;
	v52 =	vsel vm0, s6, v51;
	s6 =	sshrl.u32 s6, $0x1F;
	s25 =	smulhi.u32 $0x55555556, s13;
	s9 =	sshra.s32 s13, $0x1F  }
0x95a: {  	v60 =	vand.u32 $0x1, v54;
	v21 =	vsel vm9, v58, v56;
	v56 =	vmov s21;
	s21 =	sshrl.u32 s21, $0x1F;
	s20 =	spop (v2sf);
	s28 =	smul.u32 $0x55555556, s9  }
0x95b: {  	v59 =	vsub.s32 $0x0, v7;
	v7 =	vnsel vm10, $0x0, v47;
	(v2sf) =	vpush v12, $0xE;
	s13 =	sadd.s32 s12, s7;
	s1 =	smulhi.u32 $0x55555556, s20;
	s30 =	sshra.s32 s20, $0x1F  }
0x95c: {  	vm10 =	veq.s32 v60, $0x0;
	v53 =	vld [tilespmem:s31+$0xFFFFFFE0];
	v62 =	vcombine.low v43, v42;
	v63 =	vperm.xlane v41, v2;
	s9 =	spop (v2sf);
	s20 =	sadd.s32 s23, s22;
	s2 =	smul.u32 $0x55555556, s30  }
0x95d: {  	(v2sf) =	vpush v12, $0xF;
	v41 =	vsel vm10, v14, v61;
	v14 =	vsel vm1, s13, v52;
	s13 =	sshrl.u32 s13, $0x1F;
	s12 =	smulhi.u32 $0x55555556, s9;
	s4 =	sshra.s32 s9, $0x1F  }
0x95e: {  	v36 =	vperm.xlane v62, v1;
	s10 =	spop (v2sf);
	s30 =	simm.s32 $0x0;
	s4 =	smul.u32 $0x55555556, s4  }
0x95f: {  	(v2sf) =	vpush v12, $0x9;
	s9 =	sadd.s32 s19, s3;
	s3 =	smulhi.u32 $0x55555556, s10;
	s7 =	sshra.s32 s10, $0x1F  }
0x960: {  	v48 =	vsel vm8, v63, v36;
	v36 =	vsel vm2, s14, v14;
	s14 =	sshrl.u32 s14, $0x1F;
	s19 =	spop (v2sf);
	s8 =	smul.u32 $0x55555556, s7  }
0x961: {  	v55 =	vshra.s32 v53, $0x1;
	(v2sf) =	vpush v12, $0x8;
	s10 =	sadd.s32 s24, s15;
	s16 =	smulhi.u32 $0x55555556, s19;
	s7 =	sshra.s32 s19, $0x1F  }
0x962: {  	v57 =	vmul.u32 $0xFFFFFFFD, v6;
	s22 =	sadd.s32 s28, s25;
	s24 =	spop (v2sf);
	s23 =	smul.u32 $0x55555556, s7  }
0x963: {  	v13 =	vcombine.low v23, v13;
	(v2sf) =	vpush v12, $0xA;
	s7 =	sadd.s32 s26, s17;
	s17 =	smulhi.u32 $0x55555556, s24;
	s15 =	sshra.s32 s24, $0x1F  }
0x964: {  	v44 =	vcombine.low v44, v24;
	vm9 =	veq.s32 v57, v59;
	v57 =	vsel vm0, s9, v56;
	s9 =	sshrl.u32 s9, $0x1F;
	s26 =	spop (v2sf);
	s24 =	smul.u32 $0x55555556, s15  }
0x965: {  	v13 =	vperm.xlane v13, v1;
	s18 =	sadd.s32 s2, s1;
	(v2sf) =	vpush v12, $0xB;
	s25 =	smulhi.u32 $0x55555556, s26;
	s28 =	sshra.s32 s26, $0x1F  }
0x966: {  	v37 =	vperm.xlane v37, v2;
	v44 =	vperm.xlane v44, v1;
	v30 =	vld.idx.msk [tilespmem:v55+s30+$0x0], $0xffff;
	s19 =	sadd.s32 s4, s12;
	s30 =	smul.u32 $0x55555556, s28;
	s12 =	spop (v2sf)  }
0x967: {  	v20 =	vperm.xlane v20, v2;
	v14 =	vsel vm1, s20, v57;
	s20 =	sshrl.u32 s20, $0x1F;
	(v2sf) =	vpush v12, $0x1;
	s1 =	smulhi.u32 $0x55555556, s12;
	s2 =	sshra.s32 s12, $0x1F  }
0x968: {  	v3 =	vsub.s32 $0x0, v3;
	v13 =	vsel vm8, v37, v13;
	v29 =	vcombine.low v31, v29;
	s15 =	sadd.s32 s8, s3;
	s26 =	spop (v2sf);
	s3 =	smul.u32 $0x55555556, s2  }
0x969: {  	v20 =	vsel vm8, v20, v44;
	v59 =	vmov s22;
	s22 =	sshrl.u32 s22, $0x1F;
	(v2sf) =	vpush v12, $0x0;
	s2 =	smulhi.u32 $0x55555556, s26;
	s8 =	sshra.s32 s26, $0x1F  }
0x96a: {  	v29 =	vperm.xlane v29, v1;
	v50 =	vcombine.low v46, v38;
	v47 =	vand.u32 $0x1, v53;
	s12 =	sadd.s32 s30, s25;
	s28 =	spop (v2sf);
	s4 =	smul.u32 $0x55555556, s8  }
0x96b: {  	v38 =	vsel vm7, s11, v40;
	vm10 =	veq.s32 v47, $0x0;
	(v2sf) =	vpush v12, $0x2;
	s30 =	sshrl.u32 s5, $0x1F;
	s5 =	smulhi.u32 $0x55555556, s28;
	s8 =	sshra.s32 s28, $0x1F  }
0x96c: {  	v58 =	vmov s21;
	v40 =	vsel vm2, s10, v14;
	s16 =	sadd.s32 s23, s16;
	v53 =	vmov s30;
	s23 =	spop (v2sf);
	s8 =	smul.u32 $0x55555556, s8  }
0x96d: {  	s10 =	sshrl.u32 s10, $0x1F;
	v61 =	vmov s22;
	(v2sf) =	vpush v12, $0x3;
	v23 =	vsel vm0, s6, v53;
	s6 =	smulhi.u32 $0x55555556, s23;
	s11 =	sshra.s32 s23, $0x1F  }
0x96e: {  	v49 =	vand.u32 $0xFFFF0000, v30;
	v30 =	vshll.u32 v30, $0x10;
	s17 =	sadd.s32 s24, s17;
	v55 =	vsel vm1, s13, v23;
	s24 =	spop (v2sf);
	s13 =	smul.u32 $0x55555556, s11  }
0x96f: {  	v60 =	vld [tilespmem:s31+$0xFFFFFFF0];
	v37 =	vsel vm10, v30, v49;
	v30 =	vnsel vm3, $0x0, v59;
	s28 =	sld [smem:$0x58E];
	v23 =	vsel vm2, s14, v55;
	s14 =	smulhi.u32 $0x55555556, s24;
	s11 =	sshra.s32 s24, $0x1F  }
0x970: {  	v62 =	vld [tilespmem:s31+$0x0];
	v46 =	vnsel vm3, $0x0, v61;
	(v2sf) =	vpush v12, $0x4;
	v30 =	vsel vm0, s7, v30;
	s7 =	sshrl.u32 s7, $0x1F;
	s25 =	spop (v2sf);
	s21 =	smul.u32 $0x55555556, s11  }
0x971: {  	v33 =	vperm.xlane v33, v2;
	v24 =	vsel vm0, s9, v58;
	v46 =	vsel vm0, s7, v46;
	s7 =	sadd.s32 s3, s1;
	s9 =	smulhi.u32 $0x55555556, s25;
	s11 =	sshra.s32 s25, $0x1F  }
0x972: {  	v16 =	vcombine.low v18, v16;
	v24 =	vsel vm1, s20, v24;
	(v2sf) =	vpush v12, $0x5;
	s24 =	sshrl.u32 s19, $0x1F;
	s26 =	spop (v2sf);
	s20 =	smul.u32 $0x55555556, s11  }
0x973: {  	v29 =	vsel vm8, v33, v29;
	v17 =	vcombine.low v26, v17;
	v54 =	vperm.xlane v45, v2;
	s4 =	sadd.s32 s4, s2;
	v14 =	vld [tilespmem:s28+$0x40];
	s22 =	smulhi.u32 $0x55555556, s26;
	s11 =	sshra.s32 s26, $0x1F  }
0x974: {  	v42 =	vperm.xlane v50, v1;
	v63 =	vshra.s32 v60, $0x1;
	(v2sf) =	vpush v12, $0x6;
	s28 =	sshrl.u32 s16, $0x1F;
	s23 =	smul.u32 $0x55555556, s11;
	s30 =	spop (v2sf)  }
0x975: {  	v51 =	vshra.s32 v62, $0x1;
	v24 =	vsel vm2, s10, v24;
	v30 =	vsel vm1, s18, v30;
	s11 =	sshrl.u32 s18, $0x1F;
	s18 =	smulhi.u32 $0x55555556, s30;
	s10 =	sshra.s32 s30, $0x1F  }
0x976: {  	v30 =	vsel vm2, s19, v30;
	(v2sf) =	vpush v12, $0x7;
	s8 =	sadd.s32 s8, s5;
	v46 =	vsel vm1, s11, v46;
	s25 =	spop (v2sf);
	s19 =	smul.u32 $0x55555556, s10  }
0x977: {  	v42 =	vsel vm8, v54, v42;
	v30 =	vsel vm4, s15, v30;
	s26 =	sshrl.u32 s15, $0x1F;
	v46 =	vsel vm2, s24, v46;
	s15 =	smulhi.u32 $0x55555556, s25;
	s10 =	sshra.s32 s25, $0x1F  }
0x978: {  	v30 =	vsel vm5, s16, v30;
	s11 =	sshrl.u32 s17, $0x1F;
	(v2sf) =	vpush v14, $0xD;
	v46 =	vsel vm4, s26, v46;
	s30 =	spop (v2sf);
	s24 =	smul.u32 $0x55555556, s10  }
0x979: {  	v13 =	vadd.s32 v48, v13;
	v49 =	vld [tilespmem:s31+$0x10];
	v30 =	vsel vm6, s17, v30;
	v46 =	vsel vm5, s28, v46;
	s28 =	simm.s32 $0x0;
	s16 =	smulhi.u32 $0x55555556, s30;
	s10 =	sshra.s32 s30, $0x1F  }
0x97a: {  	v30 =	vsel vm7, s12, v30;
	(v2sf) =	vpush v14, $0xC;
	v46 =	vsel vm6, s11, v46;
	s11 =	sshrl.u32 s12, $0x1F;
	s12 =	spop (v2sf);
	v52 =	vld.idx.msk [tilespmem:v63+s28+$0x0], $0xffff;
	s25 =	smul.u32 $0x55555556, s10  }
0x97b: {  	v50 =	vmul.u32 $0xFFFFFFFD, v13;
	v62 =	vand.u32 $0x1, v62;
	v21 =	vnsel vm9, $0x0, v21;
	v44 =	vld.idx.msk [tilespmem:v51+s28+$0x0], $0xffff;
	s28 =	simm.s32 $0x0;
	s1 =	smulhi.u32 $0x55555556, s12;
	s17 =	sshra.s32 s12, $0x1F  }
0x97c: {  	v56 =	vsub.s32 $0x0, v4;
	v57 =	vand.u32 $0x1, v60;
	(v2sf) =	vpush v14, $0xE;
	s26 =	spop (v2sf);
	s10 =	sadd.s32 s21, s14;
	s21 =	sadd.s32 s20, s9  }
0x97d: {  	vm9 =	veq.s32 v57, $0x0;
	vm10 =	veq.s32 v50, v3;
	v53 =	vcombine.low v35, v34;
	s20 =	sadd.s32 s23, s22;
	s12 =	sadd.s32 s19, s18;
	s2 =	smul.u32 $0x55555556, s17  }
0x97e: {  	v3 =	vadd.s32 v20, v42;
	v59 =	vperm.xlane v39, v2;
	(v2sf) =	vpush v14, $0xF;
	s5 =	smulhi.u32 $0x55555556, s26;
	s3 =	sshra.s32 s26, $0x1F;
	s17 =	sadd.s32 s13, s6  }
0x97f: {  	v54 =	vshra.s32 v49, $0x1;
	v58 =	vperm.xlane v53, v1;
	s30 =	spop (v2sf);
	v57 =	vmov s21;
	s21 =	sshrl.u32 s21, $0x1F;
	s3 =	smul.u32 $0x55555556, s3  }
0x980: {  	v20 =	vnsel vm10, $0x0, v41;
	v48 =	vand.u32 $0x1, v49;
	(v2sf) =	vpush v14, $0x9;
	s13 =	smulhi.u32 $0x55555556, s30;
	s6 =	sshra.s32 s30, $0x1F;
	s22 =	sadd.s32 s25, s16  }
0x981: {  	v55 =	vmul.u32 $0xFFFFFFFD, v3;
	v4 =	vsel vm8, v59, v58;
	v58 =	vsel vm0, s10, v57;
	s10 =	sshrl.u32 s10, $0x1F;
	s6 =	smul.u32 $0x55555556, s6;
	s26 =	spop (v2sf)  }
0x982: {  	v4 =	vadd.s32 v4, v29;
	v51 =	vmov s4;
	s18 =	sadd.s32 s2, s1;
	(v2sf) =	vpush v14, $0x8;
	s14 =	smulhi.u32 $0x55555556, s26;
	s9 =	sshra.s32 s26, $0x1F  }
0x983: {  	v60 =	vand.u32 $0xFFFF0000, v52;
	v41 =	vshll.u32 v52, $0x10;
	v52 =	vsel vm0, s7, v51;
	s7 =	sshrl.u32 s7, $0x1F;
	s30 =	spop (v2sf);
	s23 =	smul.u32 $0x55555556, s9  }
0x984: {  	vm10 =	veq.s32 v48, $0x0;
	v63 =	vmul.u32 $0xFFFFFFFD, v4;
	v61 =	vld.idx.msk [tilespmem:v54+s28+$0x0], $0xffff;
	(v2sf) =	vpush v14, $0xA;
	s9 =	sadd.s32 s24, s15;
	s24 =	smulhi.u32 $0x55555556, s30;
	s19 =	sshra.s32 s30, $0x1F  }
0x985: {  	v45 =	vand.u32 $0xFFFF0000, v44;
	v47 =	vshll.u32 v44, $0x10;
	v42 =	vsel vm9, v41, v60;
	s13 =	sadd.s32 s6, s13;
	s25 =	spop (v2sf);
	s16 =	smul.u32 $0x55555556, s19  }
0x986: {  	vm9 =	veq.s32 v62, $0x0;
	v18 =	vsel vm1, s8, v52;
	s8 =	sshrl.u32 s8, $0x1F;
	(v2sf) =	vpush v14, $0xB;
	s26 =	smulhi.u32 $0x55555556, s25;
	s28 =	sshra.s32 s25, $0x1F  }
0x987: {  	v60 =	vmov s22;
	s22 =	sshrl.u32 s22, $0x1F;
	v29 =	vsel vm9, v47, v45;
	vm9 =	veq.s32 v55, v56;
	s30 =	smul.u32 $0x55555556, s28;
	s15 =	spop (v2sf)  }
0x988: {  	v55 =	vperm.xlane v16, v1;
	v16 =	vsel vm1, s20, v58;
	s20 =	sshrl.u32 s20, $0x1F;
	(v2sf) =	vpush v14, $0x1;
	s1 =	smulhi.u32 $0x55555556, s15;
	s2 =	sshra.s32 s15, $0x1F  }
0x989: {  	v50 =	vand.u32 $0xFFFF0000, v61;
	v31 =	vshll.u32 v61, $0x10;
	(v2sf) =	vpush v14, $0x0;
	s15 =	sadd.s32 s23, s14;
	s23 =	spop (v2sf);
	s2 =	smul.u32 $0x55555556, s2  }
0x98a: {  	v49 =	vsub.s32 $0x0, v8;
	v59 =	vmov s21;
	v8 =	vsel vm10, v31, v50;
	s19 =	sadd.s32 s3, s5;
	s3 =	smulhi.u32 $0x55555556, s23;
	s6 =	sshra.s32 s23, $0x1F  }
0x98b: {  	vm10 =	veq.s32 v63, v49;
	v31 =	vsel vm7, s11, v46;
	v33 =	vsel vm2, s17, v18;
	s14 =	sadd.s32 s30, s26;
	s26 =	spop (v2sf);
	s5 =	smul.u32 $0x55555556, s6  }
0x98c: {  	v18 =	vsel vm0, s10, v59;
	v26 =	vsel vm2, s12, v16;
	s28 =	sshrl.u32 s4, $0x1F;
	(v2sf) =	vpush v14, $0x2;
	s4 =	smulhi.u32 $0x55555556, s26;
	s6 =	sshra.s32 s26, $0x1F  }
0x98d: {  	v18 =	vsel vm1, s20, v18;
	v16 =	vnsel vm3, $0x0, v60;
	s16 =	sadd.s32 s16, s24;
	v53 =	vmov s28;
	s30 =	spop (v2sf);
	s6 =	smul.u32 $0x55555556, s6  }
0x98e: {  	v63 =	vsel vm0, s9, v16;
	s28 =	sshrl.u32 s12, $0x1F;
	v54 =	vsel vm0, s7, v53;
	(v2sf) =	vpush v14, $0x3;
	s7 =	smulhi.u32 $0x55555556, s30;
	s11 =	sshra.s32 s30, $0x1F  }
0x98f: {  	v47 =	vsel vm1, s18, v63;
	v35 =	vsel vm2, s28, v18;
	s28 =	sshrl.u32 s19, $0x1F;
	s24 =	spop (v2sf);
	s11 =	smul.u32 $0x55555556, s11  }
0x990: {  	v41 =	vsel vm2, s19, v47;
	v56 =	vsel vm1, s8, v54;
	s23 =	sshrl.u32 s17, $0x1F;
	(v2sf) =	vpush v14, $0x4;
	s8 =	smulhi.u32 $0x55555556, s24;
	s17 =	sshra.s32 s24, $0x1F  }
0x991: {  	v41 =	vsel vm4, s13, v41;
	s13 =	sshrl.u32 s13, $0x1F;
	s17 =	smul.u32 $0x55555556, s17;
	s25 =	spop (v2sf)  }
0x992: {  	(v2sf) =	vpush v14, $0x5;
	s10 =	smulhi.u32 $0x55555556, s25;
	s21 =	sshra.s32 s25, $0x1F;
	s25 =	sld [smem:$0x58E]  }
0x993: {  	v62 =	vmov s22;
	s22 =	sshrl.u32 s15, $0x1F;
	(v2sf) =	vpush v14, $0x6;
	s26 =	spop (v2sf);
	s20 =	smul.u32 $0x55555556, s21  }
0x994: {  	v48 =	vld [tilespmem:s0+$0xC400];
	s30 =	sshrl.u32 s9, $0x1F;
	s12 =	smulhi.u32 $0x55555556, s26;
	s21 =	sshra.s32 s26, $0x1F  }
0x995: {  	v5 =	vsub.s32 $0x0, v5;
	v17 =	vperm.xlane v17, v1;
	v22 =	vperm.xlane v22, v2;
	s11 =	sadd.s32 s11, s7;
	s24 =	spop (v2sf);
	s9 =	smul.u32 $0x55555556, s21;
	v16 =	vld [tilespmem:s25+$0x50]  }
0x996: {  	v9 =	vsub.s32 $0x0, v9;
	v61 =	vld [tilespmem:s31+$0x20];
	v46 =	vnsel vm3, $0x0, v62;
	(v2sf) =	vpush v14, $0x7;
	s26 =	sshrl.u32 s18, $0x1F;
	s18 =	smulhi.u32 $0x55555556, s24;
	s21 =	sshra.s32 s24, $0x1F  }
0x997: {  	v15 =	vperm.xlane v15, v2;
	v17 =	vsel vm8, v22, v17;
	v18 =	vsel vm0, s30, v46;
	s30 =	spop (v2sf);
	s24 =	sshrl.u32 s16, $0x1F;
	s19 =	smul.u32 $0x55555556, s21  }
0x998: {  	v23 =	vcombine.low v24, v23;
	v34 =	vsel vm2, s23, v56;
	v18 =	vsel vm1, s26, v18;
	s0 =	smulhi.u32 $0x55555556, s30;
	s21 =	sshra.s32 s30, $0x1F;
	s23 =	spop (v2sf)  }
0x999: {  	v51 =	vcombine.low v28, v19;
	v41 =	vsel vm5, s15, v41;
	v18 =	vsel vm2, s28, v18;
	s25 =	sshrl.u32 s14, $0x1F;
	s30 =	simm.s32 $0x0;
	s15 =	smul.u32 $0x55555556, s21  }
0x99a: {  	v41 =	vsel vm6, s16, v41;
	v18 =	vsel vm4, s13, v18;
	s16 =	smulhi.u32 $0x55555556, s23;
	s21 =	sshra.s32 s23, $0x1F;
	s13 =	sadd.s32 s2, s1;
	(v2sf) =	vpush v16, $0xD  }
0x99b: {  	v52 =	vshra.s32 v48, $0x1;
	v49 =	vshra.s32 v61, $0x1;
	s9 =	sadd.s32 s9, s12;
	v18 =	vsel vm5, s22, v18;
	s22 =	smul.u32 $0x55555556, s21;
	s26 =	spop (v2sf)  }
0x99c: {  	v50 =	vld [tilespmem:s31+$0x40];
	v15 =	vsel vm8, v15, v55;
	v41 =	vsel vm7, s14, v41;
	s21 =	sadd.s32 s5, s3;
	s23 =	smulhi.u32 $0x55555556, s26;
	s14 =	sshra.s32 s26, $0x1F;
	(v2sf) =	vpush v16, $0xC  }
0x99d: {  	v58 =	vperm.xlane v38, v2;
	v15 =	vadd.s32 v17, v15;
	v17 =	vnsel vm10, $0x0, v42;
	s5 =	sadd.s32 s17, s8;
	s28 =	spop (v2sf);
	s1 =	smul.u32 $0x55555556, s14  }
0x99e: {  	v63 =	vcombine.low v40, v36;
	v40 =	vand.u32 $0x1, v48;
	s17 =	sadd.s32 s20, s10;
	s3 =	smulhi.u32 $0x55555556, s28;
	s2 =	sshra.s32 s28, $0x1F;
	(v2sf) =	vpush v16, $0xE  }
0x99f: {  	v59 =	vand.u32 $0x1, v61;
	v53 =	vcombine.low v32, v25;
	v18 =	vsel vm6, s24, v18;
	s14 =	sadd.s32 s6, s4;
	s6 =	spop (v2sf);
	s2 =	smul.u32 $0x55555556, s2  }
0x9a0: {  	v55 =	vld.idx.msk [tilespmem:v49+s30+$0x0], $0xffff;
	v46 =	vmov s21;
	v39 =	vsel vm7, s25, v18;
	s25 =	simm.s32 $0x0;
	s24 =	smulhi.u32 $0x55555556, s6;
	s4 =	sshra.s32 s6, $0x1F;
	(v2sf) =	vpush v16, $0xF  }
0x9a1: {  	v61 =	vmul.u32 $0xFFFFFFFD, v15;
	v56 =	vshra.s32 v50, $0x1;
	v32 =	vsel vm0, s13, v46;
	s13 =	sshrl.u32 s13, $0x1F;
	s7 =	spop (v2sf);
	s4 =	smul.u32 $0x55555556, s4  }
0x9a2: {  	vm10 =	veq.s32 v59, $0x0;
	v57 =	vperm.xlane v53, v1;
	v60 =	vld.idx.msk [tilespmem:v52+s30+$0x0], $0xffff;
	s10 =	smulhi.u32 $0x55555556, s7;
	s6 =	sshra.s32 s7, $0x1F;
	s8 =	spop (v2sf);
	(v2sf) =	vpush v16, $0x9  }
0x9a3: {  	v44 =	vand.u32 $0x1, v50;
	v54 =	vperm.xlane v27, v2;
	v18 =	vperm.xlane v51, v1;
	s7 =	sadd.s32 s15, s0;
	s15 =	sadd.s32 s22, s16;
	s12 =	smul.u32 $0x55555556, s6  }
0x9a4: {  	v28 =	vsel vm8, v58, v57;
	v48 =	vmov s17;
	s6 =	sadd.s32 s19, s18;
	s18 =	smulhi.u32 $0x55555556, s8;
	s19 =	sshra.s32 s8, $0x1F;
	(v2sf) =	vpush v16, $0x8  }
0x9a5: {  	v22 =	vsel vm8, v54, v18;
	v18 =	vnsel vm9, $0x0, v37;
	v62 =	vand.u32 $0xFFFF0000, v55;
	s22 =	sshrl.u32 s11, $0x1F;
	s26 =	spop (v2sf);
	s20 =	smul.u32 $0x55555556, s19  }
0x9a6: {  	v27 =	vld.idx.msk [tilespmem:v56+s25+$0x0], $0xffff;
	v25 =	vshll.u32 v55, $0x10;
	vm9 =	veq.s32 v61, v5;
	s8 =	sadd.s32 s1, s23;
	s28 =	smulhi.u32 $0x55555556, s26;
	s30 =	sshra.s32 s26, $0x1F;
	(v2sf) =	vpush v16, $0xA  }
0x9a7: {  	v42 =	vand.u32 $0xFFFF0000, v60;
	v43 =	vshll.u32 v60, $0x10;
	v32 =	vsel vm1, s14, v32;
	s3 =	sadd.s32 s2, s3;
	s23 =	sshrl.u32 s17, $0x1F;
	s19 =	smul.u32 $0x55555556, s30  }
0x9a8: {  	v19 =	vsel vm10, v25, v62;
	vm10 =	veq.s32 v40, $0x0;
	s17 =	sshrl.u32 s15, $0x1F;
	s2 =	sadd.s32 s4, s24;
	s26 =	sshrl.u32 s9, $0x1F;
	(v2sf) =	vpush v16, $0xB  }
0x9a9: {  	v5 =	vadd.s32 v28, v22;
	v32 =	vsel vm2, s11, v32;
	v22 =	vsel vm10, v43, v42;
	s4 =	sadd.s32 s12, s10;
	s0 =	sadd.s32 s19, s28;
	s19 =	spop (v2sf)  }
0x9aa: {  	vm10 =	veq.s32 v44, $0x0;
	v50 =	vmov s15;
	s1 =	sadd.s32 s20, s18;
	(v2sf) =	vpush v16, $0x1;
	s10 =	smulhi.u32 $0x55555556, s19;
	s12 =	sshra.s32 s19, $0x1F  }
0x9ab: {  	v38 =	vnsel vm3, $0x0, v50;
	v45 =	vand.u32 $0xFFFF0000, v27;
	v27 =	vshll.u32 v27, $0x10;
	s18 =	sshrl.u32 s21, $0x1F;
	s21 =	spop (v2sf);
	s12 =	smul.u32 $0x55555556, s12  }
0x9ac: {  	v38 =	vsel vm0, s7, v38;
	s20 =	sshrl.u32 s14, $0x1F;
	v25 =	vsel vm10, v27, v45;
	v27 =	vsel vm0, s5, v48;
	s11 =	smulhi.u32 $0x55555556, s21;
	s14 =	sshra.s32 s21, $0x1F  }
0x9ad: {  	s5 =	sshrl.u32 s5, $0x1F;
	v52 =	vsel vm1, s8, v38;
	v47 =	vmov s18;
	(v2sf) =	vpush v16, $0x0;
	s24 =	spop (v2sf);
	s14 =	smul.u32 $0x55555556, s14  }
0x9ae: {  	v27 =	vsel vm1, s9, v27;
	v24 =	vsel vm2, s3, v52;
	s3 =	sshrl.u32 s3, $0x1F;
	v36 =	vsel vm0, s13, v47;
	s13 =	smulhi.u32 $0x55555556, s24;
	s16 =	sshra.s32 s24, $0x1F  }
0x9af: {  	v10 =	vsub.s32 $0x0, v10;
	v27 =	vsel vm2, s6, v27;
	s6 =	sshrl.u32 s6, $0x1F;
	(v2sf) =	vpush v16, $0x2;
	s30 =	spop (v2sf);
	s28 =	smul.u32 $0x55555556, s16  }
0x9b0: {  	v30 =	vperm.xlane v30, v2;
	v49 =	vmov s23;
	v36 =	vsel vm1, s20, v36;
	s20 =	sshrl.u32 s8, $0x1F;
	s15 =	smulhi.u32 $0x55555556, s30;
	s16 =	sshra.s32 s30, $0x1F  }
0x9b1: {  	v24 =	vsel vm4, s2, v24;
	v36 =	vsel vm2, s22, v36;
	s22 =	sshrl.u32 s2, $0x1F;
	(v2sf) =	vpush v16, $0x3;
	s18 =	spop (v2sf);
	s16 =	smul.u32 $0x55555556, s16  }
0x9b2: {  	v51 =	vmov s17;
	v37 =	vsel vm0, s5, v49;
	v24 =	vsel vm5, s4, v24;
	s19 =	sshrl.u32 s7, $0x1F;
	s7 =	smulhi.u32 $0x55555556, s18;
	s5 =	sshra.s32 s18, $0x1F  }
0x9b3: {  	v40 =	vnsel vm3, $0x0, v51;
	v24 =	vsel vm6, s1, v24;
	s1 =	sshrl.u32 s1, $0x1F;
	(v2sf) =	vpush v16, $0x4;
	s17 =	spop (v2sf);
	s21 =	smul.u32 $0x55555556, s5  }
0x9b4: {  	v23 =	vperm.xlane v23, v1;
	v24 =	vsel vm7, s0, v24;
	s0 =	sshrl.u32 s0, $0x1F;
	v53 =	vsel vm0, s19, v40;
	s18 =	smulhi.u32 $0x55555556, s17;
	s5 =	sshra.s32 s17, $0x1F  }
0x9b5: {  	v31 =	vperm.xlane v31, v2;
	v38 =	vsel vm1, s20, v53;
	s2 =	sadd.s32 s12, s10;
	(v2sf) =	vpush v16, $0x5;
	s24 =	spop (v2sf);
	s23 =	smul.u32 $0x55555556, s5  }
0x9b6: {  	v28 =	vperm.xlane v63, v1;
	v27 =	vcombine.low v27, v32;
	v38 =	vsel vm2, s3, v38;
	s30 =	sshrl.u32 s4, $0x1F;
	s10 =	smulhi.u32 $0x55555556, s24;
	s3 =	sshra.s32 s24, $0x1F  }
0x9b7: {  	v26 =	vcombine.low v26, v33;
	v37 =	vsel vm1, s26, v37;
	(v2sf) =	vpush v16, $0x6;
	s5 =	sadd.s32 s14, s11;
	s26 =	spop (v2sf);
	s11 =	smul.u32 $0x55555556, s3  }
0x9b8: {  	v55 =	vsel vm8, v30, v28;
	v27 =	vperm.xlane v27, v1;
	v56 =	vsel vm4, s22, v38;
	s4 =	sadd.s32 s16, s15;
	s9 =	smulhi.u32 $0x55555556, s26;
	s12 =	sshra.s32 s26, $0x1F  }
0x9b9: {  	v24 =	vperm.xlane v24, v2;
	v28 =	vsel vm5, s30, v56;
	(v2sf) =	vpush v16, $0x7;
	s3 =	sadd.s32 s28, s13;
	s28 =	spop (v2sf);
	s12 =	smul.u32 $0x55555556, s12  }
0x9ba: {  	v60 =	vperm.xlane v39, v2;
	v28 =	vsel vm6, s1, v28;
	s1 =	sadd.s32 s21, s7;
	v39 =	vmov s5;
	s5 =	sshrl.u32 s5, $0x1F;
	s17 =	smulhi.u32 $0x55555556, s28  }
0x9bb: {  	v37 =	vsel vm2, s6, v37;
	v24 =	vsel vm8, v24, v27;
	s13 =	sshra.s32 s28, $0x1F;
	s16 =	sadd.s32 s23, s18;
	v27 =	vsel vm0, s2, v39;
	s2 =	sshrl.u32 s2, $0x1F  }
0x9bc: {  	v23 =	vsel vm8, v31, v23;
	v26 =	vperm.xlane v26, v1;
	v61 =	vcombine.low v37, v36;
	s13 =	smul.u32 $0x55555556, s13;
	s6 =	sadd.s32 s11, s10;
	s19 =	spop (v2sf)  }
0x9bd: {  	v54 =	vmul.u32 $0xFFFFFFFD, v5;
	v28 =	vsel vm7, s0, v28;
	v40 =	vmov s16;
	s16 =	sshrl.u32 s16, $0x1F;
	s20 =	smulhi.u32 $0x55555556, s19;
	s21 =	sshra.s32 s19, $0x1F  }
0x9be: {  	v32 =	vperm.xlane v61, v1;
	v28 =	vperm.xlane v28, v2;
	v27 =	vsel vm1, s3, v27;
	s3 =	sshrl.u32 s3, $0x1F;
	s22 =	spop (v2sf);
	s8 =	smul.u32 $0x55555556, s21  }
0x9bf: {  	v57 =	vcombine.low v35, v34;
	v59 =	vperm.xlane v41, v2;
	vm10 =	veq.s32 v54, v9;
	s0 =	sadd.s32 s12, s9;
	s23 =	smulhi.u32 $0x55555556, s22;
	s24 =	sshra.s32 s22, $0x1F  }
0x9c0: {  	v9 =	vadd.s32 v23, v55;
	v37 =	vsel vm8, v28, v32;
	v28 =	vsel vm0, s1, v40;
	s1 =	sshrl.u32 s1, $0x1F;
	s26 =	spop (v2sf);
	s28 =	smul.u32 $0x55555556, s24  }
0x9c1: {  	v62 =	vld [tilespmem:s31+$0x50];
	v30 =	vperm.xlane v57, v1;
	v63 =	vmul.u32 $0xFFFFFFFD, v9;
	v45 =	vmov s16;
	s16 =	sshrl.u32 s4, $0x1F;
	s30 =	smulhi.u32 $0x55555556, s26;
	s18 =	sshra.s32 s26, $0x1F  }
0x9c2: {  	v12 =	vsub.s32 $0x0, v12;
	v35 =	vsel vm8, v59, v26;
	v58 =	vnsel vm9, $0x0, v29;
	s13 =	sadd.s32 s13, s17;
	s19 =	spop (v2sf);
	s11 =	smul.u32 $0x55555556, s18  }
0x9c3: {  	v46 =	vnsel vm10, $0x0, v8;
	vm9 =	veq.s32 v63, v10;
	v36 =	vsel vm8, v60, v30;
	s7 =	sadd.s32 s8, s20;
	s20 =	smulhi.u32 $0x55555556, s19;
	s12 =	sshra.s32 s19, $0x1F  }
0x9c4: {  	v10 =	vadd.s32 v36, v35;
	v28 =	vsel vm1, s6, v28;
	s6 =	sshrl.u32 s6, $0x1F;
	s21 =	spop (v2sf);
	s12 =	smul.u32 $0x55555556, s12;
	v41 =	vmov s7  }
0x9c5: {  	v49 =	vmul.u32 $0xFFFFFFFD, v10;
	v42 =	vmov s5;
	s10 =	sadd.s32 s28, s23;
	s22 =	smulhi.u32 $0x55555556, s21;
	s14 =	sshra.s32 s21, $0x1F;
	v29 =	vnsel vm3, $0x0, v41  }
0x9c6: {  	v38 =	vshra.s32 v62, $0x1;
	v30 =	vsel vm0, s2, v42;
	s23 =	spop (v2sf);
	s7 =	sshrl.u32 s7, $0x1F;
	s24 =	smul.u32 $0x55555556, s14;
	v29 =	vsel vm0, s13, v29  }
0x9c7: {  	v28 =	vsel vm2, s0, v28;
	s0 =	sshrl.u32 s0, $0x1F;
	s9 =	sadd.s32 s11, s30;
	s26 =	smulhi.u32 $0x55555556, s23;
	v44 =	vmov s7;
	v29 =	vsel vm1, s10, v29  }
0x9c8: {  	v27 =	vsel vm2, s4, v27;
	s15 =	sshra.s32 s23, $0x1F;
	s28 =	spop (v2sf);
	s13 =	sshrl.u32 s13, $0x1F;
	v43 =	vsel vm2, s9, v29;
	v29 =	vnsel vm3, $0x0, v44  }
0x9c9: {  	v30 =	vsel vm1, s3, v30;
	v24 =	vadd.s32 v37, v24;
	s8 =	sadd.s32 s12, s20;
	s15 =	smul.u32 $0x55555556, s15;
	v29 =	vsel vm0, s13, v29;
	s13 =	sshrl.u32 s10, $0x1F  }
0x9ca: {  	v31 =	vsel vm0, s1, v45;
	v30 =	vsel vm2, s16, v30;
	s30 =	smulhi.u32 $0x55555556, s28;
	s5 =	sshra.s32 s28, $0x1F;
	s17 =	sshrl.u32 s9, $0x1F;
	v29 =	vsel vm1, s13, v29  }
0x9cb: {  	v31 =	vsel vm1, s6, v31;
	v27 =	vcombine.low v28, v27;
	s18 =	sadd.s32 s24, s22;
	s19 =	smul.u32 $0x55555556, s5;
	s20 =	sshrl.u32 s8, $0x1F;
	v29 =	vsel vm2, s17, v29  }
0x9cc: {  	v31 =	vsel vm2, s0, v31;
	s21 =	sadd.s32 s15, s26;
	s22 =	sshrl.u32 s18, $0x1F;
	v28 =	vsel vm4, s8, v43;
	v29 =	vsel vm4, s20, v29  }
0x9cd: {  	v51 =	vld.idx.msk [tilespmem:v38+s25+$0x0], $0xffff;
	v30 =	vcombine.low v31, v30;
	s9 =	simm.s32 $0xE380;
	s23 =	sadd.s32 s19, s30;
	s24 =	sshrl.u32 s21, $0x1F;
	v28 =	vsel vm5, s18, v28;
	v48 =	vsel vm5, s22, v29  }
0x9ce: {  	v50 =	vperm.xlane v27, v1;
	[tilespmem:v11+s9+$0x0] =	vst.idx.add.f32.msk $0xffff, v7;
	s28 =	sshrl.u32 s23, $0x1F;
	v47 =	vsel vm6, s21, v28;
	v11 =	vsel vm6, s24, v48  }
0x9cf: {  	v52 =	vperm.xlane v30, v1;
	[tilespmem:v6+s9+$0x0] =	vst.idx.add.f32.msk $0xffff, v21;
	s30 =	sld [smem:$0x58F];
	v8 =	vsel vm7, s23, v47;
	v11 =	vsel vm7, s28, v11  }
0x9d0: {  	v57 =	vand.u32 $0x1, v62;
	[tilespmem:v13+s9+$0x0] =	vst.idx.add.f32.msk $0xffff, v20;
	v8 =	vperm.xlane v8, v2;
	v11 =	vperm.xlane v11, v2  }
0x9d1: {  	v55 =	vnsel vm9, $0x0, v19;
	vm10 =	veq.s32 v49, v12;
	v53 =	vmul.u32 $0xFFFFFFFD, v24;
	[tilespmem:v3+s9+$0x0] =	vst.idx.add.f32.msk $0xffff, v18  }
0x9d2: {  	v56 =	vsub.s32 $0x0, v14;
	[tilespmem:v4+s9+$0x0] =	vst.idx.add.f32.msk $0xffff, v17;
	s0 =	sadd.s32 $0xB, s30;
	v3 =	vsel vm8, v8, v50;
	v54 =	vsel vm8, v11, v52  }
0x9d3: {  	v62 =	vsub.s32 $0x0, v16;
	vm9 =	veq.s32 v53, v56;
	[tilespmem:v15+s9+$0x0] =	vst.idx.add.f32.msk $0xffff, v58;
	p1 =	slt.u32 s0, $0x6E;
	v3 =	vadd.s32 v54, v3  }
.Ltmp6:
0x9d4: {  	v60 =	vand.u32 $0xFFFF0000, v51;
	v61 =	vshll.u32 v51, $0x10;
	[tilespmem:v5+s9+$0x0] =	vst.idx.add.f32.msk $0xffff, v46;
	v59 =	vmul.u32 $0xFFFFFFFD, v3;
	(pc) =	sbr.rel @p1 .LBB2_13-.Ltmp6, $4  }
0x9d5: {  	v63 =	vnsel vm9, $0x0, v25;
	s26 =	sld [smem:$0x58E];
	v58 =	vnsel vm10, $0x0, v22;
	vm10 =	veq.s32 v57, $0x0;
	[tilespmem:v9+s9+$0x0] =	vst.idx.add.f32.msk $0xffff, v55  }
0x9d6: {  	[tilespmem:v24+s9+$0x0] =	vst.idx.add.f32.msk $0xffff, v63;
	v6 =	vsel vm10, v61, v60;
	vm9 =	veq.s32 v59, v62  }
0x9d7: {  	[tilespmem:v10+s9+$0x0] =	vst.idx.add.f32.msk $0xffff, v58;
	v4 =	vnsel vm9, $0x0, v6  }
0x9d8: {  	s29 =	sadd.s32 $0xB0, s29;
	s31 =	sadd.s32 $0xB0, s31;
	s1 =	sadd.s32 $0xB0, s26;
	[tilespmem:v3+s9+$0x0] =	vst.idx.add.f32.msk $0xffff, v4  }
.LBB2_14:
0x9d9: {  	s0 =	sld [smem:$0x7EB];
	_ =	sdelay $0x1  }
0x9da: {  	s6 =	simm.s32 $0x3  }
0x9db: {  	[spmem:s0] =	stream.linear.scatter [tilespmem:s9], [sflag:$0x3], $0x8300, $0x38;
	[tilespmem:$0x1F280] =	vst v63  }
0x9dc: {  	_ =	swait.ge [sflag:s6], $0x8300  }
0x9dd: {  	[sflag:s6] =	ssyncset.done $0x0  }
0x9de: {  	[sflag:s6] =	ssyncadd.s32 $0xFFFF7D00  }
0x9df: {  	[bflag:$0x0] =	sbarrier.arrive $0xFFFF  }
0x9e0: {  	s30 =	sld [smem:$0x7FC];
	_ =	sdelay $0x2  }
0x9e1: {  	[tilespmem:s9], [sflag:$0x3] =	stream.linear.gather [spmem:s30], $0x830, $0x38;
	[tilespmem:$0x1F280] =	vst v63  }
0x9e2: {  	_ =	swait.ge [sflag:s6], $0x830  }
0x9e3: {  	s31 =	sld [smem:$0x7EC]  }
0x9e4: {  	[sflag:s6] =	ssyncset.done $0x0  }
0x9e5: {  	s1 =	simm.s32 $0xEBB0;
	[sflag:s6] =	ssyncadd.s32 $0xFFFFF7D0  }
0x9e6: {  	[tilespmem:s1], [sflag:$0x3] =	stream.linear.gather [spmem:s31], $0x830, $0x38;
	[tilespmem:$0x1F280] =	vst v63  }
0x9e7: {  	_ =	swait.ge [sflag:s6], $0x830  }
0x9e8: {  	s2 =	sld [smem:$0x7ED]  }
0x9e9: {  	[sflag:s6] =	ssyncset.done $0x0  }
0x9ea: {  	s3 =	simm.s32 $0xF3E0;
	[sflag:s6] =	ssyncadd.s32 $0xFFFFF7D0  }
0x9eb: {  	[tilespmem:s3], [sflag:$0x3] =	stream.linear.gather [spmem:s2], $0x830, $0x38;
	[tilespmem:$0x1F280] =	vst v63  }
0x9ec: {  	_ =	swait.ge [sflag:s6], $0x830  }
0x9ed: {  	s4 =	sld [smem:$0x7EE]  }
0x9ee: {  	[sflag:s6] =	ssyncset.done $0x0  }
0x9ef: {  	s5 =	simm.s32 $0xFC10;
	[sflag:s6] =	ssyncadd.s32 $0xFFFFF7D0  }
0x9f0: {  	[tilespmem:s5], [sflag:$0x3] =	stream.linear.gather [spmem:s4], $0x830, $0x38;
	[tilespmem:$0x1F280] =	vst v63  }
0x9f1: {  	_ =	swait.ge [sflag:s6], $0x830  }
0x9f2: {  	s7 =	sld [smem:$0x7EF]  }
0x9f3: {  	[sflag:s6] =	ssyncset.done $0x0  }
0x9f4: {  	s8 =	simm.s32 $0x10440;
	[sflag:s6] =	ssyncadd.s32 $0xFFFFF7D0  }
0x9f5: {  	[tilespmem:s8], [sflag:$0x3] =	stream.linear.gather [spmem:s7], $0x830, $0x38;
	[tilespmem:$0x1F280] =	vst v63  }
0x9f6: {  	_ =	swait.ge [sflag:s6], $0x830  }
0x9f7: {  	s9 =	sld [smem:$0x7F2]  }
0x9f8: {  	[sflag:s6] =	ssyncset.done $0x0  }
0x9f9: {  	s10 =	simm.s32 $0x10C70;
	[sflag:s6] =	ssyncadd.s32 $0xFFFFF7D0  }
0x9fa: {  	[tilespmem:s10], [sflag:$0x3] =	stream.linear.gather [spmem:s9], $0x830, $0x38;
	[tilespmem:$0x1F280] =	vst v63  }
0x9fb: {  	_ =	swait.ge [sflag:s6], $0x830  }
0x9fc: {  	s11 =	sld [smem:$0x7F3]  }
0x9fd: {  	[sflag:s6] =	ssyncset.done $0x0  }
0x9fe: {  	s12 =	simm.s32 $0x114A0;
	[sflag:s6] =	ssyncadd.s32 $0xFFFFF7D0  }
0x9ff: {  	[tilespmem:s12], [sflag:$0x3] =	stream.linear.gather [spmem:s11], $0x830, $0x38;
	[tilespmem:$0x1F280] =	vst v63  }
0xa00: {  	_ =	swait.ge [sflag:s6], $0x830  }
0xa01: {  	s13 =	sld [smem:$0x7F4]  }
0xa02: {  	[sflag:s6] =	ssyncset.done $0x0  }
0xa03: {  	s14 =	simm.s32 $0x11CD0;
	[sflag:s6] =	ssyncadd.s32 $0xFFFFF7D0  }
0xa04: {  	[tilespmem:s14], [sflag:$0x3] =	stream.linear.gather [spmem:s13], $0x830, $0x38;
	[tilespmem:$0x1F280] =	vst v63  }
0xa05: {  	_ =	swait.ge [sflag:s6], $0x830  }
0xa06: {  	s15 =	sld [smem:$0x7F5]  }
0xa07: {  	[sflag:s6] =	ssyncset.done $0x0  }
0xa08: {  	s16 =	simm.s32 $0x12500;
	[sflag:s6] =	ssyncadd.s32 $0xFFFFF7D0  }
0xa09: {  	[tilespmem:s16], [sflag:$0x3] =	stream.linear.gather [spmem:s15], $0x830, $0x38;
	[tilespmem:$0x1F280] =	vst v63  }
0xa0a: {  	_ =	swait.ge [sflag:s6], $0x830  }
0xa0b: {  	s17 =	sld [smem:$0x7F6]  }
0xa0c: {  	[sflag:s6] =	ssyncset.done $0x0  }
0xa0d: {  	s18 =	simm.s32 $0x12D30;
	[sflag:s6] =	ssyncadd.s32 $0xFFFFF7D0  }
0xa0e: {  	[tilespmem:s18], [sflag:$0x3] =	stream.linear.gather [spmem:s17], $0x830, $0x38;
	[tilespmem:$0x1F280] =	vst v63  }
0xa0f: {  	_ =	swait.ge [sflag:s6], $0x830  }
0xa10: {  	s19 =	sld [smem:$0x7F7]  }
0xa11: {  	[sflag:s6] =	ssyncset.done $0x0  }
0xa12: {  	s20 =	simm.s32 $0x13560;
	[sflag:s6] =	ssyncadd.s32 $0xFFFFF7D0  }
0xa13: {  	[tilespmem:s20], [sflag:$0x3] =	stream.linear.gather [spmem:s19], $0x830, $0x38;
	[tilespmem:$0x1F280] =	vst v63  }
0xa14: {  	_ =	swait.ge [sflag:s6], $0x830  }
0xa15: {  	s21 =	sld [smem:$0x7F8]  }
0xa16: {  	[sflag:s6] =	ssyncset.done $0x0  }
0xa17: {  	s22 =	simm.s32 $0x13D90;
	[sflag:s6] =	ssyncadd.s32 $0xFFFFF7D0  }
0xa18: {  	[tilespmem:s22], [sflag:$0x3] =	stream.linear.gather [spmem:s21], $0x830, $0x38;
	[tilespmem:$0x1F280] =	vst v63  }
0xa19: {  	_ =	swait.ge [sflag:s6], $0x830  }
0xa1a: {  	s23 =	sld [smem:$0x7F9]  }
0xa1b: {  	[sflag:s6] =	ssyncset.done $0x0  }
0xa1c: {  	s24 =	simm.s32 $0x145C0;
	[sflag:s6] =	ssyncadd.s32 $0xFFFFF7D0  }
0xa1d: {  	[tilespmem:s24], [sflag:$0x3] =	stream.linear.gather [spmem:s23], $0x830, $0x38;
	[tilespmem:$0x1F280] =	vst v63  }
0xa1e: {  	_ =	swait.ge [sflag:s6], $0x830  }
0xa1f: {  	s25 =	sld [smem:$0x7FA]  }
0xa20: {  	[sflag:s6] =	ssyncset.done $0x0  }
0xa21: {  	s26 =	simm.s32 $0x14DF0;
	[sflag:s6] =	ssyncadd.s32 $0xFFFFF7D0  }
0xa22: {  	[tilespmem:s26], [sflag:$0x3] =	stream.linear.gather [spmem:s25], $0x830, $0x38;
	[tilespmem:$0x1F280] =	vst v63  }
0xa23: {  	_ =	swait.ge [sflag:s6], $0x830  }
0xa24: {  	s28 =	sld [smem:$0x7FB]  }
0xa25: {  	[sflag:s6] =	ssyncset.done $0x0  }
0xa26: {  	s29 =	simm.s32 $0x15620;
	[sflag:s6] =	ssyncadd.s32 $0xFFFFF7D0  }
0xa27: {  	[tilespmem:s29], [sflag:$0x3] =	stream.linear.gather [spmem:s28], $0x830, $0x38;
	[tilespmem:$0x1F280] =	vst v63  }
0xa28: {  	_ =	swait.ge [sflag:s6], $0x830  }
0xa29: {  	s30 =	sld [smem:$0x7FD]  }
0xa2a: {  	[sflag:s6] =	ssyncset.done $0x0  }
0xa2b: {  	s31 =	simm.s32 $0x15E50;
	[sflag:s6] =	ssyncadd.s32 $0xFFFFF7D0  }
0xa2c: {  	[tilespmem:s31], [sflag:$0x3] =	stream.linear.gather [spmem:s30], $0x830, $0x38;
	[tilespmem:$0x1F280] =	vst v63  }
0xa2d: {  	_ =	swait.ge [sflag:s6], $0x830  }
0xa2e: {  	[sflag:s6] =	ssyncset.done $0x0  }
0xa2f: {  	[sflag:s6] =	ssyncadd.s32 $0xFFFFF7D0  }
0xa30: {  	s0 =	simm.s32 $0x0;
	v3 =	vld [tilespmem:$0x16680]  }
0xa31: {  	v4 =	vld [tilespmem:s0+$0xE390]  }
0xa32: {  	v5 =	vld [tilespmem:s0+$0xEBC0]  }
0xa33: {  	v6 =	vld [tilespmem:s0+$0xE380]  }
0xa34: {  	v7 =	vld [tilespmem:s0+$0xF3F0]  }
0xa35: {  	v8 =	vld [tilespmem:s0+$0xEBB0]  }
0xa36: {  	v9 =	vld [tilespmem:s0+$0xFC20]  }
0xa37: {  	v10 =	vld [tilespmem:s0+$0xF3E0];
	v4 =	vadd.f32 v5, v4  }
0xa38: {  	s1 =	simm.s32 $0x0;
	v5 =	vld [tilespmem:s0+$0x10450]  }
0xa39: {  	s2 =	sand.u32 $0xFE0, s1;
	v11 =	vld [tilespmem:s0+$0xFC10];
	v4 =	vadd.f32 v7, v4  }
0xa3a: {  	v6 =	vadd.f32 v8, v6;
	v7 =	vld [tilespmem:s2+$0x10C80]  }
0xa3b: {  	v8 =	vld [tilespmem:s0+$0x10440];
	v4 =	vadd.f32 v9, v4  }
0xa3c: {  	v6 =	vadd.f32 v10, v6;
	v9 =	vld [tilespmem:s0+$0x114B0]  }
0xa3d: {  	v10 =	vld [tilespmem:s0+$0x10C70];
	v4 =	vadd.f32 v5, v4  }
0xa3e: {  	v6 =	vadd.f32 v11, v6;
	v5 =	vld [tilespmem:s0+$0x11CE0]  }
0xa3f: {  	v11 =	vld [tilespmem:s0+$0x114A0];
	v4 =	vadd.f32 v7, v4  }
0xa40: {  	v6 =	vadd.f32 v8, v6;
	v7 =	vld [tilespmem:s0+$0x12510]  }
0xa41: {  	v8 =	vld [tilespmem:s0+$0x11CD0];
	v4 =	vadd.f32 v9, v4  }
0xa42: {  	v6 =	vadd.f32 v10, v6;
	v9 =	vld [tilespmem:s0+$0x12D40]  }
0xa43: {  	v10 =	vld [tilespmem:s2+$0x12500];
	v4 =	vadd.f32 v5, v4  }
0xa44: {  	v6 =	vadd.f32 v11, v6;
	v5 =	vld [tilespmem:s0+$0x13570]  }
0xa45: {  	v11 =	vld [tilespmem:s0+$0x12D30];
	v4 =	vadd.f32 v7, v4  }
0xa46: {  	v12 =	vld [tilespmem:s0+$0x13DA0];
	v6 =	vadd.f32 v8, v6  }
0xa47: {  	v8 =	vld [tilespmem:s0+$0x13560];
	v4 =	vadd.f32 v9, v4  }
0xa48: {  	v6 =	vadd.f32 v10, v6;
	v9 =	vld [tilespmem:s0+$0x145D0]  }
0xa49: {  	v10 =	vld [tilespmem:s0+$0x13D90];
	v4 =	vadd.f32 v5, v4  }
0xa4a: {  	v13 =	vld [tilespmem:s2+$0x14E00];
	v5 =	vadd.f32 v11, v6  }
0xa4b: {  	v7 =	vld [tilespmem:s0+$0x145C0];
	v6 =	vadd.f32 v12, v4  }
0xa4c: {  	v4 =	vld [tilespmem:s0+$0x15630];
	v8 =	vadd.f32 v8, v5  }
0xa4d: {  	v5 =	vld [tilespmem:s0+$0x14DF0];
	v9 =	vadd.f32 v9, v6  }
0xa4e: {  	v6 =	vld [tilespmem:s0+$0x15E60];
	v10 =	vadd.f32 v10, v8  }
0xa4f: {  	s3 =	simm.s32 $0x80;
	s8 =	simm.s32 $0x0;
	s2 =	simm.s32 $0x0;
	v8 =	vld [tilespmem:s0+$0x15620];
	v9 =	vadd.f32 v13, v9  }
.LBB2_15:
0xa50: {  	s4 =	sshra.s32 s3, $0x2;
	v7 =	vadd.f32 v7, v10;
	v10 =	vld [tilespmem:s0+$0x15E50]  }
0xa51: {  	s2 =	sadd.s32 $0x2, s2;
	v11 =	vld [tilespmem:s4+$0xE390];
	v4 =	vadd.f32 v4, v9  }
0xa52: {  	p1 =	slt.u32 s2, $0x80;
	v9 =	vld [tilespmem:s4+$0xEBC0];
	v5 =	vadd.f32 v5, v7  }
0xa53: {  	v7 =	vld [tilespmem:s4+$0xE380];
	v4 =	vadd.f32 v6, v4  }
0xa54: {  	v6 =	vld [tilespmem:s4+$0xF3F0];
	v5 =	vadd.f32 v8, v5  }
0xa55: {  	v8 =	vld [tilespmem:s4+$0xEBB0];
	v4 =	vmul.f32 v4, v3  }
0xa56: {  	v12 =	vld [tilespmem:s4+$0xFC20];
	v5 =	vadd.f32 v10, v5  }
0xa57: {  	v10 =	vld [tilespmem:s4+$0xF3E0];
	v9 =	vadd.f32 v9, v11;
	[tilespmem:s0+$0x16710] =	vst v4  }
0xa58: {  	s1 =	sadd.s32 $0x20, s1;
	v4 =	vld [tilespmem:s4+$0x10450];
	v5 =	vmul.f32 v5, v3  }
0xa59: {  	s5 =	sand.u32 $0xFE0, s1;
	v11 =	vld [tilespmem:s4+$0xFC10];
	v6 =	vadd.f32 v6, v9  }
0xa5a: {  	v7 =	vadd.f32 v8, v7;
	v8 =	vld [tilespmem:s5+$0x10C80];
	[tilespmem:s0+$0x16700] =	vst v5;
	s0 =	smov.u32 s4  }
0xa5b: {  	v5 =	vld [tilespmem:s0+$0x10440];
	v6 =	vadd.f32 v12, v6  }
0xa5c: {  	v7 =	vadd.f32 v10, v7;
	v9 =	vld [tilespmem:s0+$0x114B0]  }
0xa5d: {  	v10 =	vld [tilespmem:s0+$0x10C70];
	v4 =	vadd.f32 v4, v6  }
0xa5e: {  	v6 =	vadd.f32 v11, v7;
	v7 =	vld [tilespmem:s0+$0x11CE0]  }
0xa5f: {  	v11 =	vld [tilespmem:s0+$0x114A0];
	v4 =	vadd.f32 v8, v4  }
0xa60: {  	v5 =	vadd.f32 v5, v6;
	v6 =	vld [tilespmem:s0+$0x12510]  }
0xa61: {  	v8 =	vld [tilespmem:s0+$0x11CD0];
	v4 =	vadd.f32 v9, v4  }
0xa62: {  	v5 =	vadd.f32 v10, v5;
	v9 =	vld [tilespmem:s0+$0x12D40]  }
0xa63: {  	v10 =	vld [tilespmem:s5+$0x12500];
	v4 =	vadd.f32 v7, v4  }
0xa64: {  	v5 =	vadd.f32 v11, v5;
	v7 =	vld [tilespmem:s0+$0x13570]  }
0xa65: {  	v11 =	vld [tilespmem:s0+$0x12D30];
	v4 =	vadd.f32 v6, v4  }
0xa66: {  	v5 =	vadd.f32 v8, v5;
	v6 =	vld [tilespmem:s0+$0x13DA0]  }
0xa67: {  	v8 =	vld [tilespmem:s0+$0x13560];
	v4 =	vadd.f32 v9, v4  }
0xa68: {  	v5 =	vadd.f32 v10, v5;
	v9 =	vld [tilespmem:s0+$0x145D0]  }
0xa69: {  	v10 =	vld [tilespmem:s0+$0x13D90];
	v4 =	vadd.f32 v7, v4  }
0xa6a: {  	v5 =	vadd.f32 v11, v5;
	v11 =	vld [tilespmem:s5+$0x14E00]  }
.Ltmp7:
0xa6b: {  	v7 =	vld [tilespmem:s0+$0x145C0];
	v6 =	vadd.f32 v6, v4;
	(pc) =	sbr.rel @p1 .LBB2_15-.Ltmp7, $4  }
0xa6c: {  	v8 =	vadd.f32 v8, v5;
	v4 =	vld [tilespmem:s0+$0x15630]  }
0xa6d: {  	v5 =	vld [tilespmem:s0+$0x14DF0];
	v9 =	vadd.f32 v9, v6  }
0xa6e: {  	v10 =	vadd.f32 v10, v8;
	v6 =	vld [tilespmem:s0+$0x15E60]  }
0xa6f: {  	s3 =	sadd.s32 $0x80, s3;
	v8 =	vld [tilespmem:s0+$0x15620];
	v9 =	vadd.f32 v11, v9  }
0xa70: {  	v7 =	vadd.f32 v7, v10  }
0xa71: {  	v49 =	vld [tilespmem:s0+$0x15E50]  }
0xa72: {  	v5 =	vadd.f32 v5, v7  }
0xa73: {  	v4 =	vadd.f32 v4, v9  }
0xa74: {  	v5 =	vadd.f32 v8, v5  }
0xa75: {  	v4 =	vadd.f32 v6, v4  }
0xa76: {  	v5 =	vadd.f32 v49, v5  }
0xa77: {  	v4 =	vmul.f32 v4, v3  }
0xa78: {  	v5 =	vmul.f32 v5, v3  }
0xa79: {  	[tilespmem:s0+$0x16710] =	vst v4  }
0xa7a: {  	[tilespmem:s0+$0x16700] =	vst v5  }
0xa7b: {  	v4 =	vld [tilespmem:$0xEBA0]  }
0xa7c: {  	v5 =	vld [tilespmem:$0xF3D0];
	_ =	sdelay $0x1  }
0xa7d: {  	v50 =	vld [tilespmem:$0xFC00];
	_ =	sdelay $0x1  }
0xa7e: {  	v51 =	vld [tilespmem:$0x10430]  }
0xa7f: {  	v4 =	vadd.f32 v5, v4  }
0xa80: {  	v52 =	vld [tilespmem:$0x10C60]  }
0xa81: {  	v4 =	vadd.f32 v50, v4  }
0xa82: {  	v53 =	vld [tilespmem:$0x11490]  }
0xa83: {  	v4 =	vadd.f32 v51, v4  }
0xa84: {  	v54 =	vld [tilespmem:$0x11CC0]  }
0xa85: {  	v4 =	vadd.f32 v52, v4  }
0xa86: {  	v55 =	vld [tilespmem:$0x124F0]  }
0xa87: {  	v4 =	vadd.f32 v53, v4  }
0xa88: {  	v56 =	vld [tilespmem:$0x12D20]  }
0xa89: {  	v4 =	vadd.f32 v54, v4  }
0xa8a: {  	v57 =	vld [tilespmem:$0x13550]  }
0xa8b: {  	v4 =	vadd.f32 v55, v4  }
0xa8c: {  	v58 =	vld [tilespmem:$0x13D80]  }
0xa8d: {  	v4 =	vadd.f32 v56, v4  }
0xa8e: {  	v59 =	vld [tilespmem:$0x145B0]  }
0xa8f: {  	v4 =	vadd.f32 v57, v4  }
0xa90: {  	v60 =	vld [tilespmem:$0x14DE0]  }
0xa91: {  	v4 =	vadd.f32 v58, v4  }
0xa92: {  	v61 =	vld [tilespmem:$0x15610]  }
0xa93: {  	v4 =	vadd.f32 v59, v4  }
0xa94: {  	v62 =	vld [tilespmem:$0x15E40]  }
0xa95: {  	v4 =	vadd.f32 v60, v4  }
0xa96: {  	v63 =	vld [tilespmem:$0x16670]  }
0xa97: {  	v4 =	vadd.f32 v61, v4;
	_ =	sdelay $0x1  }
0xa98: {  	v4 =	vadd.f32 v62, v4;
	_ =	sdelay $0x1  }
0xa99: {  	v4 =	vadd.f32 v63, v4;
	_ =	sdelay $0x1  }
0xa9a: {  	s0 =	sld [smem:$0x7F0];
	v3 =	vmul.f32 v4, v3;
	_ =	sdelay $0x1  }
0xa9b: {  	s1 =	simm.s32 $0x16700;
	[tilespmem:$0x16F20] =	vst v3  }
0xa9c: {  	[hbm4b:s0+s8] =	stream.linear.scatter [tilespmem:s1], [sflag:$0x3], $0x830, $0x38;
	[tilespmem:$0x1F280] =	vst v63  }
0xa9d: {  	_ =	swait.ge [sflag:s6], $0x830  }
0xa9e: {  	s30 =	sld [smem:$0x7DC]  }
0xa9f: {  	s31 =	sld [smem:$0x7F1];
	_ =	sdelay $0x1  }
0xaa0: {  	s1 =	sadd.s32 $0x1, s30  }
0xaa1: {  	p1 =	sne.s32 s1, s31  }
.Ltmp8:
0xaa2: {  	_ = 	snop;
	(pc) =	sbr.rel @p1 .LBB2_1-.Ltmp8, $3  }
0xaa3: {  	_ =	sdelay $0x1  }
0xaa4: {  	[sflag:s6] =	ssyncset.done $0x0  }
0xaa5: {  	[sflag:s6] =	ssyncadd.s32 $0xFFFFF7D0  }
0xaa6: {  	_ =	sfence.sel $0x180000  }
0xaa7: {  	[bflag:$0x0] =	sbarrier.arrive $0xFFFF  }
0xaa8: {  	_ =	strace $0x90000047  }
0xaa9: {  	s0 =	stileid.u32;
	[bflag:$0x2] =	sbarrier.arrive $0xFFFF  }
0xaaa: {  	p0 =	sne.s32 s0, $0x0;
	s0 =	rddreg [dreg:$0x2]  }
0xaab: {  	s0 =	sadd.s32 @!p0 $0x100000, s0  }
0xaac: {  	[sflag:s0] =	ssyncadd.tile.s32 @!p0 $0x1;
	_ =	shalt  }
.Lfunc_end2:
_tile_overlayer_lowered:
.L_overlay_start_2:
0xaad: {  	(tag) =	ssettag $0x2  }
0xaae: {  	s0 =	rddreg [dreg:$0x0];
	s2 =	stileid.u32  }
0xaaf: {  	s1 =	rddreg [dreg:$0x1];
	p0 =	sne.s32 s2, $0x0  }
0xab0: {  	s3 =	rddreg [dreg:$0x2];
	[bflag:$0x3] =	sbarrier.arrive $0xFFFF;
	s2 =	simm.s32 @!p0 $0x1C03  }
0xab1: {  	[timem:s3], [sflag:s2] =	dma.local @!p0 [hbm:s0], s1  }
0xab2: {  	s0 =	simm.s32 @!p0 $0x3  }
0xab3: {  	_ =	swait.ge @!p0 [sflag:s0], s1  }
0xab4: {  	s1 =	ssub.s32 @!p0 $0x0, s1;
	[sflag:s0] =	ssyncset.done @!p0 $0x0  }
0xab5: {  	[sflag:s0] =	ssyncadd.s32 @!p0 s1  }
0xab6: {  	[bflag:$0x3] =	sbarrier.arrive $0xFFFF  }
0xab7: {  	_ =	shalt  }

</sc_bundles>
